<compile_context>
chip_gen: v7x
topology: tpu7x:2x2x1
jax: 0.10.2.dev20260603
libtpu: 0.0.44.dev20260713+nightly
codegen_flags: <defaults>
</compile_context>

<pallas_src>
import functools

import jax
import jax.numpy as jnp
from jax import lax
from jax.experimental import pallas as pl
from jax.experimental.pallas import tpu as pltpu
from jax.experimental.pallas import tpu_sc as plsc

N_NODES = 10000
N_EDGES = 320000
D = 128

NC = 2
NS = 16
L = 16
NW = NC * NS
EPW = N_EDGES // NW
C = 80
M = EPW // C
G = C // L


def _prescale_body(emb_ref, w_ref, out_ref):
    out_ref[...] = emb_ref[...] * w_ref[...]


def _prescale(embeddings, W):
    return pl.pallas_call(
        _prescale_body,
        out_shape=jax.ShapeDtypeStruct((N_NODES, D), jnp.float32),
    )(embeddings, W)


_mesh = plsc.VectorSubcoreMesh(core_axis_name="c", subcore_axis_name="s")


@functools.partial(
    pl.kernel,
    out_type=jax.ShapeDtypeStruct((NW, M, C), jnp.float32),
    mesh=_mesh,
    scratch_types=[
        pltpu.VMEM((M, C), jnp.int32),
        pltpu.VMEM((M, C), jnp.int32),
        pltpu.VMEM((M, C), jnp.float32),
        pltpu.VMEM((C, D), jnp.float32),
        pltpu.VMEM((C, D), jnp.float32),
        pltpu.VMEM((C, D), jnp.float32),
        pltpu.VMEM((C, D), jnp.float32),
        pltpu.VMEM((L,), jnp.float32),
        pltpu.VMEM((C, L), jnp.float32),
        pltpu.SemaphoreType.DMA,
        pltpu.SemaphoreType.DMA,
        pltpu.SemaphoreType.DMA,
        pltpu.SemaphoreType.DMA,
    ],
    compiler_params=pltpu.CompilerParams(
        needs_layout_passes=False, disable_bounds_checks=True),
)
def _sc_edge_kernel(we_hbm, emb_hbm, srcidx_hbm, dstidx_hbm, b_hbm, out_hbm,
                    sidx_v, didx_v, out_v, sbuf0, dbuf0, sbuf1, dbuf1, b_v,
                    psum_v, sem_s0, sem_d0, sem_s1, sem_d1):
    wid = lax.axis_index("s") * NC + lax.axis_index("c")
    pltpu.sync_copy(srcidx_hbm.at[wid], sidx_v)
    pltpu.sync_copy(dstidx_hbm.at[wid], didx_v)
    pltpu.sync_copy(b_hbm, b_v)
    bvec = b_v[...]
    lane = lax.iota(jnp.int32, L)

    def _gather(cc, sb, db, ss, sd):
        pltpu.async_copy(we_hbm.at[sidx_v.at[cc]], sb, ss)
        pltpu.async_copy(emb_hbm.at[didx_v.at[cc]], db, sd)

    NSEG = D // L

    def _compute(cc, sb, db, ss, sd):
        pltpu.make_async_copy(we_hbm.at[sidx_v.at[cc]], sb, ss).wait()
        pltpu.make_async_copy(emb_hbm.at[didx_v.at[cc]], db, sd).wait()

        @pl.loop(0, G)
        def _dots(g):
            e0 = g * L
            for j in range(L):
                e = e0 + j
                prods = [sb[e, pl.ds(k * L, L)] * db[e, pl.ds(k * L, L)]
                         for k in range(NSEG)]
                while len(prods) > 1:
                    prods = [prods[i] + prods[i + 1]
                             for i in range(0, len(prods), 2)]
                psum_v[e] = prods[0]

        @pl.loop(0, G)
        def _reduce(g):
            e0 = g * L
            rows = jnp.full((L,), e0, jnp.int32) + lane
            acc = [jnp.zeros((L,), jnp.float32) for _ in range(4)]
            for r in range(L):
                col = plsc.load_gather(psum_v, [rows, jnp.full((L,), r, jnp.int32)])
                acc[r % 4] = acc[r % 4] + col
            x = acc[0] + acc[1] + (acc[2] + acc[3]) + bvec
            p = 1.0 / (1.0 + jnp.exp(-x))
            out_v[cc, pl.ds(e0, L)] = p

    _gather(0, sbuf0, dbuf0, sem_s0, sem_d0)

    @pl.loop(0, M - 1, step=2)
    def _chunk(c):
        _gather(c + 1, sbuf1, dbuf1, sem_s1, sem_d1)
        _compute(c, sbuf0, dbuf0, sem_s0, sem_d0)
        _gather(c + 2, sbuf0, dbuf0, sem_s0, sem_d0)
        _compute(c + 1, sbuf1, dbuf1, sem_s1, sem_d1)

    _compute(M - 1, sbuf0, dbuf0, sem_s0, sem_d0)

    pltpu.sync_copy(out_v, out_hbm.at[wid])


def kernel(embeddings, edges, W, b):
    we = _prescale(embeddings, W)
    src = edges[0].reshape(NW, M, C)
    dst = edges[1].reshape(NW, M, C)
    b16 = jnp.full((L,), b[0], jnp.float32)
    out = _sc_edge_kernel(we, embeddings, src, dst, b16)
    return out.reshape(N_EDGES)

# --- scband reference (transcript-rebuilt; emitter-appended) ---
"""Pipeline reference for scband-zmap-link-predictor-15522011808352 (READ-ONLY COPY).

The authoritative reference and input builder live on the scoring server;
editing this copy changes nothing except your own understanding.
"""

import jax, jax.numpy as jnp
import numpy as np

N_NODES = 10000
N_EDGES = 320000
D = 128


def setup_inputs(seed: int = 0) -> dict:
    key = jax.random.key(seed)
    k1, k2, k3 = jax.random.split(key, 3)
    embeddings = jax.random.normal(k1, (N_NODES, D), dtype=jnp.float32)
    edges = jax.random.randint(k2, (2, N_EDGES), 0, N_NODES, dtype=jnp.int32)
    # classifier params: nn.Linear(D, 1)
    bound = 1.0 / np.sqrt(D)
    W = jax.random.uniform(k3, (1, D), dtype=jnp.float32, minval=-bound, maxval=bound)
    b = jnp.zeros((1,), dtype=jnp.float32)
    return {"embeddings": embeddings, "edges": edges, "W": W, "b": b}


def reference(embeddings, edges, W, b):
    # gather source/destination node embeddings
    z_src = jnp.take(embeddings, edges[0], axis=0)
    z_dst = jnp.take(embeddings, edges[1], axis=0)
    # hadamard combiner
    edge_features = z_src * z_dst
    # logistic-regression classifier
    logits = edge_features @ W.T + b
    probs = jax.nn.sigmoid(logits).squeeze()
    return probs

if __name__ == "__main__":
    import jax
    _d = setup_inputs()
    print(jax.jit(kernel)(*tuple(_d.values())))

</pallas_src>

<mosaic_0001>
#map = affine_map<(d0, d1) -> (0, 0)>
#map1 = affine_map<(d0, d1) -> (0, 0, 0)>
#map2 = affine_map<(d0, d1) -> (0)>
module attributes {stable_mosaic.version = 14 : i64} {
  func.func @_sc_edge_kernel(%arg0: i32, %arg1: i32, %arg2: memref<10000x128xf32, #tpu.memory_space<hbm>>, %arg3: memref<10000x128xf32, #tpu.memory_space<hbm>>, %arg4: memref<32x125x80xi32, #tpu.memory_space<hbm>>, %arg5: memref<32x125x80xi32, #tpu.memory_space<hbm>>, %arg6: memref<16xf32, #tpu.memory_space<hbm>>, %arg7: memref<32x125x80xf32, #tpu.memory_space<hbm>>, %arg8: memref<125x80xi32, #tpu.memory_space<vmem>>, %arg9: memref<125x80xi32, #tpu.memory_space<vmem>>, %arg10: memref<125x80xf32, #tpu.memory_space<vmem>>, %arg11: memref<80x128xf32, #tpu.memory_space<vmem>>, %arg12: memref<80x128xf32, #tpu.memory_space<vmem>>, %arg13: memref<80x128xf32, #tpu.memory_space<vmem>>, %arg14: memref<80x128xf32, #tpu.memory_space<vmem>>, %arg15: memref<16xf32, #tpu.memory_space<vmem>>, %arg16: memref<80x16xf32, #tpu.memory_space<vmem>>, %arg17: memref<!tpu.dma_semaphore, #tpu.memory_space<semaphore_mem>>, %arg18: memref<!tpu.dma_semaphore, #tpu.memory_space<semaphore_mem>>, %arg19: memref<!tpu.dma_semaphore, #tpu.memory_space<semaphore_mem>>, %arg20: memref<!tpu.dma_semaphore, #tpu.memory_space<semaphore_mem>>) attributes {dimension_semantics = [#tpu.dimension_semantics<core_parallel>, #tpu.dimension_semantics<subcore_parallel>], iteration_bounds = array<i64: 2, 16>, scalar_prefetch = 0 : i64, scratch_operands = 13 : i64, tpu.core_type = #tpu.core_type<sc_vector_subcore>, window_params = [{transform_indices = #map}, {transform_indices = #map}, {transform_indices = #map1}, {transform_indices = #map1}, {transform_indices = #map2}, {transform_indices = #map1}]} {
    %mul3A = arith.constant 2 : i32
    %mul3A_0 = arith.muli %arg1, %mul3A : i32
    %add3A = arith.addi %mul3A_0, %arg0 : i32
    "tpu.region"() ({
      %run_scoped3A = tpu.sem_alloc : memref<!tpu.dma_semaphore, #tpu.memory_space<semaphore_mem>>
      %dma_start3A_42 = arith.constant 0 : i32
      %dma_start3A_43 = arith.constant 0 : i32
      %dma_start3A_44 = tpu.memref_slice %arg4[%add3A, %dma_start3A_42, %dma_start3A_43] : memref<32x125x80xi32, #tpu.memory_space<hbm>> -> memref<1x125x80xi32, #tpu.memory_space<hbm>>
      %dma_start3A_45 = tpu.memref_squeeze %dma_start3A_44 : memref<1x125x80xi32, #tpu.memory_space<hbm>> -> memref<125x80xi32, #tpu.memory_space<hbm>>
      %dma_start3A_46 = arith.constant 0 : i32
      %dma_start3A_47 = arith.constant 0 : i32
      %dma_start3A_48 = tpu.memref_slice %arg4[%add3A, %dma_start3A_46, %dma_start3A_47] : memref<32x125x80xi32, #tpu.memory_space<hbm>> -> memref<1x125x80xi32, #tpu.memory_space<hbm>>
      %dma_start3A_49 = tpu.memref_squeeze %dma_start3A_48 : memref<1x125x80xi32, #tpu.memory_space<hbm>> -> memref<125x80xi32, #tpu.memory_space<hbm>>
      tpu.enqueue_dma source(%dma_start3A_49 : memref<125x80xi32, #tpu.memory_space<hbm>>) target(%arg8 : memref<125x80xi32, #tpu.memory_space<vmem>>) target_semaphore(%run_scoped3A : memref<!tpu.dma_semaphore, #tpu.memory_space<semaphore_mem>>)
      %dma_wait3A_50 = arith.constant 0 : i32
      %dma_wait3A_51 = arith.constant 0 : i32
      %dma_wait3A_52 = tpu.memref_slice %arg4[%add3A, %dma_wait3A_50, %dma_wait3A_51] : memref<32x125x80xi32, #tpu.memory_space<hbm>> -> memref<1x125x80xi32, #tpu.memory_space<hbm>>
      %dma_wait3A_53 = tpu.memref_squeeze %dma_wait3A_52 : memref<1x125x80xi32, #tpu.memory_space<hbm>> -> memref<125x80xi32, #tpu.memory_space<hbm>>
      %dma_wait3A_54 = arith.constant 0 : i32
      %dma_wait3A_55 = arith.constant 0 : i32
      %dma_wait3A_56 = tpu.memref_slice %arg4[%add3A, %dma_wait3A_54, %dma_wait3A_55] : memref<32x125x80xi32, #tpu.memory_space<hbm>> -> memref<1x125x80xi32, #tpu.memory_space<hbm>>
      %dma_wait3A_57 = tpu.memref_squeeze %dma_wait3A_56 : memref<1x125x80xi32, #tpu.memory_space<hbm>> -> memref<125x80xi32, #tpu.memory_space<hbm>>
      tpu.wait_dma2 semaphore(%run_scoped3A : memref<!tpu.dma_semaphore, #tpu.memory_space<semaphore_mem>>) src(%dma_wait3A_57 : memref<125x80xi32, #tpu.memory_space<hbm>>) dst(%arg8 : memref<125x80xi32, #tpu.memory_space<vmem>>)
      tpu.yield
    }) : () -> ()
    "tpu.region"() ({
      %run_scoped3A = tpu.sem_alloc : memref<!tpu.dma_semaphore, #tpu.memory_space<semaphore_mem>>
      %dma_start3A_42 = arith.constant 0 : i32
      %dma_start3A_43 = arith.constant 0 : i32
      %dma_start3A_44 = tpu.memref_slice %arg5[%add3A, %dma_start3A_42, %dma_start3A_43] : memref<32x125x80xi32, #tpu.memory_space<hbm>> -> memref<1x125x80xi32, #tpu.memory_space<hbm>>
      %dma_start3A_45 = tpu.memref_squeeze %dma_start3A_44 : memref<1x125x80xi32, #tpu.memory_space<hbm>> -> memref<125x80xi32, #tpu.memory_space<hbm>>
      %dma_start3A_46 = arith.constant 0 : i32
      %dma_start3A_47 = arith.constant 0 : i32
      %dma_start3A_48 = tpu.memref_slice %arg5[%add3A, %dma_start3A_46, %dma_start3A_47] : memref<32x125x80xi32, #tpu.memory_space<hbm>> -> memref<1x125x80xi32, #tpu.memory_space<hbm>>
      %dma_start3A_49 = tpu.memref_squeeze %dma_start3A_48 : memref<1x125x80xi32, #tpu.memory_space<hbm>> -> memref<125x80xi32, #tpu.memory_space<hbm>>
      tpu.enqueue_dma source(%dma_start3A_49 : memref<125x80xi32, #tpu.memory_space<hbm>>) target(%arg9 : memref<125x80xi32, #tpu.memory_space<vmem>>) target_semaphore(%run_scoped3A : memref<!tpu.dma_semaphore, #tpu.memory_space<semaphore_mem>>)
      %dma_wait3A_50 = arith.constant 0 : i32
      %dma_wait3A_51 = arith.constant 0 : i32
      %dma_wait3A_52 = tpu.memref_slice %arg5[%add3A, %dma_wait3A_50, %dma_wait3A_51] : memref<32x125x80xi32, #tpu.memory_space<hbm>> -> memref<1x125x80xi32, #tpu.memory_space<hbm>>
      %dma_wait3A_53 = tpu.memref_squeeze %dma_wait3A_52 : memref<1x125x80xi32, #tpu.memory_space<hbm>> -> memref<125x80xi32, #tpu.memory_space<hbm>>
      %dma_wait3A_54 = arith.constant 0 : i32
      %dma_wait3A_55 = arith.constant 0 : i32
      %dma_wait3A_56 = tpu.memref_slice %arg5[%add3A, %dma_wait3A_54, %dma_wait3A_55] : memref<32x125x80xi32, #tpu.memory_space<hbm>> -> memref<1x125x80xi32, #tpu.memory_space<hbm>>
      %dma_wait3A_57 = tpu.memref_squeeze %dma_wait3A_56 : memref<1x125x80xi32, #tpu.memory_space<hbm>> -> memref<125x80xi32, #tpu.memory_space<hbm>>
      tpu.wait_dma2 semaphore(%run_scoped3A : memref<!tpu.dma_semaphore, #tpu.memory_space<semaphore_mem>>) src(%dma_wait3A_57 : memref<125x80xi32, #tpu.memory_space<hbm>>) dst(%arg9 : memref<125x80xi32, #tpu.memory_space<vmem>>)
      tpu.yield
    }) : () -> ()
    "tpu.region"() ({
      %run_scoped3A = tpu.sem_alloc : memref<!tpu.dma_semaphore, #tpu.memory_space<semaphore_mem>>
      tpu.enqueue_dma source(%arg6 : memref<16xf32, #tpu.memory_space<hbm>>) target(%arg15 : memref<16xf32, #tpu.memory_space<vmem>>) target_semaphore(%run_scoped3A : memref<!tpu.dma_semaphore, #tpu.memory_space<semaphore_mem>>)
      tpu.wait_dma2 semaphore(%run_scoped3A : memref<!tpu.dma_semaphore, #tpu.memory_space<semaphore_mem>>) src(%arg6 : memref<16xf32, #tpu.memory_space<hbm>>) dst(%arg15 : memref<16xf32, #tpu.memory_space<vmem>>)
      tpu.yield
    }) : () -> ()
    %get3A = arith.constant 0 : index
    %get3A_1 = tpu.vector_load %arg15[%get3A] {strides = array<i32>} : memref<16xf32, #tpu.memory_space<vmem>>, vector<16xf32>,
    %iota3A = tpu.iota {dimensions = array<i32: 0>} : vector<16xi32>
    %dma_start3A = arith.constant 0 : i32
    %dma_start3A_2 = arith.constant 0 : i32
    %dma_start3A_3 = tpu.memref_slice %arg8[%dma_start3A, %dma_start3A_2] : memref<125x80xi32, #tpu.memory_space<vmem>> -> memref<1x80xi32, #tpu.memory_space<vmem>>
    %dma_start3A_4 = tpu.memref_squeeze %dma_start3A_3 : memref<1x80xi32, #tpu.memory_space<vmem>> -> memref<80xi32, #tpu.memory_space<vmem>>
    %dma_start3A_5 = arith.constant 0 : i32
    %dma_start3A_6 = arith.constant 0 : i32
    %dma_start3A_7 = tpu.memref_slice %arg2[%dma_start3A_5, %dma_start3A_6] : memref<10000x128xf32, #tpu.memory_space<hbm>> -> memref<10000x128xf32, #tpu.memory_space<hbm>>
    tpu.enqueue_indirect_dma source(%dma_start3A_7 : memref<10000x128xf32, #tpu.memory_space<hbm>>) target(%arg11 : memref<80x128xf32, #tpu.memory_space<vmem>>) offsets(%dma_start3A_4 : memref<80xi32, #tpu.memory_space<vmem>>) semaphore(%arg17 : memref<!tpu.dma_semaphore, #tpu.memory_space<semaphore_mem>>)
    %dma_start3A_8 = arith.constant 0 : i32
    %dma_start3A_9 = arith.constant 0 : i32
    %dma_start3A_10 = tpu.memref_slice %arg9[%dma_start3A_8, %dma_start3A_9] : memref<125x80xi32, #tpu.memory_space<vmem>> -> memref<1x80xi32, #tpu.memory_space<vmem>>
    %dma_start3A_11 = tpu.memref_squeeze %dma_start3A_10 : memref<1x80xi32, #tpu.memory_space<vmem>> -> memref<80xi32, #tpu.memory_space<vmem>>
    %dma_start3A_12 = arith.constant 0 : i32
    %dma_start3A_13 = arith.constant 0 : i32
    %dma_start3A_14 = tpu.memref_slice %arg3[%dma_start3A_12, %dma_start3A_13] : memref<10000x128xf32, #tpu.memory_space<hbm>> -> memref<10000x128xf32, #tpu.memory_space<hbm>>
    tpu.enqueue_indirect_dma source(%dma_start3A_14 : memref<10000x128xf32, #tpu.memory_space<hbm>>) target(%arg12 : memref<80x128xf32, #tpu.memory_space<vmem>>) offsets(%dma_start3A_11 : memref<80xi32, #tpu.memory_space<vmem>>) semaphore(%arg18 : memref<!tpu.dma_semaphore, #tpu.memory_space<semaphore_mem>>)
    %scan3A = arith.constant 0 : i32
    %scan3A_15 = arith.constant 62 : i32
    %scan3A_16 = arith.addi %scan3A, %scan3A_15 : i32
    %scan3A_17 = arith.constant 1 : i32
    scf.for %scan3A_42 = %scan3A to %scan3A_16 step %scan3A_17  : i32 {
      %mul3A_43 = arith.constant 2 : i32
      %mul3A_44 = arith.muli %scan3A_42, %mul3A_43 : i32
      %add3A_45 = arith.constant 0 : i32
      %add3A_46 = arith.addi %add3A_45, %mul3A_44 : i32
      %add3A_47 = arith.constant 1 : i32
      %add3A_48 = arith.addi %add3A_46, %add3A_47 : i32
      %dma_start3A_49 = arith.constant 0 : i32
      %dma_start3A_50 = tpu.memref_slice %arg8[%add3A_48, %dma_start3A_49] : memref<125x80xi32, #tpu.memory_space<vmem>> -> memref<1x80xi32, #tpu.memory_space<vmem>>
      %dma_start3A_51 = tpu.memref_squeeze %dma_start3A_50 : memref<1x80xi32, #tpu.memory_space<vmem>> -> memref<80xi32, #tpu.memory_space<vmem>>
      %dma_start3A_52 = arith.constant 0 : i32
      %dma_start3A_53 = arith.constant 0 : i32
      %dma_start3A_54 = tpu.memref_slice %arg2[%dma_start3A_52, %dma_start3A_53] : memref<10000x128xf32, #tpu.memory_space<hbm>> -> memref<10000x128xf32, #tpu.memory_space<hbm>>
      tpu.enqueue_indirect_dma source(%dma_start3A_54 : memref<10000x128xf32, #tpu.memory_space<hbm>>) target(%arg13 : memref<80x128xf32, #tpu.memory_space<vmem>>) offsets(%dma_start3A_51 : memref<80xi32, #tpu.memory_space<vmem>>) semaphore(%arg19 : memref<!tpu.dma_semaphore, #tpu.memory_space<semaphore_mem>>)
      %dma_start3A_55 = arith.constant 0 : i32
      %dma_start3A_56 = tpu.memref_slice %arg9[%add3A_48, %dma_start3A_55] : memref<125x80xi32, #tpu.memory_space<vmem>> -> memref<1x80xi32, #tpu.memory_space<vmem>>
      %dma_start3A_57 = tpu.memref_squeeze %dma_start3A_56 : memref<1x80xi32, #tpu.memory_space<vmem>> -> memref<80xi32, #tpu.memory_space<vmem>>
      %dma_start3A_58 = arith.constant 0 : i32
      %dma_start3A_59 = arith.constant 0 : i32
      %dma_start3A_60 = tpu.memref_slice %arg3[%dma_start3A_58, %dma_start3A_59] : memref<10000x128xf32, #tpu.memory_space<hbm>> -> memref<10000x128xf32, #tpu.memory_space<hbm>>
      tpu.enqueue_indirect_dma source(%dma_start3A_60 : memref<10000x128xf32, #tpu.memory_space<hbm>>) target(%arg14 : memref<80x128xf32, #tpu.memory_space<vmem>>) offsets(%dma_start3A_57 : memref<80xi32, #tpu.memory_space<vmem>>) semaphore(%arg20 : memref<!tpu.dma_semaphore, #tpu.memory_space<semaphore_mem>>)
      %dma_wait3A_61 = arith.constant 0 : i32
      %dma_wait3A_62 = tpu.memref_slice %arg8[%add3A_46, %dma_wait3A_61] : memref<125x80xi32, #tpu.memory_space<vmem>> -> memref<1x80xi32, #tpu.memory_space<vmem>>
      %dma_wait3A_63 = tpu.memref_squeeze %dma_wait3A_62 : memref<1x80xi32, #tpu.memory_space<vmem>> -> memref<80xi32, #tpu.memory_space<vmem>>
      %dma_wait3A_64 = arith.constant 0 : i32
      %dma_wait3A_65 = arith.constant 0 : i32
      %dma_wait3A_66 = tpu.memref_slice %arg2[%dma_wait3A_64, %dma_wait3A_65] : memref<10000x128xf32, #tpu.memory_space<hbm>> -> memref<10000x128xf32, #tpu.memory_space<hbm>>
      tpu.wait_indirect_dma semaphore(%arg17 : memref<!tpu.dma_semaphore, #tpu.memory_space<semaphore_mem>>) src(%dma_wait3A_66 : memref<10000x128xf32, #tpu.memory_space<hbm>>) dst(%arg11 : memref<80x128xf32, #tpu.memory_space<vmem>>)
      %dma_wait3A_67 = arith.constant 0 : i32
      %dma_wait3A_68 = tpu.memref_slice %arg9[%add3A_46, %dma_wait3A_67] : memref<125x80xi32, #tpu.memory_space<vmem>> -> memref<1x80xi32, #tpu.memory_space<vmem>>
      %dma_wait3A_69 = tpu.memref_squeeze %dma_wait3A_68 : memref<1x80xi32, #tpu.memory_space<vmem>> -> memref<80xi32, #tpu.memory_space<vmem>>
      %dma_wait3A_70 = arith.constant 0 : i32
      %dma_wait3A_71 = arith.constant 0 : i32
      %dma_wait3A_72 = tpu.memref_slice %arg3[%dma_wait3A_70, %dma_wait3A_71] : memref<10000x128xf32, #tpu.memory_space<hbm>> -> memref<10000x128xf32, #tpu.memory_space<hbm>>
      tpu.wait_indirect_dma semaphore(%arg18 : memref<!tpu.dma_semaphore, #tpu.memory_space<semaphore_mem>>) src(%dma_wait3A_72 : memref<10000x128xf32, #tpu.memory_space<hbm>>) dst(%arg12 : memref<80x128xf32, #tpu.memory_space<vmem>>)
      %scan3A_73 = arith.constant 0 : i32
      %scan3A_74 = arith.constant 5 : i32
      %scan3A_75 = arith.addi %scan3A_73, %scan3A_74 : i32
      %scan3A_76 = arith.constant 1 : i32
      scf.for %scan3A_121 = %scan3A_73 to %scan3A_75 step %scan3A_76  : i32 {
        %mul3A_122 = arith.constant 1 : i32
        %mul3A_123 = arith.muli %scan3A_121, %mul3A_122 : i32
        %add3A_124 = arith.constant 0 : i32
        %add3A_125 = arith.addi %add3A_124, %mul3A_123 : i32
        %mul3A_126 = arith.constant 16 : i32
        %mul3A_127 = arith.muli %add3A_125, %mul3A_126 : i32
        %add3A_128 = arith.constant 0 : i32
        %add3A_129 = arith.addi %mul3A_127, %add3A_128 : i32
        %get3A_130 = arith.index_cast %add3A_129 : i32 to index
        %get3A_131 = arith.constant 0 : index
        %get3A_132 = tpu.vector_load %arg11[%get3A_130, %get3A_131] {strides = array<i32>} : memref<80x128xf32, #tpu.memory_space<vmem>>, vector<16xf32>,
        %get3A_133 = arith.index_cast %add3A_129 : i32 to index
        %get3A_134 = arith.constant 0 : index
        %get3A_135 = tpu.vector_load %arg12[%get3A_133, %get3A_134] {strides = array<i32>} : memref<80x128xf32, #tpu.memory_space<vmem>>, vector<16xf32>,
        %mul3A_136 = arith.mulf %get3A_132, %get3A_135 : vector<16xf32>
        %get3A_137 = arith.index_cast %add3A_129 : i32 to index
        %get3A_138 = arith.constant 16 : index
        %get3A_139 = tpu.vector_load %arg11[%get3A_137, %get3A_138] {strides = array<i32>} : memref<80x128xf32, #tpu.memory_space<vmem>>, vector<16xf32>,
        %get3A_140 = arith.index_cast %add3A_129 : i32 to index
        %get3A_141 = arith.constant 16 : index
        %get3A_142 = tpu.vector_load %arg12[%get3A_140, %get3A_141] {strides = array<i32>} : memref<80x128xf32, #tpu.memory_space<vmem>>, vector<16xf32>,
        %mul3A_143 = arith.mulf %get3A_139, %get3A_142 : vector<16xf32>
        %get3A_144 = arith.index_cast %add3A_129 : i32 to index
        %get3A_145 = arith.constant 32 : index
        %get3A_146 = tpu.vector_load %arg11[%get3A_144, %get3A_145] {strides = array<i32>} : memref<80x128xf32, #tpu.memory_space<vmem>>, vector<16xf32>,
        %get3A_147 = arith.index_cast %add3A_129 : i32 to index
        %get3A_148 = arith.constant 32 : index
        %get3A_149 = tpu.vector_load %arg12[%get3A_147, %get3A_148] {strides = array<i32>} : memref<80x128xf32, #tpu.memory_space<vmem>>, vector<16xf32>,
        %mul3A_150 = arith.mulf %get3A_146, %get3A_149 : vector<16xf32>
        %get3A_151 = arith.index_cast %add3A_129 : i32 to index
        %get3A_152 = arith.constant 48 : index
        %get3A_153 = tpu.vector_load %arg11[%get3A_151, %get3A_152] {strides = array<i32>} : memref<80x128xf32, #tpu.memory_space<vmem>>, vector<16xf32>,
        %get3A_154 = arith.index_cast %add3A_129 : i32 to index
        %get3A_155 = arith.constant 48 : index
        %get3A_156 = tpu.vector_load %arg12[%get3A_154, %get3A_155] {strides = array<i32>} : memref<80x128xf32, #tpu.memory_space<vmem>>, vector<16xf32>,
        %mul3A_157 = arith.mulf %get3A_153, %get3A_156 : vector<16xf32>
        %get3A_158 = arith.index_cast %add3A_129 : i32 to index
        %get3A_159 = arith.constant 64 : index
        %get3A_160 = tpu.vector_load %arg11[%get3A_158, %get3A_159] {strides = array<i32>} : memref<80x128xf32, #tpu.memory_space<vmem>>, vector<16xf32>,
        %get3A_161 = arith.index_cast %add3A_129 : i32 to index
        %get3A_162 = arith.constant 64 : index
        %get3A_163 = tpu.vector_load %arg12[%get3A_161, %get3A_162] {strides = array<i32>} : memref<80x128xf32, #tpu.memory_space<vmem>>, vector<16xf32>,
        %mul3A_164 = arith.mulf %get3A_160, %get3A_163 : vector<16xf32>
        %get3A_165 = arith.index_cast %add3A_129 : i32 to index
        %get3A_166 = arith.constant 80 : index
        %get3A_167 = tpu.vector_load %arg11[%get3A_165, %get3A_166] {strides = array<i32>} : memref<80x128xf32, #tpu.memory_space<vmem>>, vector<16xf32>,
        %get3A_168 = arith.index_cast %add3A_129 : i32 to index
        %get3A_169 = arith.constant 80 : index
        %get3A_170 = tpu.vector_load %arg12[%get3A_168, %get3A_169] {strides = array<i32>} : memref<80x128xf32, #tpu.memory_space<vmem>>, vector<16xf32>,
        %mul3A_171 = arith.mulf %get3A_167, %get3A_170 : vector<16xf32>
        %get3A_172 = arith.index_cast %add3A_129 : i32 to index
        %get3A_173 = arith.constant 96 : index
        %get3A_174 = tpu.vector_load %arg11[%get3A_172, %get3A_173] {strides = array<i32>} : memref<80x128xf32, #tpu.memory_space<vmem>>, vector<16xf32>,
        %get3A_175 = arith.index_cast %add3A_129 : i32 to index
        %get3A_176 = arith.constant 96 : index
        %get3A_177 = tpu.vector_load %arg12[%get3A_175, %get3A_176] {strides = array<i32>} : memref<80x128xf32, #tpu.memory_space<vmem>>, vector<16xf32>,
        %mul3A_178 = arith.mulf %get3A_174, %get3A_177 : vector<16xf32>
        %get3A_179 = arith.index_cast %add3A_129 : i32 to index
        %get3A_180 = arith.constant 112 : index
        %get3A_181 = tpu.vector_load %arg11[%get3A_179, %get3A_180] {strides = array<i32>} : memref<80x128xf32, #tpu.memory_space<vmem>>, vector<16xf32>,
        %get3A_182 = arith.index_cast %add3A_129 : i32 to index
        %get3A_183 = arith.constant 112 : index
        %get3A_184 = tpu.vector_load %arg12[%get3A_182, %get3A_183] {strides = array<i32>} : memref<80x128xf32, #tpu.memory_space<vmem>>, vector<16xf32>,
        %mul3A_185 = arith.mulf %get3A_181, %get3A_184 : vector<16xf32>
        %add3A_186 = arith.addf %mul3A_136, %mul3A_143 : vector<16xf32>
        %add3A_187 = arith.addf %mul3A_150, %mul3A_157 : vector<16xf32>
        %add3A_188 = arith.addf %mul3A_164, %mul3A_171 : vector<16xf32>
        %add3A_189 = arith.addf %mul3A_178, %mul3A_185 : vector<16xf32>
        %add3A_190 = arith.addf %add3A_186, %add3A_187 : vector<16xf32>
        %add3A_191 = arith.addf %add3A_188, %add3A_189 : vector<16xf32>
        %add3A_192 = arith.addf %add3A_190, %add3A_191 : vector<16xf32>
        %swap3A = arith.index_cast %add3A_129 : i32 to index
        %swap3A_193 = arith.constant 0 : index
        %swap3A_194 = tpu.vector_load %arg16[%swap3A, %swap3A_193] {strides = array<i32>} : memref<80x16xf32, #tpu.memory_space<vmem>>, vector<16xf32>,
        tpu.vector_store %arg16[%swap3A, %swap3A_193], %add3A_192 {strides = array<i32>} : memref<80x16xf32, #tpu.memory_space<vmem>>, vector<16xf32>,
        %add3A_195 = arith.constant 1 : i32
        %add3A_196 = arith.addi %mul3A_127, %add3A_195 : i32
        %get3A_197 = arith.index_cast %add3A_196 : i32 to index
        %get3A_198 = arith.constant 0 : index
        %get3A_199 = tpu.vector_load %arg11[%get3A_197, %get3A_198] {strides = array<i32>} : memref<80x128xf32, #tpu.memory_space<vmem>>, vector<16xf32>,
        %get3A_200 = arith.index_cast %add3A_196 : i32 to index
        %get3A_201 = arith.constant 0 : index
        %get3A_202 = tpu.vector_load %arg12[%get3A_200, %get3A_201] {strides = array<i32>} : memref<80x128xf32, #tpu.memory_space<vmem>>, vector<16xf32>,
        %mul3A_203 = arith.mulf %get3A_199, %get3A_202 : vector<16xf32>
        %get3A_204 = arith.index_cast %add3A_196 : i32 to index
        %get3A_205 = arith.constant 16 : index
        %get3A_206 = tpu.vector_load %arg11[%get3A_204, %get3A_205] {strides = array<i32>} : memref<80x128xf32, #tpu.memory_space<vmem>>, vector<16xf32>,
        %get3A_207 = arith.index_cast %add3A_196 : i32 to index
        %get3A_208 = arith.constant 16 : index
        %get3A_209 = tpu.vector_load %arg12[%get3A_207, %get3A_208] {strides = array<i32>} : memref<80x128xf32, #tpu.memory_space<vmem>>, vector<16xf32>,
        %mul3A_210 = arith.mulf %get3A_206, %get3A_209 : vector<16xf32>
        %get3A_211 = arith.index_cast %add3A_196 : i32 to index
        %get3A_212 = arith.constant 32 : index
        %get3A_213 = tpu.vector_load %arg11[%get3A_211, %get3A_212] {strides = array<i32>} : memref<80x128xf32, #tpu.memory_space<vmem>>, vector<16xf32>,
        %get3A_214 = arith.index_cast %add3A_196 : i32 to index
        %get3A_215 = arith.constant 32 : index
        %get3A_216 = tpu.vector_load %arg12[%get3A_214, %get3A_215] {strides = array<i32>} : memref<80x128xf32, #tpu.memory_space<vmem>>, vector<16xf32>,
        %mul3A_217 = arith.mulf %get3A_213, %get3A_216 : vector<16xf32>
        %get3A_218 = arith.index_cast %add3A_196 : i32 to index
        %get3A_219 = arith.constant 48 : index
        %get3A_220 = tpu.vector_load %arg11[%get3A_218, %get3A_219] {strides = array<i32>} : memref<80x128xf32, #tpu.memory_space<vmem>>, vector<16xf32>,
        %get3A_221 = arith.index_cast %add3A_196 : i32 to index
        %get3A_222 = arith.constant 48 : index
        %get3A_223 = tpu.vector_load %arg12[%get3A_221, %get3A_222] {strides = array<i32>} : memref<80x128xf32, #tpu.memory_space<vmem>>, vector<16xf32>,
        %mul3A_224 = arith.mulf %get3A_220, %get3A_223 : vector<16xf32>
        %get3A_225 = arith.index_cast %add3A_196 : i32 to index
        %get3A_226 = arith.constant 64 : index
        %get3A_227 = tpu.vector_load %arg11[%get3A_225, %get3A_226] {strides = array<i32>} : memref<80x128xf32, #tpu.memory_space<vmem>>, vector<16xf32>,
        %get3A_228 = arith.index_cast %add3A_196 : i32 to index
        %get3A_229 = arith.constant 64 : index
        %get3A_230 = tpu.vector_load %arg12[%get3A_228, %get3A_229] {strides = array<i32>} : memref<80x128xf32, #tpu.memory_space<vmem>>, vector<16xf32>,
        %mul3A_231 = arith.mulf %get3A_227, %get3A_230 : vector<16xf32>
        %get3A_232 = arith.index_cast %add3A_196 : i32 to index
        %get3A_233 = arith.constant 80 : index
        %get3A_234 = tpu.vector_load %arg11[%get3A_232, %get3A_233] {strides = array<i32>} : memref<80x128xf32, #tpu.memory_space<vmem>>, vector<16xf32>,
        %get3A_235 = arith.index_cast %add3A_196 : i32 to index
        %get3A_236 = arith.constant 80 : index
        %get3A_237 = tpu.vector_load %arg12[%get3A_235, %get3A_236] {strides = array<i32>} : memref<80x128xf32, #tpu.memory_space<vmem>>, vector<16xf32>,
        %mul3A_238 = arith.mulf %get3A_234, %get3A_237 : vector<16xf32>
        %get3A_239 = arith.index_cast %add3A_196 : i32 to index
        %get3A_240 = arith.constant 96 : index
        %get3A_241 = tpu.vector_load %arg11[%get3A_239, %get3A_240] {strides = array<i32>} : memref<80x128xf32, #tpu.memory_space<vmem>>, vector<16xf32>,
        %get3A_242 = arith.index_cast %add3A_196 : i32 to index
        %get3A_243 = arith.constant 96 : index
        %get3A_244 = tpu.vector_load %arg12[%get3A_242, %get3A_243] {strides = array<i32>} : memref<80x128xf32, #tpu.memory_space<vmem>>, vector<16xf32>,
        %mul3A_245 = arith.mulf %get3A_241, %get3A_244 : vector<16xf32>
        %get3A_246 = arith.index_cast %add3A_196 : i32 to index
        %get3A_247 = arith.constant 112 : index
        %get3A_248 = tpu.vector_load %arg11[%get3A_246, %get3A_247] {strides = array<i32>} : memref<80x128xf32, #tpu.memory_space<vmem>>, vector<16xf32>,
        %get3A_249 = arith.index_cast %add3A_196 : i32 to index
        %get3A_250 = arith.constant 112 : index
        %get3A_251 = tpu.vector_load %arg12[%get3A_249, %get3A_250] {strides = array<i32>} : memref<80x128xf32, #tpu.memory_space<vmem>>, vector<16xf32>,
        %mul3A_252 = arith.mulf %get3A_248, %get3A_251 : vector<16xf32>
        %add3A_253 = arith.addf %mul3A_203, %mul3A_210 : vector<16xf32>
        %add3A_254 = arith.addf %mul3A_217, %mul3A_224 : vector<16xf32>
        %add3A_255 = arith.addf %mul3A_231, %mul3A_238 : vector<16xf32>
        %add3A_256 = arith.addf %mul3A_245, %mul3A_252 : vector<16xf32>
        %add3A_257 = arith.addf %add3A_253, %add3A_254 : vector<16xf32>
        %add3A_258 = arith.addf %add3A_255, %add3A_256 : vector<16xf32>
        %add3A_259 = arith.addf %add3A_257, %add3A_258 : vector<16xf32>
        %swap3A_260 = arith.index_cast %add3A_196 : i32 to index
        %swap3A_261 = arith.constant 0 : index
        %swap3A_262 = tpu.vector_load %arg16[%swap3A_260, %swap3A_261] {strides = array<i32>} : memref<80x16xf32, #tpu.memory_space<vmem>>, vector<16xf32>,
        tpu.vector_store %arg16[%swap3A_260, %swap3A_261], %add3A_259 {strides = array<i32>} : memref<80x16xf32, #tpu.memory_space<vmem>>, vector<16xf32>,
        %add3A_263 = arith.constant 2 : i32
        %add3A_264 = arith.addi %mul3A_127, %add3A_263 : i32
        %get3A_265 = arith.index_cast %add3A_264 : i32 to index
        %get3A_266 = arith.constant 0 : index
        %get3A_267 = tpu.vector_load %arg11[%get3A_265, %get3A_266] {strides = array<i32>} : memref<80x128xf32, #tpu.memory_space<vmem>>, vector<16xf32>,
        %get3A_268 = arith.index_cast %add3A_264 : i32 to index
        %get3A_269 = arith.constant 0 : index
        %get3A_270 = tpu.vector_load %arg12[%get3A_268, %get3A_269] {strides = array<i32>} : memref<80x128xf32, #tpu.memory_space<vmem>>, vector<16xf32>,
        %mul3A_271 = arith.mulf %get3A_267, %get3A_270 : vector<16xf32>
        %get3A_272 = arith.index_cast %add3A_264 : i32 to index
        %get3A_273 = arith.constant 16 : index
        %get3A_274 = tpu.vector_load %arg11[%get3A_272, %get3A_273] {strides = array<i32>} : memref<80x128xf32, #tpu.memory_space<vmem>>, vector<16xf32>,
        %get3A_275 = arith.index_cast %add3A_264 : i32 to index
        %get3A_276 = arith.constant 16 : index
        %get3A_277 = tpu.vector_load %arg12[%get3A_275, %get3A_276] {strides = array<i32>} : memref<80x128xf32, #tpu.memory_space<vmem>>, vector<16xf32>,
        %mul3A_278 = arith.mulf %get3A_274, %get3A_277 : vector<16xf32>
        %get3A_279 = arith.index_cast %add3A_264 : i32 to index
        %get3A_280 = arith.constant 32 : index
        %get3A_281 = tpu.vector_load %arg11[%get3A_279, %get3A_280] {strides = array<i32>} : memref<80x128xf32, #tpu.memory_space<vmem>>, vector<16xf32>,
        %get3A_282 = arith.index_cast %add3A_264 : i32 to index
        %get3A_283 = arith.constant 32 : index
        %get3A_284 = tpu.vector_load %arg12[%get3A_282, %get3A_283] {strides = array<i32>} : memref<80x128xf32, #tpu.memory_space<vmem>>, vector<16xf32>,
        %mul3A_285 = arith.mulf %get3A_281, %get3A_284 : vector<16xf32>
        %get3A_286 = arith.index_cast %add3A_264 : i32 to index
        %get3A_287 = arith.constant 48 : index
        %get3A_288 = tpu.vector_load %arg11[%get3A_286, %get3A_287] {strides = array<i32>} : memref<80x128xf32, #tpu.memory_space<vmem>>, vector<16xf32>,
        %get3A_289 = arith.index_cast %add3A_264 : i32 to index
        %get3A_290 = arith.constant 48 : index
        %get3A_291 = tpu.vector_load %arg12[%get3A_289, %get3A_290] {strides = array<i32>} : memref<80x128xf32, #tpu.memory_space<vmem>>, vector<16xf32>,
        %mul3A_292 = arith.mulf %get3A_288, %get3A_291 : vector<16xf32>
        %get3A_293 = arith.index_cast %add3A_264 : i32 to index
        %get3A_294 = arith.constant 64 : index
        %get3A_295 = tpu.vector_load %arg11[%get3A_293, %get3A_294] {strides = array<i32>} : memref<80x128xf32, #tpu.memory_space<vmem>>, vector<16xf32>,
        %get3A_296 = arith.index_cast %add3A_264 : i32 to index
        %get3A_297 = arith.constant 64 : index
        %get3A_298 = tpu.vector_load %arg12[%get3A_296, %get3A_297] {strides = array<i32>} : memref<80x128xf32, #tpu.memory_space<vmem>>, vector<16xf32>,
        %mul3A_299 = arith.mulf %get3A_295, %get3A_298 : vector<16xf32>
        %get3A_300 = arith.index_cast %add3A_264 : i32 to index
        %get3A_301 = arith.constant 80 : index
        %get3A_302 = tpu.vector_load %arg11[%get3A_300, %get3A_301] {strides = array<i32>} : memref<80x128xf32, #tpu.memory_space<vmem>>, vector<16xf32>,
        %get3A_303 = arith.index_cast %add3A_264 : i32 to index
        %get3A_304 = arith.constant 80 : index
        %get3A_305 = tpu.vector_load %arg12[%get3A_303, %get3A_304] {strides = array<i32>} : memref<80x128xf32, #tpu.memory_space<vmem>>, vector<16xf32>,
        %mul3A_306 = arith.mulf %get3A_302, %get3A_305 : vector<16xf32>
        %get3A_307 = arith.index_cast %add3A_264 : i32 to index
        %get3A_308 = arith.constant 96 : index
        %get3A_309 = tpu.vector_load %arg11[%get3A_307, %get3A_308] {strides = array<i32>} : memref<80x128xf32, #tpu.memory_space<vmem>>, vector<16xf32>,
        %get3A_310 = arith.index_cast %add3A_264 : i32 to index
        %get3A_311 = arith.constant 96 : index
        %get3A_312 = tpu.vector_load %arg12[%get3A_310, %get3A_311] {strides = array<i32>} : memref<80x128xf32, #tpu.memory_space<vmem>>, vector<16xf32>,
        %mul3A_313 = arith.mulf %get3A_309, %get3A_312 : vector<16xf32>
        %get3A_314 = arith.index_cast %add3A_264 : i32 to index
        %get3A_315 = arith.constant 112 : index
        %get3A_316 = tpu.vector_load %arg11[%get3A_314, %get3A_315] {strides = array<i32>} : memref<80x128xf32, #tpu.memory_space<vmem>>, vector<16xf32>,
        %get3A_317 = arith.index_cast %add3A_264 : i32 to index
        %get3A_318 = arith.constant 112 : index
        %get3A_319 = tpu.vector_load %arg12[%get3A_317, %get3A_318] {strides = array<i32>} : memref<80x128xf32, #tpu.memory_space<vmem>>, vector<16xf32>,
        %mul3A_320 = arith.mulf %get3A_316, %get3A_319 : vector<16xf32>
        %add3A_321 = arith.addf %mul3A_271, %mul3A_278 : vector<16xf32>
        %add3A_322 = arith.addf %mul3A_285, %mul3A_292 : vector<16xf32>
        %add3A_323 = arith.addf %mul3A_299, %mul3A_306 : vector<16xf32>
        %add3A_324 = arith.addf %mul3A_313, %mul3A_320 : vector<16xf32>
        %add3A_325 = arith.addf %add3A_321, %add3A_322 : vector<16xf32>
        %add3A_326 = arith.addf %add3A_323, %add3A_324 : vector<16xf32>
        %add3A_327 = arith.addf %add3A_325, %add3A_326 : vector<16xf32>
        %swap3A_328 = arith.index_cast %add3A_264 : i32 to index
        %swap3A_329 = arith.constant 0 : index
        %swap3A_330 = tpu.vector_load %arg16[%swap3A_328, %swap3A_329] {strides = array<i32>} : memref<80x16xf32, #tpu.memory_space<vmem>>, vector<16xf32>,
        tpu.vector_store %arg16[%swap3A_328, %swap3A_329], %add3A_327 {strides = array<i32>} : memref<80x16xf32, #tpu.memory_space<vmem>>, vector<16xf32>,
        %add3A_331 = arith.constant 3 : i32
        %add3A_332 = arith.addi %mul3A_127, %add3A_331 : i32
        %get3A_333 = arith.index_cast %add3A_332 : i32 to index
        %get3A_334 = arith.constant 0 : index
        %get3A_335 = tpu.vector_load %arg11[%get3A_333, %get3A_334] {strides = array<i32>} : memref<80x128xf32, #tpu.memory_space<vmem>>, vector<16xf32>,
        %get3A_336 = arith.index_cast %add3A_332 : i32 to index
        %get3A_337 = arith.constant 0 : index
        %get3A_338 = tpu.vector_load %arg12[%get3A_336, %get3A_337] {strides = array<i32>} : memref<80x128xf32, #tpu.memory_space<vmem>>, vector<16xf32>,
        %mul3A_339 = arith.mulf %get3A_335, %get3A_338 : vector<16xf32>
        %get3A_340 = arith.index_cast %add3A_332 : i32 to index
        %get3A_341 = arith.constant 16 : index
        %get3A_342 = tpu.vector_load %arg11[%get3A_340, %get3A_341] {strides = array<i32>} : memref<80x128xf32, #tpu.memory_space<vmem>>, vector<16xf32>,
        %get3A_343 = arith.index_cast %add3A_332 : i32 to index
        %get3A_344 = arith.constant 16 : index
        %get3A_345 = tpu.vector_load %arg12[%get3A_343, %get3A_344] {strides = array<i32>} : memref<80x128xf32, #tpu.memory_space<vmem>>, vector<16xf32>,
        %mul3A_346 = arith.mulf %get3A_342, %get3A_345 : vector<16xf32>
        %get3A_347 = arith.index_cast %add3A_332 : i32 to index
        %get3A_348 = arith.constant 32 : index
        %get3A_349 = tpu.vector_load %arg11[%get3A_347, %get3A_348] {strides = array<i32>} : memref<80x128xf32, #tpu.memory_space<vmem>>, vector<16xf32>,
        %get3A_350 = arith.index_cast %add3A_332 : i32 to index
        %get3A_351 = arith.constant 32 : index
        %get3A_352 = tpu.vector_load %arg12[%get3A_350, %get3A_351] {strides = array<i32>} : memref<80x128xf32, #tpu.memory_space<vmem>>, vector<16xf32>,
        %mul3A_353 = arith.mulf %get3A_349, %get3A_352 : vector<16xf32>
        %get3A_354 = arith.index_cast %add3A_332 : i32 to index
        %get3A_355 = arith.constant 48 : index
        %get3A_356 = tpu.vector_load %arg11[%get3A_354, %get3A_355] {strides = array<i32>} : memref<80x128xf32, #tpu.memory_space<vmem>>, vector<16xf32>,
        %get3A_357 = arith.index_cast %add3A_332 : i32 to index
        %get3A_358 = arith.constant 48 : index
        %get3A_359 = tpu.vector_load %arg12[%get3A_357, %get3A_358] {strides = array<i32>} : memref<80x128xf32, #tpu.memory_space<vmem>>, vector<16xf32>,
        %mul3A_360 = arith.mulf %get3A_356, %get3A_359 : vector<16xf32>
        %get3A_361 = arith.index_cast %add3A_332 : i32 to index
        %get3A_362 = arith.constant 64 : index
        %get3A_363 = tpu.vector_load %arg11[%get3A_361, %get3A_362] {strides = array<i32>} : memref<80x128xf32, #tpu.memory_space<vmem>>, vector<16xf32>,
        %get3A_364 = arith.index_cast %add3A_332 : i32 to index
        %get3A_365 = arith.constant 64 : index
        %get3A_366 = tpu.vector_load %arg12[%get3A_364, %get3A_365] {strides = array<i32>} : memref<80x128xf32, #tpu.memory_space<vmem>>, vector<16xf32>,
        %mul3A_367 = arith.mulf %get3A_363, %get3A_366 : vector<16xf32>
        %get3A_368 = arith.index_cast %add3A_332 : i32 to index
        %get3A_369 = arith.constant 80 : index
        %get3A_370 = tpu.vector_load %arg11[%get3A_368, %get3A_369] {strides = array<i32>} : memref<80x128xf32, #tpu.memory_space<vmem>>, vector<16xf32>,
        %get3A_371 = arith.index_cast %add3A_332 : i32 to index
        %get3A_372 = arith.constant 80 : index
        %get3A_373 = tpu.vector_load %arg12[%get3A_371, %get3A_372] {strides = array<i32>} : memref<80x128xf32, #tpu.memory_space<vmem>>, vector<16xf32>,
        %mul3A_374 = arith.mulf %get3A_370, %get3A_373 : vector<16xf32>
        %get3A_375 = arith.index_cast %add3A_332 : i32 to index
        %get3A_376 = arith.constant 96 : index
        %get3A_377 = tpu.vector_load %arg11[%get3A_375, %get3A_376] {strides = array<i32>} : memref<80x128xf32, #tpu.memory_space<vmem>>, vector<16xf32>,
        %get3A_378 = arith.index_cast %add3A_332 : i32 to index
        %get3A_379 = arith.constant 96 : index
        %get3A_380 = tpu.vector_load %arg12[%get3A_378, %get3A_379] {strides = array<i32>} : memref<80x128xf32, #tpu.memory_space<vmem>>, vector<16xf32>,
        %mul3A_381 = arith.mulf %get3A_377, %get3A_380 : vector<16xf32>
        %get3A_382 = arith.index_cast %add3A_332 : i32 to index
        %get3A_383 = arith.constant 112 : index
        %get3A_384 = tpu.vector_load %arg11[%get3A_382, %get3A_383] {strides = array<i32>} : memref<80x128xf32, #tpu.memory_space<vmem>>, vector<16xf32>,
        %get3A_385 = arith.index_cast %add3A_332 : i32 to index
        %get3A_386 = arith.constant 112 : index
        %get3A_387 = tpu.vector_load %arg12[%get3A_385, %get3A_386] {strides = array<i32>} : memref<80x128xf32, #tpu.memory_space<vmem>>, vector<16xf32>,
        %mul3A_388 = arith.mulf %get3A_384, %get3A_387 : vector<16xf32>
        %add3A_389 = arith.addf %mul3A_339, %mul3A_346 : vector<16xf32>
        %add3A_390 = arith.addf %mul3A_353, %mul3A_360 : vector<16xf32>
        %add3A_391 = arith.addf %mul3A_367, %mul3A_374 : vector<16xf32>
        %add3A_392 = arith.addf %mul3A_381, %mul3A_388 : vector<16xf32>
        %add3A_393 = arith.addf %add3A_389, %add3A_390 : vector<16xf32>
        %add3A_394 = arith.addf %add3A_391, %add3A_392 : vector<16xf32>
        %add3A_395 = arith.addf %add3A_393, %add3A_394 : vector<16xf32>
        %swap3A_396 = arith.index_cast %add3A_332 : i32 to index
        %swap3A_397 = arith.constant 0 : index
        %swap3A_398 = tpu.vector_load %arg16[%swap3A_396, %swap3A_397] {strides = array<i32>} : memref<80x16xf32, #tpu.memory_space<vmem>>, vector<16xf32>,
        tpu.vector_store %arg16[%swap3A_396, %swap3A_397], %add3A_395 {strides = array<i32>} : memref<80x16xf32, #tpu.memory_space<vmem>>, vector<16xf32>,
        %add3A_399 = arith.constant 4 : i32
        %add3A_400 = arith.addi %mul3A_127, %add3A_399 : i32
        %get3A_401 = arith.index_cast %add3A_400 : i32 to index
        %get3A_402 = arith.constant 0 : index
        %get3A_403 = tpu.vector_load %arg11[%get3A_401, %get3A_402] {strides = array<i32>} : memref<80x128xf32, #tpu.memory_space<vmem>>, vector<16xf32>,
        %get3A_404 = arith.index_cast %add3A_400 : i32 to index
        %get3A_405 = arith.constant 0 : index
        %get3A_406 = tpu.vector_load %arg12[%get3A_404, %get3A_405] {strides = array<i32>} : memref<80x128xf32, #tpu.memory_space<vmem>>, vector<16xf32>,
        %mul3A_407 = arith.mulf %get3A_403, %get3A_406 : vector<16xf32>
        %get3A_408 = arith.index_cast %add3A_400 : i32 to index
        %get3A_409 = arith.constant 16 : index
        %get3A_410 = tpu.vector_load %arg11[%get3A_408, %get3A_409] {strides = array<i32>} : memref<80x128xf32, #tpu.memory_space<vmem>>, vector<16xf32>,
        %get3A_411 = arith.index_cast %add3A_400 : i32 to index
        %get3A_412 = arith.constant 16 : index
        %get3A_413 = tpu.vector_load %arg12[%get3A_411, %get3A_412] {strides = array<i32>} : memref<80x128xf32, #tpu.memory_space<vmem>>, vector<16xf32>,
        %mul3A_414 = arith.mulf %get3A_410, %get3A_413 : vector<16xf32>
        %get3A_415 = arith.index_cast %add3A_400 : i32 to index
        %get3A_416 = arith.constant 32 : index
        %get3A_417 = tpu.vector_load %arg11[%get3A_415, %get3A_416] {strides = array<i32>} : memref<80x128xf32, #tpu.memory_space<vmem>>, vector<16xf32>,
        %get3A_418 = arith.index_cast %add3A_400 : i32 to index
        %get3A_419 = arith.constant 32 : index
        %get3A_420 = tpu.vector_load %arg12[%get3A_418, %get3A_419] {strides = array<i32>} : memref<80x128xf32, #tpu.memory_space<vmem>>, vector<16xf32>,
        %mul3A_421 = arith.mulf %get3A_417, %get3A_420 : vector<16xf32>
        %get3A_422 = arith.index_cast %add3A_400 : i32 to index
        %get3A_423 = arith.constant 48 : index
        %get3A_424 = tpu.vector_load %arg11[%get3A_422, %get3A_423] {strides = array<i32>} : memref<80x128xf32, #tpu.memory_space<vmem>>, vector<16xf32>,
        %get3A_425 = arith.index_cast %add3A_400 : i32 to index
        %get3A_426 = arith.constant 48 : index
        %get3A_427 = tpu.vector_load %arg12[%get3A_425, %get3A_426] {strides = array<i32>} : memref<80x128xf32, #tpu.memory_space<vmem>>, vector<16xf32>,
        %mul3A_428 = arith.mulf %get3A_424, %get3A_427 : vector<16xf32>
        %get3A_429 = arith.index_cast %add3A_400 : i32 to index
        %get3A_430 = arith.constant 64 : index
        %get3A_431 = tpu.vector_load %arg11[%get3A_429, %get3A_430] {strides = array<i32>} : memref<80x128xf32, #tpu.memory_space<vmem>>, vector<16xf32>,
        %get3A_432 = arith.index_cast %add3A_400 : i32 to index
        %get3A_433 = arith.constant 64 : index
        %get3A_434 = tpu.vector_load %arg12[%get3A_432, %get3A_433] {strides = array<i32>} : memref<80x128xf32, #tpu.memory_space<vmem>>, vector<16xf32>,
        %mul3A_435 = arith.mulf %get3A_431, %get3A_434 : vector<16xf32>
        %get3A_436 = arith.index_cast %add3A_400 : i32 to index
        %get3A_437 = arith.constant 80 : index
        %get3A_438 = tpu.vector_load %arg11[%get3A_436, %get3A_437] {strides = array<i32>} : memref<80x128xf32, #tpu.memory_space<vmem>>, vector<16xf32>,
        %get3A_439 = arith.index_cast %add3A_400 : i32 to index
        %get3A_440 = arith.constant 80 : index
        %get3A_441 = tpu.vector_load %arg12[%get3A_439, %get3A_440] {strides = array<i32>} : memref<80x128xf32, #tpu.memory_space<vmem>>, vector<16xf32>,
        %mul3A_442 = arith.mulf %get3A_438, %get3A_441 : vector<16xf32>
        %get3A_443 = arith.index_cast %add3A_400 : i32 to index
        %get3A_444 = arith.constant 96 : index
        %get3A_445 = tpu.vector_load %arg11[%get3A_443, %get3A_444] {strides = array<i32>} : memref<80x128xf32, #tpu.memory_space<vmem>>, vector<16xf32>,
        %get3A_446 = arith.index_cast %add3A_400 : i32 to index
        %get3A_447 = arith.constant 96 : index
        %get3A_448 = tpu.vector_load %arg12[%get3A_446, %get3A_447] {strides = array<i32>} : memref<80x128xf32, #tpu.memory_space<vmem>>, vector<16xf32>,
        %mul3A_449 = arith.mulf %get3A_445, %get3A_448 : vector<16xf32>
        %get3A_450 = arith.index_cast %add3A_400 : i32 to index
        %get3A_451 = arith.constant 112 : index
        %get3A_452 = tpu.vector_load %arg11[%get3A_450, %get3A_451] {strides = array<i32>} : memref<80x128xf32, #tpu.memory_space<vmem>>, vector<16xf32>,
        %get3A_453 = arith.index_cast %add3A_400 : i32 to index
        %get3A_454 = arith.constant 112 : index
        %get3A_455 = tpu.vector_load %arg12[%get3A_453, %get3A_454] {strides = array<i32>} : memref<80x128xf32, #tpu.memory_space<vmem>>, vector<16xf32>,
        %mul3A_456 = arith.mulf %get3A_452, %get3A_455 : vector<16xf32>
        %add3A_457 = arith.addf %mul3A_407, %mul3A_414 : vector<16xf32>
        %add3A_458 = arith.addf %mul3A_421, %mul3A_428 : vector<16xf32>
        %add3A_459 = arith.addf %mul3A_435, %mul3A_442 : vector<16xf32>
        %add3A_460 = arith.addf %mul3A_449, %mul3A_456 : vector<16xf32>
        %add3A_461 = arith.addf %add3A_457, %add3A_458 : vector<16xf32>
        %add3A_462 = arith.addf %add3A_459, %add3A_460 : vector<16xf32>
        %add3A_463 = arith.addf %add3A_461, %add3A_462 : vector<16xf32>
        %swap3A_464 = arith.index_cast %add3A_400 : i32 to index
        %swap3A_465 = arith.constant 0 : index
        %swap3A_466 = tpu.vector_load %arg16[%swap3A_464, %swap3A_465] {strides = array<i32>} : memref<80x16xf32, #tpu.memory_space<vmem>>, vector<16xf32>,
        tpu.vector_store %arg16[%swap3A_464, %swap3A_465], %add3A_463 {strides = array<i32>} : memref<80x16xf32, #tpu.memory_space<vmem>>, vector<16xf32>,
        %add3A_467 = arith.constant 5 : i32
        %add3A_468 = arith.addi %mul3A_127, %add3A_467 : i32
        %get3A_469 = arith.index_cast %add3A_468 : i32 to index
        %get3A_470 = arith.constant 0 : index
        %get3A_471 = tpu.vector_load %arg11[%get3A_469, %get3A_470] {strides = array<i32>} : memref<80x128xf32, #tpu.memory_space<vmem>>, vector<16xf32>,
        %get3A_472 = arith.index_cast %add3A_468 : i32 to index
        %get3A_473 = arith.constant 0 : index
        %get3A_474 = tpu.vector_load %arg12[%get3A_472, %get3A_473] {strides = array<i32>} : memref<80x128xf32, #tpu.memory_space<vmem>>, vector<16xf32>,
        %mul3A_475 = arith.mulf %get3A_471, %get3A_474 : vector<16xf32>
        %get3A_476 = arith.index_cast %add3A_468 : i32 to index
        %get3A_477 = arith.constant 16 : index
        %get3A_478 = tpu.vector_load %arg11[%get3A_476, %get3A_477] {strides = array<i32>} : memref<80x128xf32, #tpu.memory_space<vmem>>, vector<16xf32>,
        %get3A_479 = arith.index_cast %add3A_468 : i32 to index
        %get3A_480 = arith.constant 16 : index
        %get3A_481 = tpu.vector_load %arg12[%get3A_479, %get3A_480] {strides = array<i32>} : memref<80x128xf32, #tpu.memory_space<vmem>>, vector<16xf32>,
        %mul3A_482 = arith.mulf %get3A_478, %get3A_481 : vector<16xf32>
        %get3A_483 = arith.index_cast %add3A_468 : i32 to index
        %get3A_484 = arith.constant 32 : index
        %get3A_485 = tpu.vector_load %arg11[%get3A_483, %get3A_484] {strides = array<i32>} : memref<80x128xf32, #tpu.memory_space<vmem>>, vector<16xf32>,
        %get3A_486 = arith.index_cast %add3A_468 : i32 to index
        %get3A_487 = arith.constant 32 : index
        %get3A_488 = tpu.vector_load %arg12[%get3A_486, %get3A_487] {strides = array<i32>} : memref<80x128xf32, #tpu.memory_space<vmem>>, vector<16xf32>,
        %mul3A_489 = arith.mulf %get3A_485, %get3A_488 : vector<16xf32>
        %get3A_490 = arith.index_cast %add3A_468 : i32 to index
        %get3A_491 = arith.constant 48 : index
        %get3A_492 = tpu.vector_load %arg11[%get3A_490, %get3A_491] {strides = array<i32>} : memref<80x128xf32, #tpu.memory_space<vmem>>, vector<16xf32>,
        %get3A_493 = arith.index_cast %add3A_468 : i32 to index
        %get3A_494 = arith.constant 48 : index
        %get3A_495 = tpu.vector_load %arg12[%get3A_493, %get3A_494] {strides = array<i32>} : memref<80x128xf32, #tpu.memory_space<vmem>>, vector<16xf32>,
        %mul3A_496 = arith.mulf %get3A_492, %get3A_495 : vector<16xf32>
        %get3A_497 = arith.index_cast %add3A_468 : i32 to index
        %get3A_498 = arith.constant 64 : index
        %get3A_499 = tpu.vector_load %arg11[%get3A_497, %get3A_498] {strides = array<i32>} : memref<80x128xf32, #tpu.memory_space<vmem>>, vector<16xf32>,
        %get3A_500 = arith.index_cast %add3A_468 : i32 to index
        %get3A_501 = arith.constant 64 : index
        %get3A_502 = tpu.vector_load %arg12[%get3A_500, %get3A_501] {strides = array<i32>} : memref<80x128xf32, #tpu.memory_space<vmem>>, vector<16xf32>,
        %mul3A_503 = arith.mulf %get3A_499, %get3A_502 : vector<16xf32>
        %get3A_504 = arith.index_cast %add3A_468 : i32 to index
        %get3A_505 = arith.constant 80 : index
        %get3A_506 = tpu.vector_load %arg11[%get3A_504, %get3A_505] {strides = array<i32>} : memref<80x128xf32, #tpu.memory_space<vmem>>, vector<16xf32>,
        %get3A_507 = arith.index_cast %add3A_468 : i32 to index
        %get3A_508 = arith.constant 80 : index
        %get3A_509 = tpu.vector_load %arg12[%get3A_507, %get3A_508] {strides = array<i32>} : memref<80x128xf32, #tpu.memory_space<vmem>>, vector<16xf32>,
        %mul3A_510 = arith.mulf %get3A_506, %get3A_509 : vector<16xf32>
        %get3A_511 = arith.index_cast %add3A_468 : i32 to index
        %get3A_512 = arith.constant 96 : index
        %get3A_513 = tpu.vector_load %arg11[%get3A_511, %get3A_512] {strides = array<i32>} : memref<80x128xf32, #tpu.memory_space<vmem>>, vector<16xf32>,
        %get3A_514 = arith.index_cast %add3A_468 : i32 to index
        %get3A_515 = arith.constant 96 : index
        %get3A_516 = tpu.vector_load %arg12[%get3A_514, %get3A_515] {strides = array<i32>} : memref<80x128xf32, #tpu.memory_space<vmem>>, vector<16xf32>,
        %mul3A_517 = arith.mulf %get3A_513, %get3A_516 : vector<16xf32>
        %get3A_518 = arith.index_cast %add3A_468 : i32 to index
        %get3A_519 = arith.constant 112 : index
        %get3A_520 = tpu.vector_load %arg11[%get3A_518, %get3A_519] {strides = array<i32>} : memref<80x128xf32, #tpu.memory_space<vmem>>, vector<16xf32>,
        %get3A_521 = arith.index_cast %add3A_468 : i32 to index
        %get3A_522 = arith.constant 112 : index
        %get3A_523 = tpu.vector_load %arg12[%get3A_521, %get3A_522] {strides = array<i32>} : memref<80x128xf32, #tpu.memory_space<vmem>>, vector<16xf32>,
        %mul3A_524 = arith.mulf %get3A_520, %get3A_523 : vector<16xf32>
        %add3A_525 = arith.addf %mul3A_475, %mul3A_482 : vector<16xf32>
        %add3A_526 = arith.addf %mul3A_489, %mul3A_496 : vector<16xf32>
        %add3A_527 = arith.addf %mul3A_503, %mul3A_510 : vector<16xf32>
        %add3A_528 = arith.addf %mul3A_517, %mul3A_524 : vector<16xf32>
        %add3A_529 = arith.addf %add3A_525, %add3A_526 : vector<16xf32>
        %add3A_530 = arith.addf %add3A_527, %add3A_528 : vector<16xf32>
        %add3A_531 = arith.addf %add3A_529, %add3A_530 : vector<16xf32>
        %swap3A_532 = arith.index_cast %add3A_468 : i32 to index
        %swap3A_533 = arith.constant 0 : index
        %swap3A_534 = tpu.vector_load %arg16[%swap3A_532, %swap3A_533] {strides = array<i32>} : memref<80x16xf32, #tpu.memory_space<vmem>>, vector<16xf32>,
        tpu.vector_store %arg16[%swap3A_532, %swap3A_533], %add3A_531 {strides = array<i32>} : memref<80x16xf32, #tpu.memory_space<vmem>>, vector<16xf32>,
        %add3A_535 = arith.constant 6 : i32
        %add3A_536 = arith.addi %mul3A_127, %add3A_535 : i32
        %get3A_537 = arith.index_cast %add3A_536 : i32 to index
        %get3A_538 = arith.constant 0 : index
        %get3A_539 = tpu.vector_load %arg11[%get3A_537, %get3A_538] {strides = array<i32>} : memref<80x128xf32, #tpu.memory_space<vmem>>, vector<16xf32>,
        %get3A_540 = arith.index_cast %add3A_536 : i32 to index
        %get3A_541 = arith.constant 0 : index
        %get3A_542 = tpu.vector_load %arg12[%get3A_540, %get3A_541] {strides = array<i32>} : memref<80x128xf32, #tpu.memory_space<vmem>>, vector<16xf32>,
        %mul3A_543 = arith.mulf %get3A_539, %get3A_542 : vector<16xf32>
        %get3A_544 = arith.index_cast %add3A_536 : i32 to index
        %get3A_545 = arith.constant 16 : index
        %get3A_546 = tpu.vector_load %arg11[%get3A_544, %get3A_545] {strides = array<i32>} : memref<80x128xf32, #tpu.memory_space<vmem>>, vector<16xf32>,
        %get3A_547 = arith.index_cast %add3A_536 : i32 to index
        %get3A_548 = arith.constant 16 : index
        %get3A_549 = tpu.vector_load %arg12[%get3A_547, %get3A_548] {strides = array<i32>} : memref<80x128xf32, #tpu.memory_space<vmem>>, vector<16xf32>,
        %mul3A_550 = arith.mulf %get3A_546, %get3A_549 : vector<16xf32>
        %get3A_551 = arith.index_cast %add3A_536 : i32 to index
        %get3A_552 = arith.constant 32 : index
        %get3A_553 = tpu.vector_load %arg11[%get3A_551, %get3A_552] {strides = array<i32>} : memref<80x128xf32, #tpu.memory_space<vmem>>, vector<16xf32>,
        %get3A_554 = arith.index_cast %add3A_536 : i32 to index
        %get3A_555 = arith.constant 32 : index
        %get3A_556 = tpu.vector_load %arg12[%get3A_554, %get3A_555] {strides = array<i32>} : memref<80x128xf32, #tpu.memory_space<vmem>>, vector<16xf32>,
        %mul3A_557 = arith.mulf %get3A_553, %get3A_556 : vector<16xf32>
        %get3A_558 = arith.index_cast %add3A_536 : i32 to index
        %get3A_559 = arith.constant 48 : index
        %get3A_560 = tpu.vector_load %arg11[%get3A_558, %get3A_559] {strides = array<i32>} : memref<80x128xf32, #tpu.memory_space<vmem>>, vector<16xf32>,
        %get3A_561 = arith.index_cast %add3A_536 : i32 to index
        %get3A_562 = arith.constant 48 : index
        %get3A_563 = tpu.vector_load %arg12[%get3A_561, %get3A_562] {strides = array<i32>} : memref<80x128xf32, #tpu.memory_space<vmem>>, vector<16xf32>,
        %mul3A_564 = arith.mulf %get3A_560, %get3A_563 : vector<16xf32>
        %get3A_565 = arith.index_cast %add3A_536 : i32 to index
        %get3A_566 = arith.constant 64 : index
        %get3A_567 = tpu.vector_load %arg11[%get3A_565, %get3A_566] {strides = array<i32>} : memref<80x128xf32, #tpu.memory_space<vmem>>, vector<16xf32>,
        %get3A_568 = arith.index_cast %add3A_536 : i32 to index
        %get3A_569 = arith.constant 64 : index
        %get3A_570 = tpu.vector_load %arg12[%get3A_568, %get3A_569] {strides = array<i32>} : memref<80x128xf32, #tpu.memory_space<vmem>>, vector<16xf32>,
        %mul3A_571 = arith.mulf %get3A_567, %get3A_570 : vector<16xf32>
        %get3A_572 = arith.index_cast %add3A_536 : i32 to index
        %get3A_573 = arith.constant 80 : index
        %get3A_574 = tpu.vector_load %arg11[%get3A_572, %get3A_573] {strides = array<i32>} : memref<80x128xf32, #tpu.memory_space<vmem>>, vector<16xf32>,
        %get3A_575 = arith.index_cast %add3A_536 : i32 to index
        %get3A_576 = arith.constant 80 : index
        %get3A_577 = tpu.vector_load %arg12[%get3A_575, %get3A_576] {strides = array<i32>} : memref<80x128xf32, #tpu.memory_space<vmem>>, vector<16xf32>,
        %mul3A_578 = arith.mulf %get3A_574, %get3A_577 : vector<16xf32>
        %get3A_579 = arith.index_cast %add3A_536 : i32 to index
        %get3A_580 = arith.constant 96 : index
        %get3A_581 = tpu.vector_load %arg11[%get3A_579, %get3A_580] {strides = array<i32>} : memref<80x128xf32, #tpu.memory_space<vmem>>, vector<16xf32>,
        %get3A_582 = arith.index_cast %add3A_536 : i32 to index
        %get3A_583 = arith.constant 96 : index
        %get3A_584 = tpu.vector_load %arg12[%get3A_582, %get3A_583] {strides = array<i32>} : memref<80x128xf32, #tpu.memory_space<vmem>>, vector<16xf32>,
        %mul3A_585 = arith.mulf %get3A_581, %get3A_584 : vector<16xf32>
        %get3A_586 = arith.index_cast %add3A_536 : i32 to index
        %get3A_587 = arith.constant 112 : index
        %get3A_588 = tpu.vector_load %arg11[%get3A_586, %get3A_587] {strides = array<i32>} : memref<80x128xf32, #tpu.memory_space<vmem>>, vector<16xf32>,
        %get3A_589 = arith.index_cast %add3A_536 : i32 to index
        %get3A_590 = arith.constant 112 : index
        %get3A_591 = tpu.vector_load %arg12[%get3A_589, %get3A_590] {strides = array<i32>} : memref<80x128xf32, #tpu.memory_space<vmem>>, vector<16xf32>,
        %mul3A_592 = arith.mulf %get3A_588, %get3A_591 : vector<16xf32>
        %add3A_593 = arith.addf %mul3A_543, %mul3A_550 : vector<16xf32>
        %add3A_594 = arith.addf %mul3A_557, %mul3A_564 : vector<16xf32>
        %add3A_595 = arith.addf %mul3A_571, %mul3A_578 : vector<16xf32>
        %add3A_596 = arith.addf %mul3A_585, %mul3A_592 : vector<16xf32>
        %add3A_597 = arith.addf %add3A_593, %add3A_594 : vector<16xf32>
        %add3A_598 = arith.addf %add3A_595, %add3A_596 : vector<16xf32>
        %add3A_599 = arith.addf %add3A_597, %add3A_598 : vector<16xf32>
        %swap3A_600 = arith.index_cast %add3A_536 : i32 to index
        %swap3A_601 = arith.constant 0 : index
        %swap3A_602 = tpu.vector_load %arg16[%swap3A_600, %swap3A_601] {strides = array<i32>} : memref<80x16xf32, #tpu.memory_space<vmem>>, vector<16xf32>,
        tpu.vector_store %arg16[%swap3A_600, %swap3A_601], %add3A_599 {strides = array<i32>} : memref<80x16xf32, #tpu.memory_space<vmem>>, vector<16xf32>,
        %add3A_603 = arith.constant 7 : i32
        %add3A_604 = arith.addi %mul3A_127, %add3A_603 : i32
        %get3A_605 = arith.index_cast %add3A_604 : i32 to index
        %get3A_606 = arith.constant 0 : index
        %get3A_607 = tpu.vector_load %arg11[%get3A_605, %get3A_606] {strides = array<i32>} : memref<80x128xf32, #tpu.memory_space<vmem>>, vector<16xf32>,
        %get3A_608 = arith.index_cast %add3A_604 : i32 to index
        %get3A_609 = arith.constant 0 : index
        %get3A_610 = tpu.vector_load %arg12[%get3A_608, %get3A_609] {strides = array<i32>} : memref<80x128xf32, #tpu.memory_space<vmem>>, vector<16xf32>,
        %mul3A_611 = arith.mulf %get3A_607, %get3A_610 : vector<16xf32>
        %get3A_612 = arith.index_cast %add3A_604 : i32 to index
        %get3A_613 = arith.constant 16 : index
        %get3A_614 = tpu.vector_load %arg11[%get3A_612, %get3A_613] {strides = array<i32>} : memref<80x128xf32, #tpu.memory_space<vmem>>, vector<16xf32>,
        %get3A_615 = arith.index_cast %add3A_604 : i32 to index
        %get3A_616 = arith.constant 16 : index
        %get3A_617 = tpu.vector_load %arg12[%get3A_615, %get3A_616] {strides = array<i32>} : memref<80x128xf32, #tpu.memory_space<vmem>>, vector<16xf32>,
        %mul3A_618 = arith.mulf %get3A_614, %get3A_617 : vector<16xf32>
        %get3A_619 = arith.index_cast %add3A_604 : i32 to index
        %get3A_620 = arith.constant 32 : index
        %get3A_621 = tpu.vector_load %arg11[%get3A_619, %get3A_620] {strides = array<i32>} : memref<80x128xf32, #tpu.memory_space<vmem>>, vector<16xf32>,
        %get3A_622 = arith.index_cast %add3A_604 : i32 to index
        %get3A_623 = arith.constant 32 : index
        %get3A_624 = tpu.vector_load %arg12[%get3A_622, %get3A_623] {strides = array<i32>} : memref<80x128xf32, #tpu.memory_space<vmem>>, vector<16xf32>,
        %mul3A_625 = arith.mulf %get3A_621, %get3A_624 : vector<16xf32>
        %get3A_626 = arith.index_cast %add3A_604 : i32 to index
        %get3A_627 = arith.constant 48 : index
        %get3A_628 = tpu.vector_load %arg11[%get3A_626, %get3A_627] {strides = array<i32>} : memref<80x128xf32, #tpu.memory_space<vmem>>, vector<16xf32>,
        %get3A_629 = arith.index_cast %add3A_604 : i32 to index
        %get3A_630 = arith.constant 48 : index
        %get3A_631 = tpu.vector_load %arg12[%get3A_629, %get3A_630] {strides = array<i32>} : memref<80x128xf32, #tpu.memory_space<vmem>>, vector<16xf32>,
        %mul3A_632 = arith.mulf %get3A_628, %get3A_631 : vector<16xf32>
        %get3A_633 = arith.index_cast %add3A_604 : i32 to index
        %get3A_634 = arith.constant 64 : index
        %get3A_635 = tpu.vector_load %arg11[%get3A_633, %get3A_634] {strides = array<i32>} : memref<80x128xf32, #tpu.memory_space<vmem>>, vector<16xf32>,
        %get3A_636 = arith.index_cast %add3A_604 : i32 to index
        %get3A_637 = arith.constant 64 : index
        %get3A_638 = tpu.vector_load %arg12[%get3A_636, %get3A_637] {strides = array<i32>} : memref<80x128xf32, #tpu.memory_space<vmem>>, vector<16xf32>,
        %mul3A_639 = arith.mulf %get3A_635, %get3A_638 : vector<16xf32>
        %get3A_640 = arith.index_cast %add3A_604 : i32 to index
        %get3A_641 = arith.constant 80 : index
        %get3A_642 = tpu.vector_load %arg11[%get3A_640, %get3A_641] {strides = array<i32>} : memref<80x128xf32, #tpu.memory_space<vmem>>, vector<16xf32>,
        %get3A_643 = arith.index_cast %add3A_604 : i32 to index
        %get3A_644 = arith.constant 80 : index
        %get3A_645 = tpu.vector_load %arg12[%get3A_643, %get3A_644] {strides = array<i32>} : memref<80x128xf32, #tpu.memory_space<vmem>>, vector<16xf32>,
        %mul3A_646 = arith.mulf %get3A_642, %get3A_645 : vector<16xf32>
        %get3A_647 = arith.index_cast %add3A_604 : i32 to index
        %get3A_648 = arith.constant 96 : index
        %get3A_649 = tpu.vector_load %arg11[%get3A_647, %get3A_648] {strides = array<i32>} : memref<80x128xf32, #tpu.memory_space<vmem>>, vector<16xf32>,
        %get3A_650 = arith.index_cast %add3A_604 : i32 to index
        %get3A_651 = arith.constant 96 : index
        %get3A_652 = tpu.vector_load %arg12[%get3A_650, %get3A_651] {strides = array<i32>} : memref<80x128xf32, #tpu.memory_space<vmem>>, vector<16xf32>,
        %mul3A_653 = arith.mulf %get3A_649, %get3A_652 : vector<16xf32>
        %get3A_654 = arith.index_cast %add3A_604 : i32 to index
        %get3A_655 = arith.constant 112 : index
        %get3A_656 = tpu.vector_load %arg11[%get3A_654, %get3A_655] {strides = array<i32>} : memref<80x128xf32, #tpu.memory_space<vmem>>, vector<16xf32>,
        %get3A_657 = arith.index_cast %add3A_604 : i32 to index
        %get3A_658 = arith.constant 112 : index
        %get3A_659 = tpu.vector_load %arg12[%get3A_657, %get3A_658] {strides = array<i32>} : memref<80x128xf32, #tpu.memory_space<vmem>>, vector<16xf32>,
        %mul3A_660 = arith.mulf %get3A_656, %get3A_659 : vector<16xf32>
        %add3A_661 = arith.addf %mul3A_611, %mul3A_618 : vector<16xf32>
        %add3A_662 = arith.addf %mul3A_625, %mul3A_632 : vector<16xf32>
        %add3A_663 = arith.addf %mul3A_639, %mul3A_646 : vector<16xf32>
        %add3A_664 = arith.addf %mul3A_653, %mul3A_660 : vector<16xf32>
        %add3A_665 = arith.addf %add3A_661, %add3A_662 : vector<16xf32>
        %add3A_666 = arith.addf %add3A_663, %add3A_664 : vector<16xf32>
        %add3A_667 = arith.addf %add3A_665, %add3A_666 : vector<16xf32>
        %swap3A_668 = arith.index_cast %add3A_604 : i32 to index
        %swap3A_669 = arith.constant 0 : index
        %swap3A_670 = tpu.vector_load %arg16[%swap3A_668, %swap3A_669] {strides = array<i32>} : memref<80x16xf32, #tpu.memory_space<vmem>>, vector<16xf32>,
        tpu.vector_store %arg16[%swap3A_668, %swap3A_669], %add3A_667 {strides = array<i32>} : memref<80x16xf32, #tpu.memory_space<vmem>>, vector<16xf32>,
        %add3A_671 = arith.constant 8 : i32
        %add3A_672 = arith.addi %mul3A_127, %add3A_671 : i32
        %get3A_673 = arith.index_cast %add3A_672 : i32 to index
        %get3A_674 = arith.constant 0 : index
        %get3A_675 = tpu.vector_load %arg11[%get3A_673, %get3A_674] {strides = array<i32>} : memref<80x128xf32, #tpu.memory_space<vmem>>, vector<16xf32>,
        %get3A_676 = arith.index_cast %add3A_672 : i32 to index
        %get3A_677 = arith.constant 0 : index
        %get3A_678 = tpu.vector_load %arg12[%get3A_676, %get3A_677] {strides = array<i32>} : memref<80x128xf32, #tpu.memory_space<vmem>>, vector<16xf32>,
        %mul3A_679 = arith.mulf %get3A_675, %get3A_678 : vector<16xf32>
        %get3A_680 = arith.index_cast %add3A_672 : i32 to index
        %get3A_681 = arith.constant 16 : index
        %get3A_682 = tpu.vector_load %arg11[%get3A_680, %get3A_681] {strides = array<i32>} : memref<80x128xf32, #tpu.memory_space<vmem>>, vector<16xf32>,
        %get3A_683 = arith.index_cast %add3A_672 : i32 to index
        %get3A_684 = arith.constant 16 : index
        %get3A_685 = tpu.vector_load %arg12[%get3A_683, %get3A_684] {strides = array<i32>} : memref<80x128xf32, #tpu.memory_space<vmem>>, vector<16xf32>,
        %mul3A_686 = arith.mulf %get3A_682, %get3A_685 : vector<16xf32>
        %get3A_687 = arith.index_cast %add3A_672 : i32 to index
        %get3A_688 = arith.constant 32 : index
        %get3A_689 = tpu.vector_load %arg11[%get3A_687, %get3A_688] {strides = array<i32>} : memref<80x128xf32, #tpu.memory_space<vmem>>, vector<16xf32>,
        %get3A_690 = arith.index_cast %add3A_672 : i32 to index
        %get3A_691 = arith.constant 32 : index
        %get3A_692 = tpu.vector_load %arg12[%get3A_690, %get3A_691] {strides = array<i32>} : memref<80x128xf32, #tpu.memory_space<vmem>>, vector<16xf32>,
        %mul3A_693 = arith.mulf %get3A_689, %get3A_692 : vector<16xf32>
        %get3A_694 = arith.index_cast %add3A_672 : i32 to index
        %get3A_695 = arith.constant 48 : index
        %get3A_696 = tpu.vector_load %arg11[%get3A_694, %get3A_695] {strides = array<i32>} : memref<80x128xf32, #tpu.memory_space<vmem>>, vector<16xf32>,
        %get3A_697 = arith.index_cast %add3A_672 : i32 to index
        %get3A_698 = arith.constant 48 : index
        %get3A_699 = tpu.vector_load %arg12[%get3A_697, %get3A_698] {strides = array<i32>} : memref<80x128xf32, #tpu.memory_space<vmem>>, vector<16xf32>,
        %mul3A_700 = arith.mulf %get3A_696, %get3A_699 : vector<16xf32>
        %get3A_701 = arith.index_cast %add3A_672 : i32 to index
        %get3A_702 = arith.constant 64 : index
        %get3A_703 = tpu.vector_load %arg11[%get3A_701, %get3A_702] {strides = array<i32>} : memref<80x128xf32, #tpu.memory_space<vmem>>, vector<16xf32>,
        %get3A_704 = arith.index_cast %add3A_672 : i32 to index
        %get3A_705 = arith.constant 64 : index
        %get3A_706 = tpu.vector_load %arg12[%get3A_704, %get3A_705] {strides = array<i32>} : memref<80x128xf32, #tpu.memory_space<vmem>>, vector<16xf32>,
        %mul3A_707 = arith.mulf %get3A_703, %get3A_706 : vector<16xf32>
        %get3A_708 = arith.index_cast %add3A_672 : i32 to index
        %get3A_709 = arith.constant 80 : index
        %get3A_710 = tpu.vector_load %arg11[%get3A_708, %get3A_709] {strides = array<i32>} : memref<80x128xf32, #tpu.memory_space<vmem>>, vector<16xf32>,
        %get3A_711 = arith.index_cast %add3A_672 : i32 to index
        %get3A_712 = arith.constant 80 : index
        %get3A_713 = tpu.vector_load %arg12[%get3A_711, %get3A_712] {strides = array<i32>} : memref<80x128xf32, #tpu.memory_space<vmem>>, vector<16xf32>,
        %mul3A_714 = arith.mulf %get3A_710, %get3A_713 : vector<16xf32>
        %get3A_715 = arith.index_cast %add3A_672 : i32 to index
        %get3A_716 = arith.constant 96 : index
        %get3A_717 = tpu.vector_load %arg11[%get3A_715, %get3A_716] {strides = array<i32>} : memref<80x128xf32, #tpu.memory_space<vmem>>, vector<16xf32>,
        %get3A_718 = arith.index_cast %add3A_672 : i32 to index
        %get3A_719 = arith.constant 96 : index
        %get3A_720 = tpu.vector_load %arg12[%get3A_718, %get3A_719] {strides = array<i32>} : memref<80x128xf32, #tpu.memory_space<vmem>>, vector<16xf32>,
        %mul3A_721 = arith.mulf %get3A_717, %get3A_720 : vector<16xf32>
        %get3A_722 = arith.index_cast %add3A_672 : i32 to index
        %get3A_723 = arith.constant 112 : index
        %get3A_724 = tpu.vector_load %arg11[%get3A_722, %get3A_723] {strides = array<i32>} : memref<80x128xf32, #tpu.memory_space<vmem>>, vector<16xf32>,
        %get3A_725 = arith.index_cast %add3A_672 : i32 to index
        %get3A_726 = arith.constant 112 : index
        %get3A_727 = tpu.vector_load %arg12[%get3A_725, %get3A_726] {strides = array<i32>} : memref<80x128xf32, #tpu.memory_space<vmem>>, vector<16xf32>,
        %mul3A_728 = arith.mulf %get3A_724, %get3A_727 : vector<16xf32>
        %add3A_729 = arith.addf %mul3A_679, %mul3A_686 : vector<16xf32>
        %add3A_730 = arith.addf %mul3A_693, %mul3A_700 : vector<16xf32>
        %add3A_731 = arith.addf %mul3A_707, %mul3A_714 : vector<16xf32>
        %add3A_732 = arith.addf %mul3A_721, %mul3A_728 : vector<16xf32>
        %add3A_733 = arith.addf %add3A_729, %add3A_730 : vector<16xf32>
        %add3A_734 = arith.addf %add3A_731, %add3A_732 : vector<16xf32>
        %add3A_735 = arith.addf %add3A_733, %add3A_734 : vector<16xf32>
        %swap3A_736 = arith.index_cast %add3A_672 : i32 to index
        %swap3A_737 = arith.constant 0 : index
        %swap3A_738 = tpu.vector_load %arg16[%swap3A_736, %swap3A_737] {strides = array<i32>} : memref<80x16xf32, #tpu.memory_space<vmem>>, vector<16xf32>,
        tpu.vector_store %arg16[%swap3A_736, %swap3A_737], %add3A_735 {strides = array<i32>} : memref<80x16xf32, #tpu.memory_space<vmem>>, vector<16xf32>,
        %add3A_739 = arith.constant 9 : i32
        %add3A_740 = arith.addi %mul3A_127, %add3A_739 : i32
        %get3A_741 = arith.index_cast %add3A_740 : i32 to index
        %get3A_742 = arith.constant 0 : index
        %get3A_743 = tpu.vector_load %arg11[%get3A_741, %get3A_742] {strides = array<i32>} : memref<80x128xf32, #tpu.memory_space<vmem>>, vector<16xf32>,
        %get3A_744 = arith.index_cast %add3A_740 : i32 to index
        %get3A_745 = arith.constant 0 : index
        %get3A_746 = tpu.vector_load %arg12[%get3A_744, %get3A_745] {strides = array<i32>} : memref<80x128xf32, #tpu.memory_space<vmem>>, vector<16xf32>,
        %mul3A_747 = arith.mulf %get3A_743, %get3A_746 : vector<16xf32>
        %get3A_748 = arith.index_cast %add3A_740 : i32 to index
        %get3A_749 = arith.constant 16 : index
        %get3A_750 = tpu.vector_load %arg11[%get3A_748, %get3A_749] {strides = array<i32>} : memref<80x128xf32, #tpu.memory_space<vmem>>, vector<16xf32>,
        %get3A_751 = arith.index_cast %add3A_740 : i32 to index
        %get3A_752 = arith.constant 16 : index
        %get3A_753 = tpu.vector_load %arg12[%get3A_751, %get3A_752] {strides = array<i32>} : memref<80x128xf32, #tpu.memory_space<vmem>>, vector<16xf32>,
        %mul3A_754 = arith.mulf %get3A_750, %get3A_753 : vector<16xf32>
        %get3A_755 = arith.index_cast %add3A_740 : i32 to index
        %get3A_756 = arith.constant 32 : index
        %get3A_757 = tpu.vector_load %arg11[%get3A_755, %get3A_756] {strides = array<i32>} : memref<80x128xf32, #tpu.memory_space<vmem>>, vector<16xf32>,
        %get3A_758 = arith.index_cast %add3A_740 : i32 to index
        %get3A_759 = arith.constant 32 : index
        %get3A_760 = tpu.vector_load %arg12[%get3A_758, %get3A_759] {strides = array<i32>} : memref<80x128xf32, #tpu.memory_space<vmem>>, vector<16xf32>,
        %mul3A_761 = arith.mulf %get3A_757, %get3A_760 : vector<16xf32>
        %get3A_762 = arith.index_cast %add3A_740 : i32 to index
        %get3A_763 = arith.constant 48 : index
        %get3A_764 = tpu.vector_load %arg11[%get3A_762, %get3A_763] {strides = array<i32>} : memref<80x128xf32, #tpu.memory_space<vmem>>, vector<16xf32>,
        %get3A_765 = arith.index_cast %add3A_740 : i32 to index
        %get3A_766 = arith.constant 48 : index
        %get3A_767 = tpu.vector_load %arg12[%get3A_765, %get3A_766] {strides = array<i32>} : memref<80x128xf32, #tpu.memory_space<vmem>>, vector<16xf32>,
        %mul3A_768 = arith.mulf %get3A_764, %get3A_767 : vector<16xf32>
        %get3A_769 = arith.index_cast %add3A_740 : i32 to index
        %get3A_770 = arith.constant 64 : index
        %get3A_771 = tpu.vector_load %arg11[%get3A_769, %get3A_770] {strides = array<i32>} : memref<80x128xf32, #tpu.memory_space<vmem>>, vector<16xf32>,
        %get3A_772 = arith.index_cast %add3A_740 : i32 to index
        %get3A_773 = arith.constant 64 : index
        %get3A_774 = tpu.vector_load %arg12[%get3A_772, %get3A_773] {strides = array<i32>} : memref<80x128xf32, #tpu.memory_space<vmem>>, vector<16xf32>,
        %mul3A_775 = arith.mulf %get3A_771, %get3A_774 : vector<16xf32>
        %get3A_776 = arith.index_cast %add3A_740 : i32 to index
        %get3A_777 = arith.constant 80 : index
        %get3A_778 = tpu.vector_load %arg11[%get3A_776, %get3A_777] {strides = array<i32>} : memref<80x128xf32, #tpu.memory_space<vmem>>, vector<16xf32>,
        %get3A_779 = arith.index_cast %add3A_740 : i32 to index
        %get3A_780 = arith.constant 80 : index
        %get3A_781 = tpu.vector_load %arg12[%get3A_779, %get3A_780] {strides = array<i32>} : memref<80x128xf32, #tpu.memory_space<vmem>>, vector<16xf32>,
        %mul3A_782 = arith.mulf %get3A_778, %get3A_781 : vector<16xf32>
        %get3A_783 = arith.index_cast %add3A_740 : i32 to index
        %get3A_784 = arith.constant 96 : index
        %get3A_785 = tpu.vector_load %arg11[%get3A_783, %get3A_784] {strides = array<i32>} : memref<80x128xf32, #tpu.memory_space<vmem>>, vector<16xf32>,
        %get3A_786 = arith.index_cast %add3A_740 : i32 to index
        %get3A_787 = arith.constant 96 : index
        %get3A_788 = tpu.vector_load %arg12[%get3A_786, %get3A_787] {strides = array<i32>} : memref<80x128xf32, #tpu.memory_space<vmem>>, vector<16xf32>,
        %mul3A_789 = arith.mulf %get3A_785, %get3A_788 : vector<16xf32>
        %get3A_790 = arith.index_cast %add3A_740 : i32 to index
        %get3A_791 = arith.constant 112 : index
        %get3A_792 = tpu.vector_load %arg11[%get3A_790, %get3A_791] {strides = array<i32>} : memref<80x128xf32, #tpu.memory_space<vmem>>, vector<16xf32>,
        %get3A_793 = arith.index_cast %add3A_740 : i32 to index
        %get3A_794 = arith.constant 112 : index
        %get3A_795 = tpu.vector_load %arg12[%get3A_793, %get3A_794] {strides = array<i32>} : memref<80x128xf32, #tpu.memory_space<vmem>>, vector<16xf32>,
        %mul3A_796 = arith.mulf %get3A_792, %get3A_795 : vector<16xf32>
        %add3A_797 = arith.addf %mul3A_747, %mul3A_754 : vector<16xf32>
        %add3A_798 = arith.addf %mul3A_761, %mul3A_768 : vector<16xf32>
        %add3A_799 = arith.addf %mul3A_775, %mul3A_782 : vector<16xf32>
        %add3A_800 = arith.addf %mul3A_789, %mul3A_796 : vector<16xf32>
        %add3A_801 = arith.addf %add3A_797, %add3A_798 : vector<16xf32>
        %add3A_802 = arith.addf %add3A_799, %add3A_800 : vector<16xf32>
        %add3A_803 = arith.addf %add3A_801, %add3A_802 : vector<16xf32>
        %swap3A_804 = arith.index_cast %add3A_740 : i32 to index
        %swap3A_805 = arith.constant 0 : index
        %swap3A_806 = tpu.vector_load %arg16[%swap3A_804, %swap3A_805] {strides = array<i32>} : memref<80x16xf32, #tpu.memory_space<vmem>>, vector<16xf32>,
        tpu.vector_store %arg16[%swap3A_804, %swap3A_805], %add3A_803 {strides = array<i32>} : memref<80x16xf32, #tpu.memory_space<vmem>>, vector<16xf32>,
        %add3A_807 = arith.constant 10 : i32
        %add3A_808 = arith.addi %mul3A_127, %add3A_807 : i32
        %get3A_809 = arith.index_cast %add3A_808 : i32 to index
        %get3A_810 = arith.constant 0 : index
        %get3A_811 = tpu.vector_load %arg11[%get3A_809, %get3A_810] {strides = array<i32>} : memref<80x128xf32, #tpu.memory_space<vmem>>, vector<16xf32>,
        %get3A_812 = arith.index_cast %add3A_808 : i32 to index
        %get3A_813 = arith.constant 0 : index
        %get3A_814 = tpu.vector_load %arg12[%get3A_812, %get3A_813] {strides = array<i32>} : memref<80x128xf32, #tpu.memory_space<vmem>>, vector<16xf32>,
        %mul3A_815 = arith.mulf %get3A_811, %get3A_814 : vector<16xf32>
        %get3A_816 = arith.index_cast %add3A_808 : i32 to index
        %get3A_817 = arith.constant 16 : index
        %get3A_818 = tpu.vector_load %arg11[%get3A_816, %get3A_817] {strides = array<i32>} : memref<80x128xf32, #tpu.memory_space<vmem>>, vector<16xf32>,
        %get3A_819 = arith.index_cast %add3A_808 : i32 to index
        %get3A_820 = arith.constant 16 : index
        %get3A_821 = tpu.vector_load %arg12[%get3A_819, %get3A_820] {strides = array<i32>} : memref<80x128xf32, #tpu.memory_space<vmem>>, vector<16xf32>,
        %mul3A_822 = arith.mulf %get3A_818, %get3A_821 : vector<16xf32>
        %get3A_823 = arith.index_cast %add3A_808 : i32 to index
        %get3A_824 = arith.constant 32 : index
        %get3A_825 = tpu.vector_load %arg11[%get3A_823, %get3A_824] {strides = array<i32>} : memref<80x128xf32, #tpu.memory_space<vmem>>, vector<16xf32>,
        %get3A_826 = arith.index_cast %add3A_808 : i32 to index
        %get3A_827 = arith.constant 32 : index
        %get3A_828 = tpu.vector_load %arg12[%get3A_826, %get3A_827] {strides = array<i32>} : memref<80x128xf32, #tpu.memory_space<vmem>>, vector<16xf32>,
        %mul3A_829 = arith.mulf %get3A_825, %get3A_828 : vector<16xf32>
        %get3A_830 = arith.index_cast %add3A_808 : i32 to index
        %get3A_831 = arith.constant 48 : index
        %get3A_832 = tpu.vector_load %arg11[%get3A_830, %get3A_831] {strides = array<i32>} : memref<80x128xf32, #tpu.memory_space<vmem>>, vector<16xf32>,
        %get3A_833 = arith.index_cast %add3A_808 : i32 to index
        %get3A_834 = arith.constant 48 : index
        %get3A_835 = tpu.vector_load %arg12[%get3A_833, %get3A_834] {strides = array<i32>} : memref<80x128xf32, #tpu.memory_space<vmem>>, vector<16xf32>,
        %mul3A_836 = arith.mulf %get3A_832, %get3A_835 : vector<16xf32>
        %get3A_837 = arith.index_cast %add3A_808 : i32 to index
        %get3A_838 = arith.constant 64 : index
        %get3A_839 = tpu.vector_load %arg11[%get3A_837, %get3A_838] {strides = array<i32>} : memref<80x128xf32, #tpu.memory_space<vmem>>, vector<16xf32>,
        %get3A_840 = arith.index_cast %add3A_808 : i32 to index
        %get3A_841 = arith.constant 64 : index
        %get3A_842 = tpu.vector_load %arg12[%get3A_840, %get3A_841] {strides = array<i32>} : memref<80x128xf32, #tpu.memory_space<vmem>>, vector<16xf32>,
        %mul3A_843 = arith.mulf %get3A_839, %get3A_842 : vector<16xf32>
        %get3A_844 = arith.index_cast %add3A_808 : i32 to index
        %get3A_845 = arith.constant 80 : index
        %get3A_846 = tpu.vector_load %arg11[%get3A_844, %get3A_845] {strides = array<i32>} : memref<80x128xf32, #tpu.memory_space<vmem>>, vector<16xf32>,
        %get3A_847 = arith.index_cast %add3A_808 : i32 to index
        %get3A_848 = arith.constant 80 : index
        %get3A_849 = tpu.vector_load %arg12[%get3A_847, %get3A_848] {strides = array<i32>} : memref<80x128xf32, #tpu.memory_space<vmem>>, vector<16xf32>,
        %mul3A_850 = arith.mulf %get3A_846, %get3A_849 : vector<16xf32>
        %get3A_851 = arith.index_cast %add3A_808 : i32 to index
        %get3A_852 = arith.constant 96 : index
        %get3A_853 = tpu.vector_load %arg11[%get3A_851, %get3A_852] {strides = array<i32>} : memref<80x128xf32, #tpu.memory_space<vmem>>, vector<16xf32>,
        %get3A_854 = arith.index_cast %add3A_808 : i32 to index
        %get3A_855 = arith.constant 96 : index
        %get3A_856 = tpu.vector_load %arg12[%get3A_854, %get3A_855] {strides = array<i32>} : memref<80x128xf32, #tpu.memory_space<vmem>>, vector<16xf32>,
        %mul3A_857 = arith.mulf %get3A_853, %get3A_856 : vector<16xf32>
        %get3A_858 = arith.index_cast %add3A_808 : i32 to index
        %get3A_859 = arith.constant 112 : index
        %get3A_860 = tpu.vector_load %arg11[%get3A_858, %get3A_859] {strides = array<i32>} : memref<80x128xf32, #tpu.memory_space<vmem>>, vector<16xf32>,
        %get3A_861 = arith.index_cast %add3A_808 : i32 to index
        %get3A_862 = arith.constant 112 : index
        %get3A_863 = tpu.vector_load %arg12[%get3A_861, %get3A_862] {strides = array<i32>} : memref<80x128xf32, #tpu.memory_space<vmem>>, vector<16xf32>,
        %mul3A_864 = arith.mulf %get3A_860, %get3A_863 : vector<16xf32>
        %add3A_865 = arith.addf %mul3A_815, %mul3A_822 : vector<16xf32>
        %add3A_866 = arith.addf %mul3A_829, %mul3A_836 : vector<16xf32>
        %add3A_867 = arith.addf %mul3A_843, %mul3A_850 : vector<16xf32>
        %add3A_868 = arith.addf %mul3A_857, %mul3A_864 : vector<16xf32>
        %add3A_869 = arith.addf %add3A_865, %add3A_866 : vector<16xf32>
        %add3A_870 = arith.addf %add3A_867, %add3A_868 : vector<16xf32>
        %add3A_871 = arith.addf %add3A_869, %add3A_870 : vector<16xf32>
        %swap3A_872 = arith.index_cast %add3A_808 : i32 to index
        %swap3A_873 = arith.constant 0 : index
        %swap3A_874 = tpu.vector_load %arg16[%swap3A_872, %swap3A_873] {strides = array<i32>} : memref<80x16xf32, #tpu.memory_space<vmem>>, vector<16xf32>,
        tpu.vector_store %arg16[%swap3A_872, %swap3A_873], %add3A_871 {strides = array<i32>} : memref<80x16xf32, #tpu.memory_space<vmem>>, vector<16xf32>,
        %add3A_875 = arith.constant 11 : i32
        %add3A_876 = arith.addi %mul3A_127, %add3A_875 : i32
        %get3A_877 = arith.index_cast %add3A_876 : i32 to index
        %get3A_878 = arith.constant 0 : index
        %get3A_879 = tpu.vector_load %arg11[%get3A_877, %get3A_878] {strides = array<i32>} : memref<80x128xf32, #tpu.memory_space<vmem>>, vector<16xf32>,
        %get3A_880 = arith.index_cast %add3A_876 : i32 to index
        %get3A_881 = arith.constant 0 : index
        %get3A_882 = tpu.vector_load %arg12[%get3A_880, %get3A_881] {strides = array<i32>} : memref<80x128xf32, #tpu.memory_space<vmem>>, vector<16xf32>,
        %mul3A_883 = arith.mulf %get3A_879, %get3A_882 : vector<16xf32>
        %get3A_884 = arith.index_cast %add3A_876 : i32 to index
        %get3A_885 = arith.constant 16 : index
        %get3A_886 = tpu.vector_load %arg11[%get3A_884, %get3A_885] {strides = array<i32>} : memref<80x128xf32, #tpu.memory_space<vmem>>, vector<16xf32>,
        %get3A_887 = arith.index_cast %add3A_876 : i32 to index
        %get3A_888 = arith.constant 16 : index
        %get3A_889 = tpu.vector_load %arg12[%get3A_887, %get3A_888] {strides = array<i32>} : memref<80x128xf32, #tpu.memory_space<vmem>>, vector<16xf32>,
        %mul3A_890 = arith.mulf %get3A_886, %get3A_889 : vector<16xf32>
        %get3A_891 = arith.index_cast %add3A_876 : i32 to index
        %get3A_892 = arith.constant 32 : index
        %get3A_893 = tpu.vector_load %arg11[%get3A_891, %get3A_892] {strides = array<i32>} : memref<80x128xf32, #tpu.memory_space<vmem>>, vector<16xf32>,
        %get3A_894 = arith.index_cast %add3A_876 : i32 to index
        %get3A_895 = arith.constant 32 : index
        %get3A_896 = tpu.vector_load %arg12[%get3A_894, %get3A_895] {strides = array<i32>} : memref<80x128xf32, #tpu.memory_space<vmem>>, vector<16xf32>,
        %mul3A_897 = arith.mulf %get3A_893, %get3A_896 : vector<16xf32>
        %get3A_898 = arith.index_cast %add3A_876 : i32 to index
        %get3A_899 = arith.constant 48 : index
        %get3A_900 = tpu.vector_load %arg11[%get3A_898, %get3A_899] {strides = array<i32>} : memref<80x128xf32, #tpu.memory_space<vmem>>, vector<16xf32>,
        %get3A_901 = arith.index_cast %add3A_876 : i32 to index
        %get3A_902 = arith.constant 48 : index
        %get3A_903 = tpu.vector_load %arg12[%get3A_901, %get3A_902] {strides = array<i32>} : memref<80x128xf32, #tpu.memory_space<vmem>>, vector<16xf32>,
        %mul3A_904 = arith.mulf %get3A_900, %get3A_903 : vector<16xf32>
        %get3A_905 = arith.index_cast %add3A_876 : i32 to index
        %get3A_906 = arith.constant 64 : index
        %get3A_907 = tpu.vector_load %arg11[%get3A_905, %get3A_906] {strides = array<i32>} : memref<80x128xf32, #tpu.memory_space<vmem>>, vector<16xf32>,
        %get3A_908 = arith.index_cast %add3A_876 : i32 to index
        %get3A_909 = arith.constant 64 : index
        %get3A_910 = tpu.vector_load %arg12[%get3A_908, %get3A_909] {strides = array<i32>} : memref<80x128xf32, #tpu.memory_space<vmem>>, vector<16xf32>,
        %mul3A_911 = arith.mulf %get3A_907, %get3A_910 : vector<16xf32>
        %get3A_912 = arith.index_cast %add3A_876 : i32 to index
        %get3A_913 = arith.constant 80 : index
        %get3A_914 = tpu.vector_load %arg11[%get3A_912, %get3A_913] {strides = array<i32>} : memref<80x128xf32, #tpu.memory_space<vmem>>, vector<16xf32>,
        %get3A_915 = arith.index_cast %add3A_876 : i32 to index
        %get3A_916 = arith.constant 80 : index
        %get3A_917 = tpu.vector_load %arg12[%get3A_915, %get3A_916] {strides = array<i32>} : memref<80x128xf32, #tpu.memory_space<vmem>>, vector<16xf32>,
        %mul3A_918 = arith.mulf %get3A_914, %get3A_917 : vector<16xf32>
        %get3A_919 = arith.index_cast %add3A_876 : i32 to index
        %get3A_920 = arith.constant 96 : index
        %get3A_921 = tpu.vector_load %arg11[%get3A_919, %get3A_920] {strides = array<i32>} : memref<80x128xf32, #tpu.memory_space<vmem>>, vector<16xf32>,
        %get3A_922 = arith.index_cast %add3A_876 : i32 to index
        %get3A_923 = arith.constant 96 : index
        %get3A_924 = tpu.vector_load %arg12[%get3A_922, %get3A_923] {strides = array<i32>} : memref<80x128xf32, #tpu.memory_space<vmem>>, vector<16xf32>,
        %mul3A_925 = arith.mulf %get3A_921, %get3A_924 : vector<16xf32>
        %get3A_926 = arith.index_cast %add3A_876 : i32 to index
        %get3A_927 = arith.constant 112 : index
        %get3A_928 = tpu.vector_load %arg11[%get3A_926, %get3A_927] {strides = array<i32>} : memref<80x128xf32, #tpu.memory_space<vmem>>, vector<16xf32>,
        %get3A_929 = arith.index_cast %add3A_876 : i32 to index
        %get3A_930 = arith.constant 112 : index
        %get3A_931 = tpu.vector_load %arg12[%get3A_929, %get3A_930] {strides = array<i32>} : memref<80x128xf32, #tpu.memory_space<vmem>>, vector<16xf32>,
        %mul3A_932 = arith.mulf %get3A_928, %get3A_931 : vector<16xf32>
        %add3A_933 = arith.addf %mul3A_883, %mul3A_890 : vector<16xf32>
        %add3A_934 = arith.addf %mul3A_897, %mul3A_904 : vector<16xf32>
        %add3A_935 = arith.addf %mul3A_911, %mul3A_918 : vector<16xf32>
        %add3A_936 = arith.addf %mul3A_925, %mul3A_932 : vector<16xf32>
        %add3A_937 = arith.addf %add3A_933, %add3A_934 : vector<16xf32>
        %add3A_938 = arith.addf %add3A_935, %add3A_936 : vector<16xf32>
        %add3A_939 = arith.addf %add3A_937, %add3A_938 : vector<16xf32>
        %swap3A_940 = arith.index_cast %add3A_876 : i32 to index
        %swap3A_941 = arith.constant 0 : index
        %swap3A_942 = tpu.vector_load %arg16[%swap3A_940, %swap3A_941] {strides = array<i32>} : memref<80x16xf32, #tpu.memory_space<vmem>>, vector<16xf32>,
        tpu.vector_store %arg16[%swap3A_940, %swap3A_941], %add3A_939 {strides = array<i32>} : memref<80x16xf32, #tpu.memory_space<vmem>>, vector<16xf32>,
        %add3A_943 = arith.constant 12 : i32
        %add3A_944 = arith.addi %mul3A_127, %add3A_943 : i32
        %get3A_945 = arith.index_cast %add3A_944 : i32 to index
        %get3A_946 = arith.constant 0 : index
        %get3A_947 = tpu.vector_load %arg11[%get3A_945, %get3A_946] {strides = array<i32>} : memref<80x128xf32, #tpu.memory_space<vmem>>, vector<16xf32>,
        %get3A_948 = arith.index_cast %add3A_944 : i32 to index
        %get3A_949 = arith.constant 0 : index
        %get3A_950 = tpu.vector_load %arg12[%get3A_948, %get3A_949] {strides = array<i32>} : memref<80x128xf32, #tpu.memory_space<vmem>>, vector<16xf32>,
        %mul3A_951 = arith.mulf %get3A_947, %get3A_950 : vector<16xf32>
        %get3A_952 = arith.index_cast %add3A_944 : i32 to index
        %get3A_953 = arith.constant 16 : index
        %get3A_954 = tpu.vector_load %arg11[%get3A_952, %get3A_953] {strides = array<i32>} : memref<80x128xf32, #tpu.memory_space<vmem>>, vector<16xf32>,
        %get3A_955 = arith.index_cast %add3A_944 : i32 to index
        %get3A_956 = arith.constant 16 : index
        %get3A_957 = tpu.vector_load %arg12[%get3A_955, %get3A_956] {strides = array<i32>} : memref<80x128xf32, #tpu.memory_space<vmem>>, vector<16xf32>,
        %mul3A_958 = arith.mulf %get3A_954, %get3A_957 : vector<16xf32>
        %get3A_959 = arith.index_cast %add3A_944 : i32 to index
        %get3A_960 = arith.constant 32 : index
        %get3A_961 = tpu.vector_load %arg11[%get3A_959, %get3A_960] {strides = array<i32>} : memref<80x128xf32, #tpu.memory_space<vmem>>, vector<16xf32>,
        %get3A_962 = arith.index_cast %add3A_944 : i32 to index
        %get3A_963 = arith.constant 32 : index
        %get3A_964 = tpu.vector_load %arg12[%get3A_962, %get3A_963] {strides = array<i32>} : memref<80x128xf32, #tpu.memory_space<vmem>>, vector<16xf32>,
        %mul3A_965 = arith.mulf %get3A_961, %get3A_964 : vector<16xf32>
        %get3A_966 = arith.index_cast %add3A_944 : i32 to index
        %get3A_967 = arith.constant 48 : index
        %get3A_968 = tpu.vector_load %arg11[%get3A_966, %get3A_967] {strides = array<i32>} : memref<80x128xf32, #tpu.memory_space<vmem>>, vector<16xf32>,
        %get3A_969 = arith.index_cast %add3A_944 : i32 to index
        %get3A_970 = arith.constant 48 : index
        %get3A_971 = tpu.vector_load %arg12[%get3A_969, %get3A_970] {strides = array<i32>} : memref<80x128xf32, #tpu.memory_space<vmem>>, vector<16xf32>,
        %mul3A_972 = arith.mulf %get3A_968, %get3A_971 : vector<16xf32>
        %get3A_973 = arith.index_cast %add3A_944 : i32 to index
        %get3A_974 = arith.constant 64 : index
        %get3A_975 = tpu.vector_load %arg11[%get3A_973, %get3A_974] {strides = array<i32>} : memref<80x128xf32, #tpu.memory_space<vmem>>, vector<16xf32>,
        %get3A_976 = arith.index_cast %add3A_944 : i32 to index
        %get3A_977 = arith.constant 64 : index
        %get3A_978 = tpu.vector_load %arg12[%get3A_976, %get3A_977] {strides = array<i32>} : memref<80x128xf32, #tpu.memory_space<vmem>>, vector<16xf32>,
        %mul3A_979 = arith.mulf %get3A_975, %get3A_978 : vector<16xf32>
        %get3A_980 = arith.index_cast %add3A_944 : i32 to index
        %get3A_981 = arith.constant 80 : index
        %get3A_982 = tpu.vector_load %arg11[%get3A_980, %get3A_981] {strides = array<i32>} : memref<80x128xf32, #tpu.memory_space<vmem>>, vector<16xf32>,
        %get3A_983 = arith.index_cast %add3A_944 : i32 to index
        %get3A_984 = arith.constant 80 : index
        %get3A_985 = tpu.vector_load %arg12[%get3A_983, %get3A_984] {strides = array<i32>} : memref<80x128xf32, #tpu.memory_space<vmem>>, vector<16xf32>,
        %mul3A_986 = arith.mulf %get3A_982, %get3A_985 : vector<16xf32>
        %get3A_987 = arith.index_cast %add3A_944 : i32 to index
        %get3A_988 = arith.constant 96 : index
        %get3A_989 = tpu.vector_load %arg11[%get3A_987, %get3A_988] {strides = array<i32>} : memref<80x128xf32, #tpu.memory_space<vmem>>, vector<16xf32>,
        %get3A_990 = arith.index_cast %add3A_944 : i32 to index
        %get3A_991 = arith.constant 96 : index
        %get3A_992 = tpu.vector_load %arg12[%get3A_990, %get3A_991] {strides = array<i32>} : memref<80x128xf32, #tpu.memory_space<vmem>>, vector<16xf32>,
        %mul3A_993 = arith.mulf %get3A_989, %get3A_992 : vector<16xf32>
        %get3A_994 = arith.index_cast %add3A_944 : i32 to index
        %get3A_995 = arith.constant 112 : index
        %get3A_996 = tpu.vector_load %arg11[%get3A_994, %get3A_995] {strides = array<i32>} : memref<80x128xf32, #tpu.memory_space<vmem>>, vector<16xf32>,
        %get3A_997 = arith.index_cast %add3A_944 : i32 to index
        %get3A_998 = arith.constant 112 : index
        %get3A_999 = tpu.vector_load %arg12[%get3A_997, %get3A_998] {strides = array<i32>} : memref<80x128xf32, #tpu.memory_space<vmem>>, vector<16xf32>,
        %mul3A_1000 = arith.mulf %get3A_996, %get3A_999 : vector<16xf32>
        %add3A_1001 = arith.addf %mul3A_951, %mul3A_958 : vector<16xf32>
        %add3A_1002 = arith.addf %mul3A_965, %mul3A_972 : vector<16xf32>
        %add3A_1003 = arith.addf %mul3A_979, %mul3A_986 : vector<16xf32>
        %add3A_1004 = arith.addf %mul3A_993, %mul3A_1000 : vector<16xf32>
        %add3A_1005 = arith.addf %add3A_1001, %add3A_1002 : vector<16xf32>
        %add3A_1006 = arith.addf %add3A_1003, %add3A_1004 : vector<16xf32>
        %add3A_1007 = arith.addf %add3A_1005, %add3A_1006 : vector<16xf32>
        %swap3A_1008 = arith.index_cast %add3A_944 : i32 to index
        %swap3A_1009 = arith.constant 0 : index
        %swap3A_1010 = tpu.vector_load %arg16[%swap3A_1008, %swap3A_1009] {strides = array<i32>} : memref<80x16xf32, #tpu.memory_space<vmem>>, vector<16xf32>,
        tpu.vector_store %arg16[%swap3A_1008, %swap3A_1009], %add3A_1007 {strides = array<i32>} : memref<80x16xf32, #tpu.memory_space<vmem>>, vector<16xf32>,
        %add3A_1011 = arith.constant 13 : i32
        %add3A_1012 = arith.addi %mul3A_127, %add3A_1011 : i32
        %get3A_1013 = arith.index_cast %add3A_1012 : i32 to index
        %get3A_1014 = arith.constant 0 : index
        %get3A_1015 = tpu.vector_load %arg11[%get3A_1013, %get3A_1014] {strides = array<i32>} : memref<80x128xf32, #tpu.memory_space<vmem>>, vector<16xf32>,
        %get3A_1016 = arith.index_cast %add3A_1012 : i32 to index
        %get3A_1017 = arith.constant 0 : index
        %get3A_1018 = tpu.vector_load %arg12[%get3A_1016, %get3A_1017] {strides = array<i32>} : memref<80x128xf32, #tpu.memory_space<vmem>>, vector<16xf32>,
        %mul3A_1019 = arith.mulf %get3A_1015, %get3A_1018 : vector<16xf32>
        %get3A_1020 = arith.index_cast %add3A_1012 : i32 to index
        %get3A_1021 = arith.constant 16 : index
        %get3A_1022 = tpu.vector_load %arg11[%get3A_1020, %get3A_1021] {strides = array<i32>} : memref<80x128xf32, #tpu.memory_space<vmem>>, vector<16xf32>,
        %get3A_1023 = arith.index_cast %add3A_1012 : i32 to index
        %get3A_1024 = arith.constant 16 : index
        %get3A_1025 = tpu.vector_load %arg12[%get3A_1023, %get3A_1024] {strides = array<i32>} : memref<80x128xf32, #tpu.memory_space<vmem>>, vector<16xf32>,
        %mul3A_1026 = arith.mulf %get3A_1022, %get3A_1025 : vector<16xf32>
        %get3A_1027 = arith.index_cast %add3A_1012 : i32 to index
        %get3A_1028 = arith.constant 32 : index
        %get3A_1029 = tpu.vector_load %arg11[%get3A_1027, %get3A_1028] {strides = array<i32>} : memref<80x128xf32, #tpu.memory_space<vmem>>, vector<16xf32>,
        %get3A_1030 = arith.index_cast %add3A_1012 : i32 to index
        %get3A_1031 = arith.constant 32 : index
        %get3A_1032 = tpu.vector_load %arg12[%get3A_1030, %get3A_1031] {strides = array<i32>} : memref<80x128xf32, #tpu.memory_space<vmem>>, vector<16xf32>,
        %mul3A_1033 = arith.mulf %get3A_1029, %get3A_1032 : vector<16xf32>
        %get3A_1034 = arith.index_cast %add3A_1012 : i32 to index
        %get3A_1035 = arith.constant 48 : index
        %get3A_1036 = tpu.vector_load %arg11[%get3A_1034, %get3A_1035] {strides = array<i32>} : memref<80x128xf32, #tpu.memory_space<vmem>>, vector<16xf32>,
        %get3A_1037 = arith.index_cast %add3A_1012 : i32 to index
        %get3A_1038 = arith.constant 48 : index
        %get3A_1039 = tpu.vector_load %arg12[%get3A_1037, %get3A_1038] {strides = array<i32>} : memref<80x128xf32, #tpu.memory_space<vmem>>, vector<16xf32>,
        %mul3A_1040 = arith.mulf %get3A_1036, %get3A_1039 : vector<16xf32>
        %get3A_1041 = arith.index_cast %add3A_1012 : i32 to index
        %get3A_1042 = arith.constant 64 : index
        %get3A_1043 = tpu.vector_load %arg11[%get3A_1041, %get3A_1042] {strides = array<i32>} : memref<80x128xf32, #tpu.memory_space<vmem>>, vector<16xf32>,
        %get3A_1044 = arith.index_cast %add3A_1012 : i32 to index
        %get3A_1045 = arith.constant 64 : index
        %get3A_1046 = tpu.vector_load %arg12[%get3A_1044, %get3A_1045] {strides = array<i32>} : memref<80x128xf32, #tpu.memory_space<vmem>>, vector<16xf32>,
        %mul3A_1047 = arith.mulf %get3A_1043, %get3A_1046 : vector<16xf32>
        %get3A_1048 = arith.index_cast %add3A_1012 : i32 to index
        %get3A_1049 = arith.constant 80 : index
        %get3A_1050 = tpu.vector_load %arg11[%get3A_1048, %get3A_1049] {strides = array<i32>} : memref<80x128xf32, #tpu.memory_space<vmem>>, vector<16xf32>,
        %get3A_1051 = arith.index_cast %add3A_1012 : i32 to index
        %get3A_1052 = arith.constant 80 : index
        %get3A_1053 = tpu.vector_load %arg12[%get3A_1051, %get3A_1052] {strides = array<i32>} : memref<80x128xf32, #tpu.memory_space<vmem>>, vector<16xf32>,
        %mul3A_1054 = arith.mulf %get3A_1050, %get3A_1053 : vector<16xf32>
        %get3A_1055 = arith.index_cast %add3A_1012 : i32 to index
        %get3A_1056 = arith.constant 96 : index
        %get3A_1057 = tpu.vector_load %arg11[%get3A_1055, %get3A_1056] {strides = array<i32>} : memref<80x128xf32, #tpu.memory_space<vmem>>, vector<16xf32>,
        %get3A_1058 = arith.index_cast %add3A_1012 : i32 to index
        %get3A_1059 = arith.constant 96 : index
        %get3A_1060 = tpu.vector_load %arg12[%get3A_1058, %get3A_1059] {strides = array<i32>} : memref<80x128xf32, #tpu.memory_space<vmem>>, vector<16xf32>,
        %mul3A_1061 = arith.mulf %get3A_1057, %get3A_1060 : vector<16xf32>
        %get3A_1062 = arith.index_cast %add3A_1012 : i32 to index
        %get3A_1063 = arith.constant 112 : index
        %get3A_1064 = tpu.vector_load %arg11[%get3A_1062, %get3A_1063] {strides = array<i32>} : memref<80x128xf32, #tpu.memory_space<vmem>>, vector<16xf32>,
        %get3A_1065 = arith.index_cast %add3A_1012 : i32 to index
        %get3A_1066 = arith.constant 112 : index
        %get3A_1067 = tpu.vector_load %arg12[%get3A_1065, %get3A_1066] {strides = array<i32>} : memref<80x128xf32, #tpu.memory_space<vmem>>, vector<16xf32>,
        %mul3A_1068 = arith.mulf %get3A_1064, %get3A_1067 : vector<16xf32>
        %add3A_1069 = arith.addf %mul3A_1019, %mul3A_1026 : vector<16xf32>
        %add3A_1070 = arith.addf %mul3A_1033, %mul3A_1040 : vector<16xf32>
        %add3A_1071 = arith.addf %mul3A_1047, %mul3A_1054 : vector<16xf32>
        %add3A_1072 = arith.addf %mul3A_1061, %mul3A_1068 : vector<16xf32>
        %add3A_1073 = arith.addf %add3A_1069, %add3A_1070 : vector<16xf32>
        %add3A_1074 = arith.addf %add3A_1071, %add3A_1072 : vector<16xf32>
        %add3A_1075 = arith.addf %add3A_1073, %add3A_1074 : vector<16xf32>
        %swap3A_1076 = arith.index_cast %add3A_1012 : i32 to index
        %swap3A_1077 = arith.constant 0 : index
        %swap3A_1078 = tpu.vector_load %arg16[%swap3A_1076, %swap3A_1077] {strides = array<i32>} : memref<80x16xf32, #tpu.memory_space<vmem>>, vector<16xf32>,
        tpu.vector_store %arg16[%swap3A_1076, %swap3A_1077], %add3A_1075 {strides = array<i32>} : memref<80x16xf32, #tpu.memory_space<vmem>>, vector<16xf32>,
        %add3A_1079 = arith.constant 14 : i32
        %add3A_1080 = arith.addi %mul3A_127, %add3A_1079 : i32
        %get3A_1081 = arith.index_cast %add3A_1080 : i32 to index
        %get3A_1082 = arith.constant 0 : index
        %get3A_1083 = tpu.vector_load %arg11[%get3A_1081, %get3A_1082] {strides = array<i32>} : memref<80x128xf32, #tpu.memory_space<vmem>>, vector<16xf32>,
        %get3A_1084 = arith.index_cast %add3A_1080 : i32 to index
        %get3A_1085 = arith.constant 0 : index
        %get3A_1086 = tpu.vector_load %arg12[%get3A_1084, %get3A_1085] {strides = array<i32>} : memref<80x128xf32, #tpu.memory_space<vmem>>, vector<16xf32>,
        %mul3A_1087 = arith.mulf %get3A_1083, %get3A_1086 : vector<16xf32>
        %get3A_1088 = arith.index_cast %add3A_1080 : i32 to index
        %get3A_1089 = arith.constant 16 : index
        %get3A_1090 = tpu.vector_load %arg11[%get3A_1088, %get3A_1089] {strides = array<i32>} : memref<80x128xf32, #tpu.memory_space<vmem>>, vector<16xf32>,
        %get3A_1091 = arith.index_cast %add3A_1080 : i32 to index
        %get3A_1092 = arith.constant 16 : index
        %get3A_1093 = tpu.vector_load %arg12[%get3A_1091, %get3A_1092] {strides = array<i32>} : memref<80x128xf32, #tpu.memory_space<vmem>>, vector<16xf32>,
        %mul3A_1094 = arith.mulf %get3A_1090, %get3A_1093 : vector<16xf32>
        %get3A_1095 = arith.index_cast %add3A_1080 : i32 to index
        %get3A_1096 = arith.constant 32 : index
        %get3A_1097 = tpu.vector_load %arg11[%get3A_1095, %get3A_1096] {strides = array<i32>} : memref<80x128xf32, #tpu.memory_space<vmem>>, vector<16xf32>,
        %get3A_1098 = arith.index_cast %add3A_1080 : i32 to index
        %get3A_1099 = arith.constant 32 : index
        %get3A_1100 = tpu.vector_load %arg12[%get3A_1098, %get3A_1099] {strides = array<i32>} : memref<80x128xf32, #tpu.memory_space<vmem>>, vector<16xf32>,
        %mul3A_1101 = arith.mulf %get3A_1097, %get3A_1100 : vector<16xf32>
        %get3A_1102 = arith.index_cast %add3A_1080 : i32 to index
        %get3A_1103 = arith.constant 48 : index
        %get3A_1104 = tpu.vector_load %arg11[%get3A_1102, %get3A_1103] {strides = array<i32>} : memref<80x128xf32, #tpu.memory_space<vmem>>, vector<16xf32>,
        %get3A_1105 = arith.index_cast %add3A_1080 : i32 to index
        %get3A_1106 = arith.constant 48 : index
        %get3A_1107 = tpu.vector_load %arg12[%get3A_1105, %get3A_1106] {strides = array<i32>} : memref<80x128xf32, #tpu.memory_space<vmem>>, vector<16xf32>,
        %mul3A_1108 = arith.mulf %get3A_1104, %get3A_1107 : vector<16xf32>
        %get3A_1109 = arith.index_cast %add3A_1080 : i32 to index
        %get3A_1110 = arith.constant 64 : index
        %get3A_1111 = tpu.vector_load %arg11[%get3A_1109, %get3A_1110] {strides = array<i32>} : memref<80x128xf32, #tpu.memory_space<vmem>>, vector<16xf32>,
        %get3A_1112 = arith.index_cast %add3A_1080 : i32 to index
        %get3A_1113 = arith.constant 64 : index
        %get3A_1114 = tpu.vector_load %arg12[%get3A_1112, %get3A_1113] {strides = array<i32>} : memref<80x128xf32, #tpu.memory_space<vmem>>, vector<16xf32>,
        %mul3A_1115 = arith.mulf %get3A_1111, %get3A_1114 : vector<16xf32>
        %get3A_1116 = arith.index_cast %add3A_1080 : i32 to index
        %get3A_1117 = arith.constant 80 : index
        %get3A_1118 = tpu.vector_load %arg11[%get3A_1116, %get3A_1117] {strides = array<i32>} : memref<80x128xf32, #tpu.memory_space<vmem>>, vector<16xf32>,
        %get3A_1119 = arith.index_cast %add3A_1080 : i32 to index
        %get3A_1120 = arith.constant 80 : index
        %get3A_1121 = tpu.vector_load %arg12[%get3A_1119, %get3A_1120] {strides = array<i32>} : memref<80x128xf32, #tpu.memory_space<vmem>>, vector<16xf32>,
        %mul3A_1122 = arith.mulf %get3A_1118, %get3A_1121 : vector<16xf32>
        %get3A_1123 = arith.index_cast %add3A_1080 : i32 to index
        %get3A_1124 = arith.constant 96 : index
        %get3A_1125 = tpu.vector_load %arg11[%get3A_1123, %get3A_1124] {strides = array<i32>} : memref<80x128xf32, #tpu.memory_space<vmem>>, vector<16xf32>,
        %get3A_1126 = arith.index_cast %add3A_1080 : i32 to index
        %get3A_1127 = arith.constant 96 : index
        %get3A_1128 = tpu.vector_load %arg12[%get3A_1126, %get3A_1127] {strides = array<i32>} : memref<80x128xf32, #tpu.memory_space<vmem>>, vector<16xf32>,
        %mul3A_1129 = arith.mulf %get3A_1125, %get3A_1128 : vector<16xf32>
        %get3A_1130 = arith.index_cast %add3A_1080 : i32 to index
        %get3A_1131 = arith.constant 112 : index
        %get3A_1132 = tpu.vector_load %arg11[%get3A_1130, %get3A_1131] {strides = array<i32>} : memref<80x128xf32, #tpu.memory_space<vmem>>, vector<16xf32>,
        %get3A_1133 = arith.index_cast %add3A_1080 : i32 to index
        %get3A_1134 = arith.constant 112 : index
        %get3A_1135 = tpu.vector_load %arg12[%get3A_1133, %get3A_1134] {strides = array<i32>} : memref<80x128xf32, #tpu.memory_space<vmem>>, vector<16xf32>,
        %mul3A_1136 = arith.mulf %get3A_1132, %get3A_1135 : vector<16xf32>
        %add3A_1137 = arith.addf %mul3A_1087, %mul3A_1094 : vector<16xf32>
        %add3A_1138 = arith.addf %mul3A_1101, %mul3A_1108 : vector<16xf32>
        %add3A_1139 = arith.addf %mul3A_1115, %mul3A_1122 : vector<16xf32>
        %add3A_1140 = arith.addf %mul3A_1129, %mul3A_1136 : vector<16xf32>
        %add3A_1141 = arith.addf %add3A_1137, %add3A_1138 : vector<16xf32>
        %add3A_1142 = arith.addf %add3A_1139, %add3A_1140 : vector<16xf32>
        %add3A_1143 = arith.addf %add3A_1141, %add3A_1142 : vector<16xf32>
        %swap3A_1144 = arith.index_cast %add3A_1080 : i32 to index
        %swap3A_1145 = arith.constant 0 : index
        %swap3A_1146 = tpu.vector_load %arg16[%swap3A_1144, %swap3A_1145] {strides = array<i32>} : memref<80x16xf32, #tpu.memory_space<vmem>>, vector<16xf32>,
        tpu.vector_store %arg16[%swap3A_1144, %swap3A_1145], %add3A_1143 {strides = array<i32>} : memref<80x16xf32, #tpu.memory_space<vmem>>, vector<16xf32>,
        %add3A_1147 = arith.constant 15 : i32
        %add3A_1148 = arith.addi %mul3A_127, %add3A_1147 : i32
        %get3A_1149 = arith.index_cast %add3A_1148 : i32 to index
        %get3A_1150 = arith.constant 0 : index
        %get3A_1151 = tpu.vector_load %arg11[%get3A_1149, %get3A_1150] {strides = array<i32>} : memref<80x128xf32, #tpu.memory_space<vmem>>, vector<16xf32>,
        %get3A_1152 = arith.index_cast %add3A_1148 : i32 to index
        %get3A_1153 = arith.constant 0 : index
        %get3A_1154 = tpu.vector_load %arg12[%get3A_1152, %get3A_1153] {strides = array<i32>} : memref<80x128xf32, #tpu.memory_space<vmem>>, vector<16xf32>,
        %mul3A_1155 = arith.mulf %get3A_1151, %get3A_1154 : vector<16xf32>
        %get3A_1156 = arith.index_cast %add3A_1148 : i32 to index
        %get3A_1157 = arith.constant 16 : index
        %get3A_1158 = tpu.vector_load %arg11[%get3A_1156, %get3A_1157] {strides = array<i32>} : memref<80x128xf32, #tpu.memory_space<vmem>>, vector<16xf32>,
        %get3A_1159 = arith.index_cast %add3A_1148 : i32 to index
        %get3A_1160 = arith.constant 16 : index
        %get3A_1161 = tpu.vector_load %arg12[%get3A_1159, %get3A_1160] {strides = array<i32>} : memref<80x128xf32, #tpu.memory_space<vmem>>, vector<16xf32>,
        %mul3A_1162 = arith.mulf %get3A_1158, %get3A_1161 : vector<16xf32>
        %get3A_1163 = arith.index_cast %add3A_1148 : i32 to index
        %get3A_1164 = arith.constant 32 : index
        %get3A_1165 = tpu.vector_load %arg11[%get3A_1163, %get3A_1164] {strides = array<i32>} : memref<80x128xf32, #tpu.memory_space<vmem>>, vector<16xf32>,
        %get3A_1166 = arith.index_cast %add3A_1148 : i32 to index
        %get3A_1167 = arith.constant 32 : index
        %get3A_1168 = tpu.vector_load %arg12[%get3A_1166, %get3A_1167] {strides = array<i32>} : memref<80x128xf32, #tpu.memory_space<vmem>>, vector<16xf32>,
        %mul3A_1169 = arith.mulf %get3A_1165, %get3A_1168 : vector<16xf32>
        %get3A_1170 = arith.index_cast %add3A_1148 : i32 to index
        %get3A_1171 = arith.constant 48 : index
        %get3A_1172 = tpu.vector_load %arg11[%get3A_1170, %get3A_1171] {strides = array<i32>} : memref<80x128xf32, #tpu.memory_space<vmem>>, vector<16xf32>,
        %get3A_1173 = arith.index_cast %add3A_1148 : i32 to index
        %get3A_1174 = arith.constant 48 : index
        %get3A_1175 = tpu.vector_load %arg12[%get3A_1173, %get3A_1174] {strides = array<i32>} : memref<80x128xf32, #tpu.memory_space<vmem>>, vector<16xf32>,
        %mul3A_1176 = arith.mulf %get3A_1172, %get3A_1175 : vector<16xf32>
        %get3A_1177 = arith.index_cast %add3A_1148 : i32 to index
        %get3A_1178 = arith.constant 64 : index
        %get3A_1179 = tpu.vector_load %arg11[%get3A_1177, %get3A_1178] {strides = array<i32>} : memref<80x128xf32, #tpu.memory_space<vmem>>, vector<16xf32>,
        %get3A_1180 = arith.index_cast %add3A_1148 : i32 to index
        %get3A_1181 = arith.constant 64 : index
        %get3A_1182 = tpu.vector_load %arg12[%get3A_1180, %get3A_1181] {strides = array<i32>} : memref<80x128xf32, #tpu.memory_space<vmem>>, vector<16xf32>,
        %mul3A_1183 = arith.mulf %get3A_1179, %get3A_1182 : vector<16xf32>
        %get3A_1184 = arith.index_cast %add3A_1148 : i32 to index
        %get3A_1185 = arith.constant 80 : index
        %get3A_1186 = tpu.vector_load %arg11[%get3A_1184, %get3A_1185] {strides = array<i32>} : memref<80x128xf32, #tpu.memory_space<vmem>>, vector<16xf32>,
        %get3A_1187 = arith.index_cast %add3A_1148 : i32 to index
        %get3A_1188 = arith.constant 80 : index
        %get3A_1189 = tpu.vector_load %arg12[%get3A_1187, %get3A_1188] {strides = array<i32>} : memref<80x128xf32, #tpu.memory_space<vmem>>, vector<16xf32>,
        %mul3A_1190 = arith.mulf %get3A_1186, %get3A_1189 : vector<16xf32>
        %get3A_1191 = arith.index_cast %add3A_1148 : i32 to index
        %get3A_1192 = arith.constant 96 : index
        %get3A_1193 = tpu.vector_load %arg11[%get3A_1191, %get3A_1192] {strides = array<i32>} : memref<80x128xf32, #tpu.memory_space<vmem>>, vector<16xf32>,
        %get3A_1194 = arith.index_cast %add3A_1148 : i32 to index
        %get3A_1195 = arith.constant 96 : index
        %get3A_1196 = tpu.vector_load %arg12[%get3A_1194, %get3A_1195] {strides = array<i32>} : memref<80x128xf32, #tpu.memory_space<vmem>>, vector<16xf32>,
        %mul3A_1197 = arith.mulf %get3A_1193, %get3A_1196 : vector<16xf32>
        %get3A_1198 = arith.index_cast %add3A_1148 : i32 to index
        %get3A_1199 = arith.constant 112 : index
        %get3A_1200 = tpu.vector_load %arg11[%get3A_1198, %get3A_1199] {strides = array<i32>} : memref<80x128xf32, #tpu.memory_space<vmem>>, vector<16xf32>,
        %get3A_1201 = arith.index_cast %add3A_1148 : i32 to index
        %get3A_1202 = arith.constant 112 : index
        %get3A_1203 = tpu.vector_load %arg12[%get3A_1201, %get3A_1202] {strides = array<i32>} : memref<80x128xf32, #tpu.memory_space<vmem>>, vector<16xf32>,
        %mul3A_1204 = arith.mulf %get3A_1200, %get3A_1203 : vector<16xf32>
        %add3A_1205 = arith.addf %mul3A_1155, %mul3A_1162 : vector<16xf32>
        %add3A_1206 = arith.addf %mul3A_1169, %mul3A_1176 : vector<16xf32>
        %add3A_1207 = arith.addf %mul3A_1183, %mul3A_1190 : vector<16xf32>
        %add3A_1208 = arith.addf %mul3A_1197, %mul3A_1204 : vector<16xf32>
        %add3A_1209 = arith.addf %add3A_1205, %add3A_1206 : vector<16xf32>
        %add3A_1210 = arith.addf %add3A_1207, %add3A_1208 : vector<16xf32>
        %add3A_1211 = arith.addf %add3A_1209, %add3A_1210 : vector<16xf32>
        %swap3A_1212 = arith.index_cast %add3A_1148 : i32 to index
        %swap3A_1213 = arith.constant 0 : index
        %swap3A_1214 = tpu.vector_load %arg16[%swap3A_1212, %swap3A_1213] {strides = array<i32>} : memref<80x16xf32, #tpu.memory_space<vmem>>, vector<16xf32>,
        tpu.vector_store %arg16[%swap3A_1212, %swap3A_1213], %add3A_1211 {strides = array<i32>} : memref<80x16xf32, #tpu.memory_space<vmem>>, vector<16xf32>,
      }
      %scan3A_77 = arith.constant 5 : i32
      %scan3A_78 = arith.constant 0 : i32
      %scan3A_79 = arith.constant 5 : i32
      %scan3A_80 = arith.addi %scan3A_78, %scan3A_79 : i32
      %scan3A_81 = arith.constant 1 : i32
      scf.for %scan3A_121 = %scan3A_78 to %scan3A_80 step %scan3A_81  : i32 {
        %mul3A_122 = arith.constant 1 : i32
        %mul3A_123 = arith.muli %scan3A_121, %mul3A_122 : i32
        %add3A_124 = arith.constant 0 : i32
        %add3A_125 = arith.addi %add3A_124, %mul3A_123 : i32
        %mul3A_126 = arith.constant 16 : i32
        %mul3A_127 = arith.muli %add3A_125, %mul3A_126 : i32
        %broadcast_in_dim3A = vector.broadcast %mul3A_127 : i32 to vector<16xi32>
        %add3A_128 = arith.addi %broadcast_in_dim3A, %iota3A : vector<16xi32>
        %broadcast_in_dim3A_129 = arith.constant 0.000000e+00 : f32
        %broadcast_in_dim3A_130 = vector.broadcast %broadcast_in_dim3A_129 : f32 to vector<16xf32>
        %broadcast_in_dim3A_131 = arith.constant 0.000000e+00 : f32
        %broadcast_in_dim3A_132 = vector.broadcast %broadcast_in_dim3A_131 : f32 to vector<16xf32>
        %broadcast_in_dim3A_133 = arith.constant 0.000000e+00 : f32
        %broadcast_in_dim3A_134 = vector.broadcast %broadcast_in_dim3A_133 : f32 to vector<16xf32>
        %broadcast_in_dim3A_135 = arith.constant 0.000000e+00 : f32
        %broadcast_in_dim3A_136 = vector.broadcast %broadcast_in_dim3A_135 : f32 to vector<16xf32>
        %broadcast_in_dim3A_137 = arith.constant 0 : i32
        %broadcast_in_dim3A_138 = vector.broadcast %broadcast_in_dim3A_137 : i32 to vector<16xi32>
        %gather3A = tpu.vector_load_idx %arg16[%add3A_128, %broadcast_in_dim3A_138] : memref<80x16xf32, #tpu.memory_space<vmem>>[vector<16xi32>, vector<16xi32>], vector<16xf32>,
        %add3A_139 = arith.addf %broadcast_in_dim3A_130, %gather3A : vector<16xf32>
        %broadcast_in_dim3A_140 = arith.constant 1 : i32
        %broadcast_in_dim3A_141 = vector.broadcast %broadcast_in_dim3A_140 : i32 to vector<16xi32>
        %gather3A_142 = tpu.vector_load_idx %arg16[%add3A_128, %broadcast_in_dim3A_141] : memref<80x16xf32, #tpu.memory_space<vmem>>[vector<16xi32>, vector<16xi32>], vector<16xf32>,
        %add3A_143 = arith.addf %broadcast_in_dim3A_132, %gather3A_142 : vector<16xf32>
        %broadcast_in_dim3A_144 = arith.constant 2 : i32
        %broadcast_in_dim3A_145 = vector.broadcast %broadcast_in_dim3A_144 : i32 to vector<16xi32>
        %gather3A_146 = tpu.vector_load_idx %arg16[%add3A_128, %broadcast_in_dim3A_145] : memref<80x16xf32, #tpu.memory_space<vmem>>[vector<16xi32>, vector<16xi32>], vector<16xf32>,
        %add3A_147 = arith.addf %broadcast_in_dim3A_134, %gather3A_146 : vector<16xf32>
        %broadcast_in_dim3A_148 = arith.constant 3 : i32
        %broadcast_in_dim3A_149 = vector.broadcast %broadcast_in_dim3A_148 : i32 to vector<16xi32>
        %gather3A_150 = tpu.vector_load_idx %arg16[%add3A_128, %broadcast_in_dim3A_149] : memref<80x16xf32, #tpu.memory_space<vmem>>[vector<16xi32>, vector<16xi32>], vector<16xf32>,
        %add3A_151 = arith.addf %broadcast_in_dim3A_136, %gather3A_150 : vector<16xf32>
        %broadcast_in_dim3A_152 = arith.constant 4 : i32
        %broadcast_in_dim3A_153 = vector.broadcast %broadcast_in_dim3A_152 : i32 to vector<16xi32>
        %gather3A_154 = tpu.vector_load_idx %arg16[%add3A_128, %broadcast_in_dim3A_153] : memref<80x16xf32, #tpu.memory_space<vmem>>[vector<16xi32>, vector<16xi32>], vector<16xf32>,
        %add3A_155 = arith.addf %add3A_139, %gather3A_154 : vector<16xf32>
        %broadcast_in_dim3A_156 = arith.constant 5 : i32
        %broadcast_in_dim3A_157 = vector.broadcast %broadcast_in_dim3A_156 : i32 to vector<16xi32>
        %gather3A_158 = tpu.vector_load_idx %arg16[%add3A_128, %broadcast_in_dim3A_157] : memref<80x16xf32, #tpu.memory_space<vmem>>[vector<16xi32>, vector<16xi32>], vector<16xf32>,
        %add3A_159 = arith.addf %add3A_143, %gather3A_158 : vector<16xf32>
        %broadcast_in_dim3A_160 = arith.constant 6 : i32
        %broadcast_in_dim3A_161 = vector.broadcast %broadcast_in_dim3A_160 : i32 to vector<16xi32>
        %gather3A_162 = tpu.vector_load_idx %arg16[%add3A_128, %broadcast_in_dim3A_161] : memref<80x16xf32, #tpu.memory_space<vmem>>[vector<16xi32>, vector<16xi32>], vector<16xf32>,
        %add3A_163 = arith.addf %add3A_147, %gather3A_162 : vector<16xf32>
        %broadcast_in_dim3A_164 = arith.constant 7 : i32
        %broadcast_in_dim3A_165 = vector.broadcast %broadcast_in_dim3A_164 : i32 to vector<16xi32>
        %gather3A_166 = tpu.vector_load_idx %arg16[%add3A_128, %broadcast_in_dim3A_165] : memref<80x16xf32, #tpu.memory_space<vmem>>[vector<16xi32>, vector<16xi32>], vector<16xf32>,
        %add3A_167 = arith.addf %add3A_151, %gather3A_166 : vector<16xf32>
        %broadcast_in_dim3A_168 = arith.constant 8 : i32
        %broadcast_in_dim3A_169 = vector.broadcast %broadcast_in_dim3A_168 : i32 to vector<16xi32>
        %gather3A_170 = tpu.vector_load_idx %arg16[%add3A_128, %broadcast_in_dim3A_169] : memref<80x16xf32, #tpu.memory_space<vmem>>[vector<16xi32>, vector<16xi32>], vector<16xf32>,
        %add3A_171 = arith.addf %add3A_155, %gather3A_170 : vector<16xf32>
        %broadcast_in_dim3A_172 = arith.constant 9 : i32
        %broadcast_in_dim3A_173 = vector.broadcast %broadcast_in_dim3A_172 : i32 to vector<16xi32>
        %gather3A_174 = tpu.vector_load_idx %arg16[%add3A_128, %broadcast_in_dim3A_173] : memref<80x16xf32, #tpu.memory_space<vmem>>[vector<16xi32>, vector<16xi32>], vector<16xf32>,
        %add3A_175 = arith.addf %add3A_159, %gather3A_174 : vector<16xf32>
        %broadcast_in_dim3A_176 = arith.constant 10 : i32
        %broadcast_in_dim3A_177 = vector.broadcast %broadcast_in_dim3A_176 : i32 to vector<16xi32>
        %gather3A_178 = tpu.vector_load_idx %arg16[%add3A_128, %broadcast_in_dim3A_177] : memref<80x16xf32, #tpu.memory_space<vmem>>[vector<16xi32>, vector<16xi32>], vector<16xf32>,
        %add3A_179 = arith.addf %add3A_163, %gather3A_178 : vector<16xf32>
        %broadcast_in_dim3A_180 = arith.constant 11 : i32
        %broadcast_in_dim3A_181 = vector.broadcast %broadcast_in_dim3A_180 : i32 to vector<16xi32>
        %gather3A_182 = tpu.vector_load_idx %arg16[%add3A_128, %broadcast_in_dim3A_181] : memref<80x16xf32, #tpu.memory_space<vmem>>[vector<16xi32>, vector<16xi32>], vector<16xf32>,
        %add3A_183 = arith.addf %add3A_167, %gather3A_182 : vector<16xf32>
        %broadcast_in_dim3A_184 = arith.constant 12 : i32
        %broadcast_in_dim3A_185 = vector.broadcast %broadcast_in_dim3A_184 : i32 to vector<16xi32>
        %gather3A_186 = tpu.vector_load_idx %arg16[%add3A_128, %broadcast_in_dim3A_185] : memref<80x16xf32, #tpu.memory_space<vmem>>[vector<16xi32>, vector<16xi32>], vector<16xf32>,
        %add3A_187 = arith.addf %add3A_171, %gather3A_186 : vector<16xf32>
        %broadcast_in_dim3A_188 = arith.constant 13 : i32
        %broadcast_in_dim3A_189 = vector.broadcast %broadcast_in_dim3A_188 : i32 to vector<16xi32>
        %gather3A_190 = tpu.vector_load_idx %arg16[%add3A_128, %broadcast_in_dim3A_189] : memref<80x16xf32, #tpu.memory_space<vmem>>[vector<16xi32>, vector<16xi32>], vector<16xf32>,
        %add3A_191 = arith.addf %add3A_175, %gather3A_190 : vector<16xf32>
        %broadcast_in_dim3A_192 = arith.constant 14 : i32
        %broadcast_in_dim3A_193 = vector.broadcast %broadcast_in_dim3A_192 : i32 to vector<16xi32>
        %gather3A_194 = tpu.vector_load_idx %arg16[%add3A_128, %broadcast_in_dim3A_193] : memref<80x16xf32, #tpu.memory_space<vmem>>[vector<16xi32>, vector<16xi32>], vector<16xf32>,
        %add3A_195 = arith.addf %add3A_179, %gather3A_194 : vector<16xf32>
        %broadcast_in_dim3A_196 = arith.constant 15 : i32
        %broadcast_in_dim3A_197 = vector.broadcast %broadcast_in_dim3A_196 : i32 to vector<16xi32>
        %gather3A_198 = tpu.vector_load_idx %arg16[%add3A_128, %broadcast_in_dim3A_197] : memref<80x16xf32, #tpu.memory_space<vmem>>[vector<16xi32>, vector<16xi32>], vector<16xf32>,
        %add3A_199 = arith.addf %add3A_183, %gather3A_198 : vector<16xf32>
        %add3A_200 = arith.addf %add3A_187, %add3A_191 : vector<16xf32>
        %add3A_201 = arith.addf %add3A_195, %add3A_199 : vector<16xf32>
        %add3A_202 = arith.addf %add3A_200, %add3A_201 : vector<16xf32>
        %add3A_203 = arith.addf %add3A_202, %get3A_1 : vector<16xf32>
        %neg3A = arith.constant 0.000000e+00 : f32
        %neg3A_204 = vector.broadcast %neg3A : f32 to vector<16xf32>
        %neg3A_205 = arith.subf %neg3A_204, %add3A_203 : vector<16xf32>
        %exp3A = math.exp %neg3A_205 : vector<16xf32>
        %add3A_206 = arith.constant 1.000000e+00 : f32
        %add3A_207 = vector.broadcast %add3A_206 : f32 to vector<16xf32>
        %add3A_208 = arith.addf %add3A_207, %exp3A : vector<16xf32>
        %div3A = arith.constant 1.000000e+00 : f32
        %div3A_209 = vector.broadcast %div3A : f32 to vector<16xf32>
        %div3A_210 = arith.divf %div3A_209, %add3A_208 : vector<16xf32>
        %swap3A = arith.index_cast %add3A_46 : i32 to index
        %swap3A_211 = arith.index_cast %mul3A_127 : i32 to index
        %swap3A_212 = tpu.vector_load %arg10[%swap3A, %swap3A_211] {strides = array<i32>} : memref<125x80xf32, #tpu.memory_space<vmem>>, vector<16xf32>,
        tpu.vector_store %arg10[%swap3A, %swap3A_211], %div3A_210 {strides = array<i32>} : memref<125x80xf32, #tpu.memory_space<vmem>>, vector<16xf32>,
      }
      %scan3A_82 = arith.constant 5 : i32
      %add3A_83 = arith.constant 2 : i32
      %add3A_84 = arith.addi %add3A_46, %add3A_83 : i32
      %dma_start3A_85 = arith.constant 0 : i32
      %dma_start3A_86 = tpu.memref_slice %arg8[%add3A_84, %dma_start3A_85] : memref<125x80xi32, #tpu.memory_space<vmem>> -> memref<1x80xi32, #tpu.memory_space<vmem>>
      %dma_start3A_87 = tpu.memref_squeeze %dma_start3A_86 : memref<1x80xi32, #tpu.memory_space<vmem>> -> memref<80xi32, #tpu.memory_space<vmem>>
      %dma_start3A_88 = arith.constant 0 : i32
      %dma_start3A_89 = arith.constant 0 : i32
      %dma_start3A_90 = tpu.memref_slice %arg2[%dma_start3A_88, %dma_start3A_89] : memref<10000x128xf32, #tpu.memory_space<hbm>> -> memref<10000x128xf32, #tpu.memory_space<hbm>>
      tpu.enqueue_indirect_dma source(%dma_start3A_90 : memref<10000x128xf32, #tpu.memory_space<hbm>>) target(%arg11 : memref<80x128xf32, #tpu.memory_space<vmem>>) offsets(%dma_start3A_87 : memref<80xi32, #tpu.memory_space<vmem>>) semaphore(%arg17 : memref<!tpu.dma_semaphore, #tpu.memory_space<semaphore_mem>>)
      %dma_start3A_91 = arith.constant 0 : i32
      %dma_start3A_92 = tpu.memref_slice %arg9[%add3A_84, %dma_start3A_91] : memref<125x80xi32, #tpu.memory_space<vmem>> -> memref<1x80xi32, #tpu.memory_space<vmem>>
      %dma_start3A_93 = tpu.memref_squeeze %dma_start3A_92 : memref<1x80xi32, #tpu.memory_space<vmem>> -> memref<80xi32, #tpu.memory_space<vmem>>
      %dma_start3A_94 = arith.constant 0 : i32
      %dma_start3A_95 = arith.constant 0 : i32
      %dma_start3A_96 = tpu.memref_slice %arg3[%dma_start3A_94, %dma_start3A_95] : memref<10000x128xf32, #tpu.memory_space<hbm>> -> memref<10000x128xf32, #tpu.memory_space<hbm>>
      tpu.enqueue_indirect_dma source(%dma_start3A_96 : memref<10000x128xf32, #tpu.memory_space<hbm>>) target(%arg12 : memref<80x128xf32, #tpu.memory_space<vmem>>) offsets(%dma_start3A_93 : memref<80xi32, #tpu.memory_space<vmem>>) semaphore(%arg18 : memref<!tpu.dma_semaphore, #tpu.memory_space<semaphore_mem>>)
      %add3A_97 = arith.constant 1 : i32
      %add3A_98 = arith.addi %add3A_46, %add3A_97 : i32
      %dma_wait3A_99 = arith.constant 0 : i32
      %dma_wait3A_100 = tpu.memref_slice %arg8[%add3A_98, %dma_wait3A_99] : memref<125x80xi32, #tpu.memory_space<vmem>> -> memref<1x80xi32, #tpu.memory_space<vmem>>
      %dma_wait3A_101 = tpu.memref_squeeze %dma_wait3A_100 : memref<1x80xi32, #tpu.memory_space<vmem>> -> memref<80xi32, #tpu.memory_space<vmem>>
      %dma_wait3A_102 = arith.constant 0 : i32
      %dma_wait3A_103 = arith.constant 0 : i32
      %dma_wait3A_104 = tpu.memref_slice %arg2[%dma_wait3A_102, %dma_wait3A_103] : memref<10000x128xf32, #tpu.memory_space<hbm>> -> memref<10000x128xf32, #tpu.memory_space<hbm>>
      tpu.wait_indirect_dma semaphore(%arg19 : memref<!tpu.dma_semaphore, #tpu.memory_space<semaphore_mem>>) src(%dma_wait3A_104 : memref<10000x128xf32, #tpu.memory_space<hbm>>) dst(%arg13 : memref<80x128xf32, #tpu.memory_space<vmem>>)
      %dma_wait3A_105 = arith.constant 0 : i32
      %dma_wait3A_106 = tpu.memref_slice %arg9[%add3A_98, %dma_wait3A_105] : memref<125x80xi32, #tpu.memory_space<vmem>> -> memref<1x80xi32, #tpu.memory_space<vmem>>
      %dma_wait3A_107 = tpu.memref_squeeze %dma_wait3A_106 : memref<1x80xi32, #tpu.memory_space<vmem>> -> memref<80xi32, #tpu.memory_space<vmem>>
      %dma_wait3A_108 = arith.constant 0 : i32
      %dma_wait3A_109 = arith.constant 0 : i32
      %dma_wait3A_110 = tpu.memref_slice %arg3[%dma_wait3A_108, %dma_wait3A_109] : memref<10000x128xf32, #tpu.memory_space<hbm>> -> memref<10000x128xf32, #tpu.memory_space<hbm>>
      tpu.wait_indirect_dma semaphore(%arg20 : memref<!tpu.dma_semaphore, #tpu.memory_space<semaphore_mem>>) src(%dma_wait3A_110 : memref<10000x128xf32, #tpu.memory_space<hbm>>) dst(%arg14 : memref<80x128xf32, #tpu.memory_space<vmem>>)
      %scan3A_111 = arith.constant 0 : i32
      %scan3A_112 = arith.constant 5 : i32
      %scan3A_113 = arith.addi %scan3A_111, %scan3A_112 : i32
      %scan3A_114 = arith.constant 1 : i32
      scf.for %scan3A_121 = %scan3A_111 to %scan3A_113 step %scan3A_114  : i32 {
        %mul3A_122 = arith.constant 1 : i32
        %mul3A_123 = arith.muli %scan3A_121, %mul3A_122 : i32
        %add3A_124 = arith.constant 0 : i32
        %add3A_125 = arith.addi %add3A_124, %mul3A_123 : i32
        %mul3A_126 = arith.constant 16 : i32
        %mul3A_127 = arith.muli %add3A_125, %mul3A_126 : i32
        %add3A_128 = arith.constant 0 : i32
        %add3A_129 = arith.addi %mul3A_127, %add3A_128 : i32
        %get3A_130 = arith.index_cast %add3A_129 : i32 to index
        %get3A_131 = arith.constant 0 : index
        %get3A_132 = tpu.vector_load %arg13[%get3A_130, %get3A_131] {strides = array<i32>} : memref<80x128xf32, #tpu.memory_space<vmem>>, vector<16xf32>,
        %get3A_133 = arith.index_cast %add3A_129 : i32 to index
        %get3A_134 = arith.constant 0 : index
        %get3A_135 = tpu.vector_load %arg14[%get3A_133, %get3A_134] {strides = array<i32>} : memref<80x128xf32, #tpu.memory_space<vmem>>, vector<16xf32>,
        %mul3A_136 = arith.mulf %get3A_132, %get3A_135 : vector<16xf32>
        %get3A_137 = arith.index_cast %add3A_129 : i32 to index
        %get3A_138 = arith.constant 16 : index
        %get3A_139 = tpu.vector_load %arg13[%get3A_137, %get3A_138] {strides = array<i32>} : memref<80x128xf32, #tpu.memory_space<vmem>>, vector<16xf32>,
        %get3A_140 = arith.index_cast %add3A_129 : i32 to index
        %get3A_141 = arith.constant 16 : index
        %get3A_142 = tpu.vector_load %arg14[%get3A_140, %get3A_141] {strides = array<i32>} : memref<80x128xf32, #tpu.memory_space<vmem>>, vector<16xf32>,
        %mul3A_143 = arith.mulf %get3A_139, %get3A_142 : vector<16xf32>
        %get3A_144 = arith.index_cast %add3A_129 : i32 to index
        %get3A_145 = arith.constant 32 : index
        %get3A_146 = tpu.vector_load %arg13[%get3A_144, %get3A_145] {strides = array<i32>} : memref<80x128xf32, #tpu.memory_space<vmem>>, vector<16xf32>,
        %get3A_147 = arith.index_cast %add3A_129 : i32 to index
        %get3A_148 = arith.constant 32 : index
        %get3A_149 = tpu.vector_load %arg14[%get3A_147, %get3A_148] {strides = array<i32>} : memref<80x128xf32, #tpu.memory_space<vmem>>, vector<16xf32>,
        %mul3A_150 = arith.mulf %get3A_146, %get3A_149 : vector<16xf32>
        %get3A_151 = arith.index_cast %add3A_129 : i32 to index
        %get3A_152 = arith.constant 48 : index
        %get3A_153 = tpu.vector_load %arg13[%get3A_151, %get3A_152] {strides = array<i32>} : memref<80x128xf32, #tpu.memory_space<vmem>>, vector<16xf32>,
        %get3A_154 = arith.index_cast %add3A_129 : i32 to index
        %get3A_155 = arith.constant 48 : index
        %get3A_156 = tpu.vector_load %arg14[%get3A_154, %get3A_155] {strides = array<i32>} : memref<80x128xf32, #tpu.memory_space<vmem>>, vector<16xf32>,
        %mul3A_157 = arith.mulf %get3A_153, %get3A_156 : vector<16xf32>
        %get3A_158 = arith.index_cast %add3A_129 : i32 to index
        %get3A_159 = arith.constant 64 : index
        %get3A_160 = tpu.vector_load %arg13[%get3A_158, %get3A_159] {strides = array<i32>} : memref<80x128xf32, #tpu.memory_space<vmem>>, vector<16xf32>,
        %get3A_161 = arith.index_cast %add3A_129 : i32 to index
        %get3A_162 = arith.constant 64 : index
        %get3A_163 = tpu.vector_load %arg14[%get3A_161, %get3A_162] {strides = array<i32>} : memref<80x128xf32, #tpu.memory_space<vmem>>, vector<16xf32>,
        %mul3A_164 = arith.mulf %get3A_160, %get3A_163 : vector<16xf32>
        %get3A_165 = arith.index_cast %add3A_129 : i32 to index
        %get3A_166 = arith.constant 80 : index
        %get3A_167 = tpu.vector_load %arg13[%get3A_165, %get3A_166] {strides = array<i32>} : memref<80x128xf32, #tpu.memory_space<vmem>>, vector<16xf32>,
        %get3A_168 = arith.index_cast %add3A_129 : i32 to index
        %get3A_169 = arith.constant 80 : index
        %get3A_170 = tpu.vector_load %arg14[%get3A_168, %get3A_169] {strides = array<i32>} : memref<80x128xf32, #tpu.memory_space<vmem>>, vector<16xf32>,
        %mul3A_171 = arith.mulf %get3A_167, %get3A_170 : vector<16xf32>
        %get3A_172 = arith.index_cast %add3A_129 : i32 to index
        %get3A_173 = arith.constant 96 : index
        %get3A_174 = tpu.vector_load %arg13[%get3A_172, %get3A_173] {strides = array<i32>} : memref<80x128xf32, #tpu.memory_space<vmem>>, vector<16xf32>,
        %get3A_175 = arith.index_cast %add3A_129 : i32 to index
        %get3A_176 = arith.constant 96 : index
        %get3A_177 = tpu.vector_load %arg14[%get3A_175, %get3A_176] {strides = array<i32>} : memref<80x128xf32, #tpu.memory_space<vmem>>, vector<16xf32>,
        %mul3A_178 = arith.mulf %get3A_174, %get3A_177 : vector<16xf32>
        %get3A_179 = arith.index_cast %add3A_129 : i32 to index
        %get3A_180 = arith.constant 112 : index
        %get3A_181 = tpu.vector_load %arg13[%get3A_179, %get3A_180] {strides = array<i32>} : memref<80x128xf32, #tpu.memory_space<vmem>>, vector<16xf32>,
        %get3A_182 = arith.index_cast %add3A_129 : i32 to index
        %get3A_183 = arith.constant 112 : index
        %get3A_184 = tpu.vector_load %arg14[%get3A_182, %get3A_183] {strides = array<i32>} : memref<80x128xf32, #tpu.memory_space<vmem>>, vector<16xf32>,
        %mul3A_185 = arith.mulf %get3A_181, %get3A_184 : vector<16xf32>
        %add3A_186 = arith.addf %mul3A_136, %mul3A_143 : vector<16xf32>
        %add3A_187 = arith.addf %mul3A_150, %mul3A_157 : vector<16xf32>
        %add3A_188 = arith.addf %mul3A_164, %mul3A_171 : vector<16xf32>
        %add3A_189 = arith.addf %mul3A_178, %mul3A_185 : vector<16xf32>
        %add3A_190 = arith.addf %add3A_186, %add3A_187 : vector<16xf32>
        %add3A_191 = arith.addf %add3A_188, %add3A_189 : vector<16xf32>
        %add3A_192 = arith.addf %add3A_190, %add3A_191 : vector<16xf32>
        %swap3A = arith.index_cast %add3A_129 : i32 to index
        %swap3A_193 = arith.constant 0 : index
        %swap3A_194 = tpu.vector_load %arg16[%swap3A, %swap3A_193] {strides = array<i32>} : memref<80x16xf32, #tpu.memory_space<vmem>>, vector<16xf32>,
        tpu.vector_store %arg16[%swap3A, %swap3A_193], %add3A_192 {strides = array<i32>} : memref<80x16xf32, #tpu.memory_space<vmem>>, vector<16xf32>,
        %add3A_195 = arith.constant 1 : i32
        %add3A_196 = arith.addi %mul3A_127, %add3A_195 : i32
        %get3A_197 = arith.index_cast %add3A_196 : i32 to index
        %get3A_198 = arith.constant 0 : index
        %get3A_199 = tpu.vector_load %arg13[%get3A_197, %get3A_198] {strides = array<i32>} : memref<80x128xf32, #tpu.memory_space<vmem>>, vector<16xf32>,
        %get3A_200 = arith.index_cast %add3A_196 : i32 to index
        %get3A_201 = arith.constant 0 : index
        %get3A_202 = tpu.vector_load %arg14[%get3A_200, %get3A_201] {strides = array<i32>} : memref<80x128xf32, #tpu.memory_space<vmem>>, vector<16xf32>,
        %mul3A_203 = arith.mulf %get3A_199, %get3A_202 : vector<16xf32>
        %get3A_204 = arith.index_cast %add3A_196 : i32 to index
        %get3A_205 = arith.constant 16 : index
        %get3A_206 = tpu.vector_load %arg13[%get3A_204, %get3A_205] {strides = array<i32>} : memref<80x128xf32, #tpu.memory_space<vmem>>, vector<16xf32>,
        %get3A_207 = arith.index_cast %add3A_196 : i32 to index
        %get3A_208 = arith.constant 16 : index
        %get3A_209 = tpu.vector_load %arg14[%get3A_207, %get3A_208] {strides = array<i32>} : memref<80x128xf32, #tpu.memory_space<vmem>>, vector<16xf32>,
        %mul3A_210 = arith.mulf %get3A_206, %get3A_209 : vector<16xf32>
        %get3A_211 = arith.index_cast %add3A_196 : i32 to index
        %get3A_212 = arith.constant 32 : index
        %get3A_213 = tpu.vector_load %arg13[%get3A_211, %get3A_212] {strides = array<i32>} : memref<80x128xf32, #tpu.memory_space<vmem>>, vector<16xf32>,
        %get3A_214 = arith.index_cast %add3A_196 : i32 to index
        %get3A_215 = arith.constant 32 : index
        %get3A_216 = tpu.vector_load %arg14[%get3A_214, %get3A_215] {strides = array<i32>} : memref<80x128xf32, #tpu.memory_space<vmem>>, vector<16xf32>,
        %mul3A_217 = arith.mulf %get3A_213, %get3A_216 : vector<16xf32>
        %get3A_218 = arith.index_cast %add3A_196 : i32 to index
        %get3A_219 = arith.constant 48 : index
        %get3A_220 = tpu.vector_load %arg13[%get3A_218, %get3A_219] {strides = array<i32>} : memref<80x128xf32, #tpu.memory_space<vmem>>, vector<16xf32>,
        %get3A_221 = arith.index_cast %add3A_196 : i32 to index
        %get3A_222 = arith.constant 48 : index
        %get3A_223 = tpu.vector_load %arg14[%get3A_221, %get3A_222] {strides = array<i32>} : memref<80x128xf32, #tpu.memory_space<vmem>>, vector<16xf32>,
        %mul3A_224 = arith.mulf %get3A_220, %get3A_223 : vector<16xf32>
        %get3A_225 = arith.index_cast %add3A_196 : i32 to index
        %get3A_226 = arith.constant 64 : index
        %get3A_227 = tpu.vector_load %arg13[%get3A_225, %get3A_226] {strides = array<i32>} : memref<80x128xf32, #tpu.memory_space<vmem>>, vector<16xf32>,
        %get3A_228 = arith.index_cast %add3A_196 : i32 to index
        %get3A_229 = arith.constant 64 : index
        %get3A_230 = tpu.vector_load %arg14[%get3A_228, %get3A_229] {strides = array<i32>} : memref<80x128xf32, #tpu.memory_space<vmem>>, vector<16xf32>,
        %mul3A_231 = arith.mulf %get3A_227, %get3A_230 : vector<16xf32>
        %get3A_232 = arith.index_cast %add3A_196 : i32 to index
        %get3A_233 = arith.constant 80 : index
        %get3A_234 = tpu.vector_load %arg13[%get3A_232, %get3A_233] {strides = array<i32>} : memref<80x128xf32, #tpu.memory_space<vmem>>, vector<16xf32>,
        %get3A_235 = arith.index_cast %add3A_196 : i32 to index
        %get3A_236 = arith.constant 80 : index
        %get3A_237 = tpu.vector_load %arg14[%get3A_235, %get3A_236] {strides = array<i32>} : memref<80x128xf32, #tpu.memory_space<vmem>>, vector<16xf32>,
        %mul3A_238 = arith.mulf %get3A_234, %get3A_237 : vector<16xf32>
        %get3A_239 = arith.index_cast %add3A_196 : i32 to index
        %get3A_240 = arith.constant 96 : index
        %get3A_241 = tpu.vector_load %arg13[%get3A_239, %get3A_240] {strides = array<i32>} : memref<80x128xf32, #tpu.memory_space<vmem>>, vector<16xf32>,
        %get3A_242 = arith.index_cast %add3A_196 : i32 to index
        %get3A_243 = arith.constant 96 : index
        %get3A_244 = tpu.vector_load %arg14[%get3A_242, %get3A_243] {strides = array<i32>} : memref<80x128xf32, #tpu.memory_space<vmem>>, vector<16xf32>,
        %mul3A_245 = arith.mulf %get3A_241, %get3A_244 : vector<16xf32>
        %get3A_246 = arith.index_cast %add3A_196 : i32 to index
        %get3A_247 = arith.constant 112 : index
        %get3A_248 = tpu.vector_load %arg13[%get3A_246, %get3A_247] {strides = array<i32>} : memref<80x128xf32, #tpu.memory_space<vmem>>, vector<16xf32>,
        %get3A_249 = arith.index_cast %add3A_196 : i32 to index
        %get3A_250 = arith.constant 112 : index
        %get3A_251 = tpu.vector_load %arg14[%get3A_249, %get3A_250] {strides = array<i32>} : memref<80x128xf32, #tpu.memory_space<vmem>>, vector<16xf32>,
        %mul3A_252 = arith.mulf %get3A_248, %get3A_251 : vector<16xf32>
        %add3A_253 = arith.addf %mul3A_203, %mul3A_210 : vector<16xf32>
        %add3A_254 = arith.addf %mul3A_217, %mul3A_224 : vector<16xf32>
        %add3A_255 = arith.addf %mul3A_231, %mul3A_238 : vector<16xf32>
        %add3A_256 = arith.addf %mul3A_245, %mul3A_252 : vector<16xf32>
        %add3A_257 = arith.addf %add3A_253, %add3A_254 : vector<16xf32>
        %add3A_258 = arith.addf %add3A_255, %add3A_256 : vector<16xf32>
        %add3A_259 = arith.addf %add3A_257, %add3A_258 : vector<16xf32>
        %swap3A_260 = arith.index_cast %add3A_196 : i32 to index
        %swap3A_261 = arith.constant 0 : index
        %swap3A_262 = tpu.vector_load %arg16[%swap3A_260, %swap3A_261] {strides = array<i32>} : memref<80x16xf32, #tpu.memory_space<vmem>>, vector<16xf32>,
        tpu.vector_store %arg16[%swap3A_260, %swap3A_261], %add3A_259 {strides = array<i32>} : memref<80x16xf32, #tpu.memory_space<vmem>>, vector<16xf32>,
        %add3A_263 = arith.constant 2 : i32
        %add3A_264 = arith.addi %mul3A_127, %add3A_263 : i32
        %get3A_265 = arith.index_cast %add3A_264 : i32 to index
        %get3A_266 = arith.constant 0 : index
        %get3A_267 = tpu.vector_load %arg13[%get3A_265, %get3A_266] {strides = array<i32>} : memref<80x128xf32, #tpu.memory_space<vmem>>, vector<16xf32>,
        %get3A_268 = arith.index_cast %add3A_264 : i32 to index
        %get3A_269 = arith.constant 0 : index
        %get3A_270 = tpu.vector_load %arg14[%get3A_268, %get3A_269] {strides = array<i32>} : memref<80x128xf32, #tpu.memory_space<vmem>>, vector<16xf32>,
        %mul3A_271 = arith.mulf %get3A_267, %get3A_270 : vector<16xf32>
        %get3A_272 = arith.index_cast %add3A_264 : i32 to index
        %get3A_273 = arith.constant 16 : index
        %get3A_274 = tpu.vector_load %arg13[%get3A_272, %get3A_273] {strides = array<i32>} : memref<80x128xf32, #tpu.memory_space<vmem>>, vector<16xf32>,
        %get3A_275 = arith.index_cast %add3A_264 : i32 to index
        %get3A_276 = arith.constant 16 : index
        %get3A_277 = tpu.vector_load %arg14[%get3A_275, %get3A_276] {strides = array<i32>} : memref<80x128xf32, #tpu.memory_space<vmem>>, vector<16xf32>,
        %mul3A_278 = arith.mulf %get3A_274, %get3A_277 : vector<16xf32>
        %get3A_279 = arith.index_cast %add3A_264 : i32 to index
        %get3A_280 = arith.constant 32 : index
        %get3A_281 = tpu.vector_load %arg13[%get3A_279, %get3A_280] {strides = array<i32>} : memref<80x128xf32, #tpu.memory_space<vmem>>, vector<16xf32>,
        %get3A_282 = arith.index_cast %add3A_264 : i32 to index
        %get3A_283 = arith.constant 32 : index
        %get3A_284 = tpu.vector_load %arg14[%get3A_282, %get3A_283] {strides = array<i32>} : memref<80x128xf32, #tpu.memory_space<vmem>>, vector<16xf32>,
        %mul3A_285 = arith.mulf %get3A_281, %get3A_284 : vector<16xf32>
        %get3A_286 = arith.index_cast %add3A_264 : i32 to index
        %get3A_287 = arith.constant 48 : index
        %get3A_288 = tpu.vector_load %arg13[%get3A_286, %get3A_287] {strides = array<i32>} : memref<80x128xf32, #tpu.memory_space<vmem>>, vector<16xf32>,
        %get3A_289 = arith.index_cast %add3A_264 : i32 to index
        %get3A_290 = arith.constant 48 : index
        %get3A_291 = tpu.vector_load %arg14[%get3A_289, %get3A_290] {strides = array<i32>} : memref<80x128xf32, #tpu.memory_space<vmem>>, vector<16xf32>,
        %mul3A_292 = arith.mulf %get3A_288, %get3A_291 : vector<16xf32>
        %get3A_293 = arith.index_cast %add3A_264 : i32 to index
        %get3A_294 = arith.constant 64 : index
        %get3A_295 = tpu.vector_load %arg13[%get3A_293, %get3A_294] {strides = array<i32>} : memref<80x128xf32, #tpu.memory_space<vmem>>, vector<16xf32>,
        %get3A_296 = arith.index_cast %add3A_264 : i32 to index
        %get3A_297 = arith.constant 64 : index
        %get3A_298 = tpu.vector_load %arg14[%get3A_296, %get3A_297] {strides = array<i32>} : memref<80x128xf32, #tpu.memory_space<vmem>>, vector<16xf32>,
        %mul3A_299 = arith.mulf %get3A_295, %get3A_298 : vector<16xf32>
        %get3A_300 = arith.index_cast %add3A_264 : i32 to index
        %get3A_301 = arith.constant 80 : index
        %get3A_302 = tpu.vector_load %arg13[%get3A_300, %get3A_301] {strides = array<i32>} : memref<80x128xf32, #tpu.memory_space<vmem>>, vector<16xf32>,
        %get3A_303 = arith.index_cast %add3A_264 : i32 to index
        %get3A_304 = arith.constant 80 : index
        %get3A_305 = tpu.vector_load %arg14[%get3A_303, %get3A_304] {strides = array<i32>} : memref<80x128xf32, #tpu.memory_space<vmem>>, vector<16xf32>,
        %mul3A_306 = arith.mulf %get3A_302, %get3A_305 : vector<16xf32>
        %get3A_307 = arith.index_cast %add3A_264 : i32 to index
        %get3A_308 = arith.constant 96 : index
        %get3A_309 = tpu.vector_load %arg13[%get3A_307, %get3A_308] {strides = array<i32>} : memref<80x128xf32, #tpu.memory_space<vmem>>, vector<16xf32>,
        %get3A_310 = arith.index_cast %add3A_264 : i32 to index
        %get3A_311 = arith.constant 96 : index
        %get3A_312 = tpu.vector_load %arg14[%get3A_310, %get3A_311] {strides = array<i32>} : memref<80x128xf32, #tpu.memory_space<vmem>>, vector<16xf32>,
        %mul3A_313 = arith.mulf %get3A_309, %get3A_312 : vector<16xf32>
        %get3A_314 = arith.index_cast %add3A_264 : i32 to index
        %get3A_315 = arith.constant 112 : index
        %get3A_316 = tpu.vector_load %arg13[%get3A_314, %get3A_315] {strides = array<i32>} : memref<80x128xf32, #tpu.memory_space<vmem>>, vector<16xf32>,
        %get3A_317 = arith.index_cast %add3A_264 : i32 to index
        %get3A_318 = arith.constant 112 : index
        %get3A_319 = tpu.vector_load %arg14[%get3A_317, %get3A_318] {strides = array<i32>} : memref<80x128xf32, #tpu.memory_space<vmem>>, vector<16xf32>,
        %mul3A_320 = arith.mulf %get3A_316, %get3A_319 : vector<16xf32>
        %add3A_321 = arith.addf %mul3A_271, %mul3A_278 : vector<16xf32>
        %add3A_322 = arith.addf %mul3A_285, %mul3A_292 : vector<16xf32>
        %add3A_323 = arith.addf %mul3A_299, %mul3A_306 : vector<16xf32>
        %add3A_324 = arith.addf %mul3A_313, %mul3A_320 : vector<16xf32>
        %add3A_325 = arith.addf %add3A_321, %add3A_322 : vector<16xf32>
        %add3A_326 = arith.addf %add3A_323, %add3A_324 : vector<16xf32>
        %add3A_327 = arith.addf %add3A_325, %add3A_326 : vector<16xf32>
        %swap3A_328 = arith.index_cast %add3A_264 : i32 to index
        %swap3A_329 = arith.constant 0 : index
        %swap3A_330 = tpu.vector_load %arg16[%swap3A_328, %swap3A_329] {strides = array<i32>} : memref<80x16xf32, #tpu.memory_space<vmem>>, vector<16xf32>,
        tpu.vector_store %arg16[%swap3A_328, %swap3A_329], %add3A_327 {strides = array<i32>} : memref<80x16xf32, #tpu.memory_space<vmem>>, vector<16xf32>,
        %add3A_331 = arith.constant 3 : i32
        %add3A_332 = arith.addi %mul3A_127, %add3A_331 : i32
        %get3A_333 = arith.index_cast %add3A_332 : i32 to index
        %get3A_334 = arith.constant 0 : index
        %get3A_335 = tpu.vector_load %arg13[%get3A_333, %get3A_334] {strides = array<i32>} : memref<80x128xf32, #tpu.memory_space<vmem>>, vector<16xf32>,
        %get3A_336 = arith.index_cast %add3A_332 : i32 to index
        %get3A_337 = arith.constant 0 : index
        %get3A_338 = tpu.vector_load %arg14[%get3A_336, %get3A_337] {strides = array<i32>} : memref<80x128xf32, #tpu.memory_space<vmem>>, vector<16xf32>,
        %mul3A_339 = arith.mulf %get3A_335, %get3A_338 : vector<16xf32>
        %get3A_340 = arith.index_cast %add3A_332 : i32 to index
        %get3A_341 = arith.constant 16 : index
        %get3A_342 = tpu.vector_load %arg13[%get3A_340, %get3A_341] {strides = array<i32>} : memref<80x128xf32, #tpu.memory_space<vmem>>, vector<16xf32>,
        %get3A_343 = arith.index_cast %add3A_332 : i32 to index
        %get3A_344 = arith.constant 16 : index
        %get3A_345 = tpu.vector_load %arg14[%get3A_343, %get3A_344] {strides = array<i32>} : memref<80x128xf32, #tpu.memory_space<vmem>>, vector<16xf32>,
        %mul3A_346 = arith.mulf %get3A_342, %get3A_345 : vector<16xf32>
        %get3A_347 = arith.index_cast %add3A_332 : i32 to index
        %get3A_348 = arith.constant 32 : index
        %get3A_349 = tpu.vector_load %arg13[%get3A_347, %get3A_348] {strides = array<i32>} : memref<80x128xf32, #tpu.memory_space<vmem>>, vector<16xf32>,
        %get3A_350 = arith.index_cast %add3A_332 : i32 to index
        %get3A_351 = arith.constant 32 : index
        %get3A_352 = tpu.vector_load %arg14[%get3A_350, %get3A_351] {strides = array<i32>} : memref<80x128xf32, #tpu.memory_space<vmem>>, vector<16xf32>,
        %mul3A_353 = arith.mulf %get3A_349, %get3A_352 : vector<16xf32>
        %get3A_354 = arith.index_cast %add3A_332 : i32 to index
        %get3A_355 = arith.constant 48 : index
        %get3A_356 = tpu.vector_load %arg13[%get3A_354, %get3A_355] {strides = array<i32>} : memref<80x128xf32, #tpu.memory_space<vmem>>, vector<16xf32>,
        %get3A_357 = arith.index_cast %add3A_332 : i32 to index
        %get3A_358 = arith.constant 48 : index
        %get3A_359 = tpu.vector_load %arg14[%get3A_357, %get3A_358] {strides = array<i32>} : memref<80x128xf32, #tpu.memory_space<vmem>>, vector<16xf32>,
        %mul3A_360 = arith.mulf %get3A_356, %get3A_359 : vector<16xf32>
        %get3A_361 = arith.index_cast %add3A_332 : i32 to index
        %get3A_362 = arith.constant 64 : index
        %get3A_363 = tpu.vector_load %arg13[%get3A_361, %get3A_362] {strides = array<i32>} : memref<80x128xf32, #tpu.memory_space<vmem>>, vector<16xf32>,
        %get3A_364 = arith.index_cast %add3A_332 : i32 to index
        %get3A_365 = arith.constant 64 : index
        %get3A_366 = tpu.vector_load %arg14[%get3A_364, %get3A_365] {strides = array<i32>} : memref<80x128xf32, #tpu.memory_space<vmem>>, vector<16xf32>,
        %mul3A_367 = arith.mulf %get3A_363, %get3A_366 : vector<16xf32>
        %get3A_368 = arith.index_cast %add3A_332 : i32 to index
        %get3A_369 = arith.constant 80 : index
        %get3A_370 = tpu.vector_load %arg13[%get3A_368, %get3A_369] {strides = array<i32>} : memref<80x128xf32, #tpu.memory_space<vmem>>, vector<16xf32>,
        %get3A_371 = arith.index_cast %add3A_332 : i32 to index
        %get3A_372 = arith.constant 80 : index
        %get3A_373 = tpu.vector_load %arg14[%get3A_371, %get3A_372] {strides = array<i32>} : memref<80x128xf32, #tpu.memory_space<vmem>>, vector<16xf32>,
        %mul3A_374 = arith.mulf %get3A_370, %get3A_373 : vector<16xf32>
        %get3A_375 = arith.index_cast %add3A_332 : i32 to index
        %get3A_376 = arith.constant 96 : index
        %get3A_377 = tpu.vector_load %arg13[%get3A_375, %get3A_376] {strides = array<i32>} : memref<80x128xf32, #tpu.memory_space<vmem>>, vector<16xf32>,
        %get3A_378 = arith.index_cast %add3A_332 : i32 to index
        %get3A_379 = arith.constant 96 : index
        %get3A_380 = tpu.vector_load %arg14[%get3A_378, %get3A_379] {strides = array<i32>} : memref<80x128xf32, #tpu.memory_space<vmem>>, vector<16xf32>,
        %mul3A_381 = arith.mulf %get3A_377, %get3A_380 : vector<16xf32>
        %get3A_382 = arith.index_cast %add3A_332 : i32 to index
        %get3A_383 = arith.constant 112 : index
        %get3A_384 = tpu.vector_load %arg13[%get3A_382, %get3A_383] {strides = array<i32>} : memref<80x128xf32, #tpu.memory_space<vmem>>, vector<16xf32>,
        %get3A_385 = arith.index_cast %add3A_332 : i32 to index
        %get3A_386 = arith.constant 112 : index
        %get3A_387 = tpu.vector_load %arg14[%get3A_385, %get3A_386] {strides = array<i32>} : memref<80x128xf32, #tpu.memory_space<vmem>>, vector<16xf32>,
        %mul3A_388 = arith.mulf %get3A_384, %get3A_387 : vector<16xf32>
        %add3A_389 = arith.addf %mul3A_339, %mul3A_346 : vector<16xf32>
        %add3A_390 = arith.addf %mul3A_353, %mul3A_360 : vector<16xf32>
        %add3A_391 = arith.addf %mul3A_367, %mul3A_374 : vector<16xf32>
        %add3A_392 = arith.addf %mul3A_381, %mul3A_388 : vector<16xf32>
        %add3A_393 = arith.addf %add3A_389, %add3A_390 : vector<16xf32>
        %add3A_394 = arith.addf %add3A_391, %add3A_392 : vector<16xf32>
        %add3A_395 = arith.addf %add3A_393, %add3A_394 : vector<16xf32>
        %swap3A_396 = arith.index_cast %add3A_332 : i32 to index
        %swap3A_397 = arith.constant 0 : index
        %swap3A_398 = tpu.vector_load %arg16[%swap3A_396, %swap3A_397] {strides = array<i32>} : memref<80x16xf32, #tpu.memory_space<vmem>>, vector<16xf32>,
        tpu.vector_store %arg16[%swap3A_396, %swap3A_397], %add3A_395 {strides = array<i32>} : memref<80x16xf32, #tpu.memory_space<vmem>>, vector<16xf32>,
        %add3A_399 = arith.constant 4 : i32
        %add3A_400 = arith.addi %mul3A_127, %add3A_399 : i32
        %get3A_401 = arith.index_cast %add3A_400 : i32 to index
        %get3A_402 = arith.constant 0 : index
        %get3A_403 = tpu.vector_load %arg13[%get3A_401, %get3A_402] {strides = array<i32>} : memref<80x128xf32, #tpu.memory_space<vmem>>, vector<16xf32>,
        %get3A_404 = arith.index_cast %add3A_400 : i32 to index
        %get3A_405 = arith.constant 0 : index
        %get3A_406 = tpu.vector_load %arg14[%get3A_404, %get3A_405] {strides = array<i32>} : memref<80x128xf32, #tpu.memory_space<vmem>>, vector<16xf32>,
        %mul3A_407 = arith.mulf %get3A_403, %get3A_406 : vector<16xf32>
        %get3A_408 = arith.index_cast %add3A_400 : i32 to index
        %get3A_409 = arith.constant 16 : index
        %get3A_410 = tpu.vector_load %arg13[%get3A_408, %get3A_409] {strides = array<i32>} : memref<80x128xf32, #tpu.memory_space<vmem>>, vector<16xf32>,
        %get3A_411 = arith.index_cast %add3A_400 : i32 to index
        %get3A_412 = arith.constant 16 : index
        %get3A_413 = tpu.vector_load %arg14[%get3A_411, %get3A_412] {strides = array<i32>} : memref<80x128xf32, #tpu.memory_space<vmem>>, vector<16xf32>,
        %mul3A_414 = arith.mulf %get3A_410, %get3A_413 : vector<16xf32>
        %get3A_415 = arith.index_cast %add3A_400 : i32 to index
        %get3A_416 = arith.constant 32 : index
        %get3A_417 = tpu.vector_load %arg13[%get3A_415, %get3A_416] {strides = array<i32>} : memref<80x128xf32, #tpu.memory_space<vmem>>, vector<16xf32>,
        %get3A_418 = arith.index_cast %add3A_400 : i32 to index
        %get3A_419 = arith.constant 32 : index
        %get3A_420 = tpu.vector_load %arg14[%get3A_418, %get3A_419] {strides = array<i32>} : memref<80x128xf32, #tpu.memory_space<vmem>>, vector<16xf32>,
        %mul3A_421 = arith.mulf %get3A_417, %get3A_420 : vector<16xf32>
        %get3A_422 = arith.index_cast %add3A_400 : i32 to index
        %get3A_423 = arith.constant 48 : index
        %get3A_424 = tpu.vector_load %arg13[%get3A_422, %get3A_423] {strides = array<i32>} : memref<80x128xf32, #tpu.memory_space<vmem>>, vector<16xf32>,
        %get3A_425 = arith.index_cast %add3A_400 : i32 to index
        %get3A_426 = arith.constant 48 : index
        %get3A_427 = tpu.vector_load %arg14[%get3A_425, %get3A_426] {strides = array<i32>} : memref<80x128xf32, #tpu.memory_space<vmem>>, vector<16xf32>,
        %mul3A_428 = arith.mulf %get3A_424, %get3A_427 : vector<16xf32>
        %get3A_429 = arith.index_cast %add3A_400 : i32 to index
        %get3A_430 = arith.constant 64 : index
        %get3A_431 = tpu.vector_load %arg13[%get3A_429, %get3A_430] {strides = array<i32>} : memref<80x128xf32, #tpu.memory_space<vmem>>, vector<16xf32>,
        %get3A_432 = arith.index_cast %add3A_400 : i32 to index
        %get3A_433 = arith.constant 64 : index
        %get3A_434 = tpu.vector_load %arg14[%get3A_432, %get3A_433] {strides = array<i32>} : memref<80x128xf32, #tpu.memory_space<vmem>>, vector<16xf32>,
        %mul3A_435 = arith.mulf %get3A_431, %get3A_434 : vector<16xf32>
        %get3A_436 = arith.index_cast %add3A_400 : i32 to index
        %get3A_437 = arith.constant 80 : index
        %get3A_438 = tpu.vector_load %arg13[%get3A_436, %get3A_437] {strides = array<i32>} : memref<80x128xf32, #tpu.memory_space<vmem>>, vector<16xf32>,
        %get3A_439 = arith.index_cast %add3A_400 : i32 to index
        %get3A_440 = arith.constant 80 : index
        %get3A_441 = tpu.vector_load %arg14[%get3A_439, %get3A_440] {strides = array<i32>} : memref<80x128xf32, #tpu.memory_space<vmem>>, vector<16xf32>,
        %mul3A_442 = arith.mulf %get3A_438, %get3A_441 : vector<16xf32>
        %get3A_443 = arith.index_cast %add3A_400 : i32 to index
        %get3A_444 = arith.constant 96 : index
        %get3A_445 = tpu.vector_load %arg13[%get3A_443, %get3A_444] {strides = array<i32>} : memref<80x128xf32, #tpu.memory_space<vmem>>, vector<16xf32>,
        %get3A_446 = arith.index_cast %add3A_400 : i32 to index
        %get3A_447 = arith.constant 96 : index
        %get3A_448 = tpu.vector_load %arg14[%get3A_446, %get3A_447] {strides = array<i32>} : memref<80x128xf32, #tpu.memory_space<vmem>>, vector<16xf32>,
        %mul3A_449 = arith.mulf %get3A_445, %get3A_448 : vector<16xf32>
        %get3A_450 = arith.index_cast %add3A_400 : i32 to index
        %get3A_451 = arith.constant 112 : index
        %get3A_452 = tpu.vector_load %arg13[%get3A_450, %get3A_451] {strides = array<i32>} : memref<80x128xf32, #tpu.memory_space<vmem>>, vector<16xf32>,
        %get3A_453 = arith.index_cast %add3A_400 : i32 to index
        %get3A_454 = arith.constant 112 : index
        %get3A_455 = tpu.vector_load %arg14[%get3A_453, %get3A_454] {strides = array<i32>} : memref<80x128xf32, #tpu.memory_space<vmem>>, vector<16xf32>,
        %mul3A_456 = arith.mulf %get3A_452, %get3A_455 : vector<16xf32>
        %add3A_457 = arith.addf %mul3A_407, %mul3A_414 : vector<16xf32>
        %add3A_458 = arith.addf %mul3A_421, %mul3A_428 : vector<16xf32>
        %add3A_459 = arith.addf %mul3A_435, %mul3A_442 : vector<16xf32>
        %add3A_460 = arith.addf %mul3A_449, %mul3A_456 : vector<16xf32>
        %add3A_461 = arith.addf %add3A_457, %add3A_458 : vector<16xf32>
        %add3A_462 = arith.addf %add3A_459, %add3A_460 : vector<16xf32>
        %add3A_463 = arith.addf %add3A_461, %add3A_462 : vector<16xf32>
        %swap3A_464 = arith.index_cast %add3A_400 : i32 to index
        %swap3A_465 = arith.constant 0 : index
        %swap3A_466 = tpu.vector_load %arg16[%swap3A_464, %swap3A_465] {strides = array<i32>} : memref<80x16xf32, #tpu.memory_space<vmem>>, vector<16xf32>,
        tpu.vector_store %arg16[%swap3A_464, %swap3A_465], %add3A_463 {strides = array<i32>} : memref<80x16xf32, #tpu.memory_space<vmem>>, vector<16xf32>,
        %add3A_467 = arith.constant 5 : i32
        %add3A_468 = arith.addi %mul3A_127, %add3A_467 : i32
        %get3A_469 = arith.index_cast %add3A_468 : i32 to index
        %get3A_470 = arith.constant 0 : index
        %get3A_471 = tpu.vector_load %arg13[%get3A_469, %get3A_470] {strides = array<i32>} : memref<80x128xf32, #tpu.memory_space<vmem>>, vector<16xf32>,
        %get3A_472 = arith.index_cast %add3A_468 : i32 to index
        %get3A_473 = arith.constant 0 : index
        %get3A_474 = tpu.vector_load %arg14[%get3A_472, %get3A_473] {strides = array<i32>} : memref<80x128xf32, #tpu.memory_space<vmem>>, vector<16xf32>,
        %mul3A_475 = arith.mulf %get3A_471, %get3A_474 : vector<16xf32>
        %get3A_476 = arith.index_cast %add3A_468 : i32 to index
        %get3A_477 = arith.constant 16 : index
        %get3A_478 = tpu.vector_load %arg13[%get3A_476, %get3A_477] {strides = array<i32>} : memref<80x128xf32, #tpu.memory_space<vmem>>, vector<16xf32>,
        %get3A_479 = arith.index_cast %add3A_468 : i32 to index
        %get3A_480 = arith.constant 16 : index
        %get3A_481 = tpu.vector_load %arg14[%get3A_479, %get3A_480] {strides = array<i32>} : memref<80x128xf32, #tpu.memory_space<vmem>>, vector<16xf32>,
        %mul3A_482 = arith.mulf %get3A_478, %get3A_481 : vector<16xf32>
        %get3A_483 = arith.index_cast %add3A_468 : i32 to index
        %get3A_484 = arith.constant 32 : index
        %get3A_485 = tpu.vector_load %arg13[%get3A_483, %get3A_484] {strides = array<i32>} : memref<80x128xf32, #tpu.memory_space<vmem>>, vector<16xf32>,
        %get3A_486 = arith.index_cast %add3A_468 : i32 to index
        %get3A_487 = arith.constant 32 : index
        %get3A_488 = tpu.vector_load %arg14[%get3A_486, %get3A_487] {strides = array<i32>} : memref<80x128xf32, #tpu.memory_space<vmem>>, vector<16xf32>,
        %mul3A_489 = arith.mulf %get3A_485, %get3A_488 : vector<16xf32>
        %get3A_490 = arith.index_cast %add3A_468 : i32 to index
        %get3A_491 = arith.constant 48 : index
        %get3A_492 = tpu.vector_load %arg13[%get3A_490, %get3A_491] {strides = array<i32>} : memref<80x128xf32, #tpu.memory_space<vmem>>, vector<16xf32>,
        %get3A_493 = arith.index_cast %add3A_468 : i32 to index
        %get3A_494 = arith.constant 48 : index
        %get3A_495 = tpu.vector_load %arg14[%get3A_493, %get3A_494] {strides = array<i32>} : memref<80x128xf32, #tpu.memory_space<vmem>>, vector<16xf32>,
        %mul3A_496 = arith.mulf %get3A_492, %get3A_495 : vector<16xf32>
        %get3A_497 = arith.index_cast %add3A_468 : i32 to index
        %get3A_498 = arith.constant 64 : index
        %get3A_499 = tpu.vector_load %arg13[%get3A_497, %get3A_498] {strides = array<i32>} : memref<80x128xf32, #tpu.memory_space<vmem>>, vector<16xf32>,
        %get3A_500 = arith.index_cast %add3A_468 : i32 to index
        %get3A_501 = arith.constant 64 : index
        %get3A_502 = tpu.vector_load %arg14[%get3A_500, %get3A_501] {strides = array<i32>} : memref<80x128xf32, #tpu.memory_space<vmem>>, vector<16xf32>,
        %mul3A_503 = arith.mulf %get3A_499, %get3A_502 : vector<16xf32>
        %get3A_504 = arith.index_cast %add3A_468 : i32 to index
        %get3A_505 = arith.constant 80 : index
        %get3A_506 = tpu.vector_load %arg13[%get3A_504, %get3A_505] {strides = array<i32>} : memref<80x128xf32, #tpu.memory_space<vmem>>, vector<16xf32>,
        %get3A_507 = arith.index_cast %add3A_468 : i32 to index
        %get3A_508 = arith.constant 80 : index
        %get3A_509 = tpu.vector_load %arg14[%get3A_507, %get3A_508] {strides = array<i32>} : memref<80x128xf32, #tpu.memory_space<vmem>>, vector<16xf32>,
        %mul3A_510 = arith.mulf %get3A_506, %get3A_509 : vector<16xf32>
        %get3A_511 = arith.index_cast %add3A_468 : i32 to index
        %get3A_512 = arith.constant 96 : index
        %get3A_513 = tpu.vector_load %arg13[%get3A_511, %get3A_512] {strides = array<i32>} : memref<80x128xf32, #tpu.memory_space<vmem>>, vector<16xf32>,
        %get3A_514 = arith.index_cast %add3A_468 : i32 to index
        %get3A_515 = arith.constant 96 : index
        %get3A_516 = tpu.vector_load %arg14[%get3A_514, %get3A_515] {strides = array<i32>} : memref<80x128xf32, #tpu.memory_space<vmem>>, vector<16xf32>,
        %mul3A_517 = arith.mulf %get3A_513, %get3A_516 : vector<16xf32>
        %get3A_518 = arith.index_cast %add3A_468 : i32 to index
        %get3A_519 = arith.constant 112 : index
        %get3A_520 = tpu.vector_load %arg13[%get3A_518, %get3A_519] {strides = array<i32>} : memref<80x128xf32, #tpu.memory_space<vmem>>, vector<16xf32>,
        %get3A_521 = arith.index_cast %add3A_468 : i32 to index
        %get3A_522 = arith.constant 112 : index
        %get3A_523 = tpu.vector_load %arg14[%get3A_521, %get3A_522] {strides = array<i32>} : memref<80x128xf32, #tpu.memory_space<vmem>>, vector<16xf32>,
        %mul3A_524 = arith.mulf %get3A_520, %get3A_523 : vector<16xf32>
        %add3A_525 = arith.addf %mul3A_475, %mul3A_482 : vector<16xf32>
        %add3A_526 = arith.addf %mul3A_489, %mul3A_496 : vector<16xf32>
        %add3A_527 = arith.addf %mul3A_503, %mul3A_510 : vector<16xf32>
        %add3A_528 = arith.addf %mul3A_517, %mul3A_524 : vector<16xf32>
        %add3A_529 = arith.addf %add3A_525, %add3A_526 : vector<16xf32>
        %add3A_530 = arith.addf %add3A_527, %add3A_528 : vector<16xf32>
        %add3A_531 = arith.addf %add3A_529, %add3A_530 : vector<16xf32>
        %swap3A_532 = arith.index_cast %add3A_468 : i32 to index
        %swap3A_533 = arith.constant 0 : index
        %swap3A_534 = tpu.vector_load %arg16[%swap3A_532, %swap3A_533] {strides = array<i32>} : memref<80x16xf32, #tpu.memory_space<vmem>>, vector<16xf32>,
        tpu.vector_store %arg16[%swap3A_532, %swap3A_533], %add3A_531 {strides = array<i32>} : memref<80x16xf32, #tpu.memory_space<vmem>>, vector<16xf32>,
        %add3A_535 = arith.constant 6 : i32
        %add3A_536 = arith.addi %mul3A_127, %add3A_535 : i32
        %get3A_537 = arith.index_cast %add3A_536 : i32 to index
        %get3A_538 = arith.constant 0 : index
        %get3A_539 = tpu.vector_load %arg13[%get3A_537, %get3A_538] {strides = array<i32>} : memref<80x128xf32, #tpu.memory_space<vmem>>, vector<16xf32>,
        %get3A_540 = arith.index_cast %add3A_536 : i32 to index
        %get3A_541 = arith.constant 0 : index
        %get3A_542 = tpu.vector_load %arg14[%get3A_540, %get3A_541] {strides = array<i32>} : memref<80x128xf32, #tpu.memory_space<vmem>>, vector<16xf32>,
        %mul3A_543 = arith.mulf %get3A_539, %get3A_542 : vector<16xf32>
        %get3A_544 = arith.index_cast %add3A_536 : i32 to index
        %get3A_545 = arith.constant 16 : index
        %get3A_546 = tpu.vector_load %arg13[%get3A_544, %get3A_545] {strides = array<i32>} : memref<80x128xf32, #tpu.memory_space<vmem>>, vector<16xf32>,
        %get3A_547 = arith.index_cast %add3A_536 : i32 to index
        %get3A_548 = arith.constant 16 : index
        %get3A_549 = tpu.vector_load %arg14[%get3A_547, %get3A_548] {strides = array<i32>} : memref<80x128xf32, #tpu.memory_space<vmem>>, vector<16xf32>,
        %mul3A_550 = arith.mulf %get3A_546, %get3A_549 : vector<16xf32>
        %get3A_551 = arith.index_cast %add3A_536 : i32 to index
        %get3A_552 = arith.constant 32 : index
        %get3A_553 = tpu.vector_load %arg13[%get3A_551, %get3A_552] {strides = array<i32>} : memref<80x128xf32, #tpu.memory_space<vmem>>, vector<16xf32>,
        %get3A_554 = arith.index_cast %add3A_536 : i32 to index
        %get3A_555 = arith.constant 32 : index
        %get3A_556 = tpu.vector_load %arg14[%get3A_554, %get3A_555] {strides = array<i32>} : memref<80x128xf32, #tpu.memory_space<vmem>>, vector<16xf32>,
        %mul3A_557 = arith.mulf %get3A_553, %get3A_556 : vector<16xf32>
        %get3A_558 = arith.index_cast %add3A_536 : i32 to index
        %get3A_559 = arith.constant 48 : index
        %get3A_560 = tpu.vector_load %arg13[%get3A_558, %get3A_559] {strides = array<i32>} : memref<80x128xf32, #tpu.memory_space<vmem>>, vector<16xf32>,
        %get3A_561 = arith.index_cast %add3A_536 : i32 to index
        %get3A_562 = arith.constant 48 : index
        %get3A_563 = tpu.vector_load %arg14[%get3A_561, %get3A_562] {strides = array<i32>} : memref<80x128xf32, #tpu.memory_space<vmem>>, vector<16xf32>,
        %mul3A_564 = arith.mulf %get3A_560, %get3A_563 : vector<16xf32>
        %get3A_565 = arith.index_cast %add3A_536 : i32 to index
        %get3A_566 = arith.constant 64 : index
        %get3A_567 = tpu.vector_load %arg13[%get3A_565, %get3A_566] {strides = array<i32>} : memref<80x128xf32, #tpu.memory_space<vmem>>, vector<16xf32>,
        %get3A_568 = arith.index_cast %add3A_536 : i32 to index
        %get3A_569 = arith.constant 64 : index
        %get3A_570 = tpu.vector_load %arg14[%get3A_568, %get3A_569] {strides = array<i32>} : memref<80x128xf32, #tpu.memory_space<vmem>>, vector<16xf32>,
        %mul3A_571 = arith.mulf %get3A_567, %get3A_570 : vector<16xf32>
        %get3A_572 = arith.index_cast %add3A_536 : i32 to index
        %get3A_573 = arith.constant 80 : index
        %get3A_574 = tpu.vector_load %arg13[%get3A_572, %get3A_573] {strides = array<i32>} : memref<80x128xf32, #tpu.memory_space<vmem>>, vector<16xf32>,
        %get3A_575 = arith.index_cast %add3A_536 : i32 to index
        %get3A_576 = arith.constant 80 : index
        %get3A_577 = tpu.vector_load %arg14[%get3A_575, %get3A_576] {strides = array<i32>} : memref<80x128xf32, #tpu.memory_space<vmem>>, vector<16xf32>,
        %mul3A_578 = arith.mulf %get3A_574, %get3A_577 : vector<16xf32>
        %get3A_579 = arith.index_cast %add3A_536 : i32 to index
        %get3A_580 = arith.constant 96 : index
        %get3A_581 = tpu.vector_load %arg13[%get3A_579, %get3A_580] {strides = array<i32>} : memref<80x128xf32, #tpu.memory_space<vmem>>, vector<16xf32>,
        %get3A_582 = arith.index_cast %add3A_536 : i32 to index
        %get3A_583 = arith.constant 96 : index
        %get3A_584 = tpu.vector_load %arg14[%get3A_582, %get3A_583] {strides = array<i32>} : memref<80x128xf32, #tpu.memory_space<vmem>>, vector<16xf32>,
        %mul3A_585 = arith.mulf %get3A_581, %get3A_584 : vector<16xf32>
        %get3A_586 = arith.index_cast %add3A_536 : i32 to index
        %get3A_587 = arith.constant 112 : index
        %get3A_588 = tpu.vector_load %arg13[%get3A_586, %get3A_587] {strides = array<i32>} : memref<80x128xf32, #tpu.memory_space<vmem>>, vector<16xf32>,
        %get3A_589 = arith.index_cast %add3A_536 : i32 to index
        %get3A_590 = arith.constant 112 : index
        %get3A_591 = tpu.vector_load %arg14[%get3A_589, %get3A_590] {strides = array<i32>} : memref<80x128xf32, #tpu.memory_space<vmem>>, vector<16xf32>,
        %mul3A_592 = arith.mulf %get3A_588, %get3A_591 : vector<16xf32>
        %add3A_593 = arith.addf %mul3A_543, %mul3A_550 : vector<16xf32>
        %add3A_594 = arith.addf %mul3A_557, %mul3A_564 : vector<16xf32>
        %add3A_595 = arith.addf %mul3A_571, %mul3A_578 : vector<16xf32>
        %add3A_596 = arith.addf %mul3A_585, %mul3A_592 : vector<16xf32>
        %add3A_597 = arith.addf %add3A_593, %add3A_594 : vector<16xf32>
        %add3A_598 = arith.addf %add3A_595, %add3A_596 : vector<16xf32>
        %add3A_599 = arith.addf %add3A_597, %add3A_598 : vector<16xf32>
        %swap3A_600 = arith.index_cast %add3A_536 : i32 to index
        %swap3A_601 = arith.constant 0 : index
        %swap3A_602 = tpu.vector_load %arg16[%swap3A_600, %swap3A_601] {strides = array<i32>} : memref<80x16xf32, #tpu.memory_space<vmem>>, vector<16xf32>,
        tpu.vector_store %arg16[%swap3A_600, %swap3A_601], %add3A_599 {strides = array<i32>} : memref<80x16xf32, #tpu.memory_space<vmem>>, vector<16xf32>,
        %add3A_603 = arith.constant 7 : i32
        %add3A_604 = arith.addi %mul3A_127, %add3A_603 : i32
        %get3A_605 = arith.index_cast %add3A_604 : i32 to index
        %get3A_606 = arith.constant 0 : index
        %get3A_607 = tpu.vector_load %arg13[%get3A_605, %get3A_606] {strides = array<i32>} : memref<80x128xf32, #tpu.memory_space<vmem>>, vector<16xf32>,
        %get3A_608 = arith.index_cast %add3A_604 : i32 to index
        %get3A_609 = arith.constant 0 : index
        %get3A_610 = tpu.vector_load %arg14[%get3A_608, %get3A_609] {strides = array<i32>} : memref<80x128xf32, #tpu.memory_space<vmem>>, vector<16xf32>,
        %mul3A_611 = arith.mulf %get3A_607, %get3A_610 : vector<16xf32>
        %get3A_612 = arith.index_cast %add3A_604 : i32 to index
        %get3A_613 = arith.constant 16 : index
        %get3A_614 = tpu.vector_load %arg13[%get3A_612, %get3A_613] {strides = array<i32>} : memref<80x128xf32, #tpu.memory_space<vmem>>, vector<16xf32>,
        %get3A_615 = arith.index_cast %add3A_604 : i32 to index
        %get3A_616 = arith.constant 16 : index
        %get3A_617 = tpu.vector_load %arg14[%get3A_615, %get3A_616] {strides = array<i32>} : memref<80x128xf32, #tpu.memory_space<vmem>>, vector<16xf32>,
        %mul3A_618 = arith.mulf %get3A_614, %get3A_617 : vector<16xf32>
        %get3A_619 = arith.index_cast %add3A_604 : i32 to index
        %get3A_620 = arith.constant 32 : index
        %get3A_621 = tpu.vector_load %arg13[%get3A_619, %get3A_620] {strides = array<i32>} : memref<80x128xf32, #tpu.memory_space<vmem>>, vector<16xf32>,
        %get3A_622 = arith.index_cast %add3A_604 : i32 to index
        %get3A_623 = arith.constant 32 : index
        %get3A_624 = tpu.vector_load %arg14[%get3A_622, %get3A_623] {strides = array<i32>} : memref<80x128xf32, #tpu.memory_space<vmem>>, vector<16xf32>,
        %mul3A_625 = arith.mulf %get3A_621, %get3A_624 : vector<16xf32>
        %get3A_626 = arith.index_cast %add3A_604 : i32 to index
        %get3A_627 = arith.constant 48 : index
        %get3A_628 = tpu.vector_load %arg13[%get3A_626, %get3A_627] {strides = array<i32>} : memref<80x128xf32, #tpu.memory_space<vmem>>, vector<16xf32>,
        %get3A_629 = arith.index_cast %add3A_604 : i32 to index
        %get3A_630 = arith.constant 48 : index
        %get3A_631 = tpu.vector_load %arg14[%get3A_629, %get3A_630] {strides = array<i32>} : memref<80x128xf32, #tpu.memory_space<vmem>>, vector<16xf32>,
        %mul3A_632 = arith.mulf %get3A_628, %get3A_631 : vector<16xf32>
        %get3A_633 = arith.index_cast %add3A_604 : i32 to index
        %get3A_634 = arith.constant 64 : index
        %get3A_635 = tpu.vector_load %arg13[%get3A_633, %get3A_634] {strides = array<i32>} : memref<80x128xf32, #tpu.memory_space<vmem>>, vector<16xf32>,
        %get3A_636 = arith.index_cast %add3A_604 : i32 to index
        %get3A_637 = arith.constant 64 : index
        %get3A_638 = tpu.vector_load %arg14[%get3A_636, %get3A_637] {strides = array<i32>} : memref<80x128xf32, #tpu.memory_space<vmem>>, vector<16xf32>,
        %mul3A_639 = arith.mulf %get3A_635, %get3A_638 : vector<16xf32>
        %get3A_640 = arith.index_cast %add3A_604 : i32 to index
        %get3A_641 = arith.constant 80 : index
        %get3A_642 = tpu.vector_load %arg13[%get3A_640, %get3A_641] {strides = array<i32>} : memref<80x128xf32, #tpu.memory_space<vmem>>, vector<16xf32>,
        %get3A_643 = arith.index_cast %add3A_604 : i32 to index
        %get3A_644 = arith.constant 80 : index
        %get3A_645 = tpu.vector_load %arg14[%get3A_643, %get3A_644] {strides = array<i32>} : memref<80x128xf32, #tpu.memory_space<vmem>>, vector<16xf32>,
        %mul3A_646 = arith.mulf %get3A_642, %get3A_645 : vector<16xf32>
        %get3A_647 = arith.index_cast %add3A_604 : i32 to index
        %get3A_648 = arith.constant 96 : index
        %get3A_649 = tpu.vector_load %arg13[%get3A_647, %get3A_648] {strides = array<i32>} : memref<80x128xf32, #tpu.memory_space<vmem>>, vector<16xf32>,
        %get3A_650 = arith.index_cast %add3A_604 : i32 to index
        %get3A_651 = arith.constant 96 : index
        %get3A_652 = tpu.vector_load %arg14[%get3A_650, %get3A_651] {strides = array<i32>} : memref<80x128xf32, #tpu.memory_space<vmem>>, vector<16xf32>,
        %mul3A_653 = arith.mulf %get3A_649, %get3A_652 : vector<16xf32>
        %get3A_654 = arith.index_cast %add3A_604 : i32 to index
        %get3A_655 = arith.constant 112 : index
        %get3A_656 = tpu.vector_load %arg13[%get3A_654, %get3A_655] {strides = array<i32>} : memref<80x128xf32, #tpu.memory_space<vmem>>, vector<16xf32>,
        %get3A_657 = arith.index_cast %add3A_604 : i32 to index
        %get3A_658 = arith.constant 112 : index
        %get3A_659 = tpu.vector_load %arg14[%get3A_657, %get3A_658] {strides = array<i32>} : memref<80x128xf32, #tpu.memory_space<vmem>>, vector<16xf32>,
        %mul3A_660 = arith.mulf %get3A_656, %get3A_659 : vector<16xf32>
        %add3A_661 = arith.addf %mul3A_611, %mul3A_618 : vector<16xf32>
        %add3A_662 = arith.addf %mul3A_625, %mul3A_632 : vector<16xf32>
        %add3A_663 = arith.addf %mul3A_639, %mul3A_646 : vector<16xf32>
        %add3A_664 = arith.addf %mul3A_653, %mul3A_660 : vector<16xf32>
        %add3A_665 = arith.addf %add3A_661, %add3A_662 : vector<16xf32>
        %add3A_666 = arith.addf %add3A_663, %add3A_664 : vector<16xf32>
        %add3A_667 = arith.addf %add3A_665, %add3A_666 : vector<16xf32>
        %swap3A_668 = arith.index_cast %add3A_604 : i32 to index
        %swap3A_669 = arith.constant 0 : index
        %swap3A_670 = tpu.vector_load %arg16[%swap3A_668, %swap3A_669] {strides = array<i32>} : memref<80x16xf32, #tpu.memory_space<vmem>>, vector<16xf32>,
        tpu.vector_store %arg16[%swap3A_668, %swap3A_669], %add3A_667 {strides = array<i32>} : memref<80x16xf32, #tpu.memory_space<vmem>>, vector<16xf32>,
        %add3A_671 = arith.constant 8 : i32
        %add3A_672 = arith.addi %mul3A_127, %add3A_671 : i32
        %get3A_673 = arith.index_cast %add3A_672 : i32 to index
        %get3A_674 = arith.constant 0 : index
        %get3A_675 = tpu.vector_load %arg13[%get3A_673, %get3A_674] {strides = array<i32>} : memref<80x128xf32, #tpu.memory_space<vmem>>, vector<16xf32>,
        %get3A_676 = arith.index_cast %add3A_672 : i32 to index
        %get3A_677 = arith.constant 0 : index
        %get3A_678 = tpu.vector_load %arg14[%get3A_676, %get3A_677] {strides = array<i32>} : memref<80x128xf32, #tpu.memory_space<vmem>>, vector<16xf32>,
        %mul3A_679 = arith.mulf %get3A_675, %get3A_678 : vector<16xf32>
        %get3A_680 = arith.index_cast %add3A_672 : i32 to index
        %get3A_681 = arith.constant 16 : index
        %get3A_682 = tpu.vector_load %arg13[%get3A_680, %get3A_681] {strides = array<i32>} : memref<80x128xf32, #tpu.memory_space<vmem>>, vector<16xf32>,
        %get3A_683 = arith.index_cast %add3A_672 : i32 to index
        %get3A_684 = arith.constant 16 : index
        %get3A_685 = tpu.vector_load %arg14[%get3A_683, %get3A_684] {strides = array<i32>} : memref<80x128xf32, #tpu.memory_space<vmem>>, vector<16xf32>,
        %mul3A_686 = arith.mulf %get3A_682, %get3A_685 : vector<16xf32>
        %get3A_687 = arith.index_cast %add3A_672 : i32 to index
        %get3A_688 = arith.constant 32 : index
        %get3A_689 = tpu.vector_load %arg13[%get3A_687, %get3A_688] {strides = array<i32>} : memref<80x128xf32, #tpu.memory_space<vmem>>, vector<16xf32>,
        %get3A_690 = arith.index_cast %add3A_672 : i32 to index
        %get3A_691 = arith.constant 32 : index
        %get3A_692 = tpu.vector_load %arg14[%get3A_690, %get3A_691] {strides = array<i32>} : memref<80x128xf32, #tpu.memory_space<vmem>>, vector<16xf32>,
        %mul3A_693 = arith.mulf %get3A_689, %get3A_692 : vector<16xf32>
        %get3A_694 = arith.index_cast %add3A_672 : i32 to index
        %get3A_695 = arith.constant 48 : index
        %get3A_696 = tpu.vector_load %arg13[%get3A_694, %get3A_695] {strides = array<i32>} : memref<80x128xf32, #tpu.memory_space<vmem>>, vector<16xf32>,
        %get3A_697 = arith.index_cast %add3A_672 : i32 to index
        %get3A_698 = arith.constant 48 : index
        %get3A_699 = tpu.vector_load %arg14[%get3A_697, %get3A_698] {strides = array<i32>} : memref<80x128xf32, #tpu.memory_space<vmem>>, vector<16xf32>,
        %mul3A_700 = arith.mulf %get3A_696, %get3A_699 : vector<16xf32>
        %get3A_701 = arith.index_cast %add3A_672 : i32 to index
        %get3A_702 = arith.constant 64 : index
        %get3A_703 = tpu.vector_load %arg13[%get3A_701, %get3A_702] {strides = array<i32>} : memref<80x128xf32, #tpu.memory_space<vmem>>, vector<16xf32>,
        %get3A_704 = arith.index_cast %add3A_672 : i32 to index
        %get3A_705 = arith.constant 64 : index
        %get3A_706 = tpu.vector_load %arg14[%get3A_704, %get3A_705] {strides = array<i32>} : memref<80x128xf32, #tpu.memory_space<vmem>>, vector<16xf32>,
        %mul3A_707 = arith.mulf %get3A_703, %get3A_706 : vector<16xf32>
        %get3A_708 = arith.index_cast %add3A_672 : i32 to index
        %get3A_709 = arith.constant 80 : index
        %get3A_710 = tpu.vector_load %arg13[%get3A_708, %get3A_709] {strides = array<i32>} : memref<80x128xf32, #tpu.memory_space<vmem>>, vector<16xf32>,
        %get3A_711 = arith.index_cast %add3A_672 : i32 to index
        %get3A_712 = arith.constant 80 : index
        %get3A_713 = tpu.vector_load %arg14[%get3A_711, %get3A_712] {strides = array<i32>} : memref<80x128xf32, #tpu.memory_space<vmem>>, vector<16xf32>,
        %mul3A_714 = arith.mulf %get3A_710, %get3A_713 : vector<16xf32>
        %get3A_715 = arith.index_cast %add3A_672 : i32 to index
        %get3A_716 = arith.constant 96 : index
        %get3A_717 = tpu.vector_load %arg13[%get3A_715, %get3A_716] {strides = array<i32>} : memref<80x128xf32, #tpu.memory_space<vmem>>, vector<16xf32>,
        %get3A_718 = arith.index_cast %add3A_672 : i32 to index
        %get3A_719 = arith.constant 96 : index
        %get3A_720 = tpu.vector_load %arg14[%get3A_718, %get3A_719] {strides = array<i32>} : memref<80x128xf32, #tpu.memory_space<vmem>>, vector<16xf32>,
        %mul3A_721 = arith.mulf %get3A_717, %get3A_720 : vector<16xf32>
        %get3A_722 = arith.index_cast %add3A_672 : i32 to index
        %get3A_723 = arith.constant 112 : index
        %get3A_724 = tpu.vector_load %arg13[%get3A_722, %get3A_723] {strides = array<i32>} : memref<80x128xf32, #tpu.memory_space<vmem>>, vector<16xf32>,
        %get3A_725 = arith.index_cast %add3A_672 : i32 to index
        %get3A_726 = arith.constant 112 : index
        %get3A_727 = tpu.vector_load %arg14[%get3A_725, %get3A_726] {strides = array<i32>} : memref<80x128xf32, #tpu.memory_space<vmem>>, vector<16xf32>,
        %mul3A_728 = arith.mulf %get3A_724, %get3A_727 : vector<16xf32>
        %add3A_729 = arith.addf %mul3A_679, %mul3A_686 : vector<16xf32>
        %add3A_730 = arith.addf %mul3A_693, %mul3A_700 : vector<16xf32>
        %add3A_731 = arith.addf %mul3A_707, %mul3A_714 : vector<16xf32>
        %add3A_732 = arith.addf %mul3A_721, %mul3A_728 : vector<16xf32>
        %add3A_733 = arith.addf %add3A_729, %add3A_730 : vector<16xf32>
        %add3A_734 = arith.addf %add3A_731, %add3A_732 : vector<16xf32>
        %add3A_735 = arith.addf %add3A_733, %add3A_734 : vector<16xf32>
        %swap3A_736 = arith.index_cast %add3A_672 : i32 to index
        %swap3A_737 = arith.constant 0 : index
        %swap3A_738 = tpu.vector_load %arg16[%swap3A_736, %swap3A_737] {strides = array<i32>} : memref<80x16xf32, #tpu.memory_space<vmem>>, vector<16xf32>,
        tpu.vector_store %arg16[%swap3A_736, %swap3A_737], %add3A_735 {strides = array<i32>} : memref<80x16xf32, #tpu.memory_space<vmem>>, vector<16xf32>,
        %add3A_739 = arith.constant 9 : i32
        %add3A_740 = arith.addi %mul3A_127, %add3A_739 : i32
        %get3A_741 = arith.index_cast %add3A_740 : i32 to index
        %get3A_742 = arith.constant 0 : index
        %get3A_743 = tpu.vector_load %arg13[%get3A_741, %get3A_742] {strides = array<i32>} : memref<80x128xf32, #tpu.memory_space<vmem>>, vector<16xf32>,
        %get3A_744 = arith.index_cast %add3A_740 : i32 to index
        %get3A_745 = arith.constant 0 : index
        %get3A_746 = tpu.vector_load %arg14[%get3A_744, %get3A_745] {strides = array<i32>} : memref<80x128xf32, #tpu.memory_space<vmem>>, vector<16xf32>,
        %mul3A_747 = arith.mulf %get3A_743, %get3A_746 : vector<16xf32>
        %get3A_748 = arith.index_cast %add3A_740 : i32 to index
        %get3A_749 = arith.constant 16 : index
        %get3A_750 = tpu.vector_load %arg13[%get3A_748, %get3A_749] {strides = array<i32>} : memref<80x128xf32, #tpu.memory_space<vmem>>, vector<16xf32>,
        %get3A_751 = arith.index_cast %add3A_740 : i32 to index
        %get3A_752 = arith.constant 16 : index
        %get3A_753 = tpu.vector_load %arg14[%get3A_751, %get3A_752] {strides = array<i32>} : memref<80x128xf32, #tpu.memory_space<vmem>>, vector<16xf32>,
        %mul3A_754 = arith.mulf %get3A_750, %get3A_753 : vector<16xf32>
        %get3A_755 = arith.index_cast %add3A_740 : i32 to index
        %get3A_756 = arith.constant 32 : index
        %get3A_757 = tpu.vector_load %arg13[%get3A_755, %get3A_756] {strides = array<i32>} : memref<80x128xf32, #tpu.memory_space<vmem>>, vector<16xf32>,
        %get3A_758 = arith.index_cast %add3A_740 : i32 to index
        %get3A_759 = arith.constant 32 : index
        %get3A_760 = tpu.vector_load %arg14[%get3A_758, %get3A_759] {strides = array<i32>} : memref<80x128xf32, #tpu.memory_space<vmem>>, vector<16xf32>,
        %mul3A_761 = arith.mulf %get3A_757, %get3A_760 : vector<16xf32>
        %get3A_762 = arith.index_cast %add3A_740 : i32 to index
        %get3A_763 = arith.constant 48 : index
        %get3A_764 = tpu.vector_load %arg13[%get3A_762, %get3A_763] {strides = array<i32>} : memref<80x128xf32, #tpu.memory_space<vmem>>, vector<16xf32>,
        %get3A_765 = arith.index_cast %add3A_740 : i32 to index
        %get3A_766 = arith.constant 48 : index
        %get3A_767 = tpu.vector_load %arg14[%get3A_765, %get3A_766] {strides = array<i32>} : memref<80x128xf32, #tpu.memory_space<vmem>>, vector<16xf32>,
        %mul3A_768 = arith.mulf %get3A_764, %get3A_767 : vector<16xf32>
        %get3A_769 = arith.index_cast %add3A_740 : i32 to index
        %get3A_770 = arith.constant 64 : index
        %get3A_771 = tpu.vector_load %arg13[%get3A_769, %get3A_770] {strides = array<i32>} : memref<80x128xf32, #tpu.memory_space<vmem>>, vector<16xf32>,
        %get3A_772 = arith.index_cast %add3A_740 : i32 to index
        %get3A_773 = arith.constant 64 : index
        %get3A_774 = tpu.vector_load %arg14[%get3A_772, %get3A_773] {strides = array<i32>} : memref<80x128xf32, #tpu.memory_space<vmem>>, vector<16xf32>,
        %mul3A_775 = arith.mulf %get3A_771, %get3A_774 : vector<16xf32>
        %get3A_776 = arith.index_cast %add3A_740 : i32 to index
        %get3A_777 = arith.constant 80 : index
        %get3A_778 = tpu.vector_load %arg13[%get3A_776, %get3A_777] {strides = array<i32>} : memref<80x128xf32, #tpu.memory_space<vmem>>, vector<16xf32>,
        %get3A_779 = arith.index_cast %add3A_740 : i32 to index
        %get3A_780 = arith.constant 80 : index
        %get3A_781 = tpu.vector_load %arg14[%get3A_779, %get3A_780] {strides = array<i32>} : memref<80x128xf32, #tpu.memory_space<vmem>>, vector<16xf32>,
        %mul3A_782 = arith.mulf %get3A_778, %get3A_781 : vector<16xf32>
        %get3A_783 = arith.index_cast %add3A_740 : i32 to index
        %get3A_784 = arith.constant 96 : index
        %get3A_785 = tpu.vector_load %arg13[%get3A_783, %get3A_784] {strides = array<i32>} : memref<80x128xf32, #tpu.memory_space<vmem>>, vector<16xf32>,
        %get3A_786 = arith.index_cast %add3A_740 : i32 to index
        %get3A_787 = arith.constant 96 : index
        %get3A_788 = tpu.vector_load %arg14[%get3A_786, %get3A_787] {strides = array<i32>} : memref<80x128xf32, #tpu.memory_space<vmem>>, vector<16xf32>,
        %mul3A_789 = arith.mulf %get3A_785, %get3A_788 : vector<16xf32>
        %get3A_790 = arith.index_cast %add3A_740 : i32 to index
        %get3A_791 = arith.constant 112 : index
        %get3A_792 = tpu.vector_load %arg13[%get3A_790, %get3A_791] {strides = array<i32>} : memref<80x128xf32, #tpu.memory_space<vmem>>, vector<16xf32>,
        %get3A_793 = arith.index_cast %add3A_740 : i32 to index
        %get3A_794 = arith.constant 112 : index
        %get3A_795 = tpu.vector_load %arg14[%get3A_793, %get3A_794] {strides = array<i32>} : memref<80x128xf32, #tpu.memory_space<vmem>>, vector<16xf32>,
        %mul3A_796 = arith.mulf %get3A_792, %get3A_795 : vector<16xf32>
        %add3A_797 = arith.addf %mul3A_747, %mul3A_754 : vector<16xf32>
        %add3A_798 = arith.addf %mul3A_761, %mul3A_768 : vector<16xf32>
        %add3A_799 = arith.addf %mul3A_775, %mul3A_782 : vector<16xf32>
        %add3A_800 = arith.addf %mul3A_789, %mul3A_796 : vector<16xf32>
        %add3A_801 = arith.addf %add3A_797, %add3A_798 : vector<16xf32>
        %add3A_802 = arith.addf %add3A_799, %add3A_800 : vector<16xf32>
        %add3A_803 = arith.addf %add3A_801, %add3A_802 : vector<16xf32>
        %swap3A_804 = arith.index_cast %add3A_740 : i32 to index
        %swap3A_805 = arith.constant 0 : index
        %swap3A_806 = tpu.vector_load %arg16[%swap3A_804, %swap3A_805] {strides = array<i32>} : memref<80x16xf32, #tpu.memory_space<vmem>>, vector<16xf32>,
        tpu.vector_store %arg16[%swap3A_804, %swap3A_805], %add3A_803 {strides = array<i32>} : memref<80x16xf32, #tpu.memory_space<vmem>>, vector<16xf32>,
        %add3A_807 = arith.constant 10 : i32
        %add3A_808 = arith.addi %mul3A_127, %add3A_807 : i32
        %get3A_809 = arith.index_cast %add3A_808 : i32 to index
        %get3A_810 = arith.constant 0 : index
        %get3A_811 = tpu.vector_load %arg13[%get3A_809, %get3A_810] {strides = array<i32>} : memref<80x128xf32, #tpu.memory_space<vmem>>, vector<16xf32>,
        %get3A_812 = arith.index_cast %add3A_808 : i32 to index
        %get3A_813 = arith.constant 0 : index
        %get3A_814 = tpu.vector_load %arg14[%get3A_812, %get3A_813] {strides = array<i32>} : memref<80x128xf32, #tpu.memory_space<vmem>>, vector<16xf32>,
        %mul3A_815 = arith.mulf %get3A_811, %get3A_814 : vector<16xf32>
        %get3A_816 = arith.index_cast %add3A_808 : i32 to index
        %get3A_817 = arith.constant 16 : index
        %get3A_818 = tpu.vector_load %arg13[%get3A_816, %get3A_817] {strides = array<i32>} : memref<80x128xf32, #tpu.memory_space<vmem>>, vector<16xf32>,
        %get3A_819 = arith.index_cast %add3A_808 : i32 to index
        %get3A_820 = arith.constant 16 : index
        %get3A_821 = tpu.vector_load %arg14[%get3A_819, %get3A_820] {strides = array<i32>} : memref<80x128xf32, #tpu.memory_space<vmem>>, vector<16xf32>,
        %mul3A_822 = arith.mulf %get3A_818, %get3A_821 : vector<16xf32>
        %get3A_823 = arith.index_cast %add3A_808 : i32 to index
        %get3A_824 = arith.constant 32 : index
        %get3A_825 = tpu.vector_load %arg13[%get3A_823, %get3A_824] {strides = array<i32>} : memref<80x128xf32, #tpu.memory_space<vmem>>, vector<16xf32>,
        %get3A_826 = arith.index_cast %add3A_808 : i32 to index
        %get3A_827 = arith.constant 32 : index
        %get3A_828 = tpu.vector_load %arg14[%get3A_826, %get3A_827] {strides = array<i32>} : memref<80x128xf32, #tpu.memory_space<vmem>>, vector<16xf32>,
        %mul3A_829 = arith.mulf %get3A_825, %get3A_828 : vector<16xf32>
        %get3A_830 = arith.index_cast %add3A_808 : i32 to index
        %get3A_831 = arith.constant 48 : index
        %get3A_832 = tpu.vector_load %arg13[%get3A_830, %get3A_831] {strides = array<i32>} : memref<80x128xf32, #tpu.memory_space<vmem>>, vector<16xf32>,
        %get3A_833 = arith.index_cast %add3A_808 : i32 to index
        %get3A_834 = arith.constant 48 : index
        %get3A_835 = tpu.vector_load %arg14[%get3A_833, %get3A_834] {strides = array<i32>} : memref<80x128xf32, #tpu.memory_space<vmem>>, vector<16xf32>,
        %mul3A_836 = arith.mulf %get3A_832, %get3A_835 : vector<16xf32>
        %get3A_837 = arith.index_cast %add3A_808 : i32 to index
        %get3A_838 = arith.constant 64 : index
        %get3A_839 = tpu.vector_load %arg13[%get3A_837, %get3A_838] {strides = array<i32>} : memref<80x128xf32, #tpu.memory_space<vmem>>, vector<16xf32>,
        %get3A_840 = arith.index_cast %add3A_808 : i32 to index
        %get3A_841 = arith.constant 64 : index
        %get3A_842 = tpu.vector_load %arg14[%get3A_840, %get3A_841] {strides = array<i32>} : memref<80x128xf32, #tpu.memory_space<vmem>>, vector<16xf32>,
        %mul3A_843 = arith.mulf %get3A_839, %get3A_842 : vector<16xf32>
        %get3A_844 = arith.index_cast %add3A_808 : i32 to index
        %get3A_845 = arith.constant 80 : index
        %get3A_846 = tpu.vector_load %arg13[%get3A_844, %get3A_845] {strides = array<i32>} : memref<80x128xf32, #tpu.memory_space<vmem>>, vector<16xf32>,
        %get3A_847 = arith.index_cast %add3A_808 : i32 to index
        %get3A_848 = arith.constant 80 : index
        %get3A_849 = tpu.vector_load %arg14[%get3A_847, %get3A_848] {strides = array<i32>} : memref<80x128xf32, #tpu.memory_space<vmem>>, vector<16xf32>,
        %mul3A_850 = arith.mulf %get3A_846, %get3A_849 : vector<16xf32>
        %get3A_851 = arith.index_cast %add3A_808 : i32 to index
        %get3A_852 = arith.constant 96 : index
        %get3A_853 = tpu.vector_load %arg13[%get3A_851, %get3A_852] {strides = array<i32>} : memref<80x128xf32, #tpu.memory_space<vmem>>, vector<16xf32>,
        %get3A_854 = arith.index_cast %add3A_808 : i32 to index
        %get3A_855 = arith.constant 96 : index
        %get3A_856 = tpu.vector_load %arg14[%get3A_854, %get3A_855] {strides = array<i32>} : memref<80x128xf32, #tpu.memory_space<vmem>>, vector<16xf32>,
        %mul3A_857 = arith.mulf %get3A_853, %get3A_856 : vector<16xf32>
        %get3A_858 = arith.index_cast %add3A_808 : i32 to index
        %get3A_859 = arith.constant 112 : index
        %get3A_860 = tpu.vector_load %arg13[%get3A_858, %get3A_859] {strides = array<i32>} : memref<80x128xf32, #tpu.memory_space<vmem>>, vector<16xf32>,
        %get3A_861 = arith.index_cast %add3A_808 : i32 to index
        %get3A_862 = arith.constant 112 : index
        %get3A_863 = tpu.vector_load %arg14[%get3A_861, %get3A_862] {strides = array<i32>} : memref<80x128xf32, #tpu.memory_space<vmem>>, vector<16xf32>,
        %mul3A_864 = arith.mulf %get3A_860, %get3A_863 : vector<16xf32>
        %add3A_865 = arith.addf %mul3A_815, %mul3A_822 : vector<16xf32>
        %add3A_866 = arith.addf %mul3A_829, %mul3A_836 : vector<16xf32>
        %add3A_867 = arith.addf %mul3A_843, %mul3A_850 : vector<16xf32>
        %add3A_868 = arith.addf %mul3A_857, %mul3A_864 : vector<16xf32>
        %add3A_869 = arith.addf %add3A_865, %add3A_866 : vector<16xf32>
        %add3A_870 = arith.addf %add3A_867, %add3A_868 : vector<16xf32>
        %add3A_871 = arith.addf %add3A_869, %add3A_870 : vector<16xf32>
        %swap3A_872 = arith.index_cast %add3A_808 : i32 to index
        %swap3A_873 = arith.constant 0 : index
        %swap3A_874 = tpu.vector_load %arg16[%swap3A_872, %swap3A_873] {strides = array<i32>} : memref<80x16xf32, #tpu.memory_space<vmem>>, vector<16xf32>,
        tpu.vector_store %arg16[%swap3A_872, %swap3A_873], %add3A_871 {strides = array<i32>} : memref<80x16xf32, #tpu.memory_space<vmem>>, vector<16xf32>,
        %add3A_875 = arith.constant 11 : i32
        %add3A_876 = arith.addi %mul3A_127, %add3A_875 : i32
        %get3A_877 = arith.index_cast %add3A_876 : i32 to index
        %get3A_878 = arith.constant 0 : index
        %get3A_879 = tpu.vector_load %arg13[%get3A_877, %get3A_878] {strides = array<i32>} : memref<80x128xf32, #tpu.memory_space<vmem>>, vector<16xf32>,
        %get3A_880 = arith.index_cast %add3A_876 : i32 to index
        %get3A_881 = arith.constant 0 : index
        %get3A_882 = tpu.vector_load %arg14[%get3A_880, %get3A_881] {strides = array<i32>} : memref<80x128xf32, #tpu.memory_space<vmem>>, vector<16xf32>,
        %mul3A_883 = arith.mulf %get3A_879, %get3A_882 : vector<16xf32>
        %get3A_884 = arith.index_cast %add3A_876 : i32 to index
        %get3A_885 = arith.constant 16 : index
        %get3A_886 = tpu.vector_load %arg13[%get3A_884, %get3A_885] {strides = array<i32>} : memref<80x128xf32, #tpu.memory_space<vmem>>, vector<16xf32>,
        %get3A_887 = arith.index_cast %add3A_876 : i32 to index
        %get3A_888 = arith.constant 16 : index
        %get3A_889 = tpu.vector_load %arg14[%get3A_887, %get3A_888] {strides = array<i32>} : memref<80x128xf32, #tpu.memory_space<vmem>>, vector<16xf32>,
        %mul3A_890 = arith.mulf %get3A_886, %get3A_889 : vector<16xf32>
        %get3A_891 = arith.index_cast %add3A_876 : i32 to index
        %get3A_892 = arith.constant 32 : index
        %get3A_893 = tpu.vector_load %arg13[%get3A_891, %get3A_892] {strides = array<i32>} : memref<80x128xf32, #tpu.memory_space<vmem>>, vector<16xf32>,
        %get3A_894 = arith.index_cast %add3A_876 : i32 to index
        %get3A_895 = arith.constant 32 : index
        %get3A_896 = tpu.vector_load %arg14[%get3A_894, %get3A_895] {strides = array<i32>} : memref<80x128xf32, #tpu.memory_space<vmem>>, vector<16xf32>,
        %mul3A_897 = arith.mulf %get3A_893, %get3A_896 : vector<16xf32>
        %get3A_898 = arith.index_cast %add3A_876 : i32 to index
        %get3A_899 = arith.constant 48 : index
        %get3A_900 = tpu.vector_load %arg13[%get3A_898, %get3A_899] {strides = array<i32>} : memref<80x128xf32, #tpu.memory_space<vmem>>, vector<16xf32>,
        %get3A_901 = arith.index_cast %add3A_876 : i32 to index
        %get3A_902 = arith.constant 48 : index
        %get3A_903 = tpu.vector_load %arg14[%get3A_901, %get3A_902] {strides = array<i32>} : memref<80x128xf32, #tpu.memory_space<vmem>>, vector<16xf32>,
        %mul3A_904 = arith.mulf %get3A_900, %get3A_903 : vector<16xf32>
        %get3A_905 = arith.index_cast %add3A_876 : i32 to index
        %get3A_906 = arith.constant 64 : index
        %get3A_907 = tpu.vector_load %arg13[%get3A_905, %get3A_906] {strides = array<i32>} : memref<80x128xf32, #tpu.memory_space<vmem>>, vector<16xf32>,
        %get3A_908 = arith.index_cast %add3A_876 : i32 to index
        %get3A_909 = arith.constant 64 : index
        %get3A_910 = tpu.vector_load %arg14[%get3A_908, %get3A_909] {strides = array<i32>} : memref<80x128xf32, #tpu.memory_space<vmem>>, vector<16xf32>,
        %mul3A_911 = arith.mulf %get3A_907, %get3A_910 : vector<16xf32>
        %get3A_912 = arith.index_cast %add3A_876 : i32 to index
        %get3A_913 = arith.constant 80 : index
        %get3A_914 = tpu.vector_load %arg13[%get3A_912, %get3A_913] {strides = array<i32>} : memref<80x128xf32, #tpu.memory_space<vmem>>, vector<16xf32>,
        %get3A_915 = arith.index_cast %add3A_876 : i32 to index
        %get3A_916 = arith.constant 80 : index
        %get3A_917 = tpu.vector_load %arg14[%get3A_915, %get3A_916] {strides = array<i32>} : memref<80x128xf32, #tpu.memory_space<vmem>>, vector<16xf32>,
        %mul3A_918 = arith.mulf %get3A_914, %get3A_917 : vector<16xf32>
        %get3A_919 = arith.index_cast %add3A_876 : i32 to index
        %get3A_920 = arith.constant 96 : index
        %get3A_921 = tpu.vector_load %arg13[%get3A_919, %get3A_920] {strides = array<i32>} : memref<80x128xf32, #tpu.memory_space<vmem>>, vector<16xf32>,
        %get3A_922 = arith.index_cast %add3A_876 : i32 to index
        %get3A_923 = arith.constant 96 : index
        %get3A_924 = tpu.vector_load %arg14[%get3A_922, %get3A_923] {strides = array<i32>} : memref<80x128xf32, #tpu.memory_space<vmem>>, vector<16xf32>,
        %mul3A_925 = arith.mulf %get3A_921, %get3A_924 : vector<16xf32>
        %get3A_926 = arith.index_cast %add3A_876 : i32 to index
        %get3A_927 = arith.constant 112 : index
        %get3A_928 = tpu.vector_load %arg13[%get3A_926, %get3A_927] {strides = array<i32>} : memref<80x128xf32, #tpu.memory_space<vmem>>, vector<16xf32>,
        %get3A_929 = arith.index_cast %add3A_876 : i32 to index
        %get3A_930 = arith.constant 112 : index
        %get3A_931 = tpu.vector_load %arg14[%get3A_929, %get3A_930] {strides = array<i32>} : memref<80x128xf32, #tpu.memory_space<vmem>>, vector<16xf32>,
        %mul3A_932 = arith.mulf %get3A_928, %get3A_931 : vector<16xf32>
        %add3A_933 = arith.addf %mul3A_883, %mul3A_890 : vector<16xf32>
        %add3A_934 = arith.addf %mul3A_897, %mul3A_904 : vector<16xf32>
        %add3A_935 = arith.addf %mul3A_911, %mul3A_918 : vector<16xf32>
        %add3A_936 = arith.addf %mul3A_925, %mul3A_932 : vector<16xf32>
        %add3A_937 = arith.addf %add3A_933, %add3A_934 : vector<16xf32>
        %add3A_938 = arith.addf %add3A_935, %add3A_936 : vector<16xf32>
        %add3A_939 = arith.addf %add3A_937, %add3A_938 : vector<16xf32>
        %swap3A_940 = arith.index_cast %add3A_876 : i32 to index
        %swap3A_941 = arith.constant 0 : index
        %swap3A_942 = tpu.vector_load %arg16[%swap3A_940, %swap3A_941] {strides = array<i32>} : memref<80x16xf32, #tpu.memory_space<vmem>>, vector<16xf32>,
        tpu.vector_store %arg16[%swap3A_940, %swap3A_941], %add3A_939 {strides = array<i32>} : memref<80x16xf32, #tpu.memory_space<vmem>>, vector<16xf32>,
        %add3A_943 = arith.constant 12 : i32
        %add3A_944 = arith.addi %mul3A_127, %add3A_943 : i32
        %get3A_945 = arith.index_cast %add3A_944 : i32 to index
        %get3A_946 = arith.constant 0 : index
        %get3A_947 = tpu.vector_load %arg13[%get3A_945, %get3A_946] {strides = array<i32>} : memref<80x128xf32, #tpu.memory_space<vmem>>, vector<16xf32>,
        %get3A_948 = arith.index_cast %add3A_944 : i32 to index
        %get3A_949 = arith.constant 0 : index
        %get3A_950 = tpu.vector_load %arg14[%get3A_948, %get3A_949] {strides = array<i32>} : memref<80x128xf32, #tpu.memory_space<vmem>>, vector<16xf32>,
        %mul3A_951 = arith.mulf %get3A_947, %get3A_950 : vector<16xf32>
        %get3A_952 = arith.index_cast %add3A_944 : i32 to index
        %get3A_953 = arith.constant 16 : index
        %get3A_954 = tpu.vector_load %arg13[%get3A_952, %get3A_953] {strides = array<i32>} : memref<80x128xf32, #tpu.memory_space<vmem>>, vector<16xf32>,
        %get3A_955 = arith.index_cast %add3A_944 : i32 to index
        %get3A_956 = arith.constant 16 : index
        %get3A_957 = tpu.vector_load %arg14[%get3A_955, %get3A_956] {strides = array<i32>} : memref<80x128xf32, #tpu.memory_space<vmem>>, vector<16xf32>,
        %mul3A_958 = arith.mulf %get3A_954, %get3A_957 : vector<16xf32>
        %get3A_959 = arith.index_cast %add3A_944 : i32 to index
        %get3A_960 = arith.constant 32 : index
        %get3A_961 = tpu.vector_load %arg13[%get3A_959, %get3A_960] {strides = array<i32>} : memref<80x128xf32, #tpu.memory_space<vmem>>, vector<16xf32>,
        %get3A_962 = arith.index_cast %add3A_944 : i32 to index
        %get3A_963 = arith.constant 32 : index
        %get3A_964 = tpu.vector_load %arg14[%get3A_962, %get3A_963] {strides = array<i32>} : memref<80x128xf32, #tpu.memory_space<vmem>>, vector<16xf32>,
        %mul3A_965 = arith.mulf %get3A_961, %get3A_964 : vector<16xf32>
        %get3A_966 = arith.index_cast %add3A_944 : i32 to index
        %get3A_967 = arith.constant 48 : index
        %get3A_968 = tpu.vector_load %arg13[%get3A_966, %get3A_967] {strides = array<i32>} : memref<80x128xf32, #tpu.memory_space<vmem>>, vector<16xf32>,
        %get3A_969 = arith.index_cast %add3A_944 : i32 to index
        %get3A_970 = arith.constant 48 : index
        %get3A_971 = tpu.vector_load %arg14[%get3A_969, %get3A_970] {strides = array<i32>} : memref<80x128xf32, #tpu.memory_space<vmem>>, vector<16xf32>,
        %mul3A_972 = arith.mulf %get3A_968, %get3A_971 : vector<16xf32>
        %get3A_973 = arith.index_cast %add3A_944 : i32 to index
        %get3A_974 = arith.constant 64 : index
        %get3A_975 = tpu.vector_load %arg13[%get3A_973, %get3A_974] {strides = array<i32>} : memref<80x128xf32, #tpu.memory_space<vmem>>, vector<16xf32>,
        %get3A_976 = arith.index_cast %add3A_944 : i32 to index
        %get3A_977 = arith.constant 64 : index
        %get3A_978 = tpu.vector_load %arg14[%get3A_976, %get3A_977] {strides = array<i32>} : memref<80x128xf32, #tpu.memory_space<vmem>>, vector<16xf32>,
        %mul3A_979 = arith.mulf %get3A_975, %get3A_978 : vector<16xf32>
        %get3A_980 = arith.index_cast %add3A_944 : i32 to index
        %get3A_981 = arith.constant 80 : index
        %get3A_982 = tpu.vector_load %arg13[%get3A_980, %get3A_981] {strides = array<i32>} : memref<80x128xf32, #tpu.memory_space<vmem>>, vector<16xf32>,
        %get3A_983 = arith.index_cast %add3A_944 : i32 to index
        %get3A_984 = arith.constant 80 : index
        %get3A_985 = tpu.vector_load %arg14[%get3A_983, %get3A_984] {strides = array<i32>} : memref<80x128xf32, #tpu.memory_space<vmem>>, vector<16xf32>,
        %mul3A_986 = arith.mulf %get3A_982, %get3A_985 : vector<16xf32>
        %get3A_987 = arith.index_cast %add3A_944 : i32 to index
        %get3A_988 = arith.constant 96 : index
        %get3A_989 = tpu.vector_load %arg13[%get3A_987, %get3A_988] {strides = array<i32>} : memref<80x128xf32, #tpu.memory_space<vmem>>, vector<16xf32>,
        %get3A_990 = arith.index_cast %add3A_944 : i32 to index
        %get3A_991 = arith.constant 96 : index
        %get3A_992 = tpu.vector_load %arg14[%get3A_990, %get3A_991] {strides = array<i32>} : memref<80x128xf32, #tpu.memory_space<vmem>>, vector<16xf32>,
        %mul3A_993 = arith.mulf %get3A_989, %get3A_992 : vector<16xf32>
        %get3A_994 = arith.index_cast %add3A_944 : i32 to index
        %get3A_995 = arith.constant 112 : index
        %get3A_996 = tpu.vector_load %arg13[%get3A_994, %get3A_995] {strides = array<i32>} : memref<80x128xf32, #tpu.memory_space<vmem>>, vector<16xf32>,
        %get3A_997 = arith.index_cast %add3A_944 : i32 to index
        %get3A_998 = arith.constant 112 : index
        %get3A_999 = tpu.vector_load %arg14[%get3A_997, %get3A_998] {strides = array<i32>} : memref<80x128xf32, #tpu.memory_space<vmem>>, vector<16xf32>,
        %mul3A_1000 = arith.mulf %get3A_996, %get3A_999 : vector<16xf32>
        %add3A_1001 = arith.addf %mul3A_951, %mul3A_958 : vector<16xf32>
        %add3A_1002 = arith.addf %mul3A_965, %mul3A_972 : vector<16xf32>
        %add3A_1003 = arith.addf %mul3A_979, %mul3A_986 : vector<16xf32>
        %add3A_1004 = arith.addf %mul3A_993, %mul3A_1000 : vector<16xf32>
        %add3A_1005 = arith.addf %add3A_1001, %add3A_1002 : vector<16xf32>
        %add3A_1006 = arith.addf %add3A_1003, %add3A_1004 : vector<16xf32>
        %add3A_1007 = arith.addf %add3A_1005, %add3A_1006 : vector<16xf32>
        %swap3A_1008 = arith.index_cast %add3A_944 : i32 to index
        %swap3A_1009 = arith.constant 0 : index
        %swap3A_1010 = tpu.vector_load %arg16[%swap3A_1008, %swap3A_1009] {strides = array<i32>} : memref<80x16xf32, #tpu.memory_space<vmem>>, vector<16xf32>,
        tpu.vector_store %arg16[%swap3A_1008, %swap3A_1009], %add3A_1007 {strides = array<i32>} : memref<80x16xf32, #tpu.memory_space<vmem>>, vector<16xf32>,
        %add3A_1011 = arith.constant 13 : i32
        %add3A_1012 = arith.addi %mul3A_127, %add3A_1011 : i32
        %get3A_1013 = arith.index_cast %add3A_1012 : i32 to index
        %get3A_1014 = arith.constant 0 : index
        %get3A_1015 = tpu.vector_load %arg13[%get3A_1013, %get3A_1014] {strides = array<i32>} : memref<80x128xf32, #tpu.memory_space<vmem>>, vector<16xf32>,
        %get3A_1016 = arith.index_cast %add3A_1012 : i32 to index
        %get3A_1017 = arith.constant 0 : index
        %get3A_1018 = tpu.vector_load %arg14[%get3A_1016, %get3A_1017] {strides = array<i32>} : memref<80x128xf32, #tpu.memory_space<vmem>>, vector<16xf32>,
        %mul3A_1019 = arith.mulf %get3A_1015, %get3A_1018 : vector<16xf32>
        %get3A_1020 = arith.index_cast %add3A_1012 : i32 to index
        %get3A_1021 = arith.constant 16 : index
        %get3A_1022 = tpu.vector_load %arg13[%get3A_1020, %get3A_1021] {strides = array<i32>} : memref<80x128xf32, #tpu.memory_space<vmem>>, vector<16xf32>,
        %get3A_1023 = arith.index_cast %add3A_1012 : i32 to index
        %get3A_1024 = arith.constant 16 : index
        %get3A_1025 = tpu.vector_load %arg14[%get3A_1023, %get3A_1024] {strides = array<i32>} : memref<80x128xf32, #tpu.memory_space<vmem>>, vector<16xf32>,
        %mul3A_1026 = arith.mulf %get3A_1022, %get3A_1025 : vector<16xf32>
        %get3A_1027 = arith.index_cast %add3A_1012 : i32 to index
        %get3A_1028 = arith.constant 32 : index
        %get3A_1029 = tpu.vector_load %arg13[%get3A_1027, %get3A_1028] {strides = array<i32>} : memref<80x128xf32, #tpu.memory_space<vmem>>, vector<16xf32>,
        %get3A_1030 = arith.index_cast %add3A_1012 : i32 to index
        %get3A_1031 = arith.constant 32 : index
        %get3A_1032 = tpu.vector_load %arg14[%get3A_1030, %get3A_1031] {strides = array<i32>} : memref<80x128xf32, #tpu.memory_space<vmem>>, vector<16xf32>,
        %mul3A_1033 = arith.mulf %get3A_1029, %get3A_1032 : vector<16xf32>
        %get3A_1034 = arith.index_cast %add3A_1012 : i32 to index
        %get3A_1035 = arith.constant 48 : index
        %get3A_1036 = tpu.vector_load %arg13[%get3A_1034, %get3A_1035] {strides = array<i32>} : memref<80x128xf32, #tpu.memory_space<vmem>>, vector<16xf32>,
        %get3A_1037 = arith.index_cast %add3A_1012 : i32 to index
        %get3A_1038 = arith.constant 48 : index
        %get3A_1039 = tpu.vector_load %arg14[%get3A_1037, %get3A_1038] {strides = array<i32>} : memref<80x128xf32, #tpu.memory_space<vmem>>, vector<16xf32>,
        %mul3A_1040 = arith.mulf %get3A_1036, %get3A_1039 : vector<16xf32>
        %get3A_1041 = arith.index_cast %add3A_1012 : i32 to index
        %get3A_1042 = arith.constant 64 : index
        %get3A_1043 = tpu.vector_load %arg13[%get3A_1041, %get3A_1042] {strides = array<i32>} : memref<80x128xf32, #tpu.memory_space<vmem>>, vector<16xf32>,
        %get3A_1044 = arith.index_cast %add3A_1012 : i32 to index
        %get3A_1045 = arith.constant 64 : index
        %get3A_1046 = tpu.vector_load %arg14[%get3A_1044, %get3A_1045] {strides = array<i32>} : memref<80x128xf32, #tpu.memory_space<vmem>>, vector<16xf32>,
        %mul3A_1047 = arith.mulf %get3A_1043, %get3A_1046 : vector<16xf32>
        %get3A_1048 = arith.index_cast %add3A_1012 : i32 to index
        %get3A_1049 = arith.constant 80 : index
        %get3A_1050 = tpu.vector_load %arg13[%get3A_1048, %get3A_1049] {strides = array<i32>} : memref<80x128xf32, #tpu.memory_space<vmem>>, vector<16xf32>,
        %get3A_1051 = arith.index_cast %add3A_1012 : i32 to index
        %get3A_1052 = arith.constant 80 : index
        %get3A_1053 = tpu.vector_load %arg14[%get3A_1051, %get3A_1052] {strides = array<i32>} : memref<80x128xf32, #tpu.memory_space<vmem>>, vector<16xf32>,
        %mul3A_1054 = arith.mulf %get3A_1050, %get3A_1053 : vector<16xf32>
        %get3A_1055 = arith.index_cast %add3A_1012 : i32 to index
        %get3A_1056 = arith.constant 96 : index
        %get3A_1057 = tpu.vector_load %arg13[%get3A_1055, %get3A_1056] {strides = array<i32>} : memref<80x128xf32, #tpu.memory_space<vmem>>, vector<16xf32>,
        %get3A_1058 = arith.index_cast %add3A_1012 : i32 to index
        %get3A_1059 = arith.constant 96 : index
        %get3A_1060 = tpu.vector_load %arg14[%get3A_1058, %get3A_1059] {strides = array<i32>} : memref<80x128xf32, #tpu.memory_space<vmem>>, vector<16xf32>,
        %mul3A_1061 = arith.mulf %get3A_1057, %get3A_1060 : vector<16xf32>
        %get3A_1062 = arith.index_cast %add3A_1012 : i32 to index
        %get3A_1063 = arith.constant 112 : index
        %get3A_1064 = tpu.vector_load %arg13[%get3A_1062, %get3A_1063] {strides = array<i32>} : memref<80x128xf32, #tpu.memory_space<vmem>>, vector<16xf32>,
        %get3A_1065 = arith.index_cast %add3A_1012 : i32 to index
        %get3A_1066 = arith.constant 112 : index
        %get3A_1067 = tpu.vector_load %arg14[%get3A_1065, %get3A_1066] {strides = array<i32>} : memref<80x128xf32, #tpu.memory_space<vmem>>, vector<16xf32>,
        %mul3A_1068 = arith.mulf %get3A_1064, %get3A_1067 : vector<16xf32>
        %add3A_1069 = arith.addf %mul3A_1019, %mul3A_1026 : vector<16xf32>
        %add3A_1070 = arith.addf %mul3A_1033, %mul3A_1040 : vector<16xf32>
        %add3A_1071 = arith.addf %mul3A_1047, %mul3A_1054 : vector<16xf32>
        %add3A_1072 = arith.addf %mul3A_1061, %mul3A_1068 : vector<16xf32>
        %add3A_1073 = arith.addf %add3A_1069, %add3A_1070 : vector<16xf32>
        %add3A_1074 = arith.addf %add3A_1071, %add3A_1072 : vector<16xf32>
        %add3A_1075 = arith.addf %add3A_1073, %add3A_1074 : vector<16xf32>
        %swap3A_1076 = arith.index_cast %add3A_1012 : i32 to index
        %swap3A_1077 = arith.constant 0 : index
        %swap3A_1078 = tpu.vector_load %arg16[%swap3A_1076, %swap3A_1077] {strides = array<i32>} : memref<80x16xf32, #tpu.memory_space<vmem>>, vector<16xf32>,
        tpu.vector_store %arg16[%swap3A_1076, %swap3A_1077], %add3A_1075 {strides = array<i32>} : memref<80x16xf32, #tpu.memory_space<vmem>>, vector<16xf32>,
        %add3A_1079 = arith.constant 14 : i32
        %add3A_1080 = arith.addi %mul3A_127, %add3A_1079 : i32
        %get3A_1081 = arith.index_cast %add3A_1080 : i32 to index
        %get3A_1082 = arith.constant 0 : index
        %get3A_1083 = tpu.vector_load %arg13[%get3A_1081, %get3A_1082] {strides = array<i32>} : memref<80x128xf32, #tpu.memory_space<vmem>>, vector<16xf32>,
        %get3A_1084 = arith.index_cast %add3A_1080 : i32 to index
        %get3A_1085 = arith.constant 0 : index
        %get3A_1086 = tpu.vector_load %arg14[%get3A_1084, %get3A_1085] {strides = array<i32>} : memref<80x128xf32, #tpu.memory_space<vmem>>, vector<16xf32>,
        %mul3A_1087 = arith.mulf %get3A_1083, %get3A_1086 : vector<16xf32>
        %get3A_1088 = arith.index_cast %add3A_1080 : i32 to index
        %get3A_1089 = arith.constant 16 : index
        %get3A_1090 = tpu.vector_load %arg13[%get3A_1088, %get3A_1089] {strides = array<i32>} : memref<80x128xf32, #tpu.memory_space<vmem>>, vector<16xf32>,
        %get3A_1091 = arith.index_cast %add3A_1080 : i32 to index
        %get3A_1092 = arith.constant 16 : index
        %get3A_1093 = tpu.vector_load %arg14[%get3A_1091, %get3A_1092] {strides = array<i32>} : memref<80x128xf32, #tpu.memory_space<vmem>>, vector<16xf32>,
        %mul3A_1094 = arith.mulf %get3A_1090, %get3A_1093 : vector<16xf32>
        %get3A_1095 = arith.index_cast %add3A_1080 : i32 to index
        %get3A_1096 = arith.constant 32 : index
        %get3A_1097 = tpu.vector_load %arg13[%get3A_1095, %get3A_1096] {strides = array<i32>} : memref<80x128xf32, #tpu.memory_space<vmem>>, vector<16xf32>,
        %get3A_1098 = arith.index_cast %add3A_1080 : i32 to index
        %get3A_1099 = arith.constant 32 : index
        %get3A_1100 = tpu.vector_load %arg14[%get3A_1098, %get3A_1099] {strides = array<i32>} : memref<80x128xf32, #tpu.memory_space<vmem>>, vector<16xf32>,
        %mul3A_1101 = arith.mulf %get3A_1097, %get3A_1100 : vector<16xf32>
        %get3A_1102 = arith.index_cast %add3A_1080 : i32 to index
        %get3A_1103 = arith.constant 48 : index
        %get3A_1104 = tpu.vector_load %arg13[%get3A_1102, %get3A_1103] {strides = array<i32>} : memref<80x128xf32, #tpu.memory_space<vmem>>, vector<16xf32>,
        %get3A_1105 = arith.index_cast %add3A_1080 : i32 to index
        %get3A_1106 = arith.constant 48 : index
        %get3A_1107 = tpu.vector_load %arg14[%get3A_1105, %get3A_1106] {strides = array<i32>} : memref<80x128xf32, #tpu.memory_space<vmem>>, vector<16xf32>,
        %mul3A_1108 = arith.mulf %get3A_1104, %get3A_1107 : vector<16xf32>
        %get3A_1109 = arith.index_cast %add3A_1080 : i32 to index
        %get3A_1110 = arith.constant 64 : index
        %get3A_1111 = tpu.vector_load %arg13[%get3A_1109, %get3A_1110] {strides = array<i32>} : memref<80x128xf32, #tpu.memory_space<vmem>>, vector<16xf32>,
        %get3A_1112 = arith.index_cast %add3A_1080 : i32 to index
        %get3A_1113 = arith.constant 64 : index
        %get3A_1114 = tpu.vector_load %arg14[%get3A_1112, %get3A_1113] {strides = array<i32>} : memref<80x128xf32, #tpu.memory_space<vmem>>, vector<16xf32>,
        %mul3A_1115 = arith.mulf %get3A_1111, %get3A_1114 : vector<16xf32>
        %get3A_1116 = arith.index_cast %add3A_1080 : i32 to index
        %get3A_1117 = arith.constant 80 : index
        %get3A_1118 = tpu.vector_load %arg13[%get3A_1116, %get3A_1117] {strides = array<i32>} : memref<80x128xf32, #tpu.memory_space<vmem>>, vector<16xf32>,
        %get3A_1119 = arith.index_cast %add3A_1080 : i32 to index
        %get3A_1120 = arith.constant 80 : index
        %get3A_1121 = tpu.vector_load %arg14[%get3A_1119, %get3A_1120] {strides = array<i32>} : memref<80x128xf32, #tpu.memory_space<vmem>>, vector<16xf32>,
        %mul3A_1122 = arith.mulf %get3A_1118, %get3A_1121 : vector<16xf32>
        %get3A_1123 = arith.index_cast %add3A_1080 : i32 to index
        %get3A_1124 = arith.constant 96 : index
        %get3A_1125 = tpu.vector_load %arg13[%get3A_1123, %get3A_1124] {strides = array<i32>} : memref<80x128xf32, #tpu.memory_space<vmem>>, vector<16xf32>,
        %get3A_1126 = arith.index_cast %add3A_1080 : i32 to index
        %get3A_1127 = arith.constant 96 : index
        %get3A_1128 = tpu.vector_load %arg14[%get3A_1126, %get3A_1127] {strides = array<i32>} : memref<80x128xf32, #tpu.memory_space<vmem>>, vector<16xf32>,
        %mul3A_1129 = arith.mulf %get3A_1125, %get3A_1128 : vector<16xf32>
        %get3A_1130 = arith.index_cast %add3A_1080 : i32 to index
        %get3A_1131 = arith.constant 112 : index
        %get3A_1132 = tpu.vector_load %arg13[%get3A_1130, %get3A_1131] {strides = array<i32>} : memref<80x128xf32, #tpu.memory_space<vmem>>, vector<16xf32>,
        %get3A_1133 = arith.index_cast %add3A_1080 : i32 to index
        %get3A_1134 = arith.constant 112 : index
        %get3A_1135 = tpu.vector_load %arg14[%get3A_1133, %get3A_1134] {strides = array<i32>} : memref<80x128xf32, #tpu.memory_space<vmem>>, vector<16xf32>,
        %mul3A_1136 = arith.mulf %get3A_1132, %get3A_1135 : vector<16xf32>
        %add3A_1137 = arith.addf %mul3A_1087, %mul3A_1094 : vector<16xf32>
        %add3A_1138 = arith.addf %mul3A_1101, %mul3A_1108 : vector<16xf32>
        %add3A_1139 = arith.addf %mul3A_1115, %mul3A_1122 : vector<16xf32>
        %add3A_1140 = arith.addf %mul3A_1129, %mul3A_1136 : vector<16xf32>
        %add3A_1141 = arith.addf %add3A_1137, %add3A_1138 : vector<16xf32>
        %add3A_1142 = arith.addf %add3A_1139, %add3A_1140 : vector<16xf32>
        %add3A_1143 = arith.addf %add3A_1141, %add3A_1142 : vector<16xf32>
        %swap3A_1144 = arith.index_cast %add3A_1080 : i32 to index
        %swap3A_1145 = arith.constant 0 : index
        %swap3A_1146 = tpu.vector_load %arg16[%swap3A_1144, %swap3A_1145] {strides = array<i32>} : memref<80x16xf32, #tpu.memory_space<vmem>>, vector<16xf32>,
        tpu.vector_store %arg16[%swap3A_1144, %swap3A_1145], %add3A_1143 {strides = array<i32>} : memref<80x16xf32, #tpu.memory_space<vmem>>, vector<16xf32>,
        %add3A_1147 = arith.constant 15 : i32
        %add3A_1148 = arith.addi %mul3A_127, %add3A_1147 : i32
        %get3A_1149 = arith.index_cast %add3A_1148 : i32 to index
        %get3A_1150 = arith.constant 0 : index
        %get3A_1151 = tpu.vector_load %arg13[%get3A_1149, %get3A_1150] {strides = array<i32>} : memref<80x128xf32, #tpu.memory_space<vmem>>, vector<16xf32>,
        %get3A_1152 = arith.index_cast %add3A_1148 : i32 to index
        %get3A_1153 = arith.constant 0 : index
        %get3A_1154 = tpu.vector_load %arg14[%get3A_1152, %get3A_1153] {strides = array<i32>} : memref<80x128xf32, #tpu.memory_space<vmem>>, vector<16xf32>,
        %mul3A_1155 = arith.mulf %get3A_1151, %get3A_1154 : vector<16xf32>
        %get3A_1156 = arith.index_cast %add3A_1148 : i32 to index
        %get3A_1157 = arith.constant 16 : index
        %get3A_1158 = tpu.vector_load %arg13[%get3A_1156, %get3A_1157] {strides = array<i32>} : memref<80x128xf32, #tpu.memory_space<vmem>>, vector<16xf32>,
        %get3A_1159 = arith.index_cast %add3A_1148 : i32 to index
        %get3A_1160 = arith.constant 16 : index
        %get3A_1161 = tpu.vector_load %arg14[%get3A_1159, %get3A_1160] {strides = array<i32>} : memref<80x128xf32, #tpu.memory_space<vmem>>, vector<16xf32>,
        %mul3A_1162 = arith.mulf %get3A_1158, %get3A_1161 : vector<16xf32>
        %get3A_1163 = arith.index_cast %add3A_1148 : i32 to index
        %get3A_1164 = arith.constant 32 : index
        %get3A_1165 = tpu.vector_load %arg13[%get3A_1163, %get3A_1164] {strides = array<i32>} : memref<80x128xf32, #tpu.memory_space<vmem>>, vector<16xf32>,
        %get3A_1166 = arith.index_cast %add3A_1148 : i32 to index
        %get3A_1167 = arith.constant 32 : index
        %get3A_1168 = tpu.vector_load %arg14[%get3A_1166, %get3A_1167] {strides = array<i32>} : memref<80x128xf32, #tpu.memory_space<vmem>>, vector<16xf32>,
        %mul3A_1169 = arith.mulf %get3A_1165, %get3A_1168 : vector<16xf32>
        %get3A_1170 = arith.index_cast %add3A_1148 : i32 to index
        %get3A_1171 = arith.constant 48 : index
        %get3A_1172 = tpu.vector_load %arg13[%get3A_1170, %get3A_1171] {strides = array<i32>} : memref<80x128xf32, #tpu.memory_space<vmem>>, vector<16xf32>,
        %get3A_1173 = arith.index_cast %add3A_1148 : i32 to index
        %get3A_1174 = arith.constant 48 : index
        %get3A_1175 = tpu.vector_load %arg14[%get3A_1173, %get3A_1174] {strides = array<i32>} : memref<80x128xf32, #tpu.memory_space<vmem>>, vector<16xf32>,
        %mul3A_1176 = arith.mulf %get3A_1172, %get3A_1175 : vector<16xf32>
        %get3A_1177 = arith.index_cast %add3A_1148 : i32 to index
        %get3A_1178 = arith.constant 64 : index
        %get3A_1179 = tpu.vector_load %arg13[%get3A_1177, %get3A_1178] {strides = array<i32>} : memref<80x128xf32, #tpu.memory_space<vmem>>, vector<16xf32>,
        %get3A_1180 = arith.index_cast %add3A_1148 : i32 to index
        %get3A_1181 = arith.constant 64 : index
        %get3A_1182 = tpu.vector_load %arg14[%get3A_1180, %get3A_1181] {strides = array<i32>} : memref<80x128xf32, #tpu.memory_space<vmem>>, vector<16xf32>,
        %mul3A_1183 = arith.mulf %get3A_1179, %get3A_1182 : vector<16xf32>
        %get3A_1184 = arith.index_cast %add3A_1148 : i32 to index
        %get3A_1185 = arith.constant 80 : index
        %get3A_1186 = tpu.vector_load %arg13[%get3A_1184, %get3A_1185] {strides = array<i32>} : memref<80x128xf32, #tpu.memory_space<vmem>>, vector<16xf32>,
        %get3A_1187 = arith.index_cast %add3A_1148 : i32 to index
        %get3A_1188 = arith.constant 80 : index
        %get3A_1189 = tpu.vector_load %arg14[%get3A_1187, %get3A_1188] {strides = array<i32>} : memref<80x128xf32, #tpu.memory_space<vmem>>, vector<16xf32>,
        %mul3A_1190 = arith.mulf %get3A_1186, %get3A_1189 : vector<16xf32>
        %get3A_1191 = arith.index_cast %add3A_1148 : i32 to index
        %get3A_1192 = arith.constant 96 : index
        %get3A_1193 = tpu.vector_load %arg13[%get3A_1191, %get3A_1192] {strides = array<i32>} : memref<80x128xf32, #tpu.memory_space<vmem>>, vector<16xf32>,
        %get3A_1194 = arith.index_cast %add3A_1148 : i32 to index
        %get3A_1195 = arith.constant 96 : index
        %get3A_1196 = tpu.vector_load %arg14[%get3A_1194, %get3A_1195] {strides = array<i32>} : memref<80x128xf32, #tpu.memory_space<vmem>>, vector<16xf32>,
        %mul3A_1197 = arith.mulf %get3A_1193, %get3A_1196 : vector<16xf32>
        %get3A_1198 = arith.index_cast %add3A_1148 : i32 to index
        %get3A_1199 = arith.constant 112 : index
        %get3A_1200 = tpu.vector_load %arg13[%get3A_1198, %get3A_1199] {strides = array<i32>} : memref<80x128xf32, #tpu.memory_space<vmem>>, vector<16xf32>,
        %get3A_1201 = arith.index_cast %add3A_1148 : i32 to index
        %get3A_1202 = arith.constant 112 : index
        %get3A_1203 = tpu.vector_load %arg14[%get3A_1201, %get3A_1202] {strides = array<i32>} : memref<80x128xf32, #tpu.memory_space<vmem>>, vector<16xf32>,
        %mul3A_1204 = arith.mulf %get3A_1200, %get3A_1203 : vector<16xf32>
        %add3A_1205 = arith.addf %mul3A_1155, %mul3A_1162 : vector<16xf32>
        %add3A_1206 = arith.addf %mul3A_1169, %mul3A_1176 : vector<16xf32>
        %add3A_1207 = arith.addf %mul3A_1183, %mul3A_1190 : vector<16xf32>
        %add3A_1208 = arith.addf %mul3A_1197, %mul3A_1204 : vector<16xf32>
        %add3A_1209 = arith.addf %add3A_1205, %add3A_1206 : vector<16xf32>
        %add3A_1210 = arith.addf %add3A_1207, %add3A_1208 : vector<16xf32>
        %add3A_1211 = arith.addf %add3A_1209, %add3A_1210 : vector<16xf32>
        %swap3A_1212 = arith.index_cast %add3A_1148 : i32 to index
        %swap3A_1213 = arith.constant 0 : index
        %swap3A_1214 = tpu.vector_load %arg16[%swap3A_1212, %swap3A_1213] {strides = array<i32>} : memref<80x16xf32, #tpu.memory_space<vmem>>, vector<16xf32>,
        tpu.vector_store %arg16[%swap3A_1212, %swap3A_1213], %add3A_1211 {strides = array<i32>} : memref<80x16xf32, #tpu.memory_space<vmem>>, vector<16xf32>,
      }
      %scan3A_115 = arith.constant 5 : i32
      %scan3A_116 = arith.constant 0 : i32
      %scan3A_117 = arith.constant 5 : i32
      %scan3A_118 = arith.addi %scan3A_116, %scan3A_117 : i32
      %scan3A_119 = arith.constant 1 : i32
      scf.for %scan3A_121 = %scan3A_116 to %scan3A_118 step %scan3A_119  : i32 {
        %mul3A_122 = arith.constant 1 : i32
        %mul3A_123 = arith.muli %scan3A_121, %mul3A_122 : i32
        %add3A_124 = arith.constant 0 : i32
        %add3A_125 = arith.addi %add3A_124, %mul3A_123 : i32
        %mul3A_126 = arith.constant 16 : i32
        %mul3A_127 = arith.muli %add3A_125, %mul3A_126 : i32
        %broadcast_in_dim3A = vector.broadcast %mul3A_127 : i32 to vector<16xi32>
        %add3A_128 = arith.addi %broadcast_in_dim3A, %iota3A : vector<16xi32>
        %broadcast_in_dim3A_129 = arith.constant 0.000000e+00 : f32
        %broadcast_in_dim3A_130 = vector.broadcast %broadcast_in_dim3A_129 : f32 to vector<16xf32>
        %broadcast_in_dim3A_131 = arith.constant 0.000000e+00 : f32
        %broadcast_in_dim3A_132 = vector.broadcast %broadcast_in_dim3A_131 : f32 to vector<16xf32>
        %broadcast_in_dim3A_133 = arith.constant 0.000000e+00 : f32
        %broadcast_in_dim3A_134 = vector.broadcast %broadcast_in_dim3A_133 : f32 to vector<16xf32>
        %broadcast_in_dim3A_135 = arith.constant 0.000000e+00 : f32
        %broadcast_in_dim3A_136 = vector.broadcast %broadcast_in_dim3A_135 : f32 to vector<16xf32>
        %broadcast_in_dim3A_137 = arith.constant 0 : i32
        %broadcast_in_dim3A_138 = vector.broadcast %broadcast_in_dim3A_137 : i32 to vector<16xi32>
        %gather3A = tpu.vector_load_idx %arg16[%add3A_128, %broadcast_in_dim3A_138] : memref<80x16xf32, #tpu.memory_space<vmem>>[vector<16xi32>, vector<16xi32>], vector<16xf32>,
        %add3A_139 = arith.addf %broadcast_in_dim3A_130, %gather3A : vector<16xf32>
        %broadcast_in_dim3A_140 = arith.constant 1 : i32
        %broadcast_in_dim3A_141 = vector.broadcast %broadcast_in_dim3A_140 : i32 to vector<16xi32>
        %gather3A_142 = tpu.vector_load_idx %arg16[%add3A_128, %broadcast_in_dim3A_141] : memref<80x16xf32, #tpu.memory_space<vmem>>[vector<16xi32>, vector<16xi32>], vector<16xf32>,
        %add3A_143 = arith.addf %broadcast_in_dim3A_132, %gather3A_142 : vector<16xf32>
        %broadcast_in_dim3A_144 = arith.constant 2 : i32
        %broadcast_in_dim3A_145 = vector.broadcast %broadcast_in_dim3A_144 : i32 to vector<16xi32>
        %gather3A_146 = tpu.vector_load_idx %arg16[%add3A_128, %broadcast_in_dim3A_145] : memref<80x16xf32, #tpu.memory_space<vmem>>[vector<16xi32>, vector<16xi32>], vector<16xf32>,
        %add3A_147 = arith.addf %broadcast_in_dim3A_134, %gather3A_146 : vector<16xf32>
        %broadcast_in_dim3A_148 = arith.constant 3 : i32
        %broadcast_in_dim3A_149 = vector.broadcast %broadcast_in_dim3A_148 : i32 to vector<16xi32>
        %gather3A_150 = tpu.vector_load_idx %arg16[%add3A_128, %broadcast_in_dim3A_149] : memref<80x16xf32, #tpu.memory_space<vmem>>[vector<16xi32>, vector<16xi32>], vector<16xf32>,
        %add3A_151 = arith.addf %broadcast_in_dim3A_136, %gather3A_150 : vector<16xf32>
        %broadcast_in_dim3A_152 = arith.constant 4 : i32
        %broadcast_in_dim3A_153 = vector.broadcast %broadcast_in_dim3A_152 : i32 to vector<16xi32>
        %gather3A_154 = tpu.vector_load_idx %arg16[%add3A_128, %broadcast_in_dim3A_153] : memref<80x16xf32, #tpu.memory_space<vmem>>[vector<16xi32>, vector<16xi32>], vector<16xf32>,
        %add3A_155 = arith.addf %add3A_139, %gather3A_154 : vector<16xf32>
        %broadcast_in_dim3A_156 = arith.constant 5 : i32
        %broadcast_in_dim3A_157 = vector.broadcast %broadcast_in_dim3A_156 : i32 to vector<16xi32>
        %gather3A_158 = tpu.vector_load_idx %arg16[%add3A_128, %broadcast_in_dim3A_157] : memref<80x16xf32, #tpu.memory_space<vmem>>[vector<16xi32>, vector<16xi32>], vector<16xf32>,
        %add3A_159 = arith.addf %add3A_143, %gather3A_158 : vector<16xf32>
        %broadcast_in_dim3A_160 = arith.constant 6 : i32
        %broadcast_in_dim3A_161 = vector.broadcast %broadcast_in_dim3A_160 : i32 to vector<16xi32>
        %gather3A_162 = tpu.vector_load_idx %arg16[%add3A_128, %broadcast_in_dim3A_161] : memref<80x16xf32, #tpu.memory_space<vmem>>[vector<16xi32>, vector<16xi32>], vector<16xf32>,
        %add3A_163 = arith.addf %add3A_147, %gather3A_162 : vector<16xf32>
        %broadcast_in_dim3A_164 = arith.constant 7 : i32
        %broadcast_in_dim3A_165 = vector.broadcast %broadcast_in_dim3A_164 : i32 to vector<16xi32>
        %gather3A_166 = tpu.vector_load_idx %arg16[%add3A_128, %broadcast_in_dim3A_165] : memref<80x16xf32, #tpu.memory_space<vmem>>[vector<16xi32>, vector<16xi32>], vector<16xf32>,
        %add3A_167 = arith.addf %add3A_151, %gather3A_166 : vector<16xf32>
        %broadcast_in_dim3A_168 = arith.constant 8 : i32
        %broadcast_in_dim3A_169 = vector.broadcast %broadcast_in_dim3A_168 : i32 to vector<16xi32>
        %gather3A_170 = tpu.vector_load_idx %arg16[%add3A_128, %broadcast_in_dim3A_169] : memref<80x16xf32, #tpu.memory_space<vmem>>[vector<16xi32>, vector<16xi32>], vector<16xf32>,
        %add3A_171 = arith.addf %add3A_155, %gather3A_170 : vector<16xf32>
        %broadcast_in_dim3A_172 = arith.constant 9 : i32
        %broadcast_in_dim3A_173 = vector.broadcast %broadcast_in_dim3A_172 : i32 to vector<16xi32>
        %gather3A_174 = tpu.vector_load_idx %arg16[%add3A_128, %broadcast_in_dim3A_173] : memref<80x16xf32, #tpu.memory_space<vmem>>[vector<16xi32>, vector<16xi32>], vector<16xf32>,
        %add3A_175 = arith.addf %add3A_159, %gather3A_174 : vector<16xf32>
        %broadcast_in_dim3A_176 = arith.constant 10 : i32
        %broadcast_in_dim3A_177 = vector.broadcast %broadcast_in_dim3A_176 : i32 to vector<16xi32>
        %gather3A_178 = tpu.vector_load_idx %arg16[%add3A_128, %broadcast_in_dim3A_177] : memref<80x16xf32, #tpu.memory_space<vmem>>[vector<16xi32>, vector<16xi32>], vector<16xf32>,
        %add3A_179 = arith.addf %add3A_163, %gather3A_178 : vector<16xf32>
        %broadcast_in_dim3A_180 = arith.constant 11 : i32
        %broadcast_in_dim3A_181 = vector.broadcast %broadcast_in_dim3A_180 : i32 to vector<16xi32>
        %gather3A_182 = tpu.vector_load_idx %arg16[%add3A_128, %broadcast_in_dim3A_181] : memref<80x16xf32, #tpu.memory_space<vmem>>[vector<16xi32>, vector<16xi32>], vector<16xf32>,
        %add3A_183 = arith.addf %add3A_167, %gather3A_182 : vector<16xf32>
        %broadcast_in_dim3A_184 = arith.constant 12 : i32
        %broadcast_in_dim3A_185 = vector.broadcast %broadcast_in_dim3A_184 : i32 to vector<16xi32>
        %gather3A_186 = tpu.vector_load_idx %arg16[%add3A_128, %broadcast_in_dim3A_185] : memref<80x16xf32, #tpu.memory_space<vmem>>[vector<16xi32>, vector<16xi32>], vector<16xf32>,
        %add3A_187 = arith.addf %add3A_171, %gather3A_186 : vector<16xf32>
        %broadcast_in_dim3A_188 = arith.constant 13 : i32
        %broadcast_in_dim3A_189 = vector.broadcast %broadcast_in_dim3A_188 : i32 to vector<16xi32>
        %gather3A_190 = tpu.vector_load_idx %arg16[%add3A_128, %broadcast_in_dim3A_189] : memref<80x16xf32, #tpu.memory_space<vmem>>[vector<16xi32>, vector<16xi32>], vector<16xf32>,
        %add3A_191 = arith.addf %add3A_175, %gather3A_190 : vector<16xf32>
        %broadcast_in_dim3A_192 = arith.constant 14 : i32
        %broadcast_in_dim3A_193 = vector.broadcast %broadcast_in_dim3A_192 : i32 to vector<16xi32>
        %gather3A_194 = tpu.vector_load_idx %arg16[%add3A_128, %broadcast_in_dim3A_193] : memref<80x16xf32, #tpu.memory_space<vmem>>[vector<16xi32>, vector<16xi32>], vector<16xf32>,
        %add3A_195 = arith.addf %add3A_179, %gather3A_194 : vector<16xf32>
        %broadcast_in_dim3A_196 = arith.constant 15 : i32
        %broadcast_in_dim3A_197 = vector.broadcast %broadcast_in_dim3A_196 : i32 to vector<16xi32>
        %gather3A_198 = tpu.vector_load_idx %arg16[%add3A_128, %broadcast_in_dim3A_197] : memref<80x16xf32, #tpu.memory_space<vmem>>[vector<16xi32>, vector<16xi32>], vector<16xf32>,
        %add3A_199 = arith.addf %add3A_183, %gather3A_198 : vector<16xf32>
        %add3A_200 = arith.addf %add3A_187, %add3A_191 : vector<16xf32>
        %add3A_201 = arith.addf %add3A_195, %add3A_199 : vector<16xf32>
        %add3A_202 = arith.addf %add3A_200, %add3A_201 : vector<16xf32>
        %add3A_203 = arith.addf %add3A_202, %get3A_1 : vector<16xf32>
        %neg3A = arith.constant 0.000000e+00 : f32
        %neg3A_204 = vector.broadcast %neg3A : f32 to vector<16xf32>
        %neg3A_205 = arith.subf %neg3A_204, %add3A_203 : vector<16xf32>
        %exp3A = math.exp %neg3A_205 : vector<16xf32>
        %add3A_206 = arith.constant 1.000000e+00 : f32
        %add3A_207 = vector.broadcast %add3A_206 : f32 to vector<16xf32>
        %add3A_208 = arith.addf %add3A_207, %exp3A : vector<16xf32>
        %div3A = arith.constant 1.000000e+00 : f32
        %div3A_209 = vector.broadcast %div3A : f32 to vector<16xf32>
        %div3A_210 = arith.divf %div3A_209, %add3A_208 : vector<16xf32>
        %swap3A = arith.index_cast %add3A_98 : i32 to index
        %swap3A_211 = arith.index_cast %mul3A_127 : i32 to index
        %swap3A_212 = tpu.vector_load %arg10[%swap3A, %swap3A_211] {strides = array<i32>} : memref<125x80xf32, #tpu.memory_space<vmem>>, vector<16xf32>,
        tpu.vector_store %arg10[%swap3A, %swap3A_211], %div3A_210 {strides = array<i32>} : memref<125x80xf32, #tpu.memory_space<vmem>>, vector<16xf32>,
      }
      %scan3A_120 = arith.constant 5 : i32
    }
    %scan3A_18 = arith.constant 62 : i32
    %dma_wait3A = arith.constant 124 : i32
    %dma_wait3A_19 = arith.constant 0 : i32
    %dma_wait3A_20 = tpu.memref_slice %arg8[%dma_wait3A, %dma_wait3A_19] : memref<125x80xi32, #tpu.memory_space<vmem>> -> memref<1x80xi32, #tpu.memory_space<vmem>>
    %dma_wait3A_21 = tpu.memref_squeeze %dma_wait3A_20 : memref<1x80xi32, #tpu.memory_space<vmem>> -> memref<80xi32, #tpu.memory_space<vmem>>
    %dma_wait3A_22 = arith.constant 0 : i32
    %dma_wait3A_23 = arith.constant 0 : i32
    %dma_wait3A_24 = tpu.memref_slice %arg2[%dma_wait3A_22, %dma_wait3A_23] : memref<10000x128xf32, #tpu.memory_space<hbm>> -> memref<10000x128xf32, #tpu.memory_space<hbm>>
    tpu.wait_indirect_dma semaphore(%arg17 : memref<!tpu.dma_semaphore, #tpu.memory_space<semaphore_mem>>) src(%dma_wait3A_24 : memref<10000x128xf32, #tpu.memory_space<hbm>>) dst(%arg11 : memref<80x128xf32, #tpu.memory_space<vmem>>)
    %dma_wait3A_25 = arith.constant 124 : i32
    %dma_wait3A_26 = arith.constant 0 : i32
    %dma_wait3A_27 = tpu.memref_slice %arg9[%dma_wait3A_25, %dma_wait3A_26] : memref<125x80xi32, #tpu.memory_space<vmem>> -> memref<1x80xi32, #tpu.memory_space<vmem>>
    %dma_wait3A_28 = tpu.memref_squeeze %dma_wait3A_27 : memref<1x80xi32, #tpu.memory_space<vmem>> -> memref<80xi32, #tpu.memory_space<vmem>>
    %dma_wait3A_29 = arith.constant 0 : i32
    %dma_wait3A_30 = arith.constant 0 : i32
    %dma_wait3A_31 = tpu.memref_slice %arg3[%dma_wait3A_29, %dma_wait3A_30] : memref<10000x128xf32, #tpu.memory_space<hbm>> -> memref<10000x128xf32, #tpu.memory_space<hbm>>
    tpu.wait_indirect_dma semaphore(%arg18 : memref<!tpu.dma_semaphore, #tpu.memory_space<semaphore_mem>>) src(%dma_wait3A_31 : memref<10000x128xf32, #tpu.memory_space<hbm>>) dst(%arg12 : memref<80x128xf32, #tpu.memory_space<vmem>>)
    %scan3A_32 = arith.constant 0 : i32
    %scan3A_33 = arith.constant 5 : i32
    %scan3A_34 = arith.addi %scan3A_32, %scan3A_33 : i32
    %scan3A_35 = arith.constant 1 : i32
    scf.for %scan3A_42 = %scan3A_32 to %scan3A_34 step %scan3A_35  : i32 {
      %mul3A_43 = arith.constant 1 : i32
      %mul3A_44 = arith.muli %scan3A_42, %mul3A_43 : i32
      %add3A_45 = arith.constant 0 : i32
      %add3A_46 = arith.addi %add3A_45, %mul3A_44 : i32
      %mul3A_47 = arith.constant 16 : i32
      %mul3A_48 = arith.muli %add3A_46, %mul3A_47 : i32
      %add3A_49 = arith.constant 0 : i32
      %add3A_50 = arith.addi %mul3A_48, %add3A_49 : i32
      %get3A_51 = arith.index_cast %add3A_50 : i32 to index
      %get3A_52 = arith.constant 0 : index
      %get3A_53 = tpu.vector_load %arg11[%get3A_51, %get3A_52] {strides = array<i32>} : memref<80x128xf32, #tpu.memory_space<vmem>>, vector<16xf32>,
      %get3A_54 = arith.index_cast %add3A_50 : i32 to index
      %get3A_55 = arith.constant 0 : index
      %get3A_56 = tpu.vector_load %arg12[%get3A_54, %get3A_55] {strides = array<i32>} : memref<80x128xf32, #tpu.memory_space<vmem>>, vector<16xf32>,
      %mul3A_57 = arith.mulf %get3A_53, %get3A_56 : vector<16xf32>
      %get3A_58 = arith.index_cast %add3A_50 : i32 to index
      %get3A_59 = arith.constant 16 : index
      %get3A_60 = tpu.vector_load %arg11[%get3A_58, %get3A_59] {strides = array<i32>} : memref<80x128xf32, #tpu.memory_space<vmem>>, vector<16xf32>,
      %get3A_61 = arith.index_cast %add3A_50 : i32 to index
      %get3A_62 = arith.constant 16 : index
      %get3A_63 = tpu.vector_load %arg12[%get3A_61, %get3A_62] {strides = array<i32>} : memref<80x128xf32, #tpu.memory_space<vmem>>, vector<16xf32>,
      %mul3A_64 = arith.mulf %get3A_60, %get3A_63 : vector<16xf32>
      %get3A_65 = arith.index_cast %add3A_50 : i32 to index
      %get3A_66 = arith.constant 32 : index
      %get3A_67 = tpu.vector_load %arg11[%get3A_65, %get3A_66] {strides = array<i32>} : memref<80x128xf32, #tpu.memory_space<vmem>>, vector<16xf32>,
      %get3A_68 = arith.index_cast %add3A_50 : i32 to index
      %get3A_69 = arith.constant 32 : index
      %get3A_70 = tpu.vector_load %arg12[%get3A_68, %get3A_69] {strides = array<i32>} : memref<80x128xf32, #tpu.memory_space<vmem>>, vector<16xf32>,
      %mul3A_71 = arith.mulf %get3A_67, %get3A_70 : vector<16xf32>
      %get3A_72 = arith.index_cast %add3A_50 : i32 to index
      %get3A_73 = arith.constant 48 : index
      %get3A_74 = tpu.vector_load %arg11[%get3A_72, %get3A_73] {strides = array<i32>} : memref<80x128xf32, #tpu.memory_space<vmem>>, vector<16xf32>,
      %get3A_75 = arith.index_cast %add3A_50 : i32 to index
      %get3A_76 = arith.constant 48 : index
      %get3A_77 = tpu.vector_load %arg12[%get3A_75, %get3A_76] {strides = array<i32>} : memref<80x128xf32, #tpu.memory_space<vmem>>, vector<16xf32>,
      %mul3A_78 = arith.mulf %get3A_74, %get3A_77 : vector<16xf32>
      %get3A_79 = arith.index_cast %add3A_50 : i32 to index
      %get3A_80 = arith.constant 64 : index
      %get3A_81 = tpu.vector_load %arg11[%get3A_79, %get3A_80] {strides = array<i32>} : memref<80x128xf32, #tpu.memory_space<vmem>>, vector<16xf32>,
      %get3A_82 = arith.index_cast %add3A_50 : i32 to index
      %get3A_83 = arith.constant 64 : index
      %get3A_84 = tpu.vector_load %arg12[%get3A_82, %get3A_83] {strides = array<i32>} : memref<80x128xf32, #tpu.memory_space<vmem>>, vector<16xf32>,
      %mul3A_85 = arith.mulf %get3A_81, %get3A_84 : vector<16xf32>
      %get3A_86 = arith.index_cast %add3A_50 : i32 to index
      %get3A_87 = arith.constant 80 : index
      %get3A_88 = tpu.vector_load %arg11[%get3A_86, %get3A_87] {strides = array<i32>} : memref<80x128xf32, #tpu.memory_space<vmem>>, vector<16xf32>,
      %get3A_89 = arith.index_cast %add3A_50 : i32 to index
      %get3A_90 = arith.constant 80 : index
      %get3A_91 = tpu.vector_load %arg12[%get3A_89, %get3A_90] {strides = array<i32>} : memref<80x128xf32, #tpu.memory_space<vmem>>, vector<16xf32>,
      %mul3A_92 = arith.mulf %get3A_88, %get3A_91 : vector<16xf32>
      %get3A_93 = arith.index_cast %add3A_50 : i32 to index
      %get3A_94 = arith.constant 96 : index
      %get3A_95 = tpu.vector_load %arg11[%get3A_93, %get3A_94] {strides = array<i32>} : memref<80x128xf32, #tpu.memory_space<vmem>>, vector<16xf32>,
      %get3A_96 = arith.index_cast %add3A_50 : i32 to index
      %get3A_97 = arith.constant 96 : index
      %get3A_98 = tpu.vector_load %arg12[%get3A_96, %get3A_97] {strides = array<i32>} : memref<80x128xf32, #tpu.memory_space<vmem>>, vector<16xf32>,
      %mul3A_99 = arith.mulf %get3A_95, %get3A_98 : vector<16xf32>
      %get3A_100 = arith.index_cast %add3A_50 : i32 to index
      %get3A_101 = arith.constant 112 : index
      %get3A_102 = tpu.vector_load %arg11[%get3A_100, %get3A_101] {strides = array<i32>} : memref<80x128xf32, #tpu.memory_space<vmem>>, vector<16xf32>,
      %get3A_103 = arith.index_cast %add3A_50 : i32 to index
      %get3A_104 = arith.constant 112 : index
      %get3A_105 = tpu.vector_load %arg12[%get3A_103, %get3A_104] {strides = array<i32>} : memref<80x128xf32, #tpu.memory_space<vmem>>, vector<16xf32>,
      %mul3A_106 = arith.mulf %get3A_102, %get3A_105 : vector<16xf32>
      %add3A_107 = arith.addf %mul3A_57, %mul3A_64 : vector<16xf32>
      %add3A_108 = arith.addf %mul3A_71, %mul3A_78 : vector<16xf32>
      %add3A_109 = arith.addf %mul3A_85, %mul3A_92 : vector<16xf32>
      %add3A_110 = arith.addf %mul3A_99, %mul3A_106 : vector<16xf32>
      %add3A_111 = arith.addf %add3A_107, %add3A_108 : vector<16xf32>
      %add3A_112 = arith.addf %add3A_109, %add3A_110 : vector<16xf32>
      %add3A_113 = arith.addf %add3A_111, %add3A_112 : vector<16xf32>
      %swap3A = arith.index_cast %add3A_50 : i32 to index
      %swap3A_114 = arith.constant 0 : index
      %swap3A_115 = tpu.vector_load %arg16[%swap3A, %swap3A_114] {strides = array<i32>} : memref<80x16xf32, #tpu.memory_space<vmem>>, vector<16xf32>,
      tpu.vector_store %arg16[%swap3A, %swap3A_114], %add3A_113 {strides = array<i32>} : memref<80x16xf32, #tpu.memory_space<vmem>>, vector<16xf32>,
      %add3A_116 = arith.constant 1 : i32
      %add3A_117 = arith.addi %mul3A_48, %add3A_116 : i32
      %get3A_118 = arith.index_cast %add3A_117 : i32 to index
      %get3A_119 = arith.constant 0 : index
      %get3A_120 = tpu.vector_load %arg11[%get3A_118, %get3A_119] {strides = array<i32>} : memref<80x128xf32, #tpu.memory_space<vmem>>, vector<16xf32>,
      %get3A_121 = arith.index_cast %add3A_117 : i32 to index
      %get3A_122 = arith.constant 0 : index
      %get3A_123 = tpu.vector_load %arg12[%get3A_121, %get3A_122] {strides = array<i32>} : memref<80x128xf32, #tpu.memory_space<vmem>>, vector<16xf32>,
      %mul3A_124 = arith.mulf %get3A_120, %get3A_123 : vector<16xf32>
      %get3A_125 = arith.index_cast %add3A_117 : i32 to index
      %get3A_126 = arith.constant 16 : index
      %get3A_127 = tpu.vector_load %arg11[%get3A_125, %get3A_126] {strides = array<i32>} : memref<80x128xf32, #tpu.memory_space<vmem>>, vector<16xf32>,
      %get3A_128 = arith.index_cast %add3A_117 : i32 to index
      %get3A_129 = arith.constant 16 : index
      %get3A_130 = tpu.vector_load %arg12[%get3A_128, %get3A_129] {strides = array<i32>} : memref<80x128xf32, #tpu.memory_space<vmem>>, vector<16xf32>,
      %mul3A_131 = arith.mulf %get3A_127, %get3A_130 : vector<16xf32>
      %get3A_132 = arith.index_cast %add3A_117 : i32 to index
      %get3A_133 = arith.constant 32 : index
      %get3A_134 = tpu.vector_load %arg11[%get3A_132, %get3A_133] {strides = array<i32>} : memref<80x128xf32, #tpu.memory_space<vmem>>, vector<16xf32>,
      %get3A_135 = arith.index_cast %add3A_117 : i32 to index
      %get3A_136 = arith.constant 32 : index
      %get3A_137 = tpu.vector_load %arg12[%get3A_135, %get3A_136] {strides = array<i32>} : memref<80x128xf32, #tpu.memory_space<vmem>>, vector<16xf32>,
      %mul3A_138 = arith.mulf %get3A_134, %get3A_137 : vector<16xf32>
      %get3A_139 = arith.index_cast %add3A_117 : i32 to index
      %get3A_140 = arith.constant 48 : index
      %get3A_141 = tpu.vector_load %arg11[%get3A_139, %get3A_140] {strides = array<i32>} : memref<80x128xf32, #tpu.memory_space<vmem>>, vector<16xf32>,
      %get3A_142 = arith.index_cast %add3A_117 : i32 to index
      %get3A_143 = arith.constant 48 : index
      %get3A_144 = tpu.vector_load %arg12[%get3A_142, %get3A_143] {strides = array<i32>} : memref<80x128xf32, #tpu.memory_space<vmem>>, vector<16xf32>,
      %mul3A_145 = arith.mulf %get3A_141, %get3A_144 : vector<16xf32>
      %get3A_146 = arith.index_cast %add3A_117 : i32 to index
      %get3A_147 = arith.constant 64 : index
      %get3A_148 = tpu.vector_load %arg11[%get3A_146, %get3A_147] {strides = array<i32>} : memref<80x128xf32, #tpu.memory_space<vmem>>, vector<16xf32>,
      %get3A_149 = arith.index_cast %add3A_117 : i32 to index
      %get3A_150 = arith.constant 64 : index
      %get3A_151 = tpu.vector_load %arg12[%get3A_149, %get3A_150] {strides = array<i32>} : memref<80x128xf32, #tpu.memory_space<vmem>>, vector<16xf32>,
      %mul3A_152 = arith.mulf %get3A_148, %get3A_151 : vector<16xf32>
      %get3A_153 = arith.index_cast %add3A_117 : i32 to index
      %get3A_154 = arith.constant 80 : index
      %get3A_155 = tpu.vector_load %arg11[%get3A_153, %get3A_154] {strides = array<i32>} : memref<80x128xf32, #tpu.memory_space<vmem>>, vector<16xf32>,
      %get3A_156 = arith.index_cast %add3A_117 : i32 to index
      %get3A_157 = arith.constant 80 : index
      %get3A_158 = tpu.vector_load %arg12[%get3A_156, %get3A_157] {strides = array<i32>} : memref<80x128xf32, #tpu.memory_space<vmem>>, vector<16xf32>,
      %mul3A_159 = arith.mulf %get3A_155, %get3A_158 : vector<16xf32>
      %get3A_160 = arith.index_cast %add3A_117 : i32 to index
      %get3A_161 = arith.constant 96 : index
      %get3A_162 = tpu.vector_load %arg11[%get3A_160, %get3A_161] {strides = array<i32>} : memref<80x128xf32, #tpu.memory_space<vmem>>, vector<16xf32>,
      %get3A_163 = arith.index_cast %add3A_117 : i32 to index
      %get3A_164 = arith.constant 96 : index
      %get3A_165 = tpu.vector_load %arg12[%get3A_163, %get3A_164] {strides = array<i32>} : memref<80x128xf32, #tpu.memory_space<vmem>>, vector<16xf32>,
      %mul3A_166 = arith.mulf %get3A_162, %get3A_165 : vector<16xf32>
      %get3A_167 = arith.index_cast %add3A_117 : i32 to index
      %get3A_168 = arith.constant 112 : index
      %get3A_169 = tpu.vector_load %arg11[%get3A_167, %get3A_168] {strides = array<i32>} : memref<80x128xf32, #tpu.memory_space<vmem>>, vector<16xf32>,
      %get3A_170 = arith.index_cast %add3A_117 : i32 to index
      %get3A_171 = arith.constant 112 : index
      %get3A_172 = tpu.vector_load %arg12[%get3A_170, %get3A_171] {strides = array<i32>} : memref<80x128xf32, #tpu.memory_space<vmem>>, vector<16xf32>,
      %mul3A_173 = arith.mulf %get3A_169, %get3A_172 : vector<16xf32>
      %add3A_174 = arith.addf %mul3A_124, %mul3A_131 : vector<16xf32>
      %add3A_175 = arith.addf %mul3A_138, %mul3A_145 : vector<16xf32>
      %add3A_176 = arith.addf %mul3A_152, %mul3A_159 : vector<16xf32>
      %add3A_177 = arith.addf %mul3A_166, %mul3A_173 : vector<16xf32>
      %add3A_178 = arith.addf %add3A_174, %add3A_175 : vector<16xf32>
      %add3A_179 = arith.addf %add3A_176, %add3A_177 : vector<16xf32>
      %add3A_180 = arith.addf %add3A_178, %add3A_179 : vector<16xf32>
      %swap3A_181 = arith.index_cast %add3A_117 : i32 to index
      %swap3A_182 = arith.constant 0 : index
      %swap3A_183 = tpu.vector_load %arg16[%swap3A_181, %swap3A_182] {strides = array<i32>} : memref<80x16xf32, #tpu.memory_space<vmem>>, vector<16xf32>,
      tpu.vector_store %arg16[%swap3A_181, %swap3A_182], %add3A_180 {strides = array<i32>} : memref<80x16xf32, #tpu.memory_space<vmem>>, vector<16xf32>,
      %add3A_184 = arith.constant 2 : i32
      %add3A_185 = arith.addi %mul3A_48, %add3A_184 : i32
      %get3A_186 = arith.index_cast %add3A_185 : i32 to index
      %get3A_187 = arith.constant 0 : index
      %get3A_188 = tpu.vector_load %arg11[%get3A_186, %get3A_187] {strides = array<i32>} : memref<80x128xf32, #tpu.memory_space<vmem>>, vector<16xf32>,
      %get3A_189 = arith.index_cast %add3A_185 : i32 to index
      %get3A_190 = arith.constant 0 : index
      %get3A_191 = tpu.vector_load %arg12[%get3A_189, %get3A_190] {strides = array<i32>} : memref<80x128xf32, #tpu.memory_space<vmem>>, vector<16xf32>,
      %mul3A_192 = arith.mulf %get3A_188, %get3A_191 : vector<16xf32>
      %get3A_193 = arith.index_cast %add3A_185 : i32 to index
      %get3A_194 = arith.constant 16 : index
      %get3A_195 = tpu.vector_load %arg11[%get3A_193, %get3A_194] {strides = array<i32>} : memref<80x128xf32, #tpu.memory_space<vmem>>, vector<16xf32>,
      %get3A_196 = arith.index_cast %add3A_185 : i32 to index
      %get3A_197 = arith.constant 16 : index
      %get3A_198 = tpu.vector_load %arg12[%get3A_196, %get3A_197] {strides = array<i32>} : memref<80x128xf32, #tpu.memory_space<vmem>>, vector<16xf32>,
      %mul3A_199 = arith.mulf %get3A_195, %get3A_198 : vector<16xf32>
      %get3A_200 = arith.index_cast %add3A_185 : i32 to index
      %get3A_201 = arith.constant 32 : index
      %get3A_202 = tpu.vector_load %arg11[%get3A_200, %get3A_201] {strides = array<i32>} : memref<80x128xf32, #tpu.memory_space<vmem>>, vector<16xf32>,
      %get3A_203 = arith.index_cast %add3A_185 : i32 to index
      %get3A_204 = arith.constant 32 : index
      %get3A_205 = tpu.vector_load %arg12[%get3A_203, %get3A_204] {strides = array<i32>} : memref<80x128xf32, #tpu.memory_space<vmem>>, vector<16xf32>,
      %mul3A_206 = arith.mulf %get3A_202, %get3A_205 : vector<16xf32>
      %get3A_207 = arith.index_cast %add3A_185 : i32 to index
      %get3A_208 = arith.constant 48 : index
      %get3A_209 = tpu.vector_load %arg11[%get3A_207, %get3A_208] {strides = array<i32>} : memref<80x128xf32, #tpu.memory_space<vmem>>, vector<16xf32>,
      %get3A_210 = arith.index_cast %add3A_185 : i32 to index
      %get3A_211 = arith.constant 48 : index
      %get3A_212 = tpu.vector_load %arg12[%get3A_210, %get3A_211] {strides = array<i32>} : memref<80x128xf32, #tpu.memory_space<vmem>>, vector<16xf32>,
      %mul3A_213 = arith.mulf %get3A_209, %get3A_212 : vector<16xf32>
      %get3A_214 = arith.index_cast %add3A_185 : i32 to index
      %get3A_215 = arith.constant 64 : index
      %get3A_216 = tpu.vector_load %arg11[%get3A_214, %get3A_215] {strides = array<i32>} : memref<80x128xf32, #tpu.memory_space<vmem>>, vector<16xf32>,
      %get3A_217 = arith.index_cast %add3A_185 : i32 to index
      %get3A_218 = arith.constant 64 : index
      %get3A_219 = tpu.vector_load %arg12[%get3A_217, %get3A_218] {strides = array<i32>} : memref<80x128xf32, #tpu.memory_space<vmem>>, vector<16xf32>,
      %mul3A_220 = arith.mulf %get3A_216, %get3A_219 : vector<16xf32>
      %get3A_221 = arith.index_cast %add3A_185 : i32 to index
      %get3A_222 = arith.constant 80 : index
      %get3A_223 = tpu.vector_load %arg11[%get3A_221, %get3A_222] {strides = array<i32>} : memref<80x128xf32, #tpu.memory_space<vmem>>, vector<16xf32>,
      %get3A_224 = arith.index_cast %add3A_185 : i32 to index
      %get3A_225 = arith.constant 80 : index
      %get3A_226 = tpu.vector_load %arg12[%get3A_224, %get3A_225] {strides = array<i32>} : memref<80x128xf32, #tpu.memory_space<vmem>>, vector<16xf32>,
      %mul3A_227 = arith.mulf %get3A_223, %get3A_226 : vector<16xf32>
      %get3A_228 = arith.index_cast %add3A_185 : i32 to index
      %get3A_229 = arith.constant 96 : index
      %get3A_230 = tpu.vector_load %arg11[%get3A_228, %get3A_229] {strides = array<i32>} : memref<80x128xf32, #tpu.memory_space<vmem>>, vector<16xf32>,
      %get3A_231 = arith.index_cast %add3A_185 : i32 to index
      %get3A_232 = arith.constant 96 : index
      %get3A_233 = tpu.vector_load %arg12[%get3A_231, %get3A_232] {strides = array<i32>} : memref<80x128xf32, #tpu.memory_space<vmem>>, vector<16xf32>,
      %mul3A_234 = arith.mulf %get3A_230, %get3A_233 : vector<16xf32>
      %get3A_235 = arith.index_cast %add3A_185 : i32 to index
      %get3A_236 = arith.constant 112 : index
      %get3A_237 = tpu.vector_load %arg11[%get3A_235, %get3A_236] {strides = array<i32>} : memref<80x128xf32, #tpu.memory_space<vmem>>, vector<16xf32>,
      %get3A_238 = arith.index_cast %add3A_185 : i32 to index
      %get3A_239 = arith.constant 112 : index
      %get3A_240 = tpu.vector_load %arg12[%get3A_238, %get3A_239] {strides = array<i32>} : memref<80x128xf32, #tpu.memory_space<vmem>>, vector<16xf32>,
      %mul3A_241 = arith.mulf %get3A_237, %get3A_240 : vector<16xf32>
      %add3A_242 = arith.addf %mul3A_192, %mul3A_199 : vector<16xf32>
      %add3A_243 = arith.addf %mul3A_206, %mul3A_213 : vector<16xf32>
      %add3A_244 = arith.addf %mul3A_220, %mul3A_227 : vector<16xf32>
      %add3A_245 = arith.addf %mul3A_234, %mul3A_241 : vector<16xf32>
      %add3A_246 = arith.addf %add3A_242, %add3A_243 : vector<16xf32>
      %add3A_247 = arith.addf %add3A_244, %add3A_245 : vector<16xf32>
      %add3A_248 = arith.addf %add3A_246, %add3A_247 : vector<16xf32>
      %swap3A_249 = arith.index_cast %add3A_185 : i32 to index
      %swap3A_250 = arith.constant 0 : index
      %swap3A_251 = tpu.vector_load %arg16[%swap3A_249, %swap3A_250] {strides = array<i32>} : memref<80x16xf32, #tpu.memory_space<vmem>>, vector<16xf32>,
      tpu.vector_store %arg16[%swap3A_249, %swap3A_250], %add3A_248 {strides = array<i32>} : memref<80x16xf32, #tpu.memory_space<vmem>>, vector<16xf32>,
      %add3A_252 = arith.constant 3 : i32
      %add3A_253 = arith.addi %mul3A_48, %add3A_252 : i32
      %get3A_254 = arith.index_cast %add3A_253 : i32 to index
      %get3A_255 = arith.constant 0 : index
      %get3A_256 = tpu.vector_load %arg11[%get3A_254, %get3A_255] {strides = array<i32>} : memref<80x128xf32, #tpu.memory_space<vmem>>, vector<16xf32>,
      %get3A_257 = arith.index_cast %add3A_253 : i32 to index
      %get3A_258 = arith.constant 0 : index
      %get3A_259 = tpu.vector_load %arg12[%get3A_257, %get3A_258] {strides = array<i32>} : memref<80x128xf32, #tpu.memory_space<vmem>>, vector<16xf32>,
      %mul3A_260 = arith.mulf %get3A_256, %get3A_259 : vector<16xf32>
      %get3A_261 = arith.index_cast %add3A_253 : i32 to index
      %get3A_262 = arith.constant 16 : index
      %get3A_263 = tpu.vector_load %arg11[%get3A_261, %get3A_262] {strides = array<i32>} : memref<80x128xf32, #tpu.memory_space<vmem>>, vector<16xf32>,
      %get3A_264 = arith.index_cast %add3A_253 : i32 to index
      %get3A_265 = arith.constant 16 : index
      %get3A_266 = tpu.vector_load %arg12[%get3A_264, %get3A_265] {strides = array<i32>} : memref<80x128xf32, #tpu.memory_space<vmem>>, vector<16xf32>,
      %mul3A_267 = arith.mulf %get3A_263, %get3A_266 : vector<16xf32>
      %get3A_268 = arith.index_cast %add3A_253 : i32 to index
      %get3A_269 = arith.constant 32 : index
      %get3A_270 = tpu.vector_load %arg11[%get3A_268, %get3A_269] {strides = array<i32>} : memref<80x128xf32, #tpu.memory_space<vmem>>, vector<16xf32>,
      %get3A_271 = arith.index_cast %add3A_253 : i32 to index
      %get3A_272 = arith.constant 32 : index
      %get3A_273 = tpu.vector_load %arg12[%get3A_271, %get3A_272] {strides = array<i32>} : memref<80x128xf32, #tpu.memory_space<vmem>>, vector<16xf32>,
      %mul3A_274 = arith.mulf %get3A_270, %get3A_273 : vector<16xf32>
      %get3A_275 = arith.index_cast %add3A_253 : i32 to index
      %get3A_276 = arith.constant 48 : index
      %get3A_277 = tpu.vector_load %arg11[%get3A_275, %get3A_276] {strides = array<i32>} : memref<80x128xf32, #tpu.memory_space<vmem>>, vector<16xf32>,
      %get3A_278 = arith.index_cast %add3A_253 : i32 to index
      %get3A_279 = arith.constant 48 : index
      %get3A_280 = tpu.vector_load %arg12[%get3A_278, %get3A_279] {strides = array<i32>} : memref<80x128xf32, #tpu.memory_space<vmem>>, vector<16xf32>,
      %mul3A_281 = arith.mulf %get3A_277, %get3A_280 : vector<16xf32>
      %get3A_282 = arith.index_cast %add3A_253 : i32 to index
      %get3A_283 = arith.constant 64 : index
      %get3A_284 = tpu.vector_load %arg11[%get3A_282, %get3A_283] {strides = array<i32>} : memref<80x128xf32, #tpu.memory_space<vmem>>, vector<16xf32>,
      %get3A_285 = arith.index_cast %add3A_253 : i32 to index
      %get3A_286 = arith.constant 64 : index
      %get3A_287 = tpu.vector_load %arg12[%get3A_285, %get3A_286] {strides = array<i32>} : memref<80x128xf32, #tpu.memory_space<vmem>>, vector<16xf32>,
      %mul3A_288 = arith.mulf %get3A_284, %get3A_287 : vector<16xf32>
      %get3A_289 = arith.index_cast %add3A_253 : i32 to index
      %get3A_290 = arith.constant 80 : index
      %get3A_291 = tpu.vector_load %arg11[%get3A_289, %get3A_290] {strides = array<i32>} : memref<80x128xf32, #tpu.memory_space<vmem>>, vector<16xf32>,
      %get3A_292 = arith.index_cast %add3A_253 : i32 to index
      %get3A_293 = arith.constant 80 : index
      %get3A_294 = tpu.vector_load %arg12[%get3A_292, %get3A_293] {strides = array<i32>} : memref<80x128xf32, #tpu.memory_space<vmem>>, vector<16xf32>,
      %mul3A_295 = arith.mulf %get3A_291, %get3A_294 : vector<16xf32>
      %get3A_296 = arith.index_cast %add3A_253 : i32 to index
      %get3A_297 = arith.constant 96 : index
      %get3A_298 = tpu.vector_load %arg11[%get3A_296, %get3A_297] {strides = array<i32>} : memref<80x128xf32, #tpu.memory_space<vmem>>, vector<16xf32>,
      %get3A_299 = arith.index_cast %add3A_253 : i32 to index
      %get3A_300 = arith.constant 96 : index
      %get3A_301 = tpu.vector_load %arg12[%get3A_299, %get3A_300] {strides = array<i32>} : memref<80x128xf32, #tpu.memory_space<vmem>>, vector<16xf32>,
      %mul3A_302 = arith.mulf %get3A_298, %get3A_301 : vector<16xf32>
      %get3A_303 = arith.index_cast %add3A_253 : i32 to index
      %get3A_304 = arith.constant 112 : index
      %get3A_305 = tpu.vector_load %arg11[%get3A_303, %get3A_304] {strides = array<i32>} : memref<80x128xf32, #tpu.memory_space<vmem>>, vector<16xf32>,
      %get3A_306 = arith.index_cast %add3A_253 : i32 to index
      %get3A_307 = arith.constant 112 : index
      %get3A_308 = tpu.vector_load %arg12[%get3A_306, %get3A_307] {strides = array<i32>} : memref<80x128xf32, #tpu.memory_space<vmem>>, vector<16xf32>,
      %mul3A_309 = arith.mulf %get3A_305, %get3A_308 : vector<16xf32>
      %add3A_310 = arith.addf %mul3A_260, %mul3A_267 : vector<16xf32>
      %add3A_311 = arith.addf %mul3A_274, %mul3A_281 : vector<16xf32>
      %add3A_312 = arith.addf %mul3A_288, %mul3A_295 : vector<16xf32>
      %add3A_313 = arith.addf %mul3A_302, %mul3A_309 : vector<16xf32>
      %add3A_314 = arith.addf %add3A_310, %add3A_311 : vector<16xf32>
      %add3A_315 = arith.addf %add3A_312, %add3A_313 : vector<16xf32>
      %add3A_316 = arith.addf %add3A_314, %add3A_315 : vector<16xf32>
      %swap3A_317 = arith.index_cast %add3A_253 : i32 to index
      %swap3A_318 = arith.constant 0 : index
      %swap3A_319 = tpu.vector_load %arg16[%swap3A_317, %swap3A_318] {strides = array<i32>} : memref<80x16xf32, #tpu.memory_space<vmem>>, vector<16xf32>,
      tpu.vector_store %arg16[%swap3A_317, %swap3A_318], %add3A_316 {strides = array<i32>} : memref<80x16xf32, #tpu.memory_space<vmem>>, vector<16xf32>,
      %add3A_320 = arith.constant 4 : i32
      %add3A_321 = arith.addi %mul3A_48, %add3A_320 : i32
      %get3A_322 = arith.index_cast %add3A_321 : i32 to index
      %get3A_323 = arith.constant 0 : index
      %get3A_324 = tpu.vector_load %arg11[%get3A_322, %get3A_323] {strides = array<i32>} : memref<80x128xf32, #tpu.memory_space<vmem>>, vector<16xf32>,
      %get3A_325 = arith.index_cast %add3A_321 : i32 to index
      %get3A_326 = arith.constant 0 : index
      %get3A_327 = tpu.vector_load %arg12[%get3A_325, %get3A_326] {strides = array<i32>} : memref<80x128xf32, #tpu.memory_space<vmem>>, vector<16xf32>,
      %mul3A_328 = arith.mulf %get3A_324, %get3A_327 : vector<16xf32>
      %get3A_329 = arith.index_cast %add3A_321 : i32 to index
      %get3A_330 = arith.constant 16 : index
      %get3A_331 = tpu.vector_load %arg11[%get3A_329, %get3A_330] {strides = array<i32>} : memref<80x128xf32, #tpu.memory_space<vmem>>, vector<16xf32>,
      %get3A_332 = arith.index_cast %add3A_321 : i32 to index
      %get3A_333 = arith.constant 16 : index
      %get3A_334 = tpu.vector_load %arg12[%get3A_332, %get3A_333] {strides = array<i32>} : memref<80x128xf32, #tpu.memory_space<vmem>>, vector<16xf32>,
      %mul3A_335 = arith.mulf %get3A_331, %get3A_334 : vector<16xf32>
      %get3A_336 = arith.index_cast %add3A_321 : i32 to index
      %get3A_337 = arith.constant 32 : index
      %get3A_338 = tpu.vector_load %arg11[%get3A_336, %get3A_337] {strides = array<i32>} : memref<80x128xf32, #tpu.memory_space<vmem>>, vector<16xf32>,
      %get3A_339 = arith.index_cast %add3A_321 : i32 to index
      %get3A_340 = arith.constant 32 : index
      %get3A_341 = tpu.vector_load %arg12[%get3A_339, %get3A_340] {strides = array<i32>} : memref<80x128xf32, #tpu.memory_space<vmem>>, vector<16xf32>,
      %mul3A_342 = arith.mulf %get3A_338, %get3A_341 : vector<16xf32>
      %get3A_343 = arith.index_cast %add3A_321 : i32 to index
      %get3A_344 = arith.constant 48 : index
      %get3A_345 = tpu.vector_load %arg11[%get3A_343, %get3A_344] {strides = array<i32>} : memref<80x128xf32, #tpu.memory_space<vmem>>, vector<16xf32>,
      %get3A_346 = arith.index_cast %add3A_321 : i32 to index
      %get3A_347 = arith.constant 48 : index
      %get3A_348 = tpu.vector_load %arg12[%get3A_346, %get3A_347] {strides = array<i32>} : memref<80x128xf32, #tpu.memory_space<vmem>>, vector<16xf32>,
      %mul3A_349 = arith.mulf %get3A_345, %get3A_348 : vector<16xf32>
      %get3A_350 = arith.index_cast %add3A_321 : i32 to index
      %get3A_351 = arith.constant 64 : index
      %get3A_352 = tpu.vector_load %arg11[%get3A_350, %get3A_351] {strides = array<i32>} : memref<80x128xf32, #tpu.memory_space<vmem>>, vector<16xf32>,
      %get3A_353 = arith.index_cast %add3A_321 : i32 to index
      %get3A_354 = arith.constant 64 : index
      %get3A_355 = tpu.vector_load %arg12[%get3A_353, %get3A_354] {strides = array<i32>} : memref<80x128xf32, #tpu.memory_space<vmem>>, vector<16xf32>,
      %mul3A_356 = arith.mulf %get3A_352, %get3A_355 : vector<16xf32>
      %get3A_357 = arith.index_cast %add3A_321 : i32 to index
      %get3A_358 = arith.constant 80 : index
      %get3A_359 = tpu.vector_load %arg11[%get3A_357, %get3A_358] {strides = array<i32>} : memref<80x128xf32, #tpu.memory_space<vmem>>, vector<16xf32>,
      %get3A_360 = arith.index_cast %add3A_321 : i32 to index
      %get3A_361 = arith.constant 80 : index
      %get3A_362 = tpu.vector_load %arg12[%get3A_360, %get3A_361] {strides = array<i32>} : memref<80x128xf32, #tpu.memory_space<vmem>>, vector<16xf32>,
      %mul3A_363 = arith.mulf %get3A_359, %get3A_362 : vector<16xf32>
      %get3A_364 = arith.index_cast %add3A_321 : i32 to index
      %get3A_365 = arith.constant 96 : index
      %get3A_366 = tpu.vector_load %arg11[%get3A_364, %get3A_365] {strides = array<i32>} : memref<80x128xf32, #tpu.memory_space<vmem>>, vector<16xf32>,
      %get3A_367 = arith.index_cast %add3A_321 : i32 to index
      %get3A_368 = arith.constant 96 : index
      %get3A_369 = tpu.vector_load %arg12[%get3A_367, %get3A_368] {strides = array<i32>} : memref<80x128xf32, #tpu.memory_space<vmem>>, vector<16xf32>,
      %mul3A_370 = arith.mulf %get3A_366, %get3A_369 : vector<16xf32>
      %get3A_371 = arith.index_cast %add3A_321 : i32 to index
      %get3A_372 = arith.constant 112 : index
      %get3A_373 = tpu.vector_load %arg11[%get3A_371, %get3A_372] {strides = array<i32>} : memref<80x128xf32, #tpu.memory_space<vmem>>, vector<16xf32>,
      %get3A_374 = arith.index_cast %add3A_321 : i32 to index
      %get3A_375 = arith.constant 112 : index
      %get3A_376 = tpu.vector_load %arg12[%get3A_374, %get3A_375] {strides = array<i32>} : memref<80x128xf32, #tpu.memory_space<vmem>>, vector<16xf32>,
      %mul3A_377 = arith.mulf %get3A_373, %get3A_376 : vector<16xf32>
      %add3A_378 = arith.addf %mul3A_328, %mul3A_335 : vector<16xf32>
      %add3A_379 = arith.addf %mul3A_342, %mul3A_349 : vector<16xf32>
      %add3A_380 = arith.addf %mul3A_356, %mul3A_363 : vector<16xf32>
      %add3A_381 = arith.addf %mul3A_370, %mul3A_377 : vector<16xf32>
      %add3A_382 = arith.addf %add3A_378, %add3A_379 : vector<16xf32>
      %add3A_383 = arith.addf %add3A_380, %add3A_381 : vector<16xf32>
      %add3A_384 = arith.addf %add3A_382, %add3A_383 : vector<16xf32>
      %swap3A_385 = arith.index_cast %add3A_321 : i32 to index
      %swap3A_386 = arith.constant 0 : index
      %swap3A_387 = tpu.vector_load %arg16[%swap3A_385, %swap3A_386] {strides = array<i32>} : memref<80x16xf32, #tpu.memory_space<vmem>>, vector<16xf32>,
      tpu.vector_store %arg16[%swap3A_385, %swap3A_386], %add3A_384 {strides = array<i32>} : memref<80x16xf32, #tpu.memory_space<vmem>>, vector<16xf32>,
      %add3A_388 = arith.constant 5 : i32
      %add3A_389 = arith.addi %mul3A_48, %add3A_388 : i32
      %get3A_390 = arith.index_cast %add3A_389 : i32 to index
      %get3A_391 = arith.constant 0 : index
      %get3A_392 = tpu.vector_load %arg11[%get3A_390, %get3A_391] {strides = array<i32>} : memref<80x128xf32, #tpu.memory_space<vmem>>, vector<16xf32>,
      %get3A_393 = arith.index_cast %add3A_389 : i32 to index
      %get3A_394 = arith.constant 0 : index
      %get3A_395 = tpu.vector_load %arg12[%get3A_393, %get3A_394] {strides = array<i32>} : memref<80x128xf32, #tpu.memory_space<vmem>>, vector<16xf32>,
      %mul3A_396 = arith.mulf %get3A_392, %get3A_395 : vector<16xf32>
      %get3A_397 = arith.index_cast %add3A_389 : i32 to index
      %get3A_398 = arith.constant 16 : index
      %get3A_399 = tpu.vector_load %arg11[%get3A_397, %get3A_398] {strides = array<i32>} : memref<80x128xf32, #tpu.memory_space<vmem>>, vector<16xf32>,
      %get3A_400 = arith.index_cast %add3A_389 : i32 to index
      %get3A_401 = arith.constant 16 : index
      %get3A_402 = tpu.vector_load %arg12[%get3A_400, %get3A_401] {strides = array<i32>} : memref<80x128xf32, #tpu.memory_space<vmem>>, vector<16xf32>,
      %mul3A_403 = arith.mulf %get3A_399, %get3A_402 : vector<16xf32>
      %get3A_404 = arith.index_cast %add3A_389 : i32 to index
      %get3A_405 = arith.constant 32 : index
      %get3A_406 = tpu.vector_load %arg11[%get3A_404, %get3A_405] {strides = array<i32>} : memref<80x128xf32, #tpu.memory_space<vmem>>, vector<16xf32>,
      %get3A_407 = arith.index_cast %add3A_389 : i32 to index
      %get3A_408 = arith.constant 32 : index
      %get3A_409 = tpu.vector_load %arg12[%get3A_407, %get3A_408] {strides = array<i32>} : memref<80x128xf32, #tpu.memory_space<vmem>>, vector<16xf32>,
      %mul3A_410 = arith.mulf %get3A_406, %get3A_409 : vector<16xf32>
      %get3A_411 = arith.index_cast %add3A_389 : i32 to index
      %get3A_412 = arith.constant 48 : index
      %get3A_413 = tpu.vector_load %arg11[%get3A_411, %get3A_412] {strides = array<i32>} : memref<80x128xf32, #tpu.memory_space<vmem>>, vector<16xf32>,
      %get3A_414 = arith.index_cast %add3A_389 : i32 to index
      %get3A_415 = arith.constant 48 : index
      %get3A_416 = tpu.vector_load %arg12[%get3A_414, %get3A_415] {strides = array<i32>} : memref<80x128xf32, #tpu.memory_space<vmem>>, vector<16xf32>,
      %mul3A_417 = arith.mulf %get3A_413, %get3A_416 : vector<16xf32>
      %get3A_418 = arith.index_cast %add3A_389 : i32 to index
      %get3A_419 = arith.constant 64 : index
      %get3A_420 = tpu.vector_load %arg11[%get3A_418, %get3A_419] {strides = array<i32>} : memref<80x128xf32, #tpu.memory_space<vmem>>, vector<16xf32>,
      %get3A_421 = arith.index_cast %add3A_389 : i32 to index
      %get3A_422 = arith.constant 64 : index
      %get3A_423 = tpu.vector_load %arg12[%get3A_421, %get3A_422] {strides = array<i32>} : memref<80x128xf32, #tpu.memory_space<vmem>>, vector<16xf32>,
      %mul3A_424 = arith.mulf %get3A_420, %get3A_423 : vector<16xf32>
      %get3A_425 = arith.index_cast %add3A_389 : i32 to index
      %get3A_426 = arith.constant 80 : index
      %get3A_427 = tpu.vector_load %arg11[%get3A_425, %get3A_426] {strides = array<i32>} : memref<80x128xf32, #tpu.memory_space<vmem>>, vector<16xf32>,
      %get3A_428 = arith.index_cast %add3A_389 : i32 to index
      %get3A_429 = arith.constant 80 : index
      %get3A_430 = tpu.vector_load %arg12[%get3A_428, %get3A_429] {strides = array<i32>} : memref<80x128xf32, #tpu.memory_space<vmem>>, vector<16xf32>,
      %mul3A_431 = arith.mulf %get3A_427, %get3A_430 : vector<16xf32>
      %get3A_432 = arith.index_cast %add3A_389 : i32 to index
      %get3A_433 = arith.constant 96 : index
      %get3A_434 = tpu.vector_load %arg11[%get3A_432, %get3A_433] {strides = array<i32>} : memref<80x128xf32, #tpu.memory_space<vmem>>, vector<16xf32>,
      %get3A_435 = arith.index_cast %add3A_389 : i32 to index
      %get3A_436 = arith.constant 96 : index
      %get3A_437 = tpu.vector_load %arg12[%get3A_435, %get3A_436] {strides = array<i32>} : memref<80x128xf32, #tpu.memory_space<vmem>>, vector<16xf32>,
      %mul3A_438 = arith.mulf %get3A_434, %get3A_437 : vector<16xf32>
      %get3A_439 = arith.index_cast %add3A_389 : i32 to index
      %get3A_440 = arith.constant 112 : index
      %get3A_441 = tpu.vector_load %arg11[%get3A_439, %get3A_440] {strides = array<i32>} : memref<80x128xf32, #tpu.memory_space<vmem>>, vector<16xf32>,
      %get3A_442 = arith.index_cast %add3A_389 : i32 to index
      %get3A_443 = arith.constant 112 : index
      %get3A_444 = tpu.vector_load %arg12[%get3A_442, %get3A_443] {strides = array<i32>} : memref<80x128xf32, #tpu.memory_space<vmem>>, vector<16xf32>,
      %mul3A_445 = arith.mulf %get3A_441, %get3A_444 : vector<16xf32>
      %add3A_446 = arith.addf %mul3A_396, %mul3A_403 : vector<16xf32>
      %add3A_447 = arith.addf %mul3A_410, %mul3A_417 : vector<16xf32>
      %add3A_448 = arith.addf %mul3A_424, %mul3A_431 : vector<16xf32>
      %add3A_449 = arith.addf %mul3A_438, %mul3A_445 : vector<16xf32>
      %add3A_450 = arith.addf %add3A_446, %add3A_447 : vector<16xf32>
      %add3A_451 = arith.addf %add3A_448, %add3A_449 : vector<16xf32>
      %add3A_452 = arith.addf %add3A_450, %add3A_451 : vector<16xf32>
      %swap3A_453 = arith.index_cast %add3A_389 : i32 to index
      %swap3A_454 = arith.constant 0 : index
      %swap3A_455 = tpu.vector_load %arg16[%swap3A_453, %swap3A_454] {strides = array<i32>} : memref<80x16xf32, #tpu.memory_space<vmem>>, vector<16xf32>,
      tpu.vector_store %arg16[%swap3A_453, %swap3A_454], %add3A_452 {strides = array<i32>} : memref<80x16xf32, #tpu.memory_space<vmem>>, vector<16xf32>,
      %add3A_456 = arith.constant 6 : i32
      %add3A_457 = arith.addi %mul3A_48, %add3A_456 : i32
      %get3A_458 = arith.index_cast %add3A_457 : i32 to index
      %get3A_459 = arith.constant 0 : index
      %get3A_460 = tpu.vector_load %arg11[%get3A_458, %get3A_459] {strides = array<i32>} : memref<80x128xf32, #tpu.memory_space<vmem>>, vector<16xf32>,
      %get3A_461 = arith.index_cast %add3A_457 : i32 to index
      %get3A_462 = arith.constant 0 : index
      %get3A_463 = tpu.vector_load %arg12[%get3A_461, %get3A_462] {strides = array<i32>} : memref<80x128xf32, #tpu.memory_space<vmem>>, vector<16xf32>,
      %mul3A_464 = arith.mulf %get3A_460, %get3A_463 : vector<16xf32>
      %get3A_465 = arith.index_cast %add3A_457 : i32 to index
      %get3A_466 = arith.constant 16 : index
      %get3A_467 = tpu.vector_load %arg11[%get3A_465, %get3A_466] {strides = array<i32>} : memref<80x128xf32, #tpu.memory_space<vmem>>, vector<16xf32>,
      %get3A_468 = arith.index_cast %add3A_457 : i32 to index
      %get3A_469 = arith.constant 16 : index
      %get3A_470 = tpu.vector_load %arg12[%get3A_468, %get3A_469] {strides = array<i32>} : memref<80x128xf32, #tpu.memory_space<vmem>>, vector<16xf32>,
      %mul3A_471 = arith.mulf %get3A_467, %get3A_470 : vector<16xf32>
      %get3A_472 = arith.index_cast %add3A_457 : i32 to index
      %get3A_473 = arith.constant 32 : index
      %get3A_474 = tpu.vector_load %arg11[%get3A_472, %get3A_473] {strides = array<i32>} : memref<80x128xf32, #tpu.memory_space<vmem>>, vector<16xf32>,
      %get3A_475 = arith.index_cast %add3A_457 : i32 to index
      %get3A_476 = arith.constant 32 : index
      %get3A_477 = tpu.vector_load %arg12[%get3A_475, %get3A_476] {strides = array<i32>} : memref<80x128xf32, #tpu.memory_space<vmem>>, vector<16xf32>,
      %mul3A_478 = arith.mulf %get3A_474, %get3A_477 : vector<16xf32>
      %get3A_479 = arith.index_cast %add3A_457 : i32 to index
      %get3A_480 = arith.constant 48 : index
      %get3A_481 = tpu.vector_load %arg11[%get3A_479, %get3A_480] {strides = array<i32>} : memref<80x128xf32, #tpu.memory_space<vmem>>, vector<16xf32>,
      %get3A_482 = arith.index_cast %add3A_457 : i32 to index
      %get3A_483 = arith.constant 48 : index
      %get3A_484 = tpu.vector_load %arg12[%get3A_482, %get3A_483] {strides = array<i32>} : memref<80x128xf32, #tpu.memory_space<vmem>>, vector<16xf32>,
      %mul3A_485 = arith.mulf %get3A_481, %get3A_484 : vector<16xf32>
      %get3A_486 = arith.index_cast %add3A_457 : i32 to index
      %get3A_487 = arith.constant 64 : index
      %get3A_488 = tpu.vector_load %arg11[%get3A_486, %get3A_487] {strides = array<i32>} : memref<80x128xf32, #tpu.memory_space<vmem>>, vector<16xf32>,
      %get3A_489 = arith.index_cast %add3A_457 : i32 to index
      %get3A_490 = arith.constant 64 : index
      %get3A_491 = tpu.vector_load %arg12[%get3A_489, %get3A_490] {strides = array<i32>} : memref<80x128xf32, #tpu.memory_space<vmem>>, vector<16xf32>,
      %mul3A_492 = arith.mulf %get3A_488, %get3A_491 : vector<16xf32>
      %get3A_493 = arith.index_cast %add3A_457 : i32 to index
      %get3A_494 = arith.constant 80 : index
      %get3A_495 = tpu.vector_load %arg11[%get3A_493, %get3A_494] {strides = array<i32>} : memref<80x128xf32, #tpu.memory_space<vmem>>, vector<16xf32>,
      %get3A_496 = arith.index_cast %add3A_457 : i32 to index
      %get3A_497 = arith.constant 80 : index
      %get3A_498 = tpu.vector_load %arg12[%get3A_496, %get3A_497] {strides = array<i32>} : memref<80x128xf32, #tpu.memory_space<vmem>>, vector<16xf32>,
      %mul3A_499 = arith.mulf %get3A_495, %get3A_498 : vector<16xf32>
      %get3A_500 = arith.index_cast %add3A_457 : i32 to index
      %get3A_501 = arith.constant 96 : index
      %get3A_502 = tpu.vector_load %arg11[%get3A_500, %get3A_501] {strides = array<i32>} : memref<80x128xf32, #tpu.memory_space<vmem>>, vector<16xf32>,
      %get3A_503 = arith.index_cast %add3A_457 : i32 to index
      %get3A_504 = arith.constant 96 : index
      %get3A_505 = tpu.vector_load %arg12[%get3A_503, %get3A_504] {strides = array<i32>} : memref<80x128xf32, #tpu.memory_space<vmem>>, vector<16xf32>,
      %mul3A_506 = arith.mulf %get3A_502, %get3A_505 : vector<16xf32>
      %get3A_507 = arith.index_cast %add3A_457 : i32 to index
      %get3A_508 = arith.constant 112 : index
      %get3A_509 = tpu.vector_load %arg11[%get3A_507, %get3A_508] {strides = array<i32>} : memref<80x128xf32, #tpu.memory_space<vmem>>, vector<16xf32>,
      %get3A_510 = arith.index_cast %add3A_457 : i32 to index
      %get3A_511 = arith.constant 112 : index
      %get3A_512 = tpu.vector_load %arg12[%get3A_510, %get3A_511] {strides = array<i32>} : memref<80x128xf32, #tpu.memory_space<vmem>>, vector<16xf32>,
      %mul3A_513 = arith.mulf %get3A_509, %get3A_512 : vector<16xf32>
      %add3A_514 = arith.addf %mul3A_464, %mul3A_471 : vector<16xf32>
      %add3A_515 = arith.addf %mul3A_478, %mul3A_485 : vector<16xf32>
      %add3A_516 = arith.addf %mul3A_492, %mul3A_499 : vector<16xf32>
      %add3A_517 = arith.addf %mul3A_506, %mul3A_513 : vector<16xf32>
      %add3A_518 = arith.addf %add3A_514, %add3A_515 : vector<16xf32>
      %add3A_519 = arith.addf %add3A_516, %add3A_517 : vector<16xf32>
      %add3A_520 = arith.addf %add3A_518, %add3A_519 : vector<16xf32>
      %swap3A_521 = arith.index_cast %add3A_457 : i32 to index
      %swap3A_522 = arith.constant 0 : index
      %swap3A_523 = tpu.vector_load %arg16[%swap3A_521, %swap3A_522] {strides = array<i32>} : memref<80x16xf32, #tpu.memory_space<vmem>>, vector<16xf32>,
      tpu.vector_store %arg16[%swap3A_521, %swap3A_522], %add3A_520 {strides = array<i32>} : memref<80x16xf32, #tpu.memory_space<vmem>>, vector<16xf32>,
      %add3A_524 = arith.constant 7 : i32
      %add3A_525 = arith.addi %mul3A_48, %add3A_524 : i32
      %get3A_526 = arith.index_cast %add3A_525 : i32 to index
      %get3A_527 = arith.constant 0 : index
      %get3A_528 = tpu.vector_load %arg11[%get3A_526, %get3A_527] {strides = array<i32>} : memref<80x128xf32, #tpu.memory_space<vmem>>, vector<16xf32>,
      %get3A_529 = arith.index_cast %add3A_525 : i32 to index
      %get3A_530 = arith.constant 0 : index
      %get3A_531 = tpu.vector_load %arg12[%get3A_529, %get3A_530] {strides = array<i32>} : memref<80x128xf32, #tpu.memory_space<vmem>>, vector<16xf32>,
      %mul3A_532 = arith.mulf %get3A_528, %get3A_531 : vector<16xf32>
      %get3A_533 = arith.index_cast %add3A_525 : i32 to index
      %get3A_534 = arith.constant 16 : index
      %get3A_535 = tpu.vector_load %arg11[%get3A_533, %get3A_534] {strides = array<i32>} : memref<80x128xf32, #tpu.memory_space<vmem>>, vector<16xf32>,
      %get3A_536 = arith.index_cast %add3A_525 : i32 to index
      %get3A_537 = arith.constant 16 : index
      %get3A_538 = tpu.vector_load %arg12[%get3A_536, %get3A_537] {strides = array<i32>} : memref<80x128xf32, #tpu.memory_space<vmem>>, vector<16xf32>,
      %mul3A_539 = arith.mulf %get3A_535, %get3A_538 : vector<16xf32>
      %get3A_540 = arith.index_cast %add3A_525 : i32 to index
      %get3A_541 = arith.constant 32 : index
      %get3A_542 = tpu.vector_load %arg11[%get3A_540, %get3A_541] {strides = array<i32>} : memref<80x128xf32, #tpu.memory_space<vmem>>, vector<16xf32>,
      %get3A_543 = arith.index_cast %add3A_525 : i32 to index
      %get3A_544 = arith.constant 32 : index
      %get3A_545 = tpu.vector_load %arg12[%get3A_543, %get3A_544] {strides = array<i32>} : memref<80x128xf32, #tpu.memory_space<vmem>>, vector<16xf32>,
      %mul3A_546 = arith.mulf %get3A_542, %get3A_545 : vector<16xf32>
      %get3A_547 = arith.index_cast %add3A_525 : i32 to index
      %get3A_548 = arith.constant 48 : index
      %get3A_549 = tpu.vector_load %arg11[%get3A_547, %get3A_548] {strides = array<i32>} : memref<80x128xf32, #tpu.memory_space<vmem>>, vector<16xf32>,
      %get3A_550 = arith.index_cast %add3A_525 : i32 to index
      %get3A_551 = arith.constant 48 : index
      %get3A_552 = tpu.vector_load %arg12[%get3A_550, %get3A_551] {strides = array<i32>} : memref<80x128xf32, #tpu.memory_space<vmem>>, vector<16xf32>,
      %mul3A_553 = arith.mulf %get3A_549, %get3A_552 : vector<16xf32>
      %get3A_554 = arith.index_cast %add3A_525 : i32 to index
      %get3A_555 = arith.constant 64 : index
      %get3A_556 = tpu.vector_load %arg11[%get3A_554, %get3A_555] {strides = array<i32>} : memref<80x128xf32, #tpu.memory_space<vmem>>, vector<16xf32>,
      %get3A_557 = arith.index_cast %add3A_525 : i32 to index
      %get3A_558 = arith.constant 64 : index
      %get3A_559 = tpu.vector_load %arg12[%get3A_557, %get3A_558] {strides = array<i32>} : memref<80x128xf32, #tpu.memory_space<vmem>>, vector<16xf32>,
      %mul3A_560 = arith.mulf %get3A_556, %get3A_559 : vector<16xf32>
      %get3A_561 = arith.index_cast %add3A_525 : i32 to index
      %get3A_562 = arith.constant 80 : index
      %get3A_563 = tpu.vector_load %arg11[%get3A_561, %get3A_562] {strides = array<i32>} : memref<80x128xf32, #tpu.memory_space<vmem>>, vector<16xf32>,
      %get3A_564 = arith.index_cast %add3A_525 : i32 to index
      %get3A_565 = arith.constant 80 : index
      %get3A_566 = tpu.vector_load %arg12[%get3A_564, %get3A_565] {strides = array<i32>} : memref<80x128xf32, #tpu.memory_space<vmem>>, vector<16xf32>,
      %mul3A_567 = arith.mulf %get3A_563, %get3A_566 : vector<16xf32>
      %get3A_568 = arith.index_cast %add3A_525 : i32 to index
      %get3A_569 = arith.constant 96 : index
      %get3A_570 = tpu.vector_load %arg11[%get3A_568, %get3A_569] {strides = array<i32>} : memref<80x128xf32, #tpu.memory_space<vmem>>, vector<16xf32>,
      %get3A_571 = arith.index_cast %add3A_525 : i32 to index
      %get3A_572 = arith.constant 96 : index
      %get3A_573 = tpu.vector_load %arg12[%get3A_571, %get3A_572] {strides = array<i32>} : memref<80x128xf32, #tpu.memory_space<vmem>>, vector<16xf32>,
      %mul3A_574 = arith.mulf %get3A_570, %get3A_573 : vector<16xf32>
      %get3A_575 = arith.index_cast %add3A_525 : i32 to index
      %get3A_576 = arith.constant 112 : index
      %get3A_577 = tpu.vector_load %arg11[%get3A_575, %get3A_576] {strides = array<i32>} : memref<80x128xf32, #tpu.memory_space<vmem>>, vector<16xf32>,
      %get3A_578 = arith.index_cast %add3A_525 : i32 to index
      %get3A_579 = arith.constant 112 : index
      %get3A_580 = tpu.vector_load %arg12[%get3A_578, %get3A_579] {strides = array<i32>} : memref<80x128xf32, #tpu.memory_space<vmem>>, vector<16xf32>,
      %mul3A_581 = arith.mulf %get3A_577, %get3A_580 : vector<16xf32>
      %add3A_582 = arith.addf %mul3A_532, %mul3A_539 : vector<16xf32>
      %add3A_583 = arith.addf %mul3A_546, %mul3A_553 : vector<16xf32>
      %add3A_584 = arith.addf %mul3A_560, %mul3A_567 : vector<16xf32>
      %add3A_585 = arith.addf %mul3A_574, %mul3A_581 : vector<16xf32>
      %add3A_586 = arith.addf %add3A_582, %add3A_583 : vector<16xf32>
      %add3A_587 = arith.addf %add3A_584, %add3A_585 : vector<16xf32>
      %add3A_588 = arith.addf %add3A_586, %add3A_587 : vector<16xf32>
      %swap3A_589 = arith.index_cast %add3A_525 : i32 to index
      %swap3A_590 = arith.constant 0 : index
      %swap3A_591 = tpu.vector_load %arg16[%swap3A_589, %swap3A_590] {strides = array<i32>} : memref<80x16xf32, #tpu.memory_space<vmem>>, vector<16xf32>,
      tpu.vector_store %arg16[%swap3A_589, %swap3A_590], %add3A_588 {strides = array<i32>} : memref<80x16xf32, #tpu.memory_space<vmem>>, vector<16xf32>,
      %add3A_592 = arith.constant 8 : i32
      %add3A_593 = arith.addi %mul3A_48, %add3A_592 : i32
      %get3A_594 = arith.index_cast %add3A_593 : i32 to index
      %get3A_595 = arith.constant 0 : index
      %get3A_596 = tpu.vector_load %arg11[%get3A_594, %get3A_595] {strides = array<i32>} : memref<80x128xf32, #tpu.memory_space<vmem>>, vector<16xf32>,
      %get3A_597 = arith.index_cast %add3A_593 : i32 to index
      %get3A_598 = arith.constant 0 : index
      %get3A_599 = tpu.vector_load %arg12[%get3A_597, %get3A_598] {strides = array<i32>} : memref<80x128xf32, #tpu.memory_space<vmem>>, vector<16xf32>,
      %mul3A_600 = arith.mulf %get3A_596, %get3A_599 : vector<16xf32>
      %get3A_601 = arith.index_cast %add3A_593 : i32 to index
      %get3A_602 = arith.constant 16 : index
      %get3A_603 = tpu.vector_load %arg11[%get3A_601, %get3A_602] {strides = array<i32>} : memref<80x128xf32, #tpu.memory_space<vmem>>, vector<16xf32>,
      %get3A_604 = arith.index_cast %add3A_593 : i32 to index
      %get3A_605 = arith.constant 16 : index
      %get3A_606 = tpu.vector_load %arg12[%get3A_604, %get3A_605] {strides = array<i32>} : memref<80x128xf32, #tpu.memory_space<vmem>>, vector<16xf32>,
      %mul3A_607 = arith.mulf %get3A_603, %get3A_606 : vector<16xf32>
      %get3A_608 = arith.index_cast %add3A_593 : i32 to index
      %get3A_609 = arith.constant 32 : index
      %get3A_610 = tpu.vector_load %arg11[%get3A_608, %get3A_609] {strides = array<i32>} : memref<80x128xf32, #tpu.memory_space<vmem>>, vector<16xf32>,
      %get3A_611 = arith.index_cast %add3A_593 : i32 to index
      %get3A_612 = arith.constant 32 : index
      %get3A_613 = tpu.vector_load %arg12[%get3A_611, %get3A_612] {strides = array<i32>} : memref<80x128xf32, #tpu.memory_space<vmem>>, vector<16xf32>,
      %mul3A_614 = arith.mulf %get3A_610, %get3A_613 : vector<16xf32>
      %get3A_615 = arith.index_cast %add3A_593 : i32 to index
      %get3A_616 = arith.constant 48 : index
      %get3A_617 = tpu.vector_load %arg11[%get3A_615, %get3A_616] {strides = array<i32>} : memref<80x128xf32, #tpu.memory_space<vmem>>, vector<16xf32>,
      %get3A_618 = arith.index_cast %add3A_593 : i32 to index
      %get3A_619 = arith.constant 48 : index
      %get3A_620 = tpu.vector_load %arg12[%get3A_618, %get3A_619] {strides = array<i32>} : memref<80x128xf32, #tpu.memory_space<vmem>>, vector<16xf32>,
      %mul3A_621 = arith.mulf %get3A_617, %get3A_620 : vector<16xf32>
      %get3A_622 = arith.index_cast %add3A_593 : i32 to index
      %get3A_623 = arith.constant 64 : index
      %get3A_624 = tpu.vector_load %arg11[%get3A_622, %get3A_623] {strides = array<i32>} : memref<80x128xf32, #tpu.memory_space<vmem>>, vector<16xf32>,
      %get3A_625 = arith.index_cast %add3A_593 : i32 to index
      %get3A_626 = arith.constant 64 : index
      %get3A_627 = tpu.vector_load %arg12[%get3A_625, %get3A_626] {strides = array<i32>} : memref<80x128xf32, #tpu.memory_space<vmem>>, vector<16xf32>,
      %mul3A_628 = arith.mulf %get3A_624, %get3A_627 : vector<16xf32>
      %get3A_629 = arith.index_cast %add3A_593 : i32 to index
      %get3A_630 = arith.constant 80 : index
      %get3A_631 = tpu.vector_load %arg11[%get3A_629, %get3A_630] {strides = array<i32>} : memref<80x128xf32, #tpu.memory_space<vmem>>, vector<16xf32>,
      %get3A_632 = arith.index_cast %add3A_593 : i32 to index
      %get3A_633 = arith.constant 80 : index
      %get3A_634 = tpu.vector_load %arg12[%get3A_632, %get3A_633] {strides = array<i32>} : memref<80x128xf32, #tpu.memory_space<vmem>>, vector<16xf32>,
      %mul3A_635 = arith.mulf %get3A_631, %get3A_634 : vector<16xf32>
      %get3A_636 = arith.index_cast %add3A_593 : i32 to index
      %get3A_637 = arith.constant 96 : index
      %get3A_638 = tpu.vector_load %arg11[%get3A_636, %get3A_637] {strides = array<i32>} : memref<80x128xf32, #tpu.memory_space<vmem>>, vector<16xf32>,
      %get3A_639 = arith.index_cast %add3A_593 : i32 to index
      %get3A_640 = arith.constant 96 : index
      %get3A_641 = tpu.vector_load %arg12[%get3A_639, %get3A_640] {strides = array<i32>} : memref<80x128xf32, #tpu.memory_space<vmem>>, vector<16xf32>,
      %mul3A_642 = arith.mulf %get3A_638, %get3A_641 : vector<16xf32>
      %get3A_643 = arith.index_cast %add3A_593 : i32 to index
      %get3A_644 = arith.constant 112 : index
      %get3A_645 = tpu.vector_load %arg11[%get3A_643, %get3A_644] {strides = array<i32>} : memref<80x128xf32, #tpu.memory_space<vmem>>, vector<16xf32>,
      %get3A_646 = arith.index_cast %add3A_593 : i32 to index
      %get3A_647 = arith.constant 112 : index
      %get3A_648 = tpu.vector_load %arg12[%get3A_646, %get3A_647] {strides = array<i32>} : memref<80x128xf32, #tpu.memory_space<vmem>>, vector<16xf32>,
      %mul3A_649 = arith.mulf %get3A_645, %get3A_648 : vector<16xf32>
      %add3A_650 = arith.addf %mul3A_600, %mul3A_607 : vector<16xf32>
      %add3A_651 = arith.addf %mul3A_614, %mul3A_621 : vector<16xf32>
      %add3A_652 = arith.addf %mul3A_628, %mul3A_635 : vector<16xf32>
      %add3A_653 = arith.addf %mul3A_642, %mul3A_649 : vector<16xf32>
      %add3A_654 = arith.addf %add3A_650, %add3A_651 : vector<16xf32>
      %add3A_655 = arith.addf %add3A_652, %add3A_653 : vector<16xf32>
      %add3A_656 = arith.addf %add3A_654, %add3A_655 : vector<16xf32>
      %swap3A_657 = arith.index_cast %add3A_593 : i32 to index
      %swap3A_658 = arith.constant 0 : index
      %swap3A_659 = tpu.vector_load %arg16[%swap3A_657, %swap3A_658] {strides = array<i32>} : memref<80x16xf32, #tpu.memory_space<vmem>>, vector<16xf32>,
      tpu.vector_store %arg16[%swap3A_657, %swap3A_658], %add3A_656 {strides = array<i32>} : memref<80x16xf32, #tpu.memory_space<vmem>>, vector<16xf32>,
      %add3A_660 = arith.constant 9 : i32
      %add3A_661 = arith.addi %mul3A_48, %add3A_660 : i32
      %get3A_662 = arith.index_cast %add3A_661 : i32 to index
      %get3A_663 = arith.constant 0 : index
      %get3A_664 = tpu.vector_load %arg11[%get3A_662, %get3A_663] {strides = array<i32>} : memref<80x128xf32, #tpu.memory_space<vmem>>, vector<16xf32>,
      %get3A_665 = arith.index_cast %add3A_661 : i32 to index
      %get3A_666 = arith.constant 0 : index
      %get3A_667 = tpu.vector_load %arg12[%get3A_665, %get3A_666] {strides = array<i32>} : memref<80x128xf32, #tpu.memory_space<vmem>>, vector<16xf32>,
      %mul3A_668 = arith.mulf %get3A_664, %get3A_667 : vector<16xf32>
      %get3A_669 = arith.index_cast %add3A_661 : i32 to index
      %get3A_670 = arith.constant 16 : index
      %get3A_671 = tpu.vector_load %arg11[%get3A_669, %get3A_670] {strides = array<i32>} : memref<80x128xf32, #tpu.memory_space<vmem>>, vector<16xf32>,
      %get3A_672 = arith.index_cast %add3A_661 : i32 to index
      %get3A_673 = arith.constant 16 : index
      %get3A_674 = tpu.vector_load %arg12[%get3A_672, %get3A_673] {strides = array<i32>} : memref<80x128xf32, #tpu.memory_space<vmem>>, vector<16xf32>,
      %mul3A_675 = arith.mulf %get3A_671, %get3A_674 : vector<16xf32>
      %get3A_676 = arith.index_cast %add3A_661 : i32 to index
      %get3A_677 = arith.constant 32 : index
      %get3A_678 = tpu.vector_load %arg11[%get3A_676, %get3A_677] {strides = array<i32>} : memref<80x128xf32, #tpu.memory_space<vmem>>, vector<16xf32>,
      %get3A_679 = arith.index_cast %add3A_661 : i32 to index
      %get3A_680 = arith.constant 32 : index
      %get3A_681 = tpu.vector_load %arg12[%get3A_679, %get3A_680] {strides = array<i32>} : memref<80x128xf32, #tpu.memory_space<vmem>>, vector<16xf32>,
      %mul3A_682 = arith.mulf %get3A_678, %get3A_681 : vector<16xf32>
      %get3A_683 = arith.index_cast %add3A_661 : i32 to index
      %get3A_684 = arith.constant 48 : index
      %get3A_685 = tpu.vector_load %arg11[%get3A_683, %get3A_684] {strides = array<i32>} : memref<80x128xf32, #tpu.memory_space<vmem>>, vector<16xf32>,
      %get3A_686 = arith.index_cast %add3A_661 : i32 to index
      %get3A_687 = arith.constant 48 : index
      %get3A_688 = tpu.vector_load %arg12[%get3A_686, %get3A_687] {strides = array<i32>} : memref<80x128xf32, #tpu.memory_space<vmem>>, vector<16xf32>,
      %mul3A_689 = arith.mulf %get3A_685, %get3A_688 : vector<16xf32>
      %get3A_690 = arith.index_cast %add3A_661 : i32 to index
      %get3A_691 = arith.constant 64 : index
      %get3A_692 = tpu.vector_load %arg11[%get3A_690, %get3A_691] {strides = array<i32>} : memref<80x128xf32, #tpu.memory_space<vmem>>, vector<16xf32>,
      %get3A_693 = arith.index_cast %add3A_661 : i32 to index
      %get3A_694 = arith.constant 64 : index
      %get3A_695 = tpu.vector_load %arg12[%get3A_693, %get3A_694] {strides = array<i32>} : memref<80x128xf32, #tpu.memory_space<vmem>>, vector<16xf32>,
      %mul3A_696 = arith.mulf %get3A_692, %get3A_695 : vector<16xf32>
      %get3A_697 = arith.index_cast %add3A_661 : i32 to index
      %get3A_698 = arith.constant 80 : index
      %get3A_699 = tpu.vector_load %arg11[%get3A_697, %get3A_698] {strides = array<i32>} : memref<80x128xf32, #tpu.memory_space<vmem>>, vector<16xf32>,
      %get3A_700 = arith.index_cast %add3A_661 : i32 to index
      %get3A_701 = arith.constant 80 : index
      %get3A_702 = tpu.vector_load %arg12[%get3A_700, %get3A_701] {strides = array<i32>} : memref<80x128xf32, #tpu.memory_space<vmem>>, vector<16xf32>,
      %mul3A_703 = arith.mulf %get3A_699, %get3A_702 : vector<16xf32>
      %get3A_704 = arith.index_cast %add3A_661 : i32 to index
      %get3A_705 = arith.constant 96 : index
      %get3A_706 = tpu.vector_load %arg11[%get3A_704, %get3A_705] {strides = array<i32>} : memref<80x128xf32, #tpu.memory_space<vmem>>, vector<16xf32>,
      %get3A_707 = arith.index_cast %add3A_661 : i32 to index
      %get3A_708 = arith.constant 96 : index
      %get3A_709 = tpu.vector_load %arg12[%get3A_707, %get3A_708] {strides = array<i32>} : memref<80x128xf32, #tpu.memory_space<vmem>>, vector<16xf32>,
      %mul3A_710 = arith.mulf %get3A_706, %get3A_709 : vector<16xf32>
      %get3A_711 = arith.index_cast %add3A_661 : i32 to index
      %get3A_712 = arith.constant 112 : index
      %get3A_713 = tpu.vector_load %arg11[%get3A_711, %get3A_712] {strides = array<i32>} : memref<80x128xf32, #tpu.memory_space<vmem>>, vector<16xf32>,
      %get3A_714 = arith.index_cast %add3A_661 : i32 to index
      %get3A_715 = arith.constant 112 : index
      %get3A_716 = tpu.vector_load %arg12[%get3A_714, %get3A_715] {strides = array<i32>} : memref<80x128xf32, #tpu.memory_space<vmem>>, vector<16xf32>,
      %mul3A_717 = arith.mulf %get3A_713, %get3A_716 : vector<16xf32>
      %add3A_718 = arith.addf %mul3A_668, %mul3A_675 : vector<16xf32>
      %add3A_719 = arith.addf %mul3A_682, %mul3A_689 : vector<16xf32>
      %add3A_720 = arith.addf %mul3A_696, %mul3A_703 : vector<16xf32>
      %add3A_721 = arith.addf %mul3A_710, %mul3A_717 : vector<16xf32>
      %add3A_722 = arith.addf %add3A_718, %add3A_719 : vector<16xf32>
      %add3A_723 = arith.addf %add3A_720, %add3A_721 : vector<16xf32>
      %add3A_724 = arith.addf %add3A_722, %add3A_723 : vector<16xf32>
      %swap3A_725 = arith.index_cast %add3A_661 : i32 to index
      %swap3A_726 = arith.constant 0 : index
      %swap3A_727 = tpu.vector_load %arg16[%swap3A_725, %swap3A_726] {strides = array<i32>} : memref<80x16xf32, #tpu.memory_space<vmem>>, vector<16xf32>,
      tpu.vector_store %arg16[%swap3A_725, %swap3A_726], %add3A_724 {strides = array<i32>} : memref<80x16xf32, #tpu.memory_space<vmem>>, vector<16xf32>,
      %add3A_728 = arith.constant 10 : i32
      %add3A_729 = arith.addi %mul3A_48, %add3A_728 : i32
      %get3A_730 = arith.index_cast %add3A_729 : i32 to index
      %get3A_731 = arith.constant 0 : index
      %get3A_732 = tpu.vector_load %arg11[%get3A_730, %get3A_731] {strides = array<i32>} : memref<80x128xf32, #tpu.memory_space<vmem>>, vector<16xf32>,
      %get3A_733 = arith.index_cast %add3A_729 : i32 to index
      %get3A_734 = arith.constant 0 : index
      %get3A_735 = tpu.vector_load %arg12[%get3A_733, %get3A_734] {strides = array<i32>} : memref<80x128xf32, #tpu.memory_space<vmem>>, vector<16xf32>,
      %mul3A_736 = arith.mulf %get3A_732, %get3A_735 : vector<16xf32>
      %get3A_737 = arith.index_cast %add3A_729 : i32 to index
      %get3A_738 = arith.constant 16 : index
      %get3A_739 = tpu.vector_load %arg11[%get3A_737, %get3A_738] {strides = array<i32>} : memref<80x128xf32, #tpu.memory_space<vmem>>, vector<16xf32>,
      %get3A_740 = arith.index_cast %add3A_729 : i32 to index
      %get3A_741 = arith.constant 16 : index
      %get3A_742 = tpu.vector_load %arg12[%get3A_740, %get3A_741] {strides = array<i32>} : memref<80x128xf32, #tpu.memory_space<vmem>>, vector<16xf32>,
      %mul3A_743 = arith.mulf %get3A_739, %get3A_742 : vector<16xf32>
      %get3A_744 = arith.index_cast %add3A_729 : i32 to index
      %get3A_745 = arith.constant 32 : index
      %get3A_746 = tpu.vector_load %arg11[%get3A_744, %get3A_745] {strides = array<i32>} : memref<80x128xf32, #tpu.memory_space<vmem>>, vector<16xf32>,
      %get3A_747 = arith.index_cast %add3A_729 : i32 to index
      %get3A_748 = arith.constant 32 : index
      %get3A_749 = tpu.vector_load %arg12[%get3A_747, %get3A_748] {strides = array<i32>} : memref<80x128xf32, #tpu.memory_space<vmem>>, vector<16xf32>,
      %mul3A_750 = arith.mulf %get3A_746, %get3A_749 : vector<16xf32>
      %get3A_751 = arith.index_cast %add3A_729 : i32 to index
      %get3A_752 = arith.constant 48 : index
      %get3A_753 = tpu.vector_load %arg11[%get3A_751, %get3A_752] {strides = array<i32>} : memref<80x128xf32, #tpu.memory_space<vmem>>, vector<16xf32>,
      %get3A_754 = arith.index_cast %add3A_729 : i32 to index
      %get3A_755 = arith.constant 48 : index
      %get3A_756 = tpu.vector_load %arg12[%get3A_754, %get3A_755] {strides = array<i32>} : memref<80x128xf32, #tpu.memory_space<vmem>>, vector<16xf32>,
      %mul3A_757 = arith.mulf %get3A_753, %get3A_756 : vector<16xf32>
      %get3A_758 = arith.index_cast %add3A_729 : i32 to index
      %get3A_759 = arith.constant 64 : index
      %get3A_760 = tpu.vector_load %arg11[%get3A_758, %get3A_759] {strides = array<i32>} : memref<80x128xf32, #tpu.memory_space<vmem>>, vector<16xf32>,
      %get3A_761 = arith.index_cast %add3A_729 : i32 to index
      %get3A_762 = arith.constant 64 : index
      %get3A_763 = tpu.vector_load %arg12[%get3A_761, %get3A_762] {strides = array<i32>} : memref<80x128xf32, #tpu.memory_space<vmem>>, vector<16xf32>,
      %mul3A_764 = arith.mulf %get3A_760, %get3A_763 : vector<16xf32>
      %get3A_765 = arith.index_cast %add3A_729 : i32 to index
      %get3A_766 = arith.constant 80 : index
      %get3A_767 = tpu.vector_load %arg11[%get3A_765, %get3A_766] {strides = array<i32>} : memref<80x128xf32, #tpu.memory_space<vmem>>, vector<16xf32>,
      %get3A_768 = arith.index_cast %add3A_729 : i32 to index
      %get3A_769 = arith.constant 80 : index
      %get3A_770 = tpu.vector_load %arg12[%get3A_768, %get3A_769] {strides = array<i32>} : memref<80x128xf32, #tpu.memory_space<vmem>>, vector<16xf32>,
      %mul3A_771 = arith.mulf %get3A_767, %get3A_770 : vector<16xf32>
      %get3A_772 = arith.index_cast %add3A_729 : i32 to index
      %get3A_773 = arith.constant 96 : index
      %get3A_774 = tpu.vector_load %arg11[%get3A_772, %get3A_773] {strides = array<i32>} : memref<80x128xf32, #tpu.memory_space<vmem>>, vector<16xf32>,
      %get3A_775 = arith.index_cast %add3A_729 : i32 to index
      %get3A_776 = arith.constant 96 : index
      %get3A_777 = tpu.vector_load %arg12[%get3A_775, %get3A_776] {strides = array<i32>} : memref<80x128xf32, #tpu.memory_space<vmem>>, vector<16xf32>,
      %mul3A_778 = arith.mulf %get3A_774, %get3A_777 : vector<16xf32>
      %get3A_779 = arith.index_cast %add3A_729 : i32 to index
      %get3A_780 = arith.constant 112 : index
      %get3A_781 = tpu.vector_load %arg11[%get3A_779, %get3A_780] {strides = array<i32>} : memref<80x128xf32, #tpu.memory_space<vmem>>, vector<16xf32>,
      %get3A_782 = arith.index_cast %add3A_729 : i32 to index
      %get3A_783 = arith.constant 112 : index
      %get3A_784 = tpu.vector_load %arg12[%get3A_782, %get3A_783] {strides = array<i32>} : memref<80x128xf32, #tpu.memory_space<vmem>>, vector<16xf32>,
      %mul3A_785 = arith.mulf %get3A_781, %get3A_784 : vector<16xf32>
      %add3A_786 = arith.addf %mul3A_736, %mul3A_743 : vector<16xf32>
      %add3A_787 = arith.addf %mul3A_750, %mul3A_757 : vector<16xf32>
      %add3A_788 = arith.addf %mul3A_764, %mul3A_771 : vector<16xf32>
      %add3A_789 = arith.addf %mul3A_778, %mul3A_785 : vector<16xf32>
      %add3A_790 = arith.addf %add3A_786, %add3A_787 : vector<16xf32>
      %add3A_791 = arith.addf %add3A_788, %add3A_789 : vector<16xf32>
      %add3A_792 = arith.addf %add3A_790, %add3A_791 : vector<16xf32>
      %swap3A_793 = arith.index_cast %add3A_729 : i32 to index
      %swap3A_794 = arith.constant 0 : index
      %swap3A_795 = tpu.vector_load %arg16[%swap3A_793, %swap3A_794] {strides = array<i32>} : memref<80x16xf32, #tpu.memory_space<vmem>>, vector<16xf32>,
      tpu.vector_store %arg16[%swap3A_793, %swap3A_794], %add3A_792 {strides = array<i32>} : memref<80x16xf32, #tpu.memory_space<vmem>>, vector<16xf32>,
      %add3A_796 = arith.constant 11 : i32
      %add3A_797 = arith.addi %mul3A_48, %add3A_796 : i32
      %get3A_798 = arith.index_cast %add3A_797 : i32 to index
      %get3A_799 = arith.constant 0 : index
      %get3A_800 = tpu.vector_load %arg11[%get3A_798, %get3A_799] {strides = array<i32>} : memref<80x128xf32, #tpu.memory_space<vmem>>, vector<16xf32>,
      %get3A_801 = arith.index_cast %add3A_797 : i32 to index
      %get3A_802 = arith.constant 0 : index
      %get3A_803 = tpu.vector_load %arg12[%get3A_801, %get3A_802] {strides = array<i32>} : memref<80x128xf32, #tpu.memory_space<vmem>>, vector<16xf32>,
      %mul3A_804 = arith.mulf %get3A_800, %get3A_803 : vector<16xf32>
      %get3A_805 = arith.index_cast %add3A_797 : i32 to index
      %get3A_806 = arith.constant 16 : index
      %get3A_807 = tpu.vector_load %arg11[%get3A_805, %get3A_806] {strides = array<i32>} : memref<80x128xf32, #tpu.memory_space<vmem>>, vector<16xf32>,
      %get3A_808 = arith.index_cast %add3A_797 : i32 to index
      %get3A_809 = arith.constant 16 : index
      %get3A_810 = tpu.vector_load %arg12[%get3A_808, %get3A_809] {strides = array<i32>} : memref<80x128xf32, #tpu.memory_space<vmem>>, vector<16xf32>,
      %mul3A_811 = arith.mulf %get3A_807, %get3A_810 : vector<16xf32>
      %get3A_812 = arith.index_cast %add3A_797 : i32 to index
      %get3A_813 = arith.constant 32 : index
      %get3A_814 = tpu.vector_load %arg11[%get3A_812, %get3A_813] {strides = array<i32>} : memref<80x128xf32, #tpu.memory_space<vmem>>, vector<16xf32>,
      %get3A_815 = arith.index_cast %add3A_797 : i32 to index
      %get3A_816 = arith.constant 32 : index
      %get3A_817 = tpu.vector_load %arg12[%get3A_815, %get3A_816] {strides = array<i32>} : memref<80x128xf32, #tpu.memory_space<vmem>>, vector<16xf32>,
      %mul3A_818 = arith.mulf %get3A_814, %get3A_817 : vector<16xf32>
      %get3A_819 = arith.index_cast %add3A_797 : i32 to index
      %get3A_820 = arith.constant 48 : index
      %get3A_821 = tpu.vector_load %arg11[%get3A_819, %get3A_820] {strides = array<i32>} : memref<80x128xf32, #tpu.memory_space<vmem>>, vector<16xf32>,
      %get3A_822 = arith.index_cast %add3A_797 : i32 to index
      %get3A_823 = arith.constant 48 : index
      %get3A_824 = tpu.vector_load %arg12[%get3A_822, %get3A_823] {strides = array<i32>} : memref<80x128xf32, #tpu.memory_space<vmem>>, vector<16xf32>,
      %mul3A_825 = arith.mulf %get3A_821, %get3A_824 : vector<16xf32>
      %get3A_826 = arith.index_cast %add3A_797 : i32 to index
      %get3A_827 = arith.constant 64 : index
      %get3A_828 = tpu.vector_load %arg11[%get3A_826, %get3A_827] {strides = array<i32>} : memref<80x128xf32, #tpu.memory_space<vmem>>, vector<16xf32>,
      %get3A_829 = arith.index_cast %add3A_797 : i32 to index
      %get3A_830 = arith.constant 64 : index
      %get3A_831 = tpu.vector_load %arg12[%get3A_829, %get3A_830] {strides = array<i32>} : memref<80x128xf32, #tpu.memory_space<vmem>>, vector<16xf32>,
      %mul3A_832 = arith.mulf %get3A_828, %get3A_831 : vector<16xf32>
      %get3A_833 = arith.index_cast %add3A_797 : i32 to index
      %get3A_834 = arith.constant 80 : index
      %get3A_835 = tpu.vector_load %arg11[%get3A_833, %get3A_834] {strides = array<i32>} : memref<80x128xf32, #tpu.memory_space<vmem>>, vector<16xf32>,
      %get3A_836 = arith.index_cast %add3A_797 : i32 to index
      %get3A_837 = arith.constant 80 : index
      %get3A_838 = tpu.vector_load %arg12[%get3A_836, %get3A_837] {strides = array<i32>} : memref<80x128xf32, #tpu.memory_space<vmem>>, vector<16xf32>,
      %mul3A_839 = arith.mulf %get3A_835, %get3A_838 : vector<16xf32>
      %get3A_840 = arith.index_cast %add3A_797 : i32 to index
      %get3A_841 = arith.constant 96 : index
      %get3A_842 = tpu.vector_load %arg11[%get3A_840, %get3A_841] {strides = array<i32>} : memref<80x128xf32, #tpu.memory_space<vmem>>, vector<16xf32>,
      %get3A_843 = arith.index_cast %add3A_797 : i32 to index
      %get3A_844 = arith.constant 96 : index
      %get3A_845 = tpu.vector_load %arg12[%get3A_843, %get3A_844] {strides = array<i32>} : memref<80x128xf32, #tpu.memory_space<vmem>>, vector<16xf32>,
      %mul3A_846 = arith.mulf %get3A_842, %get3A_845 : vector<16xf32>
      %get3A_847 = arith.index_cast %add3A_797 : i32 to index
      %get3A_848 = arith.constant 112 : index
      %get3A_849 = tpu.vector_load %arg11[%get3A_847, %get3A_848] {strides = array<i32>} : memref<80x128xf32, #tpu.memory_space<vmem>>, vector<16xf32>,
      %get3A_850 = arith.index_cast %add3A_797 : i32 to index
      %get3A_851 = arith.constant 112 : index
      %get3A_852 = tpu.vector_load %arg12[%get3A_850, %get3A_851] {strides = array<i32>} : memref<80x128xf32, #tpu.memory_space<vmem>>, vector<16xf32>,
      %mul3A_853 = arith.mulf %get3A_849, %get3A_852 : vector<16xf32>
      %add3A_854 = arith.addf %mul3A_804, %mul3A_811 : vector<16xf32>
      %add3A_855 = arith.addf %mul3A_818, %mul3A_825 : vector<16xf32>
      %add3A_856 = arith.addf %mul3A_832, %mul3A_839 : vector<16xf32>
      %add3A_857 = arith.addf %mul3A_846, %mul3A_853 : vector<16xf32>
      %add3A_858 = arith.addf %add3A_854, %add3A_855 : vector<16xf32>
      %add3A_859 = arith.addf %add3A_856, %add3A_857 : vector<16xf32>
      %add3A_860 = arith.addf %add3A_858, %add3A_859 : vector<16xf32>
      %swap3A_861 = arith.index_cast %add3A_797 : i32 to index
      %swap3A_862 = arith.constant 0 : index
      %swap3A_863 = tpu.vector_load %arg16[%swap3A_861, %swap3A_862] {strides = array<i32>} : memref<80x16xf32, #tpu.memory_space<vmem>>, vector<16xf32>,
      tpu.vector_store %arg16[%swap3A_861, %swap3A_862], %add3A_860 {strides = array<i32>} : memref<80x16xf32, #tpu.memory_space<vmem>>, vector<16xf32>,
      %add3A_864 = arith.constant 12 : i32
      %add3A_865 = arith.addi %mul3A_48, %add3A_864 : i32
      %get3A_866 = arith.index_cast %add3A_865 : i32 to index
      %get3A_867 = arith.constant 0 : index
      %get3A_868 = tpu.vector_load %arg11[%get3A_866, %get3A_867] {strides = array<i32>} : memref<80x128xf32, #tpu.memory_space<vmem>>, vector<16xf32>,
      %get3A_869 = arith.index_cast %add3A_865 : i32 to index
      %get3A_870 = arith.constant 0 : index
      %get3A_871 = tpu.vector_load %arg12[%get3A_869, %get3A_870] {strides = array<i32>} : memref<80x128xf32, #tpu.memory_space<vmem>>, vector<16xf32>,
      %mul3A_872 = arith.mulf %get3A_868, %get3A_871 : vector<16xf32>
      %get3A_873 = arith.index_cast %add3A_865 : i32 to index
      %get3A_874 = arith.constant 16 : index
      %get3A_875 = tpu.vector_load %arg11[%get3A_873, %get3A_874] {strides = array<i32>} : memref<80x128xf32, #tpu.memory_space<vmem>>, vector<16xf32>,
      %get3A_876 = arith.index_cast %add3A_865 : i32 to index
      %get3A_877 = arith.constant 16 : index
      %get3A_878 = tpu.vector_load %arg12[%get3A_876, %get3A_877] {strides = array<i32>} : memref<80x128xf32, #tpu.memory_space<vmem>>, vector<16xf32>,
      %mul3A_879 = arith.mulf %get3A_875, %get3A_878 : vector<16xf32>
      %get3A_880 = arith.index_cast %add3A_865 : i32 to index
      %get3A_881 = arith.constant 32 : index
      %get3A_882 = tpu.vector_load %arg11[%get3A_880, %get3A_881] {strides = array<i32>} : memref<80x128xf32, #tpu.memory_space<vmem>>, vector<16xf32>,
      %get3A_883 = arith.index_cast %add3A_865 : i32 to index
      %get3A_884 = arith.constant 32 : index
      %get3A_885 = tpu.vector_load %arg12[%get3A_883, %get3A_884] {strides = array<i32>} : memref<80x128xf32, #tpu.memory_space<vmem>>, vector<16xf32>,
      %mul3A_886 = arith.mulf %get3A_882, %get3A_885 : vector<16xf32>
      %get3A_887 = arith.index_cast %add3A_865 : i32 to index
      %get3A_888 = arith.constant 48 : index
      %get3A_889 = tpu.vector_load %arg11[%get3A_887, %get3A_888] {strides = array<i32>} : memref<80x128xf32, #tpu.memory_space<vmem>>, vector<16xf32>,
      %get3A_890 = arith.index_cast %add3A_865 : i32 to index
      %get3A_891 = arith.constant 48 : index
      %get3A_892 = tpu.vector_load %arg12[%get3A_890, %get3A_891] {strides = array<i32>} : memref<80x128xf32, #tpu.memory_space<vmem>>, vector<16xf32>,
      %mul3A_893 = arith.mulf %get3A_889, %get3A_892 : vector<16xf32>
      %get3A_894 = arith.index_cast %add3A_865 : i32 to index
      %get3A_895 = arith.constant 64 : index
      %get3A_896 = tpu.vector_load %arg11[%get3A_894, %get3A_895] {strides = array<i32>} : memref<80x128xf32, #tpu.memory_space<vmem>>, vector<16xf32>,
      %get3A_897 = arith.index_cast %add3A_865 : i32 to index
      %get3A_898 = arith.constant 64 : index
      %get3A_899 = tpu.vector_load %arg12[%get3A_897, %get3A_898] {strides = array<i32>} : memref<80x128xf32, #tpu.memory_space<vmem>>, vector<16xf32>,
      %mul3A_900 = arith.mulf %get3A_896, %get3A_899 : vector<16xf32>
      %get3A_901 = arith.index_cast %add3A_865 : i32 to index
      %get3A_902 = arith.constant 80 : index
      %get3A_903 = tpu.vector_load %arg11[%get3A_901, %get3A_902] {strides = array<i32>} : memref<80x128xf32, #tpu.memory_space<vmem>>, vector<16xf32>,
      %get3A_904 = arith.index_cast %add3A_865 : i32 to index
      %get3A_905 = arith.constant 80 : index
      %get3A_906 = tpu.vector_load %arg12[%get3A_904, %get3A_905] {strides = array<i32>} : memref<80x128xf32, #tpu.memory_space<vmem>>, vector<16xf32>,
      %mul3A_907 = arith.mulf %get3A_903, %get3A_906 : vector<16xf32>
      %get3A_908 = arith.index_cast %add3A_865 : i32 to index
      %get3A_909 = arith.constant 96 : index
      %get3A_910 = tpu.vector_load %arg11[%get3A_908, %get3A_909] {strides = array<i32>} : memref<80x128xf32, #tpu.memory_space<vmem>>, vector<16xf32>,
      %get3A_911 = arith.index_cast %add3A_865 : i32 to index
      %get3A_912 = arith.constant 96 : index
      %get3A_913 = tpu.vector_load %arg12[%get3A_911, %get3A_912] {strides = array<i32>} : memref<80x128xf32, #tpu.memory_space<vmem>>, vector<16xf32>,
      %mul3A_914 = arith.mulf %get3A_910, %get3A_913 : vector<16xf32>
      %get3A_915 = arith.index_cast %add3A_865 : i32 to index
      %get3A_916 = arith.constant 112 : index
      %get3A_917 = tpu.vector_load %arg11[%get3A_915, %get3A_916] {strides = array<i32>} : memref<80x128xf32, #tpu.memory_space<vmem>>, vector<16xf32>,
      %get3A_918 = arith.index_cast %add3A_865 : i32 to index
      %get3A_919 = arith.constant 112 : index
      %get3A_920 = tpu.vector_load %arg12[%get3A_918, %get3A_919] {strides = array<i32>} : memref<80x128xf32, #tpu.memory_space<vmem>>, vector<16xf32>,
      %mul3A_921 = arith.mulf %get3A_917, %get3A_920 : vector<16xf32>
      %add3A_922 = arith.addf %mul3A_872, %mul3A_879 : vector<16xf32>
      %add3A_923 = arith.addf %mul3A_886, %mul3A_893 : vector<16xf32>
      %add3A_924 = arith.addf %mul3A_900, %mul3A_907 : vector<16xf32>
      %add3A_925 = arith.addf %mul3A_914, %mul3A_921 : vector<16xf32>
      %add3A_926 = arith.addf %add3A_922, %add3A_923 : vector<16xf32>
      %add3A_927 = arith.addf %add3A_924, %add3A_925 : vector<16xf32>
      %add3A_928 = arith.addf %add3A_926, %add3A_927 : vector<16xf32>
      %swap3A_929 = arith.index_cast %add3A_865 : i32 to index
      %swap3A_930 = arith.constant 0 : index
      %swap3A_931 = tpu.vector_load %arg16[%swap3A_929, %swap3A_930] {strides = array<i32>} : memref<80x16xf32, #tpu.memory_space<vmem>>, vector<16xf32>,
      tpu.vector_store %arg16[%swap3A_929, %swap3A_930], %add3A_928 {strides = array<i32>} : memref<80x16xf32, #tpu.memory_space<vmem>>, vector<16xf32>,
      %add3A_932 = arith.constant 13 : i32
      %add3A_933 = arith.addi %mul3A_48, %add3A_932 : i32
      %get3A_934 = arith.index_cast %add3A_933 : i32 to index
      %get3A_935 = arith.constant 0 : index
      %get3A_936 = tpu.vector_load %arg11[%get3A_934, %get3A_935] {strides = array<i32>} : memref<80x128xf32, #tpu.memory_space<vmem>>, vector<16xf32>,
      %get3A_937 = arith.index_cast %add3A_933 : i32 to index
      %get3A_938 = arith.constant 0 : index
      %get3A_939 = tpu.vector_load %arg12[%get3A_937, %get3A_938] {strides = array<i32>} : memref<80x128xf32, #tpu.memory_space<vmem>>, vector<16xf32>,
      %mul3A_940 = arith.mulf %get3A_936, %get3A_939 : vector<16xf32>
      %get3A_941 = arith.index_cast %add3A_933 : i32 to index
      %get3A_942 = arith.constant 16 : index
      %get3A_943 = tpu.vector_load %arg11[%get3A_941, %get3A_942] {strides = array<i32>} : memref<80x128xf32, #tpu.memory_space<vmem>>, vector<16xf32>,
      %get3A_944 = arith.index_cast %add3A_933 : i32 to index
      %get3A_945 = arith.constant 16 : index
      %get3A_946 = tpu.vector_load %arg12[%get3A_944, %get3A_945] {strides = array<i32>} : memref<80x128xf32, #tpu.memory_space<vmem>>, vector<16xf32>,
      %mul3A_947 = arith.mulf %get3A_943, %get3A_946 : vector<16xf32>
      %get3A_948 = arith.index_cast %add3A_933 : i32 to index
      %get3A_949 = arith.constant 32 : index
      %get3A_950 = tpu.vector_load %arg11[%get3A_948, %get3A_949] {strides = array<i32>} : memref<80x128xf32, #tpu.memory_space<vmem>>, vector<16xf32>,
      %get3A_951 = arith.index_cast %add3A_933 : i32 to index
      %get3A_952 = arith.constant 32 : index
      %get3A_953 = tpu.vector_load %arg12[%get3A_951, %get3A_952] {strides = array<i32>} : memref<80x128xf32, #tpu.memory_space<vmem>>, vector<16xf32>,
      %mul3A_954 = arith.mulf %get3A_950, %get3A_953 : vector<16xf32>
      %get3A_955 = arith.index_cast %add3A_933 : i32 to index
      %get3A_956 = arith.constant 48 : index
      %get3A_957 = tpu.vector_load %arg11[%get3A_955, %get3A_956] {strides = array<i32>} : memref<80x128xf32, #tpu.memory_space<vmem>>, vector<16xf32>,
      %get3A_958 = arith.index_cast %add3A_933 : i32 to index
      %get3A_959 = arith.constant 48 : index
      %get3A_960 = tpu.vector_load %arg12[%get3A_958, %get3A_959] {strides = array<i32>} : memref<80x128xf32, #tpu.memory_space<vmem>>, vector<16xf32>,
      %mul3A_961 = arith.mulf %get3A_957, %get3A_960 : vector<16xf32>
      %get3A_962 = arith.index_cast %add3A_933 : i32 to index
      %get3A_963 = arith.constant 64 : index
      %get3A_964 = tpu.vector_load %arg11[%get3A_962, %get3A_963] {strides = array<i32>} : memref<80x128xf32, #tpu.memory_space<vmem>>, vector<16xf32>,
      %get3A_965 = arith.index_cast %add3A_933 : i32 to index
      %get3A_966 = arith.constant 64 : index
      %get3A_967 = tpu.vector_load %arg12[%get3A_965, %get3A_966] {strides = array<i32>} : memref<80x128xf32, #tpu.memory_space<vmem>>, vector<16xf32>,
      %mul3A_968 = arith.mulf %get3A_964, %get3A_967 : vector<16xf32>
      %get3A_969 = arith.index_cast %add3A_933 : i32 to index
      %get3A_970 = arith.constant 80 : index
      %get3A_971 = tpu.vector_load %arg11[%get3A_969, %get3A_970] {strides = array<i32>} : memref<80x128xf32, #tpu.memory_space<vmem>>, vector<16xf32>,
      %get3A_972 = arith.index_cast %add3A_933 : i32 to index
      %get3A_973 = arith.constant 80 : index
      %get3A_974 = tpu.vector_load %arg12[%get3A_972, %get3A_973] {strides = array<i32>} : memref<80x128xf32, #tpu.memory_space<vmem>>, vector<16xf32>,
      %mul3A_975 = arith.mulf %get3A_971, %get3A_974 : vector<16xf32>
      %get3A_976 = arith.index_cast %add3A_933 : i32 to index
      %get3A_977 = arith.constant 96 : index
      %get3A_978 = tpu.vector_load %arg11[%get3A_976, %get3A_977] {strides = array<i32>} : memref<80x128xf32, #tpu.memory_space<vmem>>, vector<16xf32>,
      %get3A_979 = arith.index_cast %add3A_933 : i32 to index
      %get3A_980 = arith.constant 96 : index
      %get3A_981 = tpu.vector_load %arg12[%get3A_979, %get3A_980] {strides = array<i32>} : memref<80x128xf32, #tpu.memory_space<vmem>>, vector<16xf32>,
      %mul3A_982 = arith.mulf %get3A_978, %get3A_981 : vector<16xf32>
      %get3A_983 = arith.index_cast %add3A_933 : i32 to index
      %get3A_984 = arith.constant 112 : index
      %get3A_985 = tpu.vector_load %arg11[%get3A_983, %get3A_984] {strides = array<i32>} : memref<80x128xf32, #tpu.memory_space<vmem>>, vector<16xf32>,
      %get3A_986 = arith.index_cast %add3A_933 : i32 to index
      %get3A_987 = arith.constant 112 : index
      %get3A_988 = tpu.vector_load %arg12[%get3A_986, %get3A_987] {strides = array<i32>} : memref<80x128xf32, #tpu.memory_space<vmem>>, vector<16xf32>,
      %mul3A_989 = arith.mulf %get3A_985, %get3A_988 : vector<16xf32>
      %add3A_990 = arith.addf %mul3A_940, %mul3A_947 : vector<16xf32>
      %add3A_991 = arith.addf %mul3A_954, %mul3A_961 : vector<16xf32>
      %add3A_992 = arith.addf %mul3A_968, %mul3A_975 : vector<16xf32>
      %add3A_993 = arith.addf %mul3A_982, %mul3A_989 : vector<16xf32>
      %add3A_994 = arith.addf %add3A_990, %add3A_991 : vector<16xf32>
      %add3A_995 = arith.addf %add3A_992, %add3A_993 : vector<16xf32>
      %add3A_996 = arith.addf %add3A_994, %add3A_995 : vector<16xf32>
      %swap3A_997 = arith.index_cast %add3A_933 : i32 to index
      %swap3A_998 = arith.constant 0 : index
      %swap3A_999 = tpu.vector_load %arg16[%swap3A_997, %swap3A_998] {strides = array<i32>} : memref<80x16xf32, #tpu.memory_space<vmem>>, vector<16xf32>,
      tpu.vector_store %arg16[%swap3A_997, %swap3A_998], %add3A_996 {strides = array<i32>} : memref<80x16xf32, #tpu.memory_space<vmem>>, vector<16xf32>,
      %add3A_1000 = arith.constant 14 : i32
      %add3A_1001 = arith.addi %mul3A_48, %add3A_1000 : i32
      %get3A_1002 = arith.index_cast %add3A_1001 : i32 to index
      %get3A_1003 = arith.constant 0 : index
      %get3A_1004 = tpu.vector_load %arg11[%get3A_1002, %get3A_1003] {strides = array<i32>} : memref<80x128xf32, #tpu.memory_space<vmem>>, vector<16xf32>,
      %get3A_1005 = arith.index_cast %add3A_1001 : i32 to index
      %get3A_1006 = arith.constant 0 : index
      %get3A_1007 = tpu.vector_load %arg12[%get3A_1005, %get3A_1006] {strides = array<i32>} : memref<80x128xf32, #tpu.memory_space<vmem>>, vector<16xf32>,
      %mul3A_1008 = arith.mulf %get3A_1004, %get3A_1007 : vector<16xf32>
      %get3A_1009 = arith.index_cast %add3A_1001 : i32 to index
      %get3A_1010 = arith.constant 16 : index
      %get3A_1011 = tpu.vector_load %arg11[%get3A_1009, %get3A_1010] {strides = array<i32>} : memref<80x128xf32, #tpu.memory_space<vmem>>, vector<16xf32>,
      %get3A_1012 = arith.index_cast %add3A_1001 : i32 to index
      %get3A_1013 = arith.constant 16 : index
      %get3A_1014 = tpu.vector_load %arg12[%get3A_1012, %get3A_1013] {strides = array<i32>} : memref<80x128xf32, #tpu.memory_space<vmem>>, vector<16xf32>,
      %mul3A_1015 = arith.mulf %get3A_1011, %get3A_1014 : vector<16xf32>
      %get3A_1016 = arith.index_cast %add3A_1001 : i32 to index
      %get3A_1017 = arith.constant 32 : index
      %get3A_1018 = tpu.vector_load %arg11[%get3A_1016, %get3A_1017] {strides = array<i32>} : memref<80x128xf32, #tpu.memory_space<vmem>>, vector<16xf32>,
      %get3A_1019 = arith.index_cast %add3A_1001 : i32 to index
      %get3A_1020 = arith.constant 32 : index
      %get3A_1021 = tpu.vector_load %arg12[%get3A_1019, %get3A_1020] {strides = array<i32>} : memref<80x128xf32, #tpu.memory_space<vmem>>, vector<16xf32>,
      %mul3A_1022 = arith.mulf %get3A_1018, %get3A_1021 : vector<16xf32>
      %get3A_1023 = arith.index_cast %add3A_1001 : i32 to index
      %get3A_1024 = arith.constant 48 : index
      %get3A_1025 = tpu.vector_load %arg11[%get3A_1023, %get3A_1024] {strides = array<i32>} : memref<80x128xf32, #tpu.memory_space<vmem>>, vector<16xf32>,
      %get3A_1026 = arith.index_cast %add3A_1001 : i32 to index
      %get3A_1027 = arith.constant 48 : index
      %get3A_1028 = tpu.vector_load %arg12[%get3A_1026, %get3A_1027] {strides = array<i32>} : memref<80x128xf32, #tpu.memory_space<vmem>>, vector<16xf32>,
      %mul3A_1029 = arith.mulf %get3A_1025, %get3A_1028 : vector<16xf32>
      %get3A_1030 = arith.index_cast %add3A_1001 : i32 to index
      %get3A_1031 = arith.constant 64 : index
      %get3A_1032 = tpu.vector_load %arg11[%get3A_1030, %get3A_1031] {strides = array<i32>} : memref<80x128xf32, #tpu.memory_space<vmem>>, vector<16xf32>,
      %get3A_1033 = arith.index_cast %add3A_1001 : i32 to index
      %get3A_1034 = arith.constant 64 : index
      %get3A_1035 = tpu.vector_load %arg12[%get3A_1033, %get3A_1034] {strides = array<i32>} : memref<80x128xf32, #tpu.memory_space<vmem>>, vector<16xf32>,
      %mul3A_1036 = arith.mulf %get3A_1032, %get3A_1035 : vector<16xf32>
      %get3A_1037 = arith.index_cast %add3A_1001 : i32 to index
      %get3A_1038 = arith.constant 80 : index
      %get3A_1039 = tpu.vector_load %arg11[%get3A_1037, %get3A_1038] {strides = array<i32>} : memref<80x128xf32, #tpu.memory_space<vmem>>, vector<16xf32>,
      %get3A_1040 = arith.index_cast %add3A_1001 : i32 to index
      %get3A_1041 = arith.constant 80 : index
      %get3A_1042 = tpu.vector_load %arg12[%get3A_1040, %get3A_1041] {strides = array<i32>} : memref<80x128xf32, #tpu.memory_space<vmem>>, vector<16xf32>,
      %mul3A_1043 = arith.mulf %get3A_1039, %get3A_1042 : vector<16xf32>
      %get3A_1044 = arith.index_cast %add3A_1001 : i32 to index
      %get3A_1045 = arith.constant 96 : index
      %get3A_1046 = tpu.vector_load %arg11[%get3A_1044, %get3A_1045] {strides = array<i32>} : memref<80x128xf32, #tpu.memory_space<vmem>>, vector<16xf32>,
      %get3A_1047 = arith.index_cast %add3A_1001 : i32 to index
      %get3A_1048 = arith.constant 96 : index
      %get3A_1049 = tpu.vector_load %arg12[%get3A_1047, %get3A_1048] {strides = array<i32>} : memref<80x128xf32, #tpu.memory_space<vmem>>, vector<16xf32>,
      %mul3A_1050 = arith.mulf %get3A_1046, %get3A_1049 : vector<16xf32>
      %get3A_1051 = arith.index_cast %add3A_1001 : i32 to index
      %get3A_1052 = arith.constant 112 : index
      %get3A_1053 = tpu.vector_load %arg11[%get3A_1051, %get3A_1052] {strides = array<i32>} : memref<80x128xf32, #tpu.memory_space<vmem>>, vector<16xf32>,
      %get3A_1054 = arith.index_cast %add3A_1001 : i32 to index
      %get3A_1055 = arith.constant 112 : index
      %get3A_1056 = tpu.vector_load %arg12[%get3A_1054, %get3A_1055] {strides = array<i32>} : memref<80x128xf32, #tpu.memory_space<vmem>>, vector<16xf32>,
      %mul3A_1057 = arith.mulf %get3A_1053, %get3A_1056 : vector<16xf32>
      %add3A_1058 = arith.addf %mul3A_1008, %mul3A_1015 : vector<16xf32>
      %add3A_1059 = arith.addf %mul3A_1022, %mul3A_1029 : vector<16xf32>
      %add3A_1060 = arith.addf %mul3A_1036, %mul3A_1043 : vector<16xf32>
      %add3A_1061 = arith.addf %mul3A_1050, %mul3A_1057 : vector<16xf32>
      %add3A_1062 = arith.addf %add3A_1058, %add3A_1059 : vector<16xf32>
      %add3A_1063 = arith.addf %add3A_1060, %add3A_1061 : vector<16xf32>
      %add3A_1064 = arith.addf %add3A_1062, %add3A_1063 : vector<16xf32>
      %swap3A_1065 = arith.index_cast %add3A_1001 : i32 to index
      %swap3A_1066 = arith.constant 0 : index
      %swap3A_1067 = tpu.vector_load %arg16[%swap3A_1065, %swap3A_1066] {strides = array<i32>} : memref<80x16xf32, #tpu.memory_space<vmem>>, vector<16xf32>,
      tpu.vector_store %arg16[%swap3A_1065, %swap3A_1066], %add3A_1064 {strides = array<i32>} : memref<80x16xf32, #tpu.memory_space<vmem>>, vector<16xf32>,
      %add3A_1068 = arith.constant 15 : i32
      %add3A_1069 = arith.addi %mul3A_48, %add3A_1068 : i32
      %get3A_1070 = arith.index_cast %add3A_1069 : i32 to index
      %get3A_1071 = arith.constant 0 : index
      %get3A_1072 = tpu.vector_load %arg11[%get3A_1070, %get3A_1071] {strides = array<i32>} : memref<80x128xf32, #tpu.memory_space<vmem>>, vector<16xf32>,
      %get3A_1073 = arith.index_cast %add3A_1069 : i32 to index
      %get3A_1074 = arith.constant 0 : index
      %get3A_1075 = tpu.vector_load %arg12[%get3A_1073, %get3A_1074] {strides = array<i32>} : memref<80x128xf32, #tpu.memory_space<vmem>>, vector<16xf32>,
      %mul3A_1076 = arith.mulf %get3A_1072, %get3A_1075 : vector<16xf32>
      %get3A_1077 = arith.index_cast %add3A_1069 : i32 to index
      %get3A_1078 = arith.constant 16 : index
      %get3A_1079 = tpu.vector_load %arg11[%get3A_1077, %get3A_1078] {strides = array<i32>} : memref<80x128xf32, #tpu.memory_space<vmem>>, vector<16xf32>,
      %get3A_1080 = arith.index_cast %add3A_1069 : i32 to index
      %get3A_1081 = arith.constant 16 : index
      %get3A_1082 = tpu.vector_load %arg12[%get3A_1080, %get3A_1081] {strides = array<i32>} : memref<80x128xf32, #tpu.memory_space<vmem>>, vector<16xf32>,
      %mul3A_1083 = arith.mulf %get3A_1079, %get3A_1082 : vector<16xf32>
      %get3A_1084 = arith.index_cast %add3A_1069 : i32 to index
      %get3A_1085 = arith.constant 32 : index
      %get3A_1086 = tpu.vector_load %arg11[%get3A_1084, %get3A_1085] {strides = array<i32>} : memref<80x128xf32, #tpu.memory_space<vmem>>, vector<16xf32>,
      %get3A_1087 = arith.index_cast %add3A_1069 : i32 to index
      %get3A_1088 = arith.constant 32 : index
      %get3A_1089 = tpu.vector_load %arg12[%get3A_1087, %get3A_1088] {strides = array<i32>} : memref<80x128xf32, #tpu.memory_space<vmem>>, vector<16xf32>,
      %mul3A_1090 = arith.mulf %get3A_1086, %get3A_1089 : vector<16xf32>
      %get3A_1091 = arith.index_cast %add3A_1069 : i32 to index
      %get3A_1092 = arith.constant 48 : index
      %get3A_1093 = tpu.vector_load %arg11[%get3A_1091, %get3A_1092] {strides = array<i32>} : memref<80x128xf32, #tpu.memory_space<vmem>>, vector<16xf32>,
      %get3A_1094 = arith.index_cast %add3A_1069 : i32 to index
      %get3A_1095 = arith.constant 48 : index
      %get3A_1096 = tpu.vector_load %arg12[%get3A_1094, %get3A_1095] {strides = array<i32>} : memref<80x128xf32, #tpu.memory_space<vmem>>, vector<16xf32>,
      %mul3A_1097 = arith.mulf %get3A_1093, %get3A_1096 : vector<16xf32>
      %get3A_1098 = arith.index_cast %add3A_1069 : i32 to index
      %get3A_1099 = arith.constant 64 : index
      %get3A_1100 = tpu.vector_load %arg11[%get3A_1098, %get3A_1099] {strides = array<i32>} : memref<80x128xf32, #tpu.memory_space<vmem>>, vector<16xf32>,
      %get3A_1101 = arith.index_cast %add3A_1069 : i32 to index
      %get3A_1102 = arith.constant 64 : index
      %get3A_1103 = tpu.vector_load %arg12[%get3A_1101, %get3A_1102] {strides = array<i32>} : memref<80x128xf32, #tpu.memory_space<vmem>>, vector<16xf32>,
      %mul3A_1104 = arith.mulf %get3A_1100, %get3A_1103 : vector<16xf32>
      %get3A_1105 = arith.index_cast %add3A_1069 : i32 to index
      %get3A_1106 = arith.constant 80 : index
      %get3A_1107 = tpu.vector_load %arg11[%get3A_1105, %get3A_1106] {strides = array<i32>} : memref<80x128xf32, #tpu.memory_space<vmem>>, vector<16xf32>,
      %get3A_1108 = arith.index_cast %add3A_1069 : i32 to index
      %get3A_1109 = arith.constant 80 : index
      %get3A_1110 = tpu.vector_load %arg12[%get3A_1108, %get3A_1109] {strides = array<i32>} : memref<80x128xf32, #tpu.memory_space<vmem>>, vector<16xf32>,
      %mul3A_1111 = arith.mulf %get3A_1107, %get3A_1110 : vector<16xf32>
      %get3A_1112 = arith.index_cast %add3A_1069 : i32 to index
      %get3A_1113 = arith.constant 96 : index
      %get3A_1114 = tpu.vector_load %arg11[%get3A_1112, %get3A_1113] {strides = array<i32>} : memref<80x128xf32, #tpu.memory_space<vmem>>, vector<16xf32>,
      %get3A_1115 = arith.index_cast %add3A_1069 : i32 to index
      %get3A_1116 = arith.constant 96 : index
      %get3A_1117 = tpu.vector_load %arg12[%get3A_1115, %get3A_1116] {strides = array<i32>} : memref<80x128xf32, #tpu.memory_space<vmem>>, vector<16xf32>,
      %mul3A_1118 = arith.mulf %get3A_1114, %get3A_1117 : vector<16xf32>
      %get3A_1119 = arith.index_cast %add3A_1069 : i32 to index
      %get3A_1120 = arith.constant 112 : index
      %get3A_1121 = tpu.vector_load %arg11[%get3A_1119, %get3A_1120] {strides = array<i32>} : memref<80x128xf32, #tpu.memory_space<vmem>>, vector<16xf32>,
      %get3A_1122 = arith.index_cast %add3A_1069 : i32 to index
      %get3A_1123 = arith.constant 112 : index
      %get3A_1124 = tpu.vector_load %arg12[%get3A_1122, %get3A_1123] {strides = array<i32>} : memref<80x128xf32, #tpu.memory_space<vmem>>, vector<16xf32>,
      %mul3A_1125 = arith.mulf %get3A_1121, %get3A_1124 : vector<16xf32>
      %add3A_1126 = arith.addf %mul3A_1076, %mul3A_1083 : vector<16xf32>
      %add3A_1127 = arith.addf %mul3A_1090, %mul3A_1097 : vector<16xf32>
      %add3A_1128 = arith.addf %mul3A_1104, %mul3A_1111 : vector<16xf32>
      %add3A_1129 = arith.addf %mul3A_1118, %mul3A_1125 : vector<16xf32>
      %add3A_1130 = arith.addf %add3A_1126, %add3A_1127 : vector<16xf32>
      %add3A_1131 = arith.addf %add3A_1128, %add3A_1129 : vector<16xf32>
      %add3A_1132 = arith.addf %add3A_1130, %add3A_1131 : vector<16xf32>
      %swap3A_1133 = arith.index_cast %add3A_1069 : i32 to index
      %swap3A_1134 = arith.constant 0 : index
      %swap3A_1135 = tpu.vector_load %arg16[%swap3A_1133, %swap3A_1134] {strides = array<i32>} : memref<80x16xf32, #tpu.memory_space<vmem>>, vector<16xf32>,
      tpu.vector_store %arg16[%swap3A_1133, %swap3A_1134], %add3A_1132 {strides = array<i32>} : memref<80x16xf32, #tpu.memory_space<vmem>>, vector<16xf32>,
    }
    %scan3A_36 = arith.constant 5 : i32
    %scan3A_37 = arith.constant 0 : i32
    %scan3A_38 = arith.constant 5 : i32
    %scan3A_39 = arith.addi %scan3A_37, %scan3A_38 : i32
    %scan3A_40 = arith.constant 1 : i32
    scf.for %scan3A_42 = %scan3A_37 to %scan3A_39 step %scan3A_40  : i32 {
      %mul3A_43 = arith.constant 1 : i32
      %mul3A_44 = arith.muli %scan3A_42, %mul3A_43 : i32
      %add3A_45 = arith.constant 0 : i32
      %add3A_46 = arith.addi %add3A_45, %mul3A_44 : i32
      %mul3A_47 = arith.constant 16 : i32
      %mul3A_48 = arith.muli %add3A_46, %mul3A_47 : i32
      %broadcast_in_dim3A = vector.broadcast %mul3A_48 : i32 to vector<16xi32>
      %add3A_49 = arith.addi %broadcast_in_dim3A, %iota3A : vector<16xi32>
      %broadcast_in_dim3A_50 = arith.constant 0.000000e+00 : f32
      %broadcast_in_dim3A_51 = vector.broadcast %broadcast_in_dim3A_50 : f32 to vector<16xf32>
      %broadcast_in_dim3A_52 = arith.constant 0.000000e+00 : f32
      %broadcast_in_dim3A_53 = vector.broadcast %broadcast_in_dim3A_52 : f32 to vector<16xf32>
      %broadcast_in_dim3A_54 = arith.constant 0.000000e+00 : f32
      %broadcast_in_dim3A_55 = vector.broadcast %broadcast_in_dim3A_54 : f32 to vector<16xf32>
      %broadcast_in_dim3A_56 = arith.constant 0.000000e+00 : f32
      %broadcast_in_dim3A_57 = vector.broadcast %broadcast_in_dim3A_56 : f32 to vector<16xf32>
      %broadcast_in_dim3A_58 = arith.constant 0 : i32
      %broadcast_in_dim3A_59 = vector.broadcast %broadcast_in_dim3A_58 : i32 to vector<16xi32>
      %gather3A = tpu.vector_load_idx %arg16[%add3A_49, %broadcast_in_dim3A_59] : memref<80x16xf32, #tpu.memory_space<vmem>>[vector<16xi32>, vector<16xi32>], vector<16xf32>,
      %add3A_60 = arith.addf %broadcast_in_dim3A_51, %gather3A : vector<16xf32>
      %broadcast_in_dim3A_61 = arith.constant 1 : i32
      %broadcast_in_dim3A_62 = vector.broadcast %broadcast_in_dim3A_61 : i32 to vector<16xi32>
      %gather3A_63 = tpu.vector_load_idx %arg16[%add3A_49, %broadcast_in_dim3A_62] : memref<80x16xf32, #tpu.memory_space<vmem>>[vector<16xi32>, vector<16xi32>], vector<16xf32>,
      %add3A_64 = arith.addf %broadcast_in_dim3A_53, %gather3A_63 : vector<16xf32>
      %broadcast_in_dim3A_65 = arith.constant 2 : i32
      %broadcast_in_dim3A_66 = vector.broadcast %broadcast_in_dim3A_65 : i32 to vector<16xi32>
      %gather3A_67 = tpu.vector_load_idx %arg16[%add3A_49, %broadcast_in_dim3A_66] : memref<80x16xf32, #tpu.memory_space<vmem>>[vector<16xi32>, vector<16xi32>], vector<16xf32>,
      %add3A_68 = arith.addf %broadcast_in_dim3A_55, %gather3A_67 : vector<16xf32>
      %broadcast_in_dim3A_69 = arith.constant 3 : i32
      %broadcast_in_dim3A_70 = vector.broadcast %broadcast_in_dim3A_69 : i32 to vector<16xi32>
      %gather3A_71 = tpu.vector_load_idx %arg16[%add3A_49, %broadcast_in_dim3A_70] : memref<80x16xf32, #tpu.memory_space<vmem>>[vector<16xi32>, vector<16xi32>], vector<16xf32>,
      %add3A_72 = arith.addf %broadcast_in_dim3A_57, %gather3A_71 : vector<16xf32>
      %broadcast_in_dim3A_73 = arith.constant 4 : i32
      %broadcast_in_dim3A_74 = vector.broadcast %broadcast_in_dim3A_73 : i32 to vector<16xi32>
      %gather3A_75 = tpu.vector_load_idx %arg16[%add3A_49, %broadcast_in_dim3A_74] : memref<80x16xf32, #tpu.memory_space<vmem>>[vector<16xi32>, vector<16xi32>], vector<16xf32>,
      %add3A_76 = arith.addf %add3A_60, %gather3A_75 : vector<16xf32>
      %broadcast_in_dim3A_77 = arith.constant 5 : i32
      %broadcast_in_dim3A_78 = vector.broadcast %broadcast_in_dim3A_77 : i32 to vector<16xi32>
      %gather3A_79 = tpu.vector_load_idx %arg16[%add3A_49, %broadcast_in_dim3A_78] : memref<80x16xf32, #tpu.memory_space<vmem>>[vector<16xi32>, vector<16xi32>], vector<16xf32>,
      %add3A_80 = arith.addf %add3A_64, %gather3A_79 : vector<16xf32>
      %broadcast_in_dim3A_81 = arith.constant 6 : i32
      %broadcast_in_dim3A_82 = vector.broadcast %broadcast_in_dim3A_81 : i32 to vector<16xi32>
      %gather3A_83 = tpu.vector_load_idx %arg16[%add3A_49, %broadcast_in_dim3A_82] : memref<80x16xf32, #tpu.memory_space<vmem>>[vector<16xi32>, vector<16xi32>], vector<16xf32>,
      %add3A_84 = arith.addf %add3A_68, %gather3A_83 : vector<16xf32>
      %broadcast_in_dim3A_85 = arith.constant 7 : i32
      %broadcast_in_dim3A_86 = vector.broadcast %broadcast_in_dim3A_85 : i32 to vector<16xi32>
      %gather3A_87 = tpu.vector_load_idx %arg16[%add3A_49, %broadcast_in_dim3A_86] : memref<80x16xf32, #tpu.memory_space<vmem>>[vector<16xi32>, vector<16xi32>], vector<16xf32>,
      %add3A_88 = arith.addf %add3A_72, %gather3A_87 : vector<16xf32>
      %broadcast_in_dim3A_89 = arith.constant 8 : i32
      %broadcast_in_dim3A_90 = vector.broadcast %broadcast_in_dim3A_89 : i32 to vector<16xi32>
      %gather3A_91 = tpu.vector_load_idx %arg16[%add3A_49, %broadcast_in_dim3A_90] : memref<80x16xf32, #tpu.memory_space<vmem>>[vector<16xi32>, vector<16xi32>], vector<16xf32>,
      %add3A_92 = arith.addf %add3A_76, %gather3A_91 : vector<16xf32>
      %broadcast_in_dim3A_93 = arith.constant 9 : i32
      %broadcast_in_dim3A_94 = vector.broadcast %broadcast_in_dim3A_93 : i32 to vector<16xi32>
      %gather3A_95 = tpu.vector_load_idx %arg16[%add3A_49, %broadcast_in_dim3A_94] : memref<80x16xf32, #tpu.memory_space<vmem>>[vector<16xi32>, vector<16xi32>], vector<16xf32>,
      %add3A_96 = arith.addf %add3A_80, %gather3A_95 : vector<16xf32>
      %broadcast_in_dim3A_97 = arith.constant 10 : i32
      %broadcast_in_dim3A_98 = vector.broadcast %broadcast_in_dim3A_97 : i32 to vector<16xi32>
      %gather3A_99 = tpu.vector_load_idx %arg16[%add3A_49, %broadcast_in_dim3A_98] : memref<80x16xf32, #tpu.memory_space<vmem>>[vector<16xi32>, vector<16xi32>], vector<16xf32>,
      %add3A_100 = arith.addf %add3A_84, %gather3A_99 : vector<16xf32>
      %broadcast_in_dim3A_101 = arith.constant 11 : i32
      %broadcast_in_dim3A_102 = vector.broadcast %broadcast_in_dim3A_101 : i32 to vector<16xi32>
      %gather3A_103 = tpu.vector_load_idx %arg16[%add3A_49, %broadcast_in_dim3A_102] : memref<80x16xf32, #tpu.memory_space<vmem>>[vector<16xi32>, vector<16xi32>], vector<16xf32>,
      %add3A_104 = arith.addf %add3A_88, %gather3A_103 : vector<16xf32>
      %broadcast_in_dim3A_105 = arith.constant 12 : i32
      %broadcast_in_dim3A_106 = vector.broadcast %broadcast_in_dim3A_105 : i32 to vector<16xi32>
      %gather3A_107 = tpu.vector_load_idx %arg16[%add3A_49, %broadcast_in_dim3A_106] : memref<80x16xf32, #tpu.memory_space<vmem>>[vector<16xi32>, vector<16xi32>], vector<16xf32>,
      %add3A_108 = arith.addf %add3A_92, %gather3A_107 : vector<16xf32>
      %broadcast_in_dim3A_109 = arith.constant 13 : i32
      %broadcast_in_dim3A_110 = vector.broadcast %broadcast_in_dim3A_109 : i32 to vector<16xi32>
      %gather3A_111 = tpu.vector_load_idx %arg16[%add3A_49, %broadcast_in_dim3A_110] : memref<80x16xf32, #tpu.memory_space<vmem>>[vector<16xi32>, vector<16xi32>], vector<16xf32>,
      %add3A_112 = arith.addf %add3A_96, %gather3A_111 : vector<16xf32>
      %broadcast_in_dim3A_113 = arith.constant 14 : i32
      %broadcast_in_dim3A_114 = vector.broadcast %broadcast_in_dim3A_113 : i32 to vector<16xi32>
      %gather3A_115 = tpu.vector_load_idx %arg16[%add3A_49, %broadcast_in_dim3A_114] : memref<80x16xf32, #tpu.memory_space<vmem>>[vector<16xi32>, vector<16xi32>], vector<16xf32>,
      %add3A_116 = arith.addf %add3A_100, %gather3A_115 : vector<16xf32>
      %broadcast_in_dim3A_117 = arith.constant 15 : i32
      %broadcast_in_dim3A_118 = vector.broadcast %broadcast_in_dim3A_117 : i32 to vector<16xi32>
      %gather3A_119 = tpu.vector_load_idx %arg16[%add3A_49, %broadcast_in_dim3A_118] : memref<80x16xf32, #tpu.memory_space<vmem>>[vector<16xi32>, vector<16xi32>], vector<16xf32>,
      %add3A_120 = arith.addf %add3A_104, %gather3A_119 : vector<16xf32>
      %add3A_121 = arith.addf %add3A_108, %add3A_112 : vector<16xf32>
      %add3A_122 = arith.addf %add3A_116, %add3A_120 : vector<16xf32>
      %add3A_123 = arith.addf %add3A_121, %add3A_122 : vector<16xf32>
      %add3A_124 = arith.addf %add3A_123, %get3A_1 : vector<16xf32>
      %neg3A = arith.constant 0.000000e+00 : f32
      %neg3A_125 = vector.broadcast %neg3A : f32 to vector<16xf32>
      %neg3A_126 = arith.subf %neg3A_125, %add3A_124 : vector<16xf32>
      %exp3A = math.exp %neg3A_126 : vector<16xf32>
      %add3A_127 = arith.constant 1.000000e+00 : f32
      %add3A_128 = vector.broadcast %add3A_127 : f32 to vector<16xf32>
      %add3A_129 = arith.addf %add3A_128, %exp3A : vector<16xf32>
      %div3A = arith.constant 1.000000e+00 : f32
      %div3A_130 = vector.broadcast %div3A : f32 to vector<16xf32>
      %div3A_131 = arith.divf %div3A_130, %add3A_129 : vector<16xf32>
      %swap3A = arith.constant 124 : i32
      %swap3A_132 = arith.index_cast %swap3A : i32 to index
      %swap3A_133 = arith.index_cast %mul3A_48 : i32 to index
      %swap3A_134 = tpu.vector_load %arg10[%swap3A_132, %swap3A_133] {strides = array<i32>} : memref<125x80xf32, #tpu.memory_space<vmem>>, vector<16xf32>,
      tpu.vector_store %arg10[%swap3A_132, %swap3A_133], %div3A_131 {strides = array<i32>} : memref<125x80xf32, #tpu.memory_space<vmem>>, vector<16xf32>,
    }
    %scan3A_41 = arith.constant 5 : i32
    "tpu.region"() ({
      %run_scoped3A = tpu.sem_alloc : memref<!tpu.dma_semaphore, #tpu.memory_space<semaphore_mem>>
      %dma_start3A_42 = arith.constant 0 : i32
      %dma_start3A_43 = arith.constant 0 : i32
      %dma_start3A_44 = tpu.memref_slice %arg7[%add3A, %dma_start3A_42, %dma_start3A_43] : memref<32x125x80xf32, #tpu.memory_space<hbm>> -> memref<1x125x80xf32, #tpu.memory_space<hbm>>
      %dma_start3A_45 = tpu.memref_squeeze %dma_start3A_44 : memref<1x125x80xf32, #tpu.memory_space<hbm>> -> memref<125x80xf32, #tpu.memory_space<hbm>>
      %dma_start3A_46 = arith.constant 0 : i32
      %dma_start3A_47 = arith.constant 0 : i32
      %dma_start3A_48 = tpu.memref_slice %arg7[%add3A, %dma_start3A_46, %dma_start3A_47] : memref<32x125x80xf32, #tpu.memory_space<hbm>> -> memref<1x125x80xf32, #tpu.memory_space<hbm>>
      %dma_start3A_49 = tpu.memref_squeeze %dma_start3A_48 : memref<1x125x80xf32, #tpu.memory_space<hbm>> -> memref<125x80xf32, #tpu.memory_space<hbm>>
      tpu.enqueue_dma source(%arg10 : memref<125x80xf32, #tpu.memory_space<vmem>>) target(%dma_start3A_49 : memref<125x80xf32, #tpu.memory_space<hbm>>) target_semaphore(%run_scoped3A : memref<!tpu.dma_semaphore, #tpu.memory_space<semaphore_mem>>)
      %dma_wait3A_50 = arith.constant 0 : i32
      %dma_wait3A_51 = arith.constant 0 : i32
      %dma_wait3A_52 = tpu.memref_slice %arg7[%add3A, %dma_wait3A_50, %dma_wait3A_51] : memref<32x125x80xf32, #tpu.memory_space<hbm>> -> memref<1x125x80xf32, #tpu.memory_space<hbm>>
      %dma_wait3A_53 = tpu.memref_squeeze %dma_wait3A_52 : memref<1x125x80xf32, #tpu.memory_space<hbm>> -> memref<125x80xf32, #tpu.memory_space<hbm>>
      %dma_wait3A_54 = arith.constant 0 : i32
      %dma_wait3A_55 = arith.constant 0 : i32
      %dma_wait3A_56 = tpu.memref_slice %arg7[%add3A, %dma_wait3A_54, %dma_wait3A_55] : memref<32x125x80xf32, #tpu.memory_space<hbm>> -> memref<1x125x80xf32, #tpu.memory_space<hbm>>
      %dma_wait3A_57 = tpu.memref_squeeze %dma_wait3A_56 : memref<1x125x80xf32, #tpu.memory_space<hbm>> -> memref<125x80xf32, #tpu.memory_space<hbm>>
      tpu.wait_dma2 semaphore(%run_scoped3A : memref<!tpu.dma_semaphore, #tpu.memory_space<semaphore_mem>>) src(%arg10 : memref<125x80xf32, #tpu.memory_space<vmem>>) dst(%dma_wait3A_57 : memref<125x80xf32, #tpu.memory_space<hbm>>)
      tpu.yield
    }) : () -> ()
    return
  }
}

module attributes {stable_mosaic.version = 14 : i64} {
  func.func @_prescale_body(%arg0: memref<10000x128xf32, #tpu.memory_space<vmem>>, %arg1: memref<1x128xf32, #tpu.memory_space<vmem>>, %arg2: memref<10000x128xf32, #tpu.memory_space<vmem>>) attributes {dimension_semantics = [], scalar_prefetch = 0 : i64, scratch_operands = 0 : i64, tpu.core_type = #tpu.core_type<tc>} {
    %get3A = arith.constant 0 : index
    %get3A_0 = arith.constant 0 : index
    %get3A_1 = vector.load %arg0[%get3A, %get3A_0] : memref<10000x128xf32, #tpu.memory_space<vmem>>, vector<10000x128xf32>
    %get3A_2 = arith.constant 0 : index
    %get3A_3 = arith.constant 0 : index
    %get3A_4 = vector.load %arg1[%get3A_2, %get3A_3] : memref<1x128xf32, #tpu.memory_space<vmem>>, vector<1x128xf32>
    %mul3A = vector.broadcast %get3A_4 : vector<1x128xf32> to vector<10000x128xf32>
    %mul3A_5 = arith.mulf %get3A_1, %mul3A : vector<10000x128xf32>
    %swap3A = arith.constant 0 : index
    %swap3A_6 = arith.constant 0 : index
    %swap3A_7 = vector.load %arg2[%swap3A, %swap3A_6] : memref<10000x128xf32, #tpu.memory_space<vmem>>, vector<10000x128xf32>
    tpu.vector_store %arg2[%swap3A, %swap3A_6], %mul3A_5 {strides = array<i32>} : memref<10000x128xf32, #tpu.memory_space<vmem>>, vector<10000x128xf32>,
    return
  }
}

</mosaic_0001>

<sc_bundles>
// kernel: kernel.4.cloned.1.call-start
scs
__scs_entry_jumppad:
0x0: {  	(pc) =	sbr.rel $0x88, $3  }
0x1: {  	(tag) =	ssettag $0x0;
	lr =	simm.s32 $0x1  }
0x2: {  	[smem:$0x3F9D] =	sst lr;
	_ =	strace $0xD0000000  }
0x3: {  	_ = 	snop  }
0x4: {  	_ = 	snop  }
0x5: {  	_ = 	snop  }
0x6: {  	_ = 	snop  }
0x7: {  	_ = 	snop  }
__scs_overlays_trampoline_lowered:
0x8: {  	[smem:$0x3FAC] =	sst s0  }
0x9: {  	[smem:$0x3FAD] =	sst s1  }
0xa: {  	[smem:$0x3FAE] =	sst s2  }
0xb: {  	[smem:$0x3FAF] =	sst s3  }
0xc: {  	[smem:$0x3FB0] =	sst s4  }
0xd: {  	[smem:$0x3FB1] =	sst s5  }
0xe: {  	[smem:$0x3FB2] =	sst s6  }
0xf: {  	[smem:$0x3FB3] =	sst s7  }
0x10: {  	[smem:$0x3FB4] =	sst s8  }
0x11: {  	[smem:$0x3FB5] =	sst s9;
	s0 =	simm.s32 @!p0 $0x0  }
0x12: {  	s1 =	sld [smem:$0x3F9B];
	s0 =	simm.s32 @p0 $0x1  }
0x13: {  	[smem:$0x3FB6] =	sst s0;
	s0 =	simm.s32 @!p1 $0x0  }
0x14: {  	s2 =	sld [smem:$0x3F9A];
	s0 =	simm.s32 @p1 $0x1  }
0x15: {  	[smem:$0x3FB7] =	sst s0;
	s0 =	simm.s32 @!p2 $0x0  }
0x16: {  	s3 =	sld [smem:$0x3FDB];
	s0 =	simm.s32 @p2 $0x1  }
0x17: {  	s4 =	simm.s32 $0x1BF5;
	[smem:$0x3FB9] =	sst s0  }
0x18: {  	s0 =	sld [smem:$0x3F9C];
	_ =	swait.ge [sflag:s4], $0x0  }
0x19: {  	s7 =	sld [smem:$0x3F9D]  }
0x1a: {  	s8 =	sadd.s32 $0xFFFFE003, lr  }
0x1b: {  	s9 =	sadd.s32 $0xFFFFFEF7, lr;
	s5 =	simm.s32 $0xFFFFFFFF;
	p2 =	slt.u32 s8, $0xFFFFF086  }
0x1c: {  	p1 =	slt.u32 s9, $0xF7A;
	s5 =	simm.s32 @!p2 $0x0  }
0x1d: {  	s5 =	simm.s32 @p1 $0x1;
	p0 =	seq.s32 s7, s2  }
0x1e: {  	s7 =	smul.u32 @!p0 $0xF7A, s2;
	p2 =	seq.s32 @!p0 s5, $0x0  }
0x1f: {  	s9 =	smul.u32 $0xF7A, s1;
	s8 =	simm.s32 @!p0 $0x1BF5;
	p2 =	por !p2, p0  }
0x20: {  	[sflag:s8] =	ssyncset.s32 @!p0 $0xFFFFF086;
	s6 =	sadd.s32 @!p0 s3, s7;
	s7 =	simm.s32 @!p0 $0x108  }
0x21: {  	s3 =	sadd.s32 s3, s9;
	s6 =	sadd.s32 @!p0 $0x88, s6;
	s7 =	simm.s32 @p2 $0x1082  }
0x22: {  	[simem:s7], [sflag:s8] =	dma.local @!p0 [hbm:s6], $0xF7A  }
0x23: {  	s9 =	sor.u32 $0xD0000000, s2;
	s6 =	simm.s32 $0x108;
	_ =	swait.ge @!p0 [sflag:s8], $0x0  }
0x24: {  	s3 =	sadd.s32 $0x88, s3;
	s6 =	simm.s32 @!p1 $0x1082;
	[sflag:s4] =	ssyncset.s32 $0xFFFFF086  }
0x25: {  	[simem:s6], [sflag:s4] =	dma.local [hbm:s3], $0xF7A  }
0x26: {  	[smem:$0x3F9D] =	sst s1;
	(tag) =	ssettag s2;
	_ =	strace s9  }
0x27: {  	s1 =	sld [smem:$0x3FAD]  }
0x28: {  	s2 =	sld [smem:$0x3FAE]  }
0x29: {  	s4 =	sld [smem:$0x3FB0]  }
0x2a: {  	p0 =	seq.s32 s5, $0x0;
	s5 =	sld [smem:$0x3FB1]  }
0x2b: {  	s6 =	sld [smem:$0x3FB2]  }
0x2c: {  	s7 =	sld [smem:$0x3FB3]  }
0x2d: {  	s3 =	simm.s32 $0x108;
	s8 =	sld [smem:$0x3FB4]  }
0x2e: {  	s3 =	simm.s32 @!p0 $0x1082;
	s9 =	sld [smem:$0x3FB5]  }
0x2f: {  	lr =	sadd.s32 s0, s3;
	s0 =	sld [smem:$0x3FAC]  }
0x30: {  	s3 =	sld [smem:$0x3FAF]  }
0x31: {  	[smem:$0x3FB8] =	sst s10  }
0x32: {  	s10 =	sld [smem:$0x3FB6];
	_ =	sdelay $0x3  }
0x33: {  	p0 =	seq.s32 s10, $0x1;
	s10 =	sld [smem:$0x3FB8];
	_ =	sdelay $0x3  }
0x34: {  	[smem:$0x3FB8] =	sst s10  }
0x35: {  	s10 =	sld [smem:$0x3FB7];
	_ =	sdelay $0x3  }
0x36: {  	p1 =	seq.s32 s10, $0x1;
	s10 =	sld [smem:$0x3FB8];
	_ =	sdelay $0x3  }
0x37: {  	[smem:$0x3FB8] =	sst s10  }
0x38: {  	s10 =	sld [smem:$0x3FB9]  }
0x39: {  	_ = 	snop;
	(pc) =	sbr.ind lr, $3  }
0x3a: {  	_ = 	snop  }
0x3b: {  	_ = 	snop  }
0x3c: {  	p2 =	seq.s32 s10, $0x1;
	s10 =	sld [smem:$0x3FB8]  }
0x3d: {  	_ =	shalt  }
0x3e: {  	_ =	shalt  }
0x3f: {  	_ =	shalt  }
0x40: {  	_ =	shalt  }
0x41: {  	_ =	shalt  }
0x42: {  	_ =	shalt  }
0x43: {  	_ =	shalt  }
0x44: {  	_ =	shalt  }
0x45: {  	_ =	shalt  }
0x46: {  	_ =	shalt  }
0x47: {  	_ =	shalt  }
0x48: {  	_ =	shalt  }
0x49: {  	_ =	shalt  }
0x4a: {  	_ =	shalt  }
0x4b: {  	_ =	shalt  }
0x4c: {  	_ =	shalt  }
0x4d: {  	_ =	shalt  }
0x4e: {  	_ =	shalt  }
0x4f: {  	_ =	shalt  }
0x50: {  	_ =	shalt  }
0x51: {  	_ =	shalt  }
0x52: {  	_ =	shalt  }
0x53: {  	_ =	shalt  }
0x54: {  	_ =	shalt  }
0x55: {  	_ =	shalt  }
0x56: {  	_ =	shalt  }
0x57: {  	_ =	shalt  }
0x58: {  	_ =	shalt  }
0x59: {  	_ =	shalt  }
0x5a: {  	_ =	shalt  }
0x5b: {  	_ =	shalt  }
0x5c: {  	_ =	shalt  }
0x5d: {  	_ =	shalt  }
0x5e: {  	_ =	shalt  }
0x5f: {  	_ =	shalt  }
0x60: {  	_ =	shalt  }
0x61: {  	_ =	shalt  }
0x62: {  	_ =	shalt  }
0x63: {  	_ =	shalt  }
0x64: {  	_ =	shalt  }
0x65: {  	_ =	shalt  }
0x66: {  	_ =	shalt  }
0x67: {  	_ =	shalt  }
0x68: {  	_ =	shalt  }
0x69: {  	_ =	shalt  }
0x6a: {  	_ =	shalt  }
0x6b: {  	_ =	shalt  }
0x6c: {  	_ =	shalt  }
0x6d: {  	_ =	shalt  }
0x6e: {  	_ =	shalt  }
0x6f: {  	_ =	shalt  }
0x70: {  	_ =	shalt  }
0x71: {  	_ =	shalt  }
0x72: {  	_ =	shalt  }
0x73: {  	_ =	shalt  }
0x74: {  	_ =	shalt  }
0x75: {  	_ =	shalt  }
0x76: {  	_ =	shalt  }
0x77: {  	_ =	shalt  }
0x78: {  	_ =	shalt  }
0x79: {  	_ =	shalt  }
0x7a: {  	_ =	shalt  }
0x7b: {  	_ =	shalt  }
0x7c: {  	_ =	shalt  }
0x7d: {  	_ =	shalt  }
0x7e: {  	_ =	shalt  }
0x7f: {  	_ =	shalt  }
0x80: {  	_ =	shalt  }
0x81: {  	_ =	shalt  }
0x82: {  	_ =	shalt  }
0x83: {  	_ =	shalt  }
0x84: {  	_ =	shalt  }
0x85: {  	_ =	shalt  }
0x86: {  	_ =	shalt  }
0x87: {  	_ =	shalt  }
.Lfunc_end0:
.L_simem_size_0:
called_computation_lowered:
.L_overlay_start_0:
0x88: {  	s2 =	sld [smem:$0x3FD9]  }
0x89: {  	s3 =	sld [smem:$0x3FFE];
	_ =	sdelay $0x1  }
0x8a: {  	s1 =	srdreg.scid  }
0x8b: {  	s0 =	sand.u32 $0x1, s1  }
0x8c: {  	s17 =	sshll.u32 s0, $0xA;
	s2 =	sadd.s32 s3, s2  }
0x8d: {  	s2 =	sadd.s32 s2, s17  }
0x8e: {  	[smem:$0x3FC4] =	sst s2  }
0x8f: {  	_ = 	snop  }
0x90: {  	s2 =	sld [smem:$0x3FC9];
	(tm) =	ssettm $0x1  }
0x91: {  	s18 =	sld [smem:$0x3FFB];
	_ =	sdelay $0x3  }
0x92: {  	_ =	strace s18  }
0x93: {  	s3 =	sld [smem:$0x3FFC];
	_ =	sdelay $0x3  }
0x94: {  	_ =	strace s3  }
0x95: {  	s3 =	sld [smem:$0x3FFD];
	_ =	sdelay $0x3  }
0x96: {  	_ =	strace s3  }
0x97: {  	_ =	strace $0x8FFFFFFF  }
0x98: {  	s19 =	sld [smem:$0x3FDB];
	_ =	sdelay $0x1  }
0x99: {  	s4 =	simm.s32 $_scs_section_size  }
0x9a: {  	s5 =	simm.s32 $_size__tile_overlayer_lowered;
	s6 =	simm.s32 $_tile_overlayer_lowered  }
0x9b: {  	s22 =	simm.s32 $0x1BFF;
	s21 =	sshll.u32 s6, $0x1;
	s3 =	sadd.s32 s4, s19  }
0x9c: {  	s7 =	simm.s32 $0x0;
	s20 =	sshll.u32 s5, $0x1;
	s5 =	sadd.s32 s21, s3  }
0x9d: {  	[timem:s7], [sflag:s22] =	dma.local [hbm:s5], s20  }
0x9e: {  	_ =	swait.ge [sflag:s22], s20  }
0x9f: {  	s4 =	ssub.s32 $0x0, s20;
	[sflag:s22] =	ssyncset.done $0x0  }
0xa0: {  	[sflag:s22] =	ssyncadd.s32 s4;
	_ =	sdelay $0x1  }
0xa1: {  	s23 =	simm.s32 $0x1B8B  }
0xa2: {  	_ =	swait.ge [sflag:s23], $0x1  }
0xa3: {  	[sflag:s23] =	ssyncset.done $0x0  }
0xa4: {  	s25 =	simm.s32 $0x1B8E;
	s24 =	sld [smem:$0x3FFE];
	[sflag:s23] =	ssyncadd.s32 $0xFFFFFFFF  }
0xa5: {  	s26 =	simm.s32 $execute0_lowered;
	[smem:$0x3FD2] =	sst s25  }
0xa6: {  	s5 =	sshll.u32 s26, $0x1;
	_ =	strace $0x80000046;
	[dreg:$0x1] =	wrdreg $0xFFFFFFFF  }
0xa7: {  	s28 =	simm.s32 $_size_execute0_lowered;
	s3 =	sadd.s32 s3, s5;
	[dreg:$0x0] =	wrdreg $0x0  }
0xa8: {  	s5 =	sshll.u32 s28, $0x1;
	[dreg:$0x2] =	wrdreg s3  }
0xa9: {  	[dreg:$0x3] =	wrdreg s5  }
0xaa: {  	[dreg:$0x4] =	wrdreg $0xC0  }
0xab: {  	_ =	task [dreg:s7], $0x5FFFF  }
0xac: {  	[dreg:$0x1] =	wrdreg $0xFFFFFFFF  }
0xad: {  	[dreg:$0x0] =	wrdreg $0x60  }
0xae: {  	[dreg:$0x2] =	wrdreg s24  }
0xaf: {  	[dreg:$0x3] =	wrdreg s2  }
0xb0: {  	[dreg:$0x4] =	wrdreg $0x9  }
0xb1: {  	_ =	task.clear_ibuf [dreg:s7], $0x5FFFF;
	_ =	strace $0x90000046  }
0xb2: {  	s29 =	simm.s32 $0x9;
	_ =	strace $0x80000048  }
0xb3: {  	_ =	swait.ge [sflag:s29], $0x1  }
0xb4: {  	[sflag:s29] =	ssyncadd.s32 $0xFFFFFFFF  }
0xb5: {  	_ =	strace $0x90000048  }
0xb6: {  	_ =	sfence  }
0xb7: {  	s30 =	sld [smem:$0x0];
	_ =	sdelay $0x2  }
0xb8: {  	s31 =	sshll.u32 s1, $0xD;
	s1 =	sshrl.u32 s1, $0x2  }
0xb9: {  	s3 =	sand.u32 $0x4000, s31;
	s1 =	sadd.s32 s1, s30  }
0xba: {  	s0 =	sor.u32 s3, s0;
	s1 =	sshll.u32 s1, $0x11  }
0xbb: {  	s0 =	sor.u32 s1, s0  }
0xbc: {  	s0 =	sadd.s32 $0x8F2B, s0  }
0xbd: {  	[sflag:s0] =	ssyncadd.remote.s32 $0x1  }
0xbe: {  	_ =	sfence.sel $0xFFFF  }
0xbf: {  	[dreg:$0x0] =	wrdreg $0xFFFFFFFF;
	(pc) =	sbr.abs _section_cstart, $3  }
0xc0: {  	[dreg:$0x1] =	wrdreg $0xFFFFFFFF  }
0xc1: {  	_ =	task.clear_ibuf [dreg:s7], $0x2FFFF;
	_ =	strace $0x9FFFFFFF  }
0xc2: {  	(tm) =	ssettm $0x7FFFFFFF  }
0xc3: {  	_ =	shalt  }
tec
execute0_lowered:
.L_overlay_start_1:
0x0: {  	(tag) =	ssettag $0x1  }
0x1: {  	s0 =	rddreg [dreg:$0x0]  }
0x2: {  	s2 =	rddreg [dreg:$0x1];
	s4 =	srdreg.scid;
	s3 =	simm.s32 $0x0  }
0x3: {  	s1 =	stileid.u32;
	s10 =	simm.s32 $0x5;
	s11 =	simm.s32 $0x4000  }
0x4: {  	s12 =	simm.s32 $0x16000;
	s13 =	simm.s32 $0x50;
	s14 =	simm.s32 $0xC000  }
0x5: {  	s15 =	simm.s32 $0xE800;
	s16 =	simm.s32 $0x11000;
	s17 =	simm.s32 $0x13800  }
0x6: {  	s18 =	simm.s32 $0x1;
	s19 =	simm.s32 $0x2;
	s20 =	simm.s32 $0x16080  }
0x7: {  	s21 =	simm.s32 $0x3;
	s22 =	simm.s32 $0x4;
	s23 =	simm.s32 $0x8000  }
0x8: {  	s24 =	simm.s32 $0x0;
	s31 =	simm.s32 $0x0;
	s4 =	sand.u32 $0x1, s4  }
0x9: {  	[smem:$0x7FF] =	sst s3;
	s5 =	sshll.u32 s1, $0xC;
	s6 =	sshll.u32 s4, $0xB  }
0xa: {  	_ =	strace $0x80000047;
	s29 =	ssub.s32 $0x2, s4;
	s5 =	sor.u32 s6, s5  }
0xb: {  	s4 =	sadd.s32 $0x20200, s0;
	s7 =	sshrl.u32 s29, $0x1;
	s8 =	sadd.s32 s5, s0  }
0xc: {  	v0 =	vlaneseq.u32;
	s5 =	sadd.s32 $0x47400, s0;
	s30 =	ssub.s32 s29, s7;
	s6 =	sadd.s32 $0x10200, s8  }
0xd: {  	v0 =	vmul.u32 $0x80, v0;
	s7 =	sadd.s32 $0x200, s8;
	s8 =	sadd.s32 $0x47600, s8;
	s9 =	smax.u32 s30, $0x1  }
.LBB2_1:
0xe: {  	[tilespmem:s3], [sflag:$0x5] =	stream.linear.gather [hbm4b:s6+s3], $0x3E80, $0x38;
	[tilespmem:$0x18880] =	vst v63  }
0xf: {  	_ =	swait.ge [sflag:s10], $0x3E80  }
0x10: {  	[sflag:s10] =	ssyncset.done $0x0  }
0x11: {  	[sflag:s10] =	ssyncadd.s32 $0xFFFFC180  }
0x12: {  	[tilespmem:s11], [sflag:$0x5] =	stream.linear.gather [hbm4b:s7+s3], $0x3E80, $0x38;
	[tilespmem:$0x18880] =	vst v63  }
0x13: {  	_ =	swait.ge [sflag:s10], $0x3E80  }
0x14: {  	[sflag:s10] =	ssyncset.done $0x0  }
0x15: {  	[sflag:s10] =	ssyncadd.s32 $0xFFFFC180  }
0x16: {  	[tilespmem:s12], [sflag:$0x5] =	stream.linear.gather [hbm4b:s5+s3], $0x80, $0x38;
	[tilespmem:$0x18880] =	vst v63  }
0x17: {  	_ =	swait.ge [sflag:s10], $0x80  }
0x18: {  	[sflag:s10] =	ssyncset.done $0x0  }
0x19: {  	[sflag:s10] =	ssyncadd.s32 $0xFFFFFF80  }
0x1a: {  	v1 =	vld [tilespmem:$0x16000];
	[tilespmem:s14], [sflag:$0x1] =	stream.indirect.gather [hbm4b:s4+s13], $0x80, s3, s13, $0xb8  }
0x1b: {  	s25 =	simm.s32 $0x8080;
	s26 =	simm.s32 $0x8000;
	s28 =	simm.s32 $0x0  }
0x1c: {  	[tilespmem:s15], [sflag:$0x2] =	stream.indirect.gather [hbm4b:s2+s13], $0x80, s11, s13, $0xb8;
	[tilespmem:$0x18880] =	vst v63  }
.LBB2_2:
0x1d: {  	s29 =	sshll.u32 s28, $0x8  }
0x1e: {  	s0 =	sor.u32 $0x80, s29  }
0x1f: {  	[tilespmem:s16], [sflag:$0x3] =	stream.indirect.gather [hbm4b:s4+s13], $0x80, s0, s13, $0xb8;
	[tilespmem:$0x18880] =	vst v63  }
0x20: {  	s1 =	sadd.s32 $0x4080, s29  }
0x21: {  	[tilespmem:s17], [sflag:$0x4] =	stream.indirect.gather [hbm4b:s2+s13], $0x80, s1, s13, $0xb8;
	[tilespmem:$0x18880] =	vst v63  }
0x22: {  	_ =	swait.ge [sflag:s18], $0x2800  }
0x23: {  	[sflag:s18] =	ssyncset.done $0x0  }
0x24: {  	[sflag:s18] =	ssyncadd.s32 $0xFFFFD800  }
0x25: {  	_ =	swait.ge [sflag:s19], $0x2800  }
0x26: {  	[sflag:s19] =	ssyncset.done $0x0  }
0x27: {  	s30 =	simm.s32 $0x0;
	[sflag:s19] =	ssyncadd.s32 $0xFFFFD800  }
0x28: {  	v2 =	vld [tilespmem:s30+$0xC780]  }
0x29: {  	v3 =	vld [tilespmem:s30+$0xEF80]  }
0x2a: {  	v4 =	vld [tilespmem:s30+$0xC790]  }
0x2b: {  	v6 =	vld [tilespmem:s30+$0xEF90]  }
0x2c: {  	v5 =	vld [tilespmem:s30+$0xC7A0]  }
0x2d: {  	v7 =	vld [tilespmem:s30+$0xEFA0]  }
0x2e: {  	v8 =	vld [tilespmem:s30+$0xC7B0]  }
0x2f: {  	v10 =	vld [tilespmem:s30+$0xEFB0]  }
0x30: {  	v9 =	vld [tilespmem:s30+$0xC7C0]  }
0x31: {  	v11 =	vld [tilespmem:s30+$0xEFC0]  }
0x32: {  	v12 =	vld [tilespmem:s30+$0xC7D0]  }
0x33: {  	v14 =	vld [tilespmem:s30+$0xEFD0]  }
0x34: {  	v13 =	vld [tilespmem:s30+$0xC7E0]  }
0x35: {  	v15 =	vld [tilespmem:s30+$0xEFE0]  }
0x36: {  	s0 =	simm.s32 $0x1;
	v16 =	vld [tilespmem:s30+$0xC7F0]  }
.LBB2_3:
0x37: {  	p0 =	sne.s32 s0, $0x4;
	v17 =	vld [tilespmem:s30+$0xEFF0]  }
0x38: {  	v18 =	vld [tilespmem:s30+$0xC000]  }
0x39: {  	v2 =	vmul.f32 v3, v2;
	v3 =	vmul.f32 v6, v4;
	v19 =	vld [tilespmem:s30+$0xE800]  }
0x3a: {  	v5 =	vmul.f32 v7, v5;
	v6 =	vmul.f32 v10, v8;
	v4 =	vld [tilespmem:s30+$0xC010]  }
0x3b: {  	v8 =	vmul.f32 v11, v9;
	v9 =	vmul.f32 v14, v12;
	v7 =	vld [tilespmem:s30+$0xE810]  }
0x3c: {  	v11 =	vmul.f32 v15, v13;
	v10 =	vld [tilespmem:s30+$0xC020];
	v12 =	vmul.f32 v17, v16  }
0x3d: {  	v2 =	vadd.f32 v3, v2;
	v3 =	vadd.f32 v6, v5;
	v13 =	vld [tilespmem:s30+$0xE820]  }
0x3e: {  	v8 =	vadd.f32 v9, v8;
	v5 =	vmul.f32 v19, v18;
	v6 =	vld [tilespmem:s30+$0xC030];
	v9 =	vadd.f32 v12, v11  }
0x3f: {  	v11 =	vld [tilespmem:s30+$0xE830]  }
0x40: {  	v2 =	vadd.f32 v3, v2;
	v4 =	vmul.f32 v7, v4;
	v7 =	vld [tilespmem:s30+$0xC040];
	v3 =	vadd.f32 v9, v8  }
0x41: {  	v8 =	vld [tilespmem:s30+$0xE840]  }
0x42: {  	v9 =	vmul.f32 v13, v10;
	v10 =	vld [tilespmem:s30+$0xC050];
	v4 =	vadd.f32 v4, v5;
	v2 =	vadd.f32 v3, v2  }
0x43: {  	v3 =	vld [tilespmem:s30+$0xE850]  }
0x44: {  	v5 =	vmul.f32 v11, v6;
	v6 =	vld [tilespmem:s30+$0xC060];
	[tilespmem:s30+$0x16800] =	vst v2  }
0x45: {  	v2 =	vld [tilespmem:s30+$0xE860]  }
0x46: {  	v7 =	vmul.f32 v8, v7;
	v8 =	vld [tilespmem:s30+$0xC070];
	v5 =	vadd.f32 v5, v9  }
0x47: {  	v9 =	vld [tilespmem:s30+$0xE870]  }
0x48: {  	v3 =	vmul.f32 v3, v10;
	v4 =	vadd.f32 v5, v4;
	v5 =	vld [tilespmem:s30+$0xC080]  }
0x49: {  	v10 =	vld [tilespmem:s30+$0xE880]  }
0x4a: {  	v2 =	vmul.f32 v2, v6;
	v3 =	vadd.f32 v3, v7;
	v6 =	vld [tilespmem:s30+$0xC090]  }
0x4b: {  	v7 =	vld [tilespmem:s30+$0xE890]  }
0x4c: {  	v8 =	vmul.f32 v9, v8;
	v9 =	vld [tilespmem:s30+$0xC0A0]  }
0x4d: {  	v11 =	vld [tilespmem:s30+$0xE8A0]  }
0x4e: {  	v2 =	vadd.f32 v8, v2;
	v5 =	vmul.f32 v10, v5;
	v8 =	vld [tilespmem:s30+$0xC0B0]  }
0x4f: {  	v10 =	vld [tilespmem:s30+$0xE8B0]  }
0x50: {  	v2 =	vadd.f32 v2, v3;
	v3 =	vmul.f32 v7, v6;
	v6 =	vld [tilespmem:s30+$0xC0C0]  }
0x51: {  	v7 =	vld [tilespmem:s30+$0xE8C0]  }
0x52: {  	v2 =	vadd.f32 v2, v4;
	v4 =	vmul.f32 v11, v9;
	v9 =	vld [tilespmem:s30+$0xC0D0];
	v3 =	vadd.f32 v3, v5  }
0x53: {  	v5 =	vld [tilespmem:s30+$0xE8D0]  }
0x54: {  	[tilespmem:s30+$0x16080] =	vst v2;
	v2 =	vmul.f32 v10, v8;
	v8 =	vld [tilespmem:s30+$0xC0E0]  }
0x55: {  	v10 =	vld [tilespmem:s30+$0xE8E0]  }
0x56: {  	v6 =	vmul.f32 v7, v6;
	v7 =	vld [tilespmem:s30+$0xC0F0];
	v2 =	vadd.f32 v2, v4  }
0x57: {  	v4 =	vld [tilespmem:s30+$0xE8F0]  }
0x58: {  	v5 =	vmul.f32 v5, v9;
	v2 =	vadd.f32 v2, v3;
	v3 =	vld [tilespmem:s30+$0xC100]  }
0x59: {  	v9 =	vld [tilespmem:s30+$0xE900]  }
0x5a: {  	v8 =	vmul.f32 v10, v8;
	v5 =	vadd.f32 v5, v6;
	v6 =	vld [tilespmem:s30+$0xC110]  }
0x5b: {  	v10 =	vld [tilespmem:s30+$0xE910]  }
0x5c: {  	v4 =	vmul.f32 v4, v7;
	v7 =	vld [tilespmem:s30+$0xC120]  }
0x5d: {  	v11 =	vld [tilespmem:s30+$0xE920]  }
0x5e: {  	v4 =	vadd.f32 v4, v8;
	v3 =	vmul.f32 v9, v3;
	v8 =	vld [tilespmem:s30+$0xC130]  }
0x5f: {  	v9 =	vld [tilespmem:s30+$0xE930]  }
0x60: {  	v4 =	vadd.f32 v4, v5;
	v5 =	vmul.f32 v10, v6;
	v6 =	vld [tilespmem:s30+$0xC140]  }
0x61: {  	v10 =	vld [tilespmem:s30+$0xE940]  }
0x62: {  	v2 =	vadd.f32 v4, v2;
	v4 =	vmul.f32 v11, v7;
	v7 =	vld [tilespmem:s30+$0xC150];
	v3 =	vadd.f32 v5, v3  }
0x63: {  	v5 =	vld [tilespmem:s30+$0xE950]  }
0x64: {  	[tilespmem:s30+$0x16100] =	vst v2;
	v2 =	vmul.f32 v9, v8;
	v8 =	vld [tilespmem:s30+$0xC160]  }
0x65: {  	v9 =	vld [tilespmem:s30+$0xE960]  }
0x66: {  	v6 =	vmul.f32 v10, v6;
	v10 =	vld [tilespmem:s30+$0xC170];
	v2 =	vadd.f32 v2, v4  }
0x67: {  	v4 =	vld [tilespmem:s30+$0xE970]  }
0x68: {  	v5 =	vmul.f32 v5, v7;
	v2 =	vadd.f32 v2, v3;
	v3 =	vld [tilespmem:s30+$0xC180]  }
0x69: {  	v7 =	vld [tilespmem:s30+$0xE980]  }
0x6a: {  	v8 =	vmul.f32 v9, v8;
	v5 =	vadd.f32 v5, v6;
	v6 =	vld [tilespmem:s30+$0xC190]  }
0x6b: {  	v9 =	vld [tilespmem:s30+$0xE990]  }
0x6c: {  	v4 =	vmul.f32 v4, v10;
	v10 =	vld [tilespmem:s30+$0xC1A0]  }
0x6d: {  	v11 =	vld [tilespmem:s30+$0xE9A0]  }
0x6e: {  	v4 =	vadd.f32 v4, v8;
	v3 =	vmul.f32 v7, v3;
	v7 =	vld [tilespmem:s30+$0xC1B0]  }
0x6f: {  	v8 =	vld [tilespmem:s30+$0xE9B0]  }
0x70: {  	v4 =	vadd.f32 v4, v5;
	v5 =	vmul.f32 v9, v6;
	v6 =	vld [tilespmem:s30+$0xC1C0]  }
0x71: {  	v9 =	vld [tilespmem:s30+$0xE9C0]  }
0x72: {  	v2 =	vadd.f32 v4, v2;
	v4 =	vmul.f32 v11, v10;
	v10 =	vld [tilespmem:s30+$0xC1D0];
	v3 =	vadd.f32 v5, v3  }
0x73: {  	v5 =	vld [tilespmem:s30+$0xE9D0]  }
0x74: {  	[tilespmem:s30+$0x16180] =	vst v2;
	v2 =	vmul.f32 v8, v7;
	v7 =	vld [tilespmem:s30+$0xC1E0]  }
0x75: {  	v8 =	vld [tilespmem:s30+$0xE9E0]  }
0x76: {  	v6 =	vmul.f32 v9, v6;
	v9 =	vld [tilespmem:s30+$0xC1F0];
	v2 =	vadd.f32 v2, v4  }
0x77: {  	v4 =	vld [tilespmem:s30+$0xE9F0]  }
0x78: {  	v5 =	vmul.f32 v5, v10;
	v2 =	vadd.f32 v2, v3;
	v3 =	vld [tilespmem:s30+$0xC200]  }
0x79: {  	v10 =	vld [tilespmem:s30+$0xEA00]  }
0x7a: {  	v7 =	vmul.f32 v8, v7;
	v5 =	vadd.f32 v5, v6;
	v6 =	vld [tilespmem:s30+$0xC210]  }
0x7b: {  	v8 =	vld [tilespmem:s30+$0xEA10]  }
0x7c: {  	v4 =	vmul.f32 v4, v9;
	v9 =	vld [tilespmem:s30+$0xC220]  }
0x7d: {  	v11 =	vld [tilespmem:s30+$0xEA20]  }
0x7e: {  	v4 =	vadd.f32 v4, v7;
	v3 =	vmul.f32 v10, v3;
	v7 =	vld [tilespmem:s30+$0xC230]  }
0x7f: {  	v10 =	vld [tilespmem:s30+$0xEA30]  }
0x80: {  	v4 =	vadd.f32 v4, v5;
	v5 =	vmul.f32 v8, v6;
	v6 =	vld [tilespmem:s30+$0xC240]  }
0x81: {  	v8 =	vld [tilespmem:s30+$0xEA40]  }
0x82: {  	v2 =	vadd.f32 v4, v2;
	v4 =	vmul.f32 v11, v9;
	v9 =	vld [tilespmem:s30+$0xC250];
	v3 =	vadd.f32 v5, v3  }
0x83: {  	v5 =	vld [tilespmem:s30+$0xEA50]  }
0x84: {  	[tilespmem:s30+$0x16200] =	vst v2;
	v2 =	vmul.f32 v10, v7;
	v7 =	vld [tilespmem:s30+$0xC260]  }
0x85: {  	v10 =	vld [tilespmem:s30+$0xEA60]  }
0x86: {  	v6 =	vmul.f32 v8, v6;
	v8 =	vld [tilespmem:s30+$0xC270];
	v2 =	vadd.f32 v2, v4  }
0x87: {  	v4 =	vld [tilespmem:s30+$0xEA70]  }
0x88: {  	v5 =	vmul.f32 v5, v9;
	v2 =	vadd.f32 v2, v3;
	v3 =	vld [tilespmem:s30+$0xC280]  }
0x89: {  	v9 =	vld [tilespmem:s30+$0xEA80]  }
0x8a: {  	v7 =	vmul.f32 v10, v7;
	v5 =	vadd.f32 v5, v6;
	v6 =	vld [tilespmem:s30+$0xC290]  }
0x8b: {  	v10 =	vld [tilespmem:s30+$0xEA90]  }
0x8c: {  	v4 =	vmul.f32 v4, v8;
	v8 =	vld [tilespmem:s30+$0xC2A0]  }
0x8d: {  	v11 =	vld [tilespmem:s30+$0xEAA0]  }
0x8e: {  	v4 =	vadd.f32 v4, v7;
	v3 =	vmul.f32 v9, v3;
	v7 =	vld [tilespmem:s30+$0xC2B0]  }
0x8f: {  	v9 =	vld [tilespmem:s30+$0xEAB0]  }
0x90: {  	v4 =	vadd.f32 v4, v5;
	v5 =	vmul.f32 v10, v6;
	v6 =	vld [tilespmem:s30+$0xC2C0]  }
0x91: {  	v10 =	vld [tilespmem:s30+$0xEAC0]  }
0x92: {  	v2 =	vadd.f32 v4, v2;
	v4 =	vmul.f32 v11, v8;
	v8 =	vld [tilespmem:s30+$0xC2D0];
	v3 =	vadd.f32 v5, v3  }
0x93: {  	v5 =	vld [tilespmem:s30+$0xEAD0]  }
0x94: {  	[tilespmem:s30+$0x16280] =	vst v2;
	v2 =	vmul.f32 v9, v7;
	v7 =	vld [tilespmem:s30+$0xC2E0]  }
0x95: {  	v9 =	vld [tilespmem:s30+$0xEAE0]  }
0x96: {  	v6 =	vmul.f32 v10, v6;
	v10 =	vld [tilespmem:s30+$0xC2F0];
	v2 =	vadd.f32 v2, v4  }
0x97: {  	v4 =	vld [tilespmem:s30+$0xEAF0]  }
0x98: {  	v5 =	vmul.f32 v5, v8;
	v2 =	vadd.f32 v2, v3;
	v3 =	vld [tilespmem:s30+$0xC300]  }
0x99: {  	v8 =	vld [tilespmem:s30+$0xEB00]  }
0x9a: {  	v7 =	vmul.f32 v9, v7;
	v5 =	vadd.f32 v5, v6;
	v6 =	vld [tilespmem:s30+$0xC310]  }
0x9b: {  	v9 =	vld [tilespmem:s30+$0xEB10]  }
0x9c: {  	v4 =	vmul.f32 v4, v10;
	v10 =	vld [tilespmem:s30+$0xC320]  }
0x9d: {  	v11 =	vld [tilespmem:s30+$0xEB20]  }
0x9e: {  	v4 =	vadd.f32 v4, v7;
	v3 =	vmul.f32 v8, v3;
	v7 =	vld [tilespmem:s30+$0xC330]  }
0x9f: {  	v8 =	vld [tilespmem:s30+$0xEB30]  }
0xa0: {  	v4 =	vadd.f32 v4, v5;
	v5 =	vmul.f32 v9, v6;
	v6 =	vld [tilespmem:s30+$0xC340]  }
0xa1: {  	v9 =	vld [tilespmem:s30+$0xEB40]  }
0xa2: {  	v2 =	vadd.f32 v4, v2;
	v4 =	vmul.f32 v11, v10;
	v10 =	vld [tilespmem:s30+$0xC350];
	v3 =	vadd.f32 v5, v3  }
0xa3: {  	v5 =	vld [tilespmem:s30+$0xEB50]  }
0xa4: {  	[tilespmem:s30+$0x16300] =	vst v2;
	v2 =	vmul.f32 v8, v7;
	v7 =	vld [tilespmem:s30+$0xC360]  }
0xa5: {  	v8 =	vld [tilespmem:s30+$0xEB60]  }
0xa6: {  	v6 =	vmul.f32 v9, v6;
	v9 =	vld [tilespmem:s30+$0xC370];
	v2 =	vadd.f32 v2, v4  }
0xa7: {  	v4 =	vld [tilespmem:s30+$0xEB70]  }
0xa8: {  	v5 =	vmul.f32 v5, v10;
	v2 =	vadd.f32 v2, v3;
	v3 =	vld [tilespmem:s30+$0xC380]  }
0xa9: {  	v10 =	vld [tilespmem:s30+$0xEB80]  }
0xaa: {  	v7 =	vmul.f32 v8, v7;
	v5 =	vadd.f32 v5, v6;
	v6 =	vld [tilespmem:s30+$0xC390]  }
0xab: {  	v8 =	vld [tilespmem:s30+$0xEB90]  }
0xac: {  	v4 =	vmul.f32 v4, v9;
	v9 =	vld [tilespmem:s30+$0xC3A0]  }
0xad: {  	v11 =	vld [tilespmem:s30+$0xEBA0]  }
0xae: {  	v4 =	vadd.f32 v4, v7;
	v3 =	vmul.f32 v10, v3;
	v7 =	vld [tilespmem:s30+$0xC3B0]  }
0xaf: {  	v10 =	vld [tilespmem:s30+$0xEBB0]  }
0xb0: {  	v4 =	vadd.f32 v4, v5;
	v5 =	vmul.f32 v8, v6;
	v6 =	vld [tilespmem:s30+$0xC3C0]  }
0xb1: {  	v8 =	vld [tilespmem:s30+$0xEBC0]  }
0xb2: {  	v2 =	vadd.f32 v4, v2;
	v4 =	vmul.f32 v11, v9;
	v9 =	vld [tilespmem:s30+$0xC3D0];
	v3 =	vadd.f32 v5, v3  }
0xb3: {  	v5 =	vld [tilespmem:s30+$0xEBD0]  }
0xb4: {  	[tilespmem:s30+$0x16380] =	vst v2;
	v2 =	vmul.f32 v10, v7;
	v7 =	vld [tilespmem:s30+$0xC3E0]  }
0xb5: {  	v10 =	vld [tilespmem:s30+$0xEBE0]  }
0xb6: {  	v6 =	vmul.f32 v8, v6;
	v8 =	vld [tilespmem:s30+$0xC3F0];
	v2 =	vadd.f32 v2, v4  }
0xb7: {  	v4 =	vld [tilespmem:s30+$0xEBF0]  }
0xb8: {  	v5 =	vmul.f32 v5, v9;
	v2 =	vadd.f32 v2, v3;
	v3 =	vld [tilespmem:s30+$0xC400]  }
0xb9: {  	v9 =	vld [tilespmem:s30+$0xEC00]  }
0xba: {  	v7 =	vmul.f32 v10, v7;
	v5 =	vadd.f32 v5, v6;
	v6 =	vld [tilespmem:s30+$0xC410]  }
0xbb: {  	v10 =	vld [tilespmem:s30+$0xEC10]  }
0xbc: {  	v4 =	vmul.f32 v4, v8;
	v8 =	vld [tilespmem:s30+$0xC420]  }
0xbd: {  	v11 =	vld [tilespmem:s30+$0xEC20]  }
0xbe: {  	v4 =	vadd.f32 v4, v7;
	v3 =	vmul.f32 v9, v3;
	v7 =	vld [tilespmem:s30+$0xC430]  }
0xbf: {  	v9 =	vld [tilespmem:s30+$0xEC30]  }
0xc0: {  	v4 =	vadd.f32 v4, v5;
	v5 =	vmul.f32 v10, v6;
	v6 =	vld [tilespmem:s30+$0xC440]  }
0xc1: {  	v10 =	vld [tilespmem:s30+$0xEC40]  }
0xc2: {  	v2 =	vadd.f32 v4, v2;
	v4 =	vmul.f32 v11, v8;
	v8 =	vld [tilespmem:s30+$0xC450];
	v3 =	vadd.f32 v5, v3  }
0xc3: {  	v5 =	vld [tilespmem:s30+$0xEC50]  }
0xc4: {  	[tilespmem:s30+$0x16400] =	vst v2;
	v2 =	vmul.f32 v9, v7;
	v7 =	vld [tilespmem:s30+$0xC460]  }
0xc5: {  	v9 =	vld [tilespmem:s30+$0xEC60]  }
0xc6: {  	v6 =	vmul.f32 v10, v6;
	v10 =	vld [tilespmem:s30+$0xC470];
	v2 =	vadd.f32 v2, v4  }
0xc7: {  	v4 =	vld [tilespmem:s30+$0xEC70]  }
0xc8: {  	v5 =	vmul.f32 v5, v8;
	v2 =	vadd.f32 v2, v3;
	v3 =	vld [tilespmem:s30+$0xC480]  }
0xc9: {  	v8 =	vld [tilespmem:s30+$0xEC80]  }
0xca: {  	v7 =	vmul.f32 v9, v7;
	v5 =	vadd.f32 v5, v6;
	v6 =	vld [tilespmem:s30+$0xC490]  }
0xcb: {  	v9 =	vld [tilespmem:s30+$0xEC90]  }
0xcc: {  	v4 =	vmul.f32 v4, v10;
	v10 =	vld [tilespmem:s30+$0xC4A0]  }
0xcd: {  	v11 =	vld [tilespmem:s30+$0xECA0]  }
0xce: {  	v4 =	vadd.f32 v4, v7;
	v3 =	vmul.f32 v8, v3;
	v7 =	vld [tilespmem:s30+$0xC4B0]  }
0xcf: {  	v8 =	vld [tilespmem:s30+$0xECB0]  }
0xd0: {  	v4 =	vadd.f32 v4, v5;
	v5 =	vmul.f32 v9, v6;
	v6 =	vld [tilespmem:s30+$0xC4C0]  }
0xd1: {  	v9 =	vld [tilespmem:s30+$0xECC0]  }
0xd2: {  	v2 =	vadd.f32 v4, v2;
	v4 =	vmul.f32 v11, v10;
	v10 =	vld [tilespmem:s30+$0xC4D0];
	v3 =	vadd.f32 v5, v3  }
0xd3: {  	v5 =	vld [tilespmem:s30+$0xECD0]  }
0xd4: {  	[tilespmem:s30+$0x16480] =	vst v2;
	v2 =	vmul.f32 v8, v7;
	v7 =	vld [tilespmem:s30+$0xC4E0]  }
0xd5: {  	v8 =	vld [tilespmem:s30+$0xECE0]  }
0xd6: {  	v6 =	vmul.f32 v9, v6;
	v9 =	vld [tilespmem:s30+$0xC4F0];
	v2 =	vadd.f32 v2, v4  }
0xd7: {  	v4 =	vld [tilespmem:s30+$0xECF0]  }
0xd8: {  	v5 =	vmul.f32 v5, v10;
	v2 =	vadd.f32 v2, v3;
	v3 =	vld [tilespmem:s30+$0xC500]  }
0xd9: {  	v10 =	vld [tilespmem:s30+$0xED00]  }
0xda: {  	v7 =	vmul.f32 v8, v7;
	v5 =	vadd.f32 v5, v6;
	v6 =	vld [tilespmem:s30+$0xC510]  }
0xdb: {  	v8 =	vld [tilespmem:s30+$0xED10]  }
0xdc: {  	v4 =	vmul.f32 v4, v9;
	v9 =	vld [tilespmem:s30+$0xC520]  }
0xdd: {  	v11 =	vld [tilespmem:s30+$0xED20]  }
0xde: {  	v4 =	vadd.f32 v4, v7;
	v3 =	vmul.f32 v10, v3;
	v7 =	vld [tilespmem:s30+$0xC530]  }
0xdf: {  	v10 =	vld [tilespmem:s30+$0xED30]  }
0xe0: {  	v4 =	vadd.f32 v4, v5;
	v5 =	vmul.f32 v8, v6;
	v6 =	vld [tilespmem:s30+$0xC540]  }
0xe1: {  	v8 =	vld [tilespmem:s30+$0xED40]  }
0xe2: {  	v2 =	vadd.f32 v4, v2;
	v4 =	vmul.f32 v11, v9;
	v9 =	vld [tilespmem:s30+$0xC550];
	v3 =	vadd.f32 v5, v3  }
0xe3: {  	v5 =	vld [tilespmem:s30+$0xED50]  }
0xe4: {  	[tilespmem:s30+$0x16500] =	vst v2;
	v2 =	vmul.f32 v10, v7;
	v7 =	vld [tilespmem:s30+$0xC560]  }
0xe5: {  	v10 =	vld [tilespmem:s30+$0xED60]  }
0xe6: {  	v6 =	vmul.f32 v8, v6;
	v8 =	vld [tilespmem:s30+$0xC570];
	v2 =	vadd.f32 v2, v4  }
0xe7: {  	v4 =	vld [tilespmem:s30+$0xED70]  }
0xe8: {  	v5 =	vmul.f32 v5, v9;
	v2 =	vadd.f32 v2, v3;
	v3 =	vld [tilespmem:s30+$0xC580]  }
0xe9: {  	v9 =	vld [tilespmem:s30+$0xED80]  }
0xea: {  	v7 =	vmul.f32 v10, v7;
	v5 =	vadd.f32 v5, v6;
	v6 =	vld [tilespmem:s30+$0xC590]  }
0xeb: {  	v10 =	vld [tilespmem:s30+$0xED90]  }
0xec: {  	v4 =	vmul.f32 v4, v8;
	v8 =	vld [tilespmem:s30+$0xC5A0]  }
0xed: {  	v11 =	vld [tilespmem:s30+$0xEDA0]  }
0xee: {  	v4 =	vadd.f32 v4, v7;
	v3 =	vmul.f32 v9, v3;
	v7 =	vld [tilespmem:s30+$0xC5B0]  }
0xef: {  	v9 =	vld [tilespmem:s30+$0xEDB0]  }
0xf0: {  	v4 =	vadd.f32 v4, v5;
	v5 =	vmul.f32 v10, v6;
	v6 =	vld [tilespmem:s30+$0xC5C0]  }
0xf1: {  	v10 =	vld [tilespmem:s30+$0xEDC0]  }
0xf2: {  	v2 =	vadd.f32 v4, v2;
	v4 =	vmul.f32 v11, v8;
	v8 =	vld [tilespmem:s30+$0xC5D0];
	v3 =	vadd.f32 v5, v3  }
0xf3: {  	v5 =	vld [tilespmem:s30+$0xEDD0]  }
0xf4: {  	[tilespmem:s30+$0x16580] =	vst v2;
	v2 =	vmul.f32 v9, v7;
	v7 =	vld [tilespmem:s30+$0xC5E0]  }
0xf5: {  	v9 =	vld [tilespmem:s30+$0xEDE0]  }
0xf6: {  	v6 =	vmul.f32 v10, v6;
	v10 =	vld [tilespmem:s30+$0xC5F0];
	v2 =	vadd.f32 v2, v4  }
0xf7: {  	v4 =	vld [tilespmem:s30+$0xEDF0]  }
0xf8: {  	v5 =	vmul.f32 v5, v8;
	v2 =	vadd.f32 v2, v3;
	v3 =	vld [tilespmem:s30+$0xC600]  }
0xf9: {  	v8 =	vld [tilespmem:s30+$0xEE00]  }
0xfa: {  	v7 =	vmul.f32 v9, v7;
	v5 =	vadd.f32 v5, v6;
	v6 =	vld [tilespmem:s30+$0xC610]  }
0xfb: {  	v9 =	vld [tilespmem:s30+$0xEE10]  }
0xfc: {  	v4 =	vmul.f32 v4, v10;
	v10 =	vld [tilespmem:s30+$0xC620]  }
0xfd: {  	v11 =	vld [tilespmem:s30+$0xEE20]  }
0xfe: {  	v4 =	vadd.f32 v4, v7;
	v3 =	vmul.f32 v8, v3;
	v7 =	vld [tilespmem:s30+$0xC630]  }
0xff: {  	v8 =	vld [tilespmem:s30+$0xEE30]  }
0x100: {  	v4 =	vadd.f32 v4, v5;
	v5 =	vmul.f32 v9, v6;
	v6 =	vld [tilespmem:s30+$0xC640]  }
0x101: {  	v9 =	vld [tilespmem:s30+$0xEE40]  }
0x102: {  	v2 =	vadd.f32 v4, v2;
	v4 =	vmul.f32 v11, v10;
	v10 =	vld [tilespmem:s30+$0xC650];
	v3 =	vadd.f32 v5, v3  }
0x103: {  	v5 =	vld [tilespmem:s30+$0xEE50]  }
0x104: {  	[tilespmem:s30+$0x16600] =	vst v2;
	v2 =	vmul.f32 v8, v7;
	v7 =	vld [tilespmem:s30+$0xC660]  }
0x105: {  	v8 =	vld [tilespmem:s30+$0xEE60]  }
0x106: {  	v6 =	vmul.f32 v9, v6;
	v9 =	vld [tilespmem:s30+$0xC670];
	v2 =	vadd.f32 v2, v4  }
0x107: {  	v4 =	vld [tilespmem:s30+$0xEE70]  }
0x108: {  	v5 =	vmul.f32 v5, v10;
	v2 =	vadd.f32 v2, v3;
	v3 =	vld [tilespmem:s30+$0xC680]  }
0x109: {  	v10 =	vld [tilespmem:s30+$0xEE80]  }
0x10a: {  	v7 =	vmul.f32 v8, v7;
	v5 =	vadd.f32 v5, v6;
	v6 =	vld [tilespmem:s30+$0xC690]  }
0x10b: {  	v8 =	vld [tilespmem:s30+$0xEE90]  }
0x10c: {  	v4 =	vmul.f32 v4, v9;
	v9 =	vld [tilespmem:s30+$0xC6A0]  }
0x10d: {  	v11 =	vld [tilespmem:s30+$0xEEA0]  }
0x10e: {  	v4 =	vadd.f32 v4, v7;
	v3 =	vmul.f32 v10, v3;
	v7 =	vld [tilespmem:s30+$0xC6B0]  }
0x10f: {  	v10 =	vld [tilespmem:s30+$0xEEB0]  }
0x110: {  	v4 =	vadd.f32 v4, v5;
	v5 =	vmul.f32 v8, v6;
	v6 =	vld [tilespmem:s30+$0xC6C0]  }
0x111: {  	v8 =	vld [tilespmem:s30+$0xEEC0]  }
0x112: {  	v2 =	vadd.f32 v4, v2;
	v4 =	vmul.f32 v11, v9;
	v9 =	vld [tilespmem:s30+$0xC6D0];
	v3 =	vadd.f32 v5, v3  }
0x113: {  	v5 =	vld [tilespmem:s30+$0xEED0]  }
0x114: {  	[tilespmem:s30+$0x16680] =	vst v2;
	v2 =	vmul.f32 v10, v7;
	v7 =	vld [tilespmem:s30+$0xC6E0]  }
0x115: {  	v10 =	vld [tilespmem:s30+$0xEEE0]  }
0x116: {  	v6 =	vmul.f32 v8, v6;
	v8 =	vld [tilespmem:s30+$0xC6F0];
	v2 =	vadd.f32 v2, v4  }
0x117: {  	v4 =	vld [tilespmem:s30+$0xEEF0]  }
0x118: {  	v5 =	vmul.f32 v5, v9;
	v2 =	vadd.f32 v2, v3;
	v3 =	vld [tilespmem:s30+$0xC700]  }
0x119: {  	v9 =	vld [tilespmem:s30+$0xEF00]  }
0x11a: {  	v7 =	vmul.f32 v10, v7;
	v5 =	vadd.f32 v5, v6;
	v6 =	vld [tilespmem:s30+$0xC710]  }
0x11b: {  	v10 =	vld [tilespmem:s30+$0xEF10]  }
0x11c: {  	v4 =	vmul.f32 v4, v8;
	v8 =	vld [tilespmem:s30+$0xC720]  }
0x11d: {  	v11 =	vld [tilespmem:s30+$0xEF20]  }
0x11e: {  	v4 =	vadd.f32 v4, v7;
	v3 =	vmul.f32 v9, v3;
	v7 =	vld [tilespmem:s30+$0xC730]  }
0x11f: {  	v9 =	vld [tilespmem:s30+$0xEF30]  }
0x120: {  	v4 =	vadd.f32 v4, v5;
	v5 =	vmul.f32 v10, v6;
	v6 =	vld [tilespmem:s30+$0xC740]  }
0x121: {  	v10 =	vld [tilespmem:s30+$0xEF40]  }
0x122: {  	v2 =	vadd.f32 v4, v2;
	v4 =	vmul.f32 v11, v8;
	v8 =	vld [tilespmem:s30+$0xC750];
	v3 =	vadd.f32 v5, v3  }
0x123: {  	v5 =	vld [tilespmem:s30+$0xEF50]  }
0x124: {  	[tilespmem:s30+$0x16700] =	vst v2;
	v2 =	vmul.f32 v9, v7;
	v7 =	vld [tilespmem:s30+$0xC760]  }
0x125: {  	v9 =	vld [tilespmem:s30+$0xEF60]  }
0x126: {  	v6 =	vmul.f32 v10, v6;
	v10 =	vld [tilespmem:s30+$0xC770];
	v4 =	vadd.f32 v2, v4  }
0x127: {  	s1 =	sshll.u32 s0, $0xB;
	v11 =	vld [tilespmem:s30+$0xEF70]  }
0x128: {  	v2 =	vld [tilespmem:s1+$0xC780];
	v5 =	vmul.f32 v5, v8;
	v13 =	vadd.f32 v4, v3  }
0x129: {  	v3 =	vld [tilespmem:s1+$0xEF80]  }
0x12a: {  	v4 =	vld [tilespmem:s1+$0xC790];
	v9 =	vmul.f32 v9, v7;
	v12 =	vadd.f32 v5, v6  }
0x12b: {  	v6 =	vld [tilespmem:s1+$0xEF90]  }
0x12c: {  	v5 =	vld [tilespmem:s1+$0xC7A0];
	v10 =	vmul.f32 v11, v10  }
0x12d: {  	v7 =	vld [tilespmem:s1+$0xEFA0]  }
0x12e: {  	v8 =	vld [tilespmem:s1+$0xC7B0];
	v11 =	vadd.f32 v10, v9  }
0x12f: {  	v10 =	vld [tilespmem:s1+$0xEFB0]  }
0x130: {  	v9 =	vld [tilespmem:s1+$0xC7C0];
	v14 =	vadd.f32 v11, v12  }
0x131: {  	v11 =	vld [tilespmem:s1+$0xEFC0]  }
.Ltmp0:
0x132: {  	v12 =	vld [tilespmem:s1+$0xC7D0];
	v15 =	vadd.f32 v14, v13;
	(pc) =	sbr.rel @p0 .LBB2_3-.Ltmp0, $4  }
0x133: {  	v14 =	vld [tilespmem:s1+$0xEFD0]  }
0x134: {  	v13 =	vld [tilespmem:s1+$0xC7E0];
	[tilespmem:s30+$0x16780] =	vst v15;
	s30 =	smov.u32 s1  }
0x135: {  	v15 =	vld [tilespmem:s30+$0xEFE0]  }
0x136: {  	s0 =	sadd.s32 $0x1, s0;
	v16 =	vld [tilespmem:s30+$0xC7F0]  }
0x137: {  	v17 =	vld [tilespmem:s30+$0xEFF0]  }
0x138: {  	v18 =	vld [tilespmem:s30+$0xC000]  }
0x139: {  	v19 =	vld [tilespmem:s30+$0xE800]  }
0x13a: {  	v2 =	vmul.f32 v3, v2;
	v3 =	vmul.f32 v6, v4;
	v4 =	vld [tilespmem:s30+$0xC010]  }
0x13b: {  	v5 =	vmul.f32 v7, v5;
	v7 =	vld [tilespmem:s30+$0xE810]  }
0x13c: {  	v6 =	vmul.f32 v10, v8;
	v10 =	vld [tilespmem:s30+$0xC020]  }
0x13d: {  	v42 =	vld [tilespmem:s30+$0xE820]  }
0x13e: {  	v43 =	vld [tilespmem:s30+$0xC060]  }
0x13f: {  	v44 =	vld [tilespmem:s30+$0xC070]  }
0x140: {  	v45 =	vld [tilespmem:s30+$0xE870]  }
0x141: {  	v46 =	vld [tilespmem:s30+$0xC080]  }
0x142: {  	v48 =	vld [tilespmem:s30+$0xC0A0]  }
0x143: {  	v49 =	vld [tilespmem:s30+$0xE8D0]  }
0x144: {  	v50 =	vld [tilespmem:s30+$0xE8E0]  }
0x145: {  	v51 =	vld [tilespmem:s30+$0xC0F0]  }
0x146: {  	v52 =	vld [tilespmem:s30+$0xE8F0]  }
0x147: {  	v53 =	vld [tilespmem:s30+$0xC100]  }
0x148: {  	v55 =	vld [tilespmem:s30+$0xC120]  }
0x149: {  	v56 =	vld [tilespmem:s30+$0xE950]  }
0x14a: {  	v57 =	vld [tilespmem:s30+$0xE960]  }
0x14b: {  	v58 =	vld [tilespmem:s30+$0xC170]  }
0x14c: {  	v59 =	vld [tilespmem:s30+$0xE970]  }
0x14d: {  	v60 =	vld [tilespmem:s30+$0xC180]  }
0x14e: {  	v62 =	vld [tilespmem:s30+$0xC1A0]  }
0x14f: {  	v63 =	vld [tilespmem:s30+$0xE9D0]  }
0x150: {  	v21 =	vld [tilespmem:s30+$0xE9E0]  }
0x151: {  	v22 =	vld [tilespmem:s30+$0xC1F0]  }
0x152: {  	v23 =	vld [tilespmem:s30+$0xE9F0]  }
0x153: {  	v24 =	vld [tilespmem:s30+$0xC200]  }
0x154: {  	v26 =	vld [tilespmem:s30+$0xC220]  }
0x155: {  	v27 =	vld [tilespmem:s30+$0xEA50]  }
0x156: {  	v28 =	vld [tilespmem:s30+$0xEA60]  }
0x157: {  	v29 =	vld [tilespmem:s30+$0xC270]  }
0x158: {  	v30 =	vld [tilespmem:s30+$0xEA70]  }
0x159: {  	v31 =	vld [tilespmem:s30+$0xC280]  }
0x15a: {  	v33 =	vld [tilespmem:s30+$0xC2A0]  }
0x15b: {  	v34 =	vld [tilespmem:s30+$0xEAD0]  }
0x15c: {  	v35 =	vld [tilespmem:s30+$0xEAE0]  }
0x15d: {  	v36 =	vld [tilespmem:s30+$0xC2F0]  }
0x15e: {  	v37 =	vld [tilespmem:s30+$0xEAF0]  }
0x15f: {  	v38 =	vld [tilespmem:s30+$0xC300]  }
0x160: {  	v8 =	vmul.f32 v11, v9;
	v40 =	vld [tilespmem:s30+$0xC320];
	v9 =	vmul.f32 v14, v12  }
0x161: {  	v2 =	vadd.f32 v3, v2;
	v3 =	vadd.f32 v6, v5;
	v5 =	vld [tilespmem:s30+$0xC030]  }
0x162: {  	v6 =	vadd.f32 v9, v8;
	v9 =	vld [tilespmem:s30+$0xE830]  }
0x163: {  	v4 =	vmul.f32 v7, v4;
	v7 =	vld [tilespmem:s30+$0xE880]  }
0x164: {  	v11 =	vmul.f32 v15, v13;
	v10 =	vmul.f32 v42, v10;
	v42 =	vld [tilespmem:s30+$0xEB60]  }
0x165: {  	v41 =	vmul.f32 v17, v16;
	v54 =	vmul.f32 v52, v51;
	v51 =	vld [tilespmem:s30+$0xEBF0]  }
0x166: {  	v52 =	vld [tilespmem:s30+$0xC400]  }
0x167: {  	v47 =	vmul.f32 v19, v18;
	v8 =	vadd.f32 v41, v11;
	v11 =	vld [tilespmem:s30+$0xC040]  }
0x168: {  	v41 =	vld [tilespmem:s30+$0xEB50]  }
0x169: {  	v4 =	vadd.f32 v4, v47;
	v47 =	vld [tilespmem:s30+$0xC3A0]  }
0x16a: {  	v5 =	vmul.f32 v9, v5;
	v9 =	vld [tilespmem:s30+$0xC090]  }
0x16b: {  	v2 =	vadd.f32 v3, v2;
	v3 =	vadd.f32 v8, v6;
	v6 =	vld [tilespmem:s30+$0xE840]  }
0x16c: {  	v8 =	vld [tilespmem:s30+$0xC050]  }
0x16d: {  	v5 =	vadd.f32 v5, v10;
	v10 =	vld [tilespmem:s30+$0xE8A0]  }
0x16e: {  	v2 =	vadd.f32 v3, v2;
	v3 =	vld [tilespmem:s30+$0xE850]  }
0x16f: {  	v4 =	vadd.f32 v5, v4;
	v5 =	vld [tilespmem:s30+$0xE8C0]  }
0x170: {  	[tilespmem:s30+$0x16800] =	vst v2;
	v2 =	vld [tilespmem:s30+$0xE860]  }
0x171: {  	v6 =	vmul.f32 v6, v11;
	v11 =	vmul.f32 v45, v44;
	v44 =	vld [tilespmem:s30+$0xEB70]  }
0x172: {  	v45 =	vld [tilespmem:s30+$0xC380]  }
0x173: {  	v61 =	vmul.f32 v59, v58;
	v58 =	vld [tilespmem:s30+$0xEC70]  }
0x174: {  	v59 =	vld [tilespmem:s30+$0xC480]  }
0x175: {  	v3 =	vmul.f32 v3, v8;
	v8 =	vld [tilespmem:s30+$0xE890]  }
0x176: {  	v10 =	vmul.f32 v10, v48;
	v48 =	vld [tilespmem:s30+$0xEBD0];
	v2 =	vmul.f32 v2, v43  }
0x177: {  	v3 =	vadd.f32 v3, v6;
	v6 =	vld [tilespmem:s30+$0xC0B0]  }
0x178: {  	v43 =	vld [tilespmem:s30+$0xC370];
	v2 =	vadd.f32 v11, v2  }
0x179: {  	v11 =	vld [tilespmem:s30+$0xE8B0]  }
0x17a: {  	v7 =	vmul.f32 v7, v46;
	v8 =	vmul.f32 v8, v9;
	v9 =	vld [tilespmem:s30+$0xE900];
	v2 =	vadd.f32 v2, v3  }
0x17b: {  	v3 =	vld [tilespmem:s30+$0xC0C0]  }
0x17c: {  	v7 =	vadd.f32 v8, v7;
	v8 =	vld [tilespmem:s30+$0xE920];
	v2 =	vadd.f32 v2, v4  }
0x17d: {  	v4 =	vld [tilespmem:s30+$0xC0D0]  }
0x17e: {  	[tilespmem:s30+$0x16080] =	vst v2;
	v2 =	vld [tilespmem:s30+$0xC0E0]  }
0x17f: {  	v6 =	vmul.f32 v11, v6;
	v11 =	vld [tilespmem:s30+$0xC110]  }
0x180: {  	v3 =	vmul.f32 v5, v3;
	v5 =	vld [tilespmem:s30+$0xE910]  }
0x181: {  	v6 =	vadd.f32 v6, v10;
	v10 =	vld [tilespmem:s30+$0xE930]  }
0x182: {  	v25 =	vmul.f32 v23, v22;
	v22 =	vld [tilespmem:s30+$0xECF0]  }
0x183: {  	v23 =	vld [tilespmem:s30+$0xC500];
	v4 =	vmul.f32 v49, v4;
	v2 =	vmul.f32 v50, v2  }
0x184: {  	v8 =	vmul.f32 v8, v55;
	v55 =	vld [tilespmem:s30+$0xEC50];
	v6 =	vadd.f32 v6, v7  }
0x185: {  	v7 =	vld [tilespmem:s30+$0xE940];
	v3 =	vadd.f32 v4, v3;
	v2 =	vadd.f32 v54, v2  }
0x186: {  	v49 =	vld [tilespmem:s30+$0xEBE0]  }
0x187: {  	v4 =	vld [tilespmem:s30+$0xC130];
	v2 =	vadd.f32 v2, v3  }
0x188: {  	v50 =	vld [tilespmem:s30+$0xC3F0]  }
0x189: {  	v3 =	vld [tilespmem:s30+$0xC140];
	v2 =	vadd.f32 v2, v6  }
0x18a: {  	v6 =	vld [tilespmem:s30+$0xC150]  }
0x18b: {  	[tilespmem:s30+$0x16100] =	vst v2;
	v2 =	vld [tilespmem:s30+$0xC160]  }
0x18c: {  	v9 =	vmul.f32 v9, v53;
	v5 =	vmul.f32 v5, v11;
	v11 =	vld [tilespmem:s30+$0xE980]  }
0x18d: {  	v54 =	vld [tilespmem:s30+$0xC420];
	v4 =	vmul.f32 v10, v4  }
0x18e: {  	v5 =	vadd.f32 v5, v9;
	v9 =	vld [tilespmem:s30+$0xE9B0]  }
0x18f: {  	v10 =	vld [tilespmem:s30+$0xC190];
	v4 =	vadd.f32 v4, v8;
	v3 =	vmul.f32 v7, v3  }
0x190: {  	v8 =	vld [tilespmem:s30+$0xE9A0];
	v6 =	vmul.f32 v56, v6;
	v2 =	vmul.f32 v57, v2  }
0x191: {  	v7 =	vld [tilespmem:s30+$0xE990];
	v4 =	vadd.f32 v4, v5  }
0x192: {  	v5 =	vld [tilespmem:s30+$0xE9C0];
	v3 =	vadd.f32 v6, v3;
	v2 =	vadd.f32 v61, v2  }
0x193: {  	v32 =	vmul.f32 v30, v29;
	v29 =	vld [tilespmem:s30+$0xED70]  }
0x194: {  	v30 =	vld [tilespmem:s30+$0xC580];
	v2 =	vadd.f32 v2, v3  }
0x195: {  	v6 =	vld [tilespmem:s30+$0xC1B0]  }
0x196: {  	v3 =	vld [tilespmem:s30+$0xC1C0];
	v2 =	vadd.f32 v2, v4  }
0x197: {  	v4 =	vld [tilespmem:s30+$0xC1D0]  }
0x198: {  	[tilespmem:s30+$0x16180] =	vst v2;
	v2 =	vld [tilespmem:s30+$0xC1E0]  }
0x199: {  	v56 =	vld [tilespmem:s30+$0xEC60]  }
0x19a: {  	v8 =	vmul.f32 v8, v62;
	v62 =	vld [tilespmem:s30+$0xECD0]  }
0x19b: {  	v11 =	vmul.f32 v11, v60;
	v57 =	vld [tilespmem:s30+$0xC470];
	v7 =	vmul.f32 v7, v10  }
0x19c: {  	v10 =	vld [tilespmem:s30+$0xEA00];
	v6 =	vmul.f32 v9, v6;
	v3 =	vmul.f32 v5, v3  }
0x19d: {  	v7 =	vadd.f32 v7, v11;
	v11 =	vld [tilespmem:s30+$0xEA30];
	v4 =	vmul.f32 v63, v4;
	v2 =	vmul.f32 v21, v2  }
0x19e: {  	v9 =	vld [tilespmem:s30+$0xC210];
	v6 =	vadd.f32 v6, v8  }
0x19f: {  	v8 =	vld [tilespmem:s30+$0xEA20];
	v3 =	vadd.f32 v4, v3;
	v2 =	vadd.f32 v25, v2  }
0x1a0: {  	v5 =	vld [tilespmem:s30+$0xEA10]  }
0x1a1: {  	v6 =	vadd.f32 v6, v7;
	v7 =	vld [tilespmem:s30+$0xEA40];
	v2 =	vadd.f32 v2, v3  }
0x1a2: {  	v4 =	vld [tilespmem:s30+$0xC230]  }
0x1a3: {  	v3 =	vld [tilespmem:s30+$0xC240];
	v2 =	vadd.f32 v2, v6  }
0x1a4: {  	v6 =	vld [tilespmem:s30+$0xC250]  }
0x1a5: {  	[tilespmem:s30+$0x16200] =	vst v2;
	v2 =	vld [tilespmem:s30+$0xC260]  }
0x1a6: {  	v61 =	vld [tilespmem:s30+$0xC4A0]  }
0x1a7: {  	v39 =	vmul.f32 v37, v36;
	v10 =	vmul.f32 v10, v24;
	v36 =	vld [tilespmem:s30+$0xEDF0]  }
0x1a8: {  	v37 =	vld [tilespmem:s30+$0xC600];
	v8 =	vmul.f32 v8, v26;
	v5 =	vmul.f32 v5, v9  }
0x1a9: {  	v9 =	vld [tilespmem:s30+$0xEA80];
	v4 =	vmul.f32 v11, v4;
	v3 =	vmul.f32 v7, v3  }
0x1aa: {  	v5 =	vadd.f32 v5, v10;
	v10 =	vld [tilespmem:s30+$0xEAB0];
	v6 =	vmul.f32 v27, v6;
	v2 =	vmul.f32 v28, v2  }
0x1ab: {  	v11 =	vld [tilespmem:s30+$0xC290];
	v4 =	vadd.f32 v4, v8  }
0x1ac: {  	v8 =	vld [tilespmem:s30+$0xEAA0];
	v3 =	vadd.f32 v6, v3;
	v2 =	vadd.f32 v32, v2  }
0x1ad: {  	v7 =	vld [tilespmem:s30+$0xEA90]  }
0x1ae: {  	v4 =	vadd.f32 v4, v5;
	v5 =	vld [tilespmem:s30+$0xEAC0];
	v2 =	vadd.f32 v2, v3  }
0x1af: {  	v6 =	vld [tilespmem:s30+$0xC2B0]  }
0x1b0: {  	v3 =	vld [tilespmem:s30+$0xC2C0];
	v2 =	vadd.f32 v2, v4  }
0x1b1: {  	v4 =	vld [tilespmem:s30+$0xC2D0]  }
0x1b2: {  	[tilespmem:s30+$0x16280] =	vst v2;
	v2 =	vld [tilespmem:s30+$0xC2E0]  }
0x1b3: {  	v63 =	vld [tilespmem:s30+$0xECE0]  }
0x1b4: {  	v26 =	vld [tilespmem:s30+$0xED50];
	v9 =	vmul.f32 v9, v31  }
0x1b5: {  	v21 =	vld [tilespmem:s30+$0xC4F0];
	v8 =	vmul.f32 v8, v33;
	v7 =	vmul.f32 v7, v11  }
0x1b6: {  	v11 =	vld [tilespmem:s30+$0xEB00];
	v6 =	vmul.f32 v10, v6;
	v3 =	vmul.f32 v5, v3  }
0x1b7: {  	v7 =	vadd.f32 v7, v9;
	v9 =	vld [tilespmem:s30+$0xEB30];
	v4 =	vmul.f32 v34, v4;
	v2 =	vmul.f32 v35, v2  }
0x1b8: {  	v10 =	vld [tilespmem:s30+$0xC310];
	v6 =	vadd.f32 v6, v8  }
0x1b9: {  	v8 =	vld [tilespmem:s30+$0xEB20];
	v3 =	vadd.f32 v4, v3;
	v2 =	vadd.f32 v39, v2  }
0x1ba: {  	v5 =	vld [tilespmem:s30+$0xEB10]  }
0x1bb: {  	v6 =	vadd.f32 v6, v7;
	v7 =	vld [tilespmem:s30+$0xEB40];
	v2 =	vadd.f32 v2, v3  }
0x1bc: {  	v4 =	vld [tilespmem:s30+$0xC330]  }
0x1bd: {  	v3 =	vld [tilespmem:s30+$0xC340];
	v2 =	vadd.f32 v2, v6  }
0x1be: {  	v6 =	vld [tilespmem:s30+$0xC350]  }
0x1bf: {  	[tilespmem:s30+$0x16300] =	vst v2;
	v2 =	vld [tilespmem:s30+$0xC360]  }
0x1c0: {  	v25 =	vld [tilespmem:s30+$0xC520]  }
0x1c1: {  	v46 =	vmul.f32 v44, v43;
	v43 =	vld [tilespmem:s30+$0xEE70];
	v11 =	vmul.f32 v11, v38  }
0x1c2: {  	v44 =	vld [tilespmem:s30+$0xC680];
	v8 =	vmul.f32 v8, v40;
	v5 =	vmul.f32 v5, v10  }
0x1c3: {  	v10 =	vld [tilespmem:s30+$0xEB80];
	v4 =	vmul.f32 v9, v4;
	v3 =	vmul.f32 v7, v3  }
0x1c4: {  	v5 =	vadd.f32 v5, v11;
	v11 =	vld [tilespmem:s30+$0xEBB0];
	v6 =	vmul.f32 v41, v6;
	v2 =	vmul.f32 v42, v2  }
0x1c5: {  	v9 =	vld [tilespmem:s30+$0xC390];
	v4 =	vadd.f32 v4, v8  }
0x1c6: {  	v8 =	vld [tilespmem:s30+$0xEBA0];
	v3 =	vadd.f32 v6, v3;
	v2 =	vadd.f32 v46, v2  }
0x1c7: {  	v7 =	vld [tilespmem:s30+$0xEB90]  }
0x1c8: {  	v4 =	vadd.f32 v4, v5;
	v5 =	vld [tilespmem:s30+$0xEBC0];
	v2 =	vadd.f32 v2, v3  }
0x1c9: {  	v6 =	vld [tilespmem:s30+$0xC3B0]  }
0x1ca: {  	v3 =	vld [tilespmem:s30+$0xC3C0];
	v2 =	vadd.f32 v2, v4  }
0x1cb: {  	v4 =	vld [tilespmem:s30+$0xC3D0]  }
0x1cc: {  	[tilespmem:s30+$0x16380] =	vst v2;
	v2 =	vld [tilespmem:s30+$0xC3E0]  }
0x1cd: {  	v27 =	vld [tilespmem:s30+$0xED60]  }
0x1ce: {  	v53 =	vmul.f32 v51, v50;
	v33 =	vld [tilespmem:s30+$0xEDD0];
	v10 =	vmul.f32 v10, v45  }
0x1cf: {  	v28 =	vld [tilespmem:s30+$0xC570];
	v8 =	vmul.f32 v8, v47;
	v7 =	vmul.f32 v7, v9  }
0x1d0: {  	v9 =	vld [tilespmem:s30+$0xEC00];
	v6 =	vmul.f32 v11, v6;
	v3 =	vmul.f32 v5, v3  }
0x1d1: {  	v7 =	vadd.f32 v7, v10;
	v10 =	vld [tilespmem:s30+$0xEC30];
	v4 =	vmul.f32 v48, v4;
	v2 =	vmul.f32 v49, v2  }
0x1d2: {  	v11 =	vld [tilespmem:s30+$0xC410];
	v6 =	vadd.f32 v6, v8  }
0x1d3: {  	v8 =	vld [tilespmem:s30+$0xEC20];
	v3 =	vadd.f32 v4, v3;
	v2 =	vadd.f32 v53, v2  }
0x1d4: {  	v5 =	vld [tilespmem:s30+$0xEC10]  }
0x1d5: {  	v6 =	vadd.f32 v6, v7;
	v7 =	vld [tilespmem:s30+$0xEC40];
	v2 =	vadd.f32 v2, v3  }
0x1d6: {  	v4 =	vld [tilespmem:s30+$0xC430]  }
0x1d7: {  	v3 =	vld [tilespmem:s30+$0xC440];
	v2 =	vadd.f32 v2, v6  }
0x1d8: {  	v6 =	vld [tilespmem:s30+$0xC450]  }
0x1d9: {  	[tilespmem:s30+$0x16400] =	vst v2;
	v2 =	vld [tilespmem:s30+$0xC460]  }
0x1da: {  	v32 =	vld [tilespmem:s30+$0xC5A0]  }
0x1db: {  	v60 =	vmul.f32 v58, v57;
	v50 =	vld [tilespmem:s30+$0xEEF0];
	v9 =	vmul.f32 v9, v52  }
0x1dc: {  	v51 =	vld [tilespmem:s30+$0xC700];
	v8 =	vmul.f32 v8, v54;
	v5 =	vmul.f32 v5, v11  }
0x1dd: {  	v11 =	vld [tilespmem:s30+$0xEC80];
	v4 =	vmul.f32 v10, v4;
	v3 =	vmul.f32 v7, v3  }
0x1de: {  	v5 =	vadd.f32 v5, v9;
	v9 =	vld [tilespmem:s30+$0xECB0];
	v6 =	vmul.f32 v55, v6;
	v2 =	vmul.f32 v56, v2  }
0x1df: {  	v10 =	vld [tilespmem:s30+$0xC490];
	v4 =	vadd.f32 v4, v8  }
0x1e0: {  	v8 =	vld [tilespmem:s30+$0xECA0];
	v3 =	vadd.f32 v6, v3;
	v2 =	vadd.f32 v60, v2  }
0x1e1: {  	v7 =	vld [tilespmem:s30+$0xEC90]  }
0x1e2: {  	v4 =	vadd.f32 v4, v5;
	v5 =	vld [tilespmem:s30+$0xECC0];
	v2 =	vadd.f32 v2, v3  }
0x1e3: {  	v6 =	vld [tilespmem:s30+$0xC4B0]  }
0x1e4: {  	v3 =	vld [tilespmem:s30+$0xC4C0];
	v2 =	vadd.f32 v2, v4  }
0x1e5: {  	v4 =	vld [tilespmem:s30+$0xC4D0]  }
0x1e6: {  	[tilespmem:s30+$0x16480] =	vst v2;
	v2 =	vld [tilespmem:s30+$0xC4E0]  }
0x1e7: {  	v34 =	vld [tilespmem:s30+$0xEDE0]  }
0x1e8: {  	v24 =	vmul.f32 v22, v21;
	v40 =	vld [tilespmem:s30+$0xEE50];
	v11 =	vmul.f32 v11, v59  }
0x1e9: {  	v35 =	vld [tilespmem:s30+$0xC5F0];
	v8 =	vmul.f32 v8, v61;
	v7 =	vmul.f32 v7, v10  }
0x1ea: {  	v10 =	vld [tilespmem:s30+$0xED00];
	v6 =	vmul.f32 v9, v6;
	v3 =	vmul.f32 v5, v3  }
0x1eb: {  	v7 =	vadd.f32 v7, v11;
	v11 =	vld [tilespmem:s30+$0xED30];
	v4 =	vmul.f32 v62, v4;
	v2 =	vmul.f32 v63, v2  }
0x1ec: {  	v9 =	vld [tilespmem:s30+$0xC510];
	v6 =	vadd.f32 v6, v8  }
0x1ed: {  	v8 =	vld [tilespmem:s30+$0xED20];
	v3 =	vadd.f32 v4, v3;
	v2 =	vadd.f32 v24, v2  }
0x1ee: {  	v5 =	vld [tilespmem:s30+$0xED10]  }
0x1ef: {  	v6 =	vadd.f32 v6, v7;
	v7 =	vld [tilespmem:s30+$0xED40];
	v2 =	vadd.f32 v2, v3  }
0x1f0: {  	v4 =	vld [tilespmem:s30+$0xC530]  }
0x1f1: {  	v3 =	vld [tilespmem:s30+$0xC540];
	v2 =	vadd.f32 v2, v6  }
0x1f2: {  	v6 =	vld [tilespmem:s30+$0xC550]  }
0x1f3: {  	[tilespmem:s30+$0x16500] =	vst v2;
	v2 =	vld [tilespmem:s30+$0xC560]  }
0x1f4: {  	v39 =	vld [tilespmem:s30+$0xC620]  }
0x1f5: {  	v31 =	vmul.f32 v29, v28;
	v57 =	vld [tilespmem:s30+$0xEF70];
	v10 =	vmul.f32 v10, v23  }
0x1f6: {  	v41 =	vld [tilespmem:s30+$0xEE60];
	v8 =	vmul.f32 v8, v25;
	v5 =	vmul.f32 v5, v9  }
0x1f7: {  	v9 =	vld [tilespmem:s30+$0xED80];
	v4 =	vmul.f32 v11, v4;
	v3 =	vmul.f32 v7, v3  }
0x1f8: {  	v5 =	vadd.f32 v5, v10;
	v10 =	vld [tilespmem:s30+$0xEDB0];
	v6 =	vmul.f32 v26, v6;
	v2 =	vmul.f32 v27, v2  }
0x1f9: {  	v11 =	vld [tilespmem:s30+$0xC590];
	v4 =	vadd.f32 v4, v8  }
0x1fa: {  	v8 =	vld [tilespmem:s30+$0xEDA0];
	v3 =	vadd.f32 v6, v3;
	v2 =	vadd.f32 v31, v2  }
0x1fb: {  	v7 =	vld [tilespmem:s30+$0xED90]  }
0x1fc: {  	v4 =	vadd.f32 v4, v5;
	v5 =	vld [tilespmem:s30+$0xEDC0];
	v2 =	vadd.f32 v2, v3  }
0x1fd: {  	v6 =	vld [tilespmem:s30+$0xC5B0]  }
0x1fe: {  	v3 =	vld [tilespmem:s30+$0xC5C0];
	v2 =	vadd.f32 v2, v4  }
0x1ff: {  	v4 =	vld [tilespmem:s30+$0xC5D0]  }
0x200: {  	[tilespmem:s30+$0x16580] =	vst v2;
	v2 =	vld [tilespmem:s30+$0xC5E0]  }
0x201: {  	v47 =	vld [tilespmem:s30+$0xEED0]  }
0x202: {  	v38 =	vmul.f32 v36, v35;
	v42 =	vld [tilespmem:s30+$0xC670];
	v9 =	vmul.f32 v9, v30  }
0x203: {  	v46 =	vld [tilespmem:s30+$0xC6A0];
	v8 =	vmul.f32 v8, v32;
	v7 =	vmul.f32 v7, v11  }
0x204: {  	v11 =	vld [tilespmem:s30+$0xEE00];
	v6 =	vmul.f32 v10, v6;
	v3 =	vmul.f32 v5, v3  }
0x205: {  	v7 =	vadd.f32 v7, v9;
	v9 =	vld [tilespmem:s30+$0xEE30];
	v4 =	vmul.f32 v33, v4;
	v2 =	vmul.f32 v34, v2  }
0x206: {  	v10 =	vld [tilespmem:s30+$0xC610];
	v6 =	vadd.f32 v6, v8  }
0x207: {  	v8 =	vld [tilespmem:s30+$0xEE20];
	v3 =	vadd.f32 v4, v3;
	v2 =	vadd.f32 v38, v2  }
0x208: {  	v5 =	vld [tilespmem:s30+$0xEE10]  }
0x209: {  	v6 =	vadd.f32 v6, v7;
	v7 =	vld [tilespmem:s30+$0xEE40];
	v2 =	vadd.f32 v2, v3  }
0x20a: {  	v4 =	vld [tilespmem:s30+$0xC630]  }
0x20b: {  	v3 =	vld [tilespmem:s30+$0xC640];
	v2 =	vadd.f32 v2, v6  }
0x20c: {  	v6 =	vld [tilespmem:s30+$0xC650]  }
0x20d: {  	[tilespmem:s30+$0x16600] =	vst v2;
	v2 =	vld [tilespmem:s30+$0xC660]  }
0x20e: {  	v48 =	vld [tilespmem:s30+$0xEEE0]  }
0x20f: {  	v45 =	vmul.f32 v43, v42;
	v54 =	vld [tilespmem:s30+$0xEF50];
	v11 =	vmul.f32 v11, v37  }
0x210: {  	v49 =	vld [tilespmem:s30+$0xC6F0];
	v8 =	vmul.f32 v8, v39;
	v5 =	vmul.f32 v5, v10  }
0x211: {  	v10 =	vld [tilespmem:s30+$0xEE80];
	v4 =	vmul.f32 v9, v4;
	v3 =	vmul.f32 v7, v3  }
0x212: {  	v5 =	vadd.f32 v5, v11;
	v11 =	vld [tilespmem:s30+$0xEEB0];
	v6 =	vmul.f32 v40, v6;
	v2 =	vmul.f32 v41, v2  }
0x213: {  	v9 =	vld [tilespmem:s30+$0xC690];
	v4 =	vadd.f32 v4, v8  }
0x214: {  	v8 =	vld [tilespmem:s30+$0xEEA0];
	v3 =	vadd.f32 v6, v3;
	v2 =	vadd.f32 v45, v2  }
0x215: {  	v7 =	vld [tilespmem:s30+$0xEE90]  }
0x216: {  	v4 =	vadd.f32 v4, v5;
	v5 =	vld [tilespmem:s30+$0xEEC0];
	v2 =	vadd.f32 v2, v3  }
0x217: {  	v6 =	vld [tilespmem:s30+$0xC6B0]  }
0x218: {  	v3 =	vld [tilespmem:s30+$0xC6C0];
	v2 =	vadd.f32 v2, v4  }
0x219: {  	v4 =	vld [tilespmem:s30+$0xC6D0]  }
0x21a: {  	[tilespmem:s30+$0x16680] =	vst v2;
	v2 =	vld [tilespmem:s30+$0xC6E0]  }
0x21b: {  	v53 =	vld [tilespmem:s30+$0xC720]  }
0x21c: {  	v52 =	vmul.f32 v50, v49;
	v55 =	vld [tilespmem:s30+$0xEF60];
	v10 =	vmul.f32 v10, v44  }
0x21d: {  	v56 =	vld [tilespmem:s30+$0xC770];
	v8 =	vmul.f32 v8, v46;
	v7 =	vmul.f32 v7, v9  }
0x21e: {  	v9 =	vld [tilespmem:s30+$0xEF00];
	v6 =	vmul.f32 v11, v6;
	v3 =	vmul.f32 v5, v3  }
0x21f: {  	v7 =	vadd.f32 v7, v10;
	v10 =	vld [tilespmem:s30+$0xEF30];
	v4 =	vmul.f32 v47, v4;
	v2 =	vmul.f32 v48, v2  }
0x220: {  	v11 =	vld [tilespmem:s30+$0xC710];
	v6 =	vadd.f32 v6, v8  }
0x221: {  	v8 =	vld [tilespmem:s30+$0xEF20];
	v3 =	vadd.f32 v4, v3;
	v2 =	vadd.f32 v52, v2  }
0x222: {  	v5 =	vld [tilespmem:s30+$0xEF10]  }
0x223: {  	v6 =	vadd.f32 v6, v7;
	v7 =	vld [tilespmem:s30+$0xEF40];
	v2 =	vadd.f32 v2, v3  }
0x224: {  	v4 =	vld [tilespmem:s30+$0xC730]  }
0x225: {  	v3 =	vld [tilespmem:s30+$0xC740];
	v2 =	vadd.f32 v2, v6  }
0x226: {  	v6 =	vld [tilespmem:s30+$0xC750]  }
0x227: {  	[tilespmem:s30+$0x16700] =	vst v2;
	v2 =	vld [tilespmem:s30+$0xC760];
	_ =	sdelay $0x1  }
0x228: {  	v9 =	vmul.f32 v9, v51;
	v8 =	vmul.f32 v8, v53  }
0x229: {  	v5 =	vmul.f32 v5, v11;
	v4 =	vmul.f32 v10, v4  }
0x22a: {  	v3 =	vmul.f32 v7, v3;
	v7 =	vmul.f32 v57, v56  }
0x22b: {  	v6 =	vmul.f32 v54, v6;
	v2 =	vmul.f32 v55, v2  }
0x22c: {  	v5 =	vadd.f32 v5, v9;
	v4 =	vadd.f32 v4, v8;
	v8 =	vmov s31  }
0x22d: {  	v3 =	vadd.f32 v6, v3;
	v6 =	vshll.u32 v8, $0x7;
	v2 =	vadd.f32 v7, v2  }
0x22e: {  	v6 =	vor.u32 v0, v6  }
0x22f: {  	v4 =	vadd.f32 v4, v5;
	v2 =	vadd.f32 v2, v3;
	v3 =	vor.u32 $0xC, v6  }
0x230: {  	v5 =	vor.u32 $0xD, v6  }
0x231: {  	v7 =	vor.u32 $0x9, v6;
	v2 =	vadd.f32 v2, v4  }
0x232: {  	v8 =	vor.u32 $0x5, v6  }
0x233: {  	[tilespmem:s30+$0x16780] =	vst v2  }
0x234: {  	v9 =	vor.u32 $0x1, v6;
	v3 =	vld.idx.msk [tilespmem:v3+s20+$0x0], $0xffff  }
0x235: {  	v10 =	vor.u32 $0x2, v6;
	v5 =	vld.idx.msk [tilespmem:v5+s20+$0x0], $0xffff  }
0x236: {  	v11 =	vor.u32 $0x3, v6;
	v7 =	vld.idx.msk [tilespmem:v7+s20+$0x0], $0xffff  }
0x237: {  	v58 =	vor.u32 $0x6, v6;
	v8 =	vld.idx.msk [tilespmem:v8+s20+$0x0], $0xffff  }
0x238: {  	v60 =	vor.u32 $0x7, v6;
	v59 =	vld.idx.msk [tilespmem:v6+s20+$0x0], $0xffff  }
0x239: {  	v2 =	vor.u32 $0x4, v6;
	v9 =	vld.idx.msk [tilespmem:v9+s20+$0x0], $0xffff  }
0x23a: {  	v61 =	vor.u32 $0xA, v6;
	v10 =	vld.idx.msk [tilespmem:v10+s20+$0x0], $0xffff  }
0x23b: {  	v4 =	vor.u32 $0x8, v6;
	v11 =	vld.idx.msk [tilespmem:v11+s20+$0x0], $0xffff  }
0x23c: {  	v62 =	vor.u32 $0xB, v6;
	v12 =	vld.idx.msk [tilespmem:v58+s20+$0x0], $0xffff  }
0x23d: {  	v63 =	vor.u32 $0xE, v6;
	v14 =	vld.idx.msk [tilespmem:v60+s20+$0x0], $0xffff  }
0x23e: {  	v6 =	vor.u32 $0xF, v6;
	v2 =	vld.idx.msk [tilespmem:v2+s20+$0x0], $0xffff  }
0x23f: {  	v15 =	vld.idx.msk [tilespmem:v61+s20+$0x0], $0xffff  }
0x240: {  	v4 =	vld.idx.msk [tilespmem:v4+s20+$0x0], $0xffff  }
0x241: {  	v16 =	vld.idx.msk [tilespmem:v62+s20+$0x0], $0xffff;
	v13 =	vadd.f32 $0.0e+00, v59;
	v9 =	vadd.f32 $0.0e+00, v9  }
0x242: {  	v17 =	vld.idx.msk [tilespmem:v63+s20+$0x0], $0xffff;
	v10 =	vadd.f32 $0.0e+00, v10;
	v11 =	vadd.f32 $0.0e+00, v11  }
0x243: {  	v6 =	vld.idx.msk [tilespmem:v6+s20+$0x0], $0xffff;
	v8 =	vadd.f32 v8, v9;
	v2 =	vadd.f32 v2, v13  }
0x244: {  	v9 =	vadd.f32 v12, v10;
	v10 =	vadd.f32 v14, v11  }
0x245: {  	v2 =	vadd.f32 v4, v2;
	v4 =	vadd.f32 v7, v8  }
0x246: {  	v7 =	vadd.f32 v15, v9;
	v8 =	vadd.f32 v16, v10  }
0x247: {  	v2 =	vadd.f32 v3, v2;
	v3 =	vadd.f32 v5, v4  }
0x248: {  	v4 =	vadd.f32 v17, v7;
	v5 =	vadd.f32 v6, v8;
	_ =	sdelay $0x1  }
0x249: {  	v2 =	vadd.f32 v3, v2;
	v3 =	vadd.f32 v5, v4;
	_ =	sdelay $0x1  }
0x24a: {  	v2 =	vadd.f32 v3, v2;
	_ =	sdelay $0x1  }
0x24b: {  	v2 =	vadd.f32 v2, v1;
	_ =	sdelay $0x1  }
0x24c: {  	v2 =	vsub.f32 $0.0e+00, v2;
	_ =	sdelay $0x1  }
0x24d: {  	v2 =	vmul.f32 $1.442695020e+00, v2;
	_ =	sdelay $0x1  }
0x24e: {  	(erf) = vpow2.f32 v2;
	_ =	sdelay $0x8  }
0x24f: {  	v2 =	vpop (erf)  }
0x250: {  	v2 =	vadd.f32 $1.000000000e+00, v2;
	_ =	sdelay $0x1  }
0x251: {  	(erf) = vrcp.f32 v2;
	_ =	sdelay $0x2  }
0x252: {  	s0 =	simm.s32 $0x10  }
0x253: {  	v2 =	vmov s0  }
0x254: {  	v2 =	vshll.u32 v2, $0x7  }
0x255: {  	v4 =	vor.u32 v0, v2  }
0x256: {  	v2 =	vor.u32 $0xC, v4  }
0x257: {  	v3 =	vor.u32 $0xD, v4  }
0x258: {  	v7 =	vor.u32 $0x8, v4;
	v5 =	vpop (erf)  }
0x259: {  	[tilespmem:s26+$0x0] =	vst v5;
	v5 =	vor.u32 $0x9, v4  }
0x25a: {  	v6 =	vor.u32 $0x4, v4  }
0x25b: {  	v8 =	vor.u32 $0x5, v4;
	v2 =	vld.idx.msk [tilespmem:v2+s20+$0x0], $0xffff  }
0x25c: {  	s30 =	simm.s32 $0x20;
	s0 =	smov.u32 s26;
	v3 =	vld.idx.msk [tilespmem:v3+s20+$0x0], $0xffff  }
.LBB2_5:
0x25d: {  	p0 =	sne.s32 s30, $0x40;
	v9 =	vor.u32 $0x1, v4;
	v7 =	vld.idx.msk [tilespmem:v7+s20+$0x0], $0xffff  }
0x25e: {  	v10 =	vor.u32 $0x2, v4;
	v5 =	vld.idx.msk [tilespmem:v5+s20+$0x0], $0xffff  }
0x25f: {  	v11 =	vor.u32 $0x3, v4;
	v6 =	vld.idx.msk [tilespmem:v6+s20+$0x0], $0xffff  }
0x260: {  	v12 =	vor.u32 $0x6, v4;
	v8 =	vld.idx.msk [tilespmem:v8+s20+$0x0], $0xffff  }
0x261: {  	v14 =	vor.u32 $0x7, v4;
	v13 =	vld.idx.msk [tilespmem:v4+s20+$0x0], $0xffff  }
0x262: {  	v15 =	vor.u32 $0xA, v4;
	v9 =	vld.idx.msk [tilespmem:v9+s20+$0x0], $0xffff  }
0x263: {  	v16 =	vor.u32 $0xB, v4;
	v10 =	vld.idx.msk [tilespmem:v10+s20+$0x0], $0xffff  }
0x264: {  	v17 =	vor.u32 $0xE, v4;
	v11 =	vld.idx.msk [tilespmem:v11+s20+$0x0], $0xffff  }
0x265: {  	v4 =	vor.u32 $0xF, v4;
	v12 =	vld.idx.msk [tilespmem:v12+s20+$0x0], $0xffff  }
0x266: {  	v14 =	vld.idx.msk [tilespmem:v14+s20+$0x0], $0xffff  }
0x267: {  	v15 =	vld.idx.msk [tilespmem:v15+s20+$0x0], $0xffff  }
0x268: {  	v16 =	vld.idx.msk [tilespmem:v16+s20+$0x0], $0xffff  }
0x269: {  	v13 =	vadd.f32 $0.0e+00, v13;
	v9 =	vadd.f32 $0.0e+00, v9;
	v17 =	vld.idx.msk [tilespmem:v17+s20+$0x0], $0xffff  }
0x26a: {  	v10 =	vadd.f32 $0.0e+00, v10;
	v11 =	vadd.f32 $0.0e+00, v11;
	v4 =	vld.idx.msk [tilespmem:v4+s20+$0x0], $0xffff  }
0x26b: {  	v6 =	vadd.f32 v6, v13;
	v8 =	vadd.f32 v8, v9  }
0x26c: {  	v9 =	vadd.f32 v12, v10;
	v10 =	vadd.f32 v14, v11  }
0x26d: {  	v6 =	vadd.f32 v7, v6;
	v5 =	vadd.f32 v5, v8  }
0x26e: {  	v7 =	vadd.f32 v15, v9;
	v8 =	vadd.f32 v16, v10  }
0x26f: {  	v2 =	vadd.f32 v2, v6;
	v3 =	vadd.f32 v3, v5  }
0x270: {  	v5 =	vadd.f32 v17, v7;
	v4 =	vadd.f32 v4, v8;
	_ =	sdelay $0x1  }
0x271: {  	v2 =	vadd.f32 v3, v2;
	v3 =	vadd.f32 v4, v5;
	_ =	sdelay $0x1  }
0x272: {  	v2 =	vadd.f32 v3, v2;
	_ =	sdelay $0x1  }
0x273: {  	v2 =	vadd.f32 v2, v1;
	_ =	sdelay $0x1  }
0x274: {  	v2 =	vsub.f32 $0.0e+00, v2;
	_ =	sdelay $0x1  }
0x275: {  	v2 =	vmul.f32 $1.442695020e+00, v2;
	_ =	sdelay $0x1  }
0x276: {  	(erf) = vpow2.f32 v2;
	_ =	sdelay $0x8  }
0x277: {  	v2 =	vpop (erf)  }
0x278: {  	v2 =	vadd.f32 $1.000000000e+00, v2;
	_ =	sdelay $0x1  }
0x279: {  	(erf) = vrcp.f32 v2;
	_ =	sdelay $0x2  }
0x27a: {  	v2 =	vmov s30  }
0x27b: {  	v2 =	vshll.u32 v2, $0x7  }
0x27c: {  	v4 =	vor.u32 v0, v2  }
0x27d: {  	v2 =	vor.u32 $0xC, v4  }
0x27e: {  	v3 =	vor.u32 $0xD, v4  }
.Ltmp1:
0x27f: {  	v7 =	vor.u32 $0x8, v4;
	(pc) =	sbr.rel @p0 .LBB2_5-.Ltmp1, $4  }
0x280: {  	s0 =	sadd.s32 $0x10, s0;
	v5 =	vor.u32 $0x9, v4;
	v8 =	vpop (erf)  }
0x281: {  	v6 =	vor.u32 $0x4, v4;
	[tilespmem:s0+$0x0] =	vst v8  }
0x282: {  	v8 =	vor.u32 $0x5, v4;
	v2 =	vld.idx.msk [tilespmem:v2+s20+$0x0], $0xffff  }
0x283: {  	s30 =	sadd.s32 $0x10, s30;
	v3 =	vld.idx.msk [tilespmem:v3+s20+$0x0], $0xffff  }
0x284: {  	_ =	sdelay $0x3  }
0x285: {  	v9 =	vor.u32 $0x1, v4;
	v7 =	vld.idx.msk [tilespmem:v7+s20+$0x0], $0xffff  }
0x286: {  	v10 =	vor.u32 $0x2, v4;
	v5 =	vld.idx.msk [tilespmem:v5+s20+$0x0], $0xffff  }
0x287: {  	v11 =	vor.u32 $0x3, v4;
	v6 =	vld.idx.msk [tilespmem:v6+s20+$0x0], $0xffff  }
0x288: {  	v8 =	vld.idx.msk [tilespmem:v8+s20+$0x0], $0xffff;
	v12 =	vor.u32 $0x6, v4  }
0x289: {  	v13 =	vld.idx.msk [tilespmem:v4+s20+$0x0], $0xffff;
	v14 =	vor.u32 $0x7, v4  }
0x28a: {  	v15 =	vor.u32 $0xA, v4;
	v9 =	vld.idx.msk [tilespmem:v9+s20+$0x0], $0xffff  }
0x28b: {  	v16 =	vor.u32 $0xB, v4;
	v10 =	vld.idx.msk [tilespmem:v10+s20+$0x0], $0xffff  }
0x28c: {  	v17 =	vor.u32 $0xE, v4;
	v11 =	vld.idx.msk [tilespmem:v11+s20+$0x0], $0xffff  }
0x28d: {  	v4 =	vor.u32 $0xF, v4;
	v12 =	vld.idx.msk [tilespmem:v12+s20+$0x0], $0xffff  }
0x28e: {  	v14 =	vld.idx.msk [tilespmem:v14+s20+$0x0], $0xffff  }
0x28f: {  	v15 =	vld.idx.msk [tilespmem:v15+s20+$0x0], $0xffff  }
0x290: {  	v16 =	vld.idx.msk [tilespmem:v16+s20+$0x0], $0xffff;
	v13 =	vadd.f32 $0.0e+00, v13;
	v9 =	vadd.f32 $0.0e+00, v9  }
0x291: {  	v17 =	vld.idx.msk [tilespmem:v17+s20+$0x0], $0xffff;
	v10 =	vadd.f32 $0.0e+00, v10;
	v11 =	vadd.f32 $0.0e+00, v11  }
0x292: {  	v4 =	vld.idx.msk [tilespmem:v4+s20+$0x0], $0xffff;
	v6 =	vadd.f32 v6, v13;
	v8 =	vadd.f32 v8, v9  }
0x293: {  	v9 =	vadd.f32 v12, v10;
	v10 =	vadd.f32 v14, v11  }
0x294: {  	v6 =	vadd.f32 v7, v6;
	v5 =	vadd.f32 v5, v8  }
0x295: {  	v7 =	vadd.f32 v15, v9;
	v8 =	vadd.f32 v16, v10  }
0x296: {  	v2 =	vadd.f32 v2, v6;
	v3 =	vadd.f32 v3, v5  }
0x297: {  	v5 =	vadd.f32 v17, v7;
	v4 =	vadd.f32 v4, v8;
	_ =	sdelay $0x1  }
0x298: {  	v2 =	vadd.f32 v3, v2;
	v3 =	vadd.f32 v4, v5;
	_ =	sdelay $0x1  }
0x299: {  	v2 =	vadd.f32 v3, v2;
	_ =	sdelay $0x1  }
0x29a: {  	v2 =	vadd.f32 v2, v1;
	_ =	sdelay $0x1  }
0x29b: {  	v2 =	vsub.f32 $0.0e+00, v2;
	_ =	sdelay $0x1  }
0x29c: {  	v2 =	vmul.f32 $1.442695020e+00, v2;
	_ =	sdelay $0x1  }
0x29d: {  	(erf) = vpow2.f32 v2;
	_ =	sdelay $0x8  }
0x29e: {  	v2 =	vpop (erf)  }
0x29f: {  	v2 =	vadd.f32 $1.000000000e+00, v2;
	_ =	sdelay $0x1  }
0x2a0: {  	(erf) = vrcp.f32 v2;
	_ =	sdelay $0x8  }
0x2a1: {  	s0 =	sadd.s32 $0x10, s0;
	v2 =	vpop (erf)  }
0x2a2: {  	s1 =	sadd.s32 $0x100, s29;
	[tilespmem:s0+$0x0] =	vst v2  }
0x2a3: {  	[tilespmem:s14], [sflag:$0x1] =	stream.indirect.gather [hbm4b:s4+s13], $0x80, s1, s13, $0xb8;
	[tilespmem:$0x18880] =	vst v63  }
0x2a4: {  	s1 =	sadd.s32 $0x4100, s29  }
0x2a5: {  	[tilespmem:s15], [sflag:$0x2] =	stream.indirect.gather [hbm4b:s2+s13], $0x80, s1, s13, $0xb8;
	[tilespmem:$0x18880] =	vst v63  }
0x2a6: {  	_ =	swait.ge [sflag:s21], $0x2800  }
0x2a7: {  	[sflag:s21] =	ssyncset.done $0x0  }
0x2a8: {  	[sflag:s21] =	ssyncadd.s32 $0xFFFFD800  }
0x2a9: {  	_ =	swait.ge [sflag:s22], $0x2800  }
0x2aa: {  	[sflag:s22] =	ssyncset.done $0x0  }
0x2ab: {  	s29 =	simm.s32 $0x0;
	[sflag:s22] =	ssyncadd.s32 $0xFFFFD800  }
0x2ac: {  	v2 =	vld [tilespmem:s29+$0x11780]  }
0x2ad: {  	v3 =	vld [tilespmem:s29+$0x13F80]  }
0x2ae: {  	v4 =	vld [tilespmem:s29+$0x11790]  }
0x2af: {  	v6 =	vld [tilespmem:s29+$0x13F90]  }
0x2b0: {  	v5 =	vld [tilespmem:s29+$0x117A0]  }
0x2b1: {  	v7 =	vld [tilespmem:s29+$0x13FA0]  }
0x2b2: {  	v8 =	vld [tilespmem:s29+$0x117B0]  }
0x2b3: {  	v10 =	vld [tilespmem:s29+$0x13FB0]  }
0x2b4: {  	v9 =	vld [tilespmem:s29+$0x117C0]  }
0x2b5: {  	v11 =	vld [tilespmem:s29+$0x13FC0]  }
0x2b6: {  	v12 =	vld [tilespmem:s29+$0x117D0]  }
0x2b7: {  	v14 =	vld [tilespmem:s29+$0x13FD0]  }
0x2b8: {  	v13 =	vld [tilespmem:s29+$0x117E0]  }
0x2b9: {  	v15 =	vld [tilespmem:s29+$0x13FE0]  }
0x2ba: {  	s30 =	simm.s32 $0x0;
	s0 =	simm.s32 $0x1;
	v16 =	vld [tilespmem:s29+$0x117F0]  }
.LBB2_7:
0x2bb: {  	p0 =	sne.s32 s0, $0x4;
	v17 =	vld [tilespmem:s29+$0x13FF0]  }
0x2bc: {  	v18 =	vld [tilespmem:s29+$0x11000]  }
0x2bd: {  	v2 =	vmul.f32 v3, v2;
	v3 =	vmul.f32 v6, v4;
	v19 =	vld [tilespmem:s29+$0x13800]  }
0x2be: {  	v5 =	vmul.f32 v7, v5;
	v6 =	vmul.f32 v10, v8;
	v4 =	vld [tilespmem:s29+$0x11010]  }
0x2bf: {  	v8 =	vmul.f32 v11, v9;
	v9 =	vmul.f32 v14, v12;
	v7 =	vld [tilespmem:s29+$0x13810]  }
0x2c0: {  	v11 =	vmul.f32 v15, v13;
	v10 =	vld [tilespmem:s29+$0x11020];
	v12 =	vmul.f32 v17, v16  }
0x2c1: {  	v2 =	vadd.f32 v3, v2;
	v3 =	vadd.f32 v6, v5;
	v13 =	vld [tilespmem:s29+$0x13820]  }
0x2c2: {  	v8 =	vadd.f32 v9, v8;
	v5 =	vmul.f32 v19, v18;
	v6 =	vld [tilespmem:s29+$0x11030];
	v9 =	vadd.f32 v12, v11  }
0x2c3: {  	v11 =	vld [tilespmem:s29+$0x13830]  }
0x2c4: {  	v2 =	vadd.f32 v3, v2;
	v4 =	vmul.f32 v7, v4;
	v7 =	vld [tilespmem:s29+$0x11040];
	v3 =	vadd.f32 v9, v8  }
0x2c5: {  	v8 =	vld [tilespmem:s29+$0x13840]  }
0x2c6: {  	v9 =	vmul.f32 v13, v10;
	v10 =	vld [tilespmem:s29+$0x11050];
	v4 =	vadd.f32 v4, v5;
	v2 =	vadd.f32 v3, v2  }
0x2c7: {  	v3 =	vld [tilespmem:s29+$0x13850]  }
0x2c8: {  	v5 =	vmul.f32 v11, v6;
	v6 =	vld [tilespmem:s29+$0x11060];
	[tilespmem:s29+$0x16800] =	vst v2  }
0x2c9: {  	v2 =	vld [tilespmem:s29+$0x13860]  }
0x2ca: {  	v7 =	vmul.f32 v8, v7;
	v8 =	vld [tilespmem:s29+$0x11070];
	v5 =	vadd.f32 v5, v9  }
0x2cb: {  	v9 =	vld [tilespmem:s29+$0x13870]  }
0x2cc: {  	v3 =	vmul.f32 v3, v10;
	v4 =	vadd.f32 v5, v4;
	v5 =	vld [tilespmem:s29+$0x11080]  }
0x2cd: {  	v10 =	vld [tilespmem:s29+$0x13880]  }
0x2ce: {  	v2 =	vmul.f32 v2, v6;
	v3 =	vadd.f32 v3, v7;
	v6 =	vld [tilespmem:s29+$0x11090]  }
0x2cf: {  	v7 =	vld [tilespmem:s29+$0x13890]  }
0x2d0: {  	v8 =	vmul.f32 v9, v8;
	v9 =	vld [tilespmem:s29+$0x110A0]  }
0x2d1: {  	v11 =	vld [tilespmem:s29+$0x138A0]  }
0x2d2: {  	v2 =	vadd.f32 v8, v2;
	v5 =	vmul.f32 v10, v5;
	v8 =	vld [tilespmem:s29+$0x110B0]  }
0x2d3: {  	v10 =	vld [tilespmem:s29+$0x138B0]  }
0x2d4: {  	v2 =	vadd.f32 v2, v3;
	v3 =	vmul.f32 v7, v6;
	v6 =	vld [tilespmem:s29+$0x110C0]  }
0x2d5: {  	v7 =	vld [tilespmem:s29+$0x138C0]  }
0x2d6: {  	v2 =	vadd.f32 v2, v4;
	v4 =	vmul.f32 v11, v9;
	v9 =	vld [tilespmem:s29+$0x110D0];
	v3 =	vadd.f32 v3, v5  }
0x2d7: {  	v5 =	vld [tilespmem:s29+$0x138D0]  }
0x2d8: {  	[tilespmem:s29+$0x16080] =	vst v2;
	v2 =	vmul.f32 v10, v8;
	v8 =	vld [tilespmem:s29+$0x110E0]  }
0x2d9: {  	v10 =	vld [tilespmem:s29+$0x138E0]  }
0x2da: {  	v6 =	vmul.f32 v7, v6;
	v7 =	vld [tilespmem:s29+$0x110F0];
	v2 =	vadd.f32 v2, v4  }
0x2db: {  	v4 =	vld [tilespmem:s29+$0x138F0]  }
0x2dc: {  	v5 =	vmul.f32 v5, v9;
	v2 =	vadd.f32 v2, v3;
	v3 =	vld [tilespmem:s29+$0x11100]  }
0x2dd: {  	v9 =	vld [tilespmem:s29+$0x13900]  }
0x2de: {  	v8 =	vmul.f32 v10, v8;
	v5 =	vadd.f32 v5, v6;
	v6 =	vld [tilespmem:s29+$0x11110]  }
0x2df: {  	v10 =	vld [tilespmem:s29+$0x13910]  }
0x2e0: {  	v4 =	vmul.f32 v4, v7;
	v7 =	vld [tilespmem:s29+$0x11120]  }
0x2e1: {  	v11 =	vld [tilespmem:s29+$0x13920]  }
0x2e2: {  	v4 =	vadd.f32 v4, v8;
	v3 =	vmul.f32 v9, v3;
	v8 =	vld [tilespmem:s29+$0x11130]  }
0x2e3: {  	v9 =	vld [tilespmem:s29+$0x13930]  }
0x2e4: {  	v4 =	vadd.f32 v4, v5;
	v5 =	vmul.f32 v10, v6;
	v6 =	vld [tilespmem:s29+$0x11140]  }
0x2e5: {  	v10 =	vld [tilespmem:s29+$0x13940]  }
0x2e6: {  	v2 =	vadd.f32 v4, v2;
	v4 =	vmul.f32 v11, v7;
	v7 =	vld [tilespmem:s29+$0x11150];
	v3 =	vadd.f32 v5, v3  }
0x2e7: {  	v5 =	vld [tilespmem:s29+$0x13950]  }
0x2e8: {  	[tilespmem:s29+$0x16100] =	vst v2;
	v2 =	vmul.f32 v9, v8;
	v8 =	vld [tilespmem:s29+$0x11160]  }
0x2e9: {  	v9 =	vld [tilespmem:s29+$0x13960]  }
0x2ea: {  	v6 =	vmul.f32 v10, v6;
	v10 =	vld [tilespmem:s29+$0x11170];
	v2 =	vadd.f32 v2, v4  }
0x2eb: {  	v4 =	vld [tilespmem:s29+$0x13970]  }
0x2ec: {  	v5 =	vmul.f32 v5, v7;
	v2 =	vadd.f32 v2, v3;
	v3 =	vld [tilespmem:s29+$0x11180]  }
0x2ed: {  	v7 =	vld [tilespmem:s29+$0x13980]  }
0x2ee: {  	v8 =	vmul.f32 v9, v8;
	v5 =	vadd.f32 v5, v6;
	v6 =	vld [tilespmem:s29+$0x11190]  }
0x2ef: {  	v9 =	vld [tilespmem:s29+$0x13990]  }
0x2f0: {  	v4 =	vmul.f32 v4, v10;
	v10 =	vld [tilespmem:s29+$0x111A0]  }
0x2f1: {  	v11 =	vld [tilespmem:s29+$0x139A0]  }
0x2f2: {  	v4 =	vadd.f32 v4, v8;
	v3 =	vmul.f32 v7, v3;
	v7 =	vld [tilespmem:s29+$0x111B0]  }
0x2f3: {  	v8 =	vld [tilespmem:s29+$0x139B0]  }
0x2f4: {  	v4 =	vadd.f32 v4, v5;
	v5 =	vmul.f32 v9, v6;
	v6 =	vld [tilespmem:s29+$0x111C0]  }
0x2f5: {  	v9 =	vld [tilespmem:s29+$0x139C0]  }
0x2f6: {  	v2 =	vadd.f32 v4, v2;
	v4 =	vmul.f32 v11, v10;
	v10 =	vld [tilespmem:s29+$0x111D0];
	v3 =	vadd.f32 v5, v3  }
0x2f7: {  	v5 =	vld [tilespmem:s29+$0x139D0]  }
0x2f8: {  	[tilespmem:s29+$0x16180] =	vst v2;
	v2 =	vmul.f32 v8, v7;
	v7 =	vld [tilespmem:s29+$0x111E0]  }
0x2f9: {  	v8 =	vld [tilespmem:s29+$0x139E0]  }
0x2fa: {  	v6 =	vmul.f32 v9, v6;
	v9 =	vld [tilespmem:s29+$0x111F0];
	v2 =	vadd.f32 v2, v4  }
0x2fb: {  	v4 =	vld [tilespmem:s29+$0x139F0]  }
0x2fc: {  	v5 =	vmul.f32 v5, v10;
	v2 =	vadd.f32 v2, v3;
	v3 =	vld [tilespmem:s29+$0x11200]  }
0x2fd: {  	v10 =	vld [tilespmem:s29+$0x13A00]  }
0x2fe: {  	v7 =	vmul.f32 v8, v7;
	v5 =	vadd.f32 v5, v6;
	v6 =	vld [tilespmem:s29+$0x11210]  }
0x2ff: {  	v8 =	vld [tilespmem:s29+$0x13A10]  }
0x300: {  	v4 =	vmul.f32 v4, v9;
	v9 =	vld [tilespmem:s29+$0x11220]  }
0x301: {  	v11 =	vld [tilespmem:s29+$0x13A20]  }
0x302: {  	v4 =	vadd.f32 v4, v7;
	v3 =	vmul.f32 v10, v3;
	v7 =	vld [tilespmem:s29+$0x11230]  }
0x303: {  	v10 =	vld [tilespmem:s29+$0x13A30]  }
0x304: {  	v4 =	vadd.f32 v4, v5;
	v5 =	vmul.f32 v8, v6;
	v6 =	vld [tilespmem:s29+$0x11240]  }
0x305: {  	v8 =	vld [tilespmem:s29+$0x13A40]  }
0x306: {  	v2 =	vadd.f32 v4, v2;
	v4 =	vmul.f32 v11, v9;
	v9 =	vld [tilespmem:s29+$0x11250];
	v3 =	vadd.f32 v5, v3  }
0x307: {  	v5 =	vld [tilespmem:s29+$0x13A50]  }
0x308: {  	[tilespmem:s29+$0x16200] =	vst v2;
	v2 =	vmul.f32 v10, v7;
	v7 =	vld [tilespmem:s29+$0x11260]  }
0x309: {  	v10 =	vld [tilespmem:s29+$0x13A60]  }
0x30a: {  	v6 =	vmul.f32 v8, v6;
	v8 =	vld [tilespmem:s29+$0x11270];
	v2 =	vadd.f32 v2, v4  }
0x30b: {  	v4 =	vld [tilespmem:s29+$0x13A70]  }
0x30c: {  	v5 =	vmul.f32 v5, v9;
	v2 =	vadd.f32 v2, v3;
	v3 =	vld [tilespmem:s29+$0x11280]  }
0x30d: {  	v9 =	vld [tilespmem:s29+$0x13A80]  }
0x30e: {  	v7 =	vmul.f32 v10, v7;
	v5 =	vadd.f32 v5, v6;
	v6 =	vld [tilespmem:s29+$0x11290]  }
0x30f: {  	v10 =	vld [tilespmem:s29+$0x13A90]  }
0x310: {  	v4 =	vmul.f32 v4, v8;
	v8 =	vld [tilespmem:s29+$0x112A0]  }
0x311: {  	v11 =	vld [tilespmem:s29+$0x13AA0]  }
0x312: {  	v4 =	vadd.f32 v4, v7;
	v3 =	vmul.f32 v9, v3;
	v7 =	vld [tilespmem:s29+$0x112B0]  }
0x313: {  	v9 =	vld [tilespmem:s29+$0x13AB0]  }
0x314: {  	v4 =	vadd.f32 v4, v5;
	v5 =	vmul.f32 v10, v6;
	v6 =	vld [tilespmem:s29+$0x112C0]  }
0x315: {  	v10 =	vld [tilespmem:s29+$0x13AC0]  }
0x316: {  	v2 =	vadd.f32 v4, v2;
	v4 =	vmul.f32 v11, v8;
	v8 =	vld [tilespmem:s29+$0x112D0];
	v3 =	vadd.f32 v5, v3  }
0x317: {  	v5 =	vld [tilespmem:s29+$0x13AD0]  }
0x318: {  	[tilespmem:s29+$0x16280] =	vst v2;
	v2 =	vmul.f32 v9, v7;
	v7 =	vld [tilespmem:s29+$0x112E0]  }
0x319: {  	v9 =	vld [tilespmem:s29+$0x13AE0]  }
0x31a: {  	v6 =	vmul.f32 v10, v6;
	v10 =	vld [tilespmem:s29+$0x112F0];
	v2 =	vadd.f32 v2, v4  }
0x31b: {  	v4 =	vld [tilespmem:s29+$0x13AF0]  }
0x31c: {  	v5 =	vmul.f32 v5, v8;
	v2 =	vadd.f32 v2, v3;
	v3 =	vld [tilespmem:s29+$0x11300]  }
0x31d: {  	v8 =	vld [tilespmem:s29+$0x13B00]  }
0x31e: {  	v7 =	vmul.f32 v9, v7;
	v5 =	vadd.f32 v5, v6;
	v6 =	vld [tilespmem:s29+$0x11310]  }
0x31f: {  	v9 =	vld [tilespmem:s29+$0x13B10]  }
0x320: {  	v4 =	vmul.f32 v4, v10;
	v10 =	vld [tilespmem:s29+$0x11320]  }
0x321: {  	v11 =	vld [tilespmem:s29+$0x13B20]  }
0x322: {  	v4 =	vadd.f32 v4, v7;
	v3 =	vmul.f32 v8, v3;
	v7 =	vld [tilespmem:s29+$0x11330]  }
0x323: {  	v8 =	vld [tilespmem:s29+$0x13B30]  }
0x324: {  	v4 =	vadd.f32 v4, v5;
	v5 =	vmul.f32 v9, v6;
	v6 =	vld [tilespmem:s29+$0x11340]  }
0x325: {  	v9 =	vld [tilespmem:s29+$0x13B40]  }
0x326: {  	v2 =	vadd.f32 v4, v2;
	v4 =	vmul.f32 v11, v10;
	v10 =	vld [tilespmem:s29+$0x11350];
	v3 =	vadd.f32 v5, v3  }
0x327: {  	v5 =	vld [tilespmem:s29+$0x13B50]  }
0x328: {  	[tilespmem:s29+$0x16300] =	vst v2;
	v2 =	vmul.f32 v8, v7;
	v7 =	vld [tilespmem:s29+$0x11360]  }
0x329: {  	v8 =	vld [tilespmem:s29+$0x13B60]  }
0x32a: {  	v6 =	vmul.f32 v9, v6;
	v9 =	vld [tilespmem:s29+$0x11370];
	v2 =	vadd.f32 v2, v4  }
0x32b: {  	v4 =	vld [tilespmem:s29+$0x13B70]  }
0x32c: {  	v5 =	vmul.f32 v5, v10;
	v2 =	vadd.f32 v2, v3;
	v3 =	vld [tilespmem:s29+$0x11380]  }
0x32d: {  	v10 =	vld [tilespmem:s29+$0x13B80]  }
0x32e: {  	v7 =	vmul.f32 v8, v7;
	v5 =	vadd.f32 v5, v6;
	v6 =	vld [tilespmem:s29+$0x11390]  }
0x32f: {  	v8 =	vld [tilespmem:s29+$0x13B90]  }
0x330: {  	v4 =	vmul.f32 v4, v9;
	v9 =	vld [tilespmem:s29+$0x113A0]  }
0x331: {  	v11 =	vld [tilespmem:s29+$0x13BA0]  }
0x332: {  	v4 =	vadd.f32 v4, v7;
	v3 =	vmul.f32 v10, v3;
	v7 =	vld [tilespmem:s29+$0x113B0]  }
0x333: {  	v10 =	vld [tilespmem:s29+$0x13BB0]  }
0x334: {  	v4 =	vadd.f32 v4, v5;
	v5 =	vmul.f32 v8, v6;
	v6 =	vld [tilespmem:s29+$0x113C0]  }
0x335: {  	v8 =	vld [tilespmem:s29+$0x13BC0]  }
0x336: {  	v2 =	vadd.f32 v4, v2;
	v4 =	vmul.f32 v11, v9;
	v9 =	vld [tilespmem:s29+$0x113D0];
	v3 =	vadd.f32 v5, v3  }
0x337: {  	v5 =	vld [tilespmem:s29+$0x13BD0]  }
0x338: {  	[tilespmem:s29+$0x16380] =	vst v2;
	v2 =	vmul.f32 v10, v7;
	v7 =	vld [tilespmem:s29+$0x113E0]  }
0x339: {  	v10 =	vld [tilespmem:s29+$0x13BE0]  }
0x33a: {  	v6 =	vmul.f32 v8, v6;
	v8 =	vld [tilespmem:s29+$0x113F0];
	v2 =	vadd.f32 v2, v4  }
0x33b: {  	v4 =	vld [tilespmem:s29+$0x13BF0]  }
0x33c: {  	v5 =	vmul.f32 v5, v9;
	v2 =	vadd.f32 v2, v3;
	v3 =	vld [tilespmem:s29+$0x11400]  }
0x33d: {  	v9 =	vld [tilespmem:s29+$0x13C00]  }
0x33e: {  	v7 =	vmul.f32 v10, v7;
	v5 =	vadd.f32 v5, v6;
	v6 =	vld [tilespmem:s29+$0x11410]  }
0x33f: {  	v10 =	vld [tilespmem:s29+$0x13C10]  }
0x340: {  	v4 =	vmul.f32 v4, v8;
	v8 =	vld [tilespmem:s29+$0x11420]  }
0x341: {  	v11 =	vld [tilespmem:s29+$0x13C20]  }
0x342: {  	v4 =	vadd.f32 v4, v7;
	v3 =	vmul.f32 v9, v3;
	v7 =	vld [tilespmem:s29+$0x11430]  }
0x343: {  	v9 =	vld [tilespmem:s29+$0x13C30]  }
0x344: {  	v4 =	vadd.f32 v4, v5;
	v5 =	vmul.f32 v10, v6;
	v6 =	vld [tilespmem:s29+$0x11440]  }
0x345: {  	v10 =	vld [tilespmem:s29+$0x13C40]  }
0x346: {  	v2 =	vadd.f32 v4, v2;
	v4 =	vmul.f32 v11, v8;
	v8 =	vld [tilespmem:s29+$0x11450];
	v3 =	vadd.f32 v5, v3  }
0x347: {  	v5 =	vld [tilespmem:s29+$0x13C50]  }
0x348: {  	[tilespmem:s29+$0x16400] =	vst v2;
	v2 =	vmul.f32 v9, v7;
	v7 =	vld [tilespmem:s29+$0x11460]  }
0x349: {  	v9 =	vld [tilespmem:s29+$0x13C60]  }
0x34a: {  	v6 =	vmul.f32 v10, v6;
	v10 =	vld [tilespmem:s29+$0x11470];
	v2 =	vadd.f32 v2, v4  }
0x34b: {  	v4 =	vld [tilespmem:s29+$0x13C70]  }
0x34c: {  	v5 =	vmul.f32 v5, v8;
	v2 =	vadd.f32 v2, v3;
	v3 =	vld [tilespmem:s29+$0x11480]  }
0x34d: {  	v8 =	vld [tilespmem:s29+$0x13C80]  }
0x34e: {  	v7 =	vmul.f32 v9, v7;
	v5 =	vadd.f32 v5, v6;
	v6 =	vld [tilespmem:s29+$0x11490]  }
0x34f: {  	v9 =	vld [tilespmem:s29+$0x13C90]  }
0x350: {  	v4 =	vmul.f32 v4, v10;
	v10 =	vld [tilespmem:s29+$0x114A0]  }
0x351: {  	v11 =	vld [tilespmem:s29+$0x13CA0]  }
0x352: {  	v4 =	vadd.f32 v4, v7;
	v3 =	vmul.f32 v8, v3;
	v7 =	vld [tilespmem:s29+$0x114B0]  }
0x353: {  	v8 =	vld [tilespmem:s29+$0x13CB0]  }
0x354: {  	v4 =	vadd.f32 v4, v5;
	v5 =	vmul.f32 v9, v6;
	v6 =	vld [tilespmem:s29+$0x114C0]  }
0x355: {  	v9 =	vld [tilespmem:s29+$0x13CC0]  }
0x356: {  	v2 =	vadd.f32 v4, v2;
	v4 =	vmul.f32 v11, v10;
	v10 =	vld [tilespmem:s29+$0x114D0];
	v3 =	vadd.f32 v5, v3  }
0x357: {  	v5 =	vld [tilespmem:s29+$0x13CD0]  }
0x358: {  	[tilespmem:s29+$0x16480] =	vst v2;
	v2 =	vmul.f32 v8, v7;
	v7 =	vld [tilespmem:s29+$0x114E0]  }
0x359: {  	v8 =	vld [tilespmem:s29+$0x13CE0]  }
0x35a: {  	v6 =	vmul.f32 v9, v6;
	v9 =	vld [tilespmem:s29+$0x114F0];
	v2 =	vadd.f32 v2, v4  }
0x35b: {  	v4 =	vld [tilespmem:s29+$0x13CF0]  }
0x35c: {  	v5 =	vmul.f32 v5, v10;
	v2 =	vadd.f32 v2, v3;
	v3 =	vld [tilespmem:s29+$0x11500]  }
0x35d: {  	v10 =	vld [tilespmem:s29+$0x13D00]  }
0x35e: {  	v7 =	vmul.f32 v8, v7;
	v5 =	vadd.f32 v5, v6;
	v6 =	vld [tilespmem:s29+$0x11510]  }
0x35f: {  	v8 =	vld [tilespmem:s29+$0x13D10]  }
0x360: {  	v4 =	vmul.f32 v4, v9;
	v9 =	vld [tilespmem:s29+$0x11520]  }
0x361: {  	v11 =	vld [tilespmem:s29+$0x13D20]  }
0x362: {  	v4 =	vadd.f32 v4, v7;
	v3 =	vmul.f32 v10, v3;
	v7 =	vld [tilespmem:s29+$0x11530]  }
0x363: {  	v10 =	vld [tilespmem:s29+$0x13D30]  }
0x364: {  	v4 =	vadd.f32 v4, v5;
	v5 =	vmul.f32 v8, v6;
	v6 =	vld [tilespmem:s29+$0x11540]  }
0x365: {  	v8 =	vld [tilespmem:s29+$0x13D40]  }
0x366: {  	v2 =	vadd.f32 v4, v2;
	v4 =	vmul.f32 v11, v9;
	v9 =	vld [tilespmem:s29+$0x11550];
	v3 =	vadd.f32 v5, v3  }
0x367: {  	v5 =	vld [tilespmem:s29+$0x13D50]  }
0x368: {  	[tilespmem:s29+$0x16500] =	vst v2;
	v2 =	vmul.f32 v10, v7;
	v7 =	vld [tilespmem:s29+$0x11560]  }
0x369: {  	v10 =	vld [tilespmem:s29+$0x13D60]  }
0x36a: {  	v6 =	vmul.f32 v8, v6;
	v8 =	vld [tilespmem:s29+$0x11570];
	v2 =	vadd.f32 v2, v4  }
0x36b: {  	v4 =	vld [tilespmem:s29+$0x13D70]  }
0x36c: {  	v5 =	vmul.f32 v5, v9;
	v2 =	vadd.f32 v2, v3;
	v3 =	vld [tilespmem:s29+$0x11580]  }
0x36d: {  	v9 =	vld [tilespmem:s29+$0x13D80]  }
0x36e: {  	v7 =	vmul.f32 v10, v7;
	v5 =	vadd.f32 v5, v6;
	v6 =	vld [tilespmem:s29+$0x11590]  }
0x36f: {  	v10 =	vld [tilespmem:s29+$0x13D90]  }
0x370: {  	v4 =	vmul.f32 v4, v8;
	v8 =	vld [tilespmem:s29+$0x115A0]  }
0x371: {  	v11 =	vld [tilespmem:s29+$0x13DA0]  }
0x372: {  	v4 =	vadd.f32 v4, v7;
	v3 =	vmul.f32 v9, v3;
	v7 =	vld [tilespmem:s29+$0x115B0]  }
0x373: {  	v9 =	vld [tilespmem:s29+$0x13DB0]  }
0x374: {  	v4 =	vadd.f32 v4, v5;
	v5 =	vmul.f32 v10, v6;
	v6 =	vld [tilespmem:s29+$0x115C0]  }
0x375: {  	v10 =	vld [tilespmem:s29+$0x13DC0]  }
0x376: {  	v2 =	vadd.f32 v4, v2;
	v4 =	vmul.f32 v11, v8;
	v8 =	vld [tilespmem:s29+$0x115D0];
	v3 =	vadd.f32 v5, v3  }
0x377: {  	v5 =	vld [tilespmem:s29+$0x13DD0]  }
0x378: {  	[tilespmem:s29+$0x16580] =	vst v2;
	v2 =	vmul.f32 v9, v7;
	v7 =	vld [tilespmem:s29+$0x115E0]  }
0x379: {  	v9 =	vld [tilespmem:s29+$0x13DE0]  }
0x37a: {  	v6 =	vmul.f32 v10, v6;
	v10 =	vld [tilespmem:s29+$0x115F0];
	v2 =	vadd.f32 v2, v4  }
0x37b: {  	v4 =	vld [tilespmem:s29+$0x13DF0]  }
0x37c: {  	v5 =	vmul.f32 v5, v8;
	v2 =	vadd.f32 v2, v3;
	v3 =	vld [tilespmem:s29+$0x11600]  }
0x37d: {  	v8 =	vld [tilespmem:s29+$0x13E00]  }
0x37e: {  	v7 =	vmul.f32 v9, v7;
	v5 =	vadd.f32 v5, v6;
	v6 =	vld [tilespmem:s29+$0x11610]  }
0x37f: {  	v9 =	vld [tilespmem:s29+$0x13E10]  }
0x380: {  	v4 =	vmul.f32 v4, v10;
	v10 =	vld [tilespmem:s29+$0x11620]  }
0x381: {  	v11 =	vld [tilespmem:s29+$0x13E20]  }
0x382: {  	v4 =	vadd.f32 v4, v7;
	v3 =	vmul.f32 v8, v3;
	v7 =	vld [tilespmem:s29+$0x11630]  }
0x383: {  	v8 =	vld [tilespmem:s29+$0x13E30]  }
0x384: {  	v4 =	vadd.f32 v4, v5;
	v5 =	vmul.f32 v9, v6;
	v6 =	vld [tilespmem:s29+$0x11640]  }
0x385: {  	v9 =	vld [tilespmem:s29+$0x13E40]  }
0x386: {  	v2 =	vadd.f32 v4, v2;
	v4 =	vmul.f32 v11, v10;
	v10 =	vld [tilespmem:s29+$0x11650];
	v3 =	vadd.f32 v5, v3  }
0x387: {  	v5 =	vld [tilespmem:s29+$0x13E50]  }
0x388: {  	[tilespmem:s29+$0x16600] =	vst v2;
	v2 =	vmul.f32 v8, v7;
	v7 =	vld [tilespmem:s29+$0x11660]  }
0x389: {  	v8 =	vld [tilespmem:s29+$0x13E60]  }
0x38a: {  	v6 =	vmul.f32 v9, v6;
	v9 =	vld [tilespmem:s29+$0x11670];
	v2 =	vadd.f32 v2, v4  }
0x38b: {  	v4 =	vld [tilespmem:s29+$0x13E70]  }
0x38c: {  	v5 =	vmul.f32 v5, v10;
	v2 =	vadd.f32 v2, v3;
	v3 =	vld [tilespmem:s29+$0x11680]  }
0x38d: {  	v10 =	vld [tilespmem:s29+$0x13E80]  }
0x38e: {  	v7 =	vmul.f32 v8, v7;
	v5 =	vadd.f32 v5, v6;
	v6 =	vld [tilespmem:s29+$0x11690]  }
0x38f: {  	v8 =	vld [tilespmem:s29+$0x13E90]  }
0x390: {  	v4 =	vmul.f32 v4, v9;
	v9 =	vld [tilespmem:s29+$0x116A0]  }
0x391: {  	v11 =	vld [tilespmem:s29+$0x13EA0]  }
0x392: {  	v4 =	vadd.f32 v4, v7;
	v3 =	vmul.f32 v10, v3;
	v7 =	vld [tilespmem:s29+$0x116B0]  }
0x393: {  	v10 =	vld [tilespmem:s29+$0x13EB0]  }
0x394: {  	v4 =	vadd.f32 v4, v5;
	v5 =	vmul.f32 v8, v6;
	v6 =	vld [tilespmem:s29+$0x116C0]  }
0x395: {  	v8 =	vld [tilespmem:s29+$0x13EC0]  }
0x396: {  	v2 =	vadd.f32 v4, v2;
	v4 =	vmul.f32 v11, v9;
	v9 =	vld [tilespmem:s29+$0x116D0];
	v3 =	vadd.f32 v5, v3  }
0x397: {  	v5 =	vld [tilespmem:s29+$0x13ED0]  }
0x398: {  	[tilespmem:s29+$0x16680] =	vst v2;
	v2 =	vmul.f32 v10, v7;
	v7 =	vld [tilespmem:s29+$0x116E0]  }
0x399: {  	v10 =	vld [tilespmem:s29+$0x13EE0]  }
0x39a: {  	v6 =	vmul.f32 v8, v6;
	v8 =	vld [tilespmem:s29+$0x116F0];
	v2 =	vadd.f32 v2, v4  }
0x39b: {  	v4 =	vld [tilespmem:s29+$0x13EF0]  }
0x39c: {  	v5 =	vmul.f32 v5, v9;
	v2 =	vadd.f32 v2, v3;
	v3 =	vld [tilespmem:s29+$0x11700]  }
0x39d: {  	v9 =	vld [tilespmem:s29+$0x13F00]  }
0x39e: {  	v7 =	vmul.f32 v10, v7;
	v5 =	vadd.f32 v5, v6;
	v6 =	vld [tilespmem:s29+$0x11710]  }
0x39f: {  	v10 =	vld [tilespmem:s29+$0x13F10]  }
0x3a0: {  	v4 =	vmul.f32 v4, v8;
	v8 =	vld [tilespmem:s29+$0x11720]  }
0x3a1: {  	v11 =	vld [tilespmem:s29+$0x13F20]  }
0x3a2: {  	v4 =	vadd.f32 v4, v7;
	v3 =	vmul.f32 v9, v3;
	v7 =	vld [tilespmem:s29+$0x11730]  }
0x3a3: {  	v9 =	vld [tilespmem:s29+$0x13F30]  }
0x3a4: {  	v4 =	vadd.f32 v4, v5;
	v5 =	vmul.f32 v10, v6;
	v6 =	vld [tilespmem:s29+$0x11740]  }
0x3a5: {  	v10 =	vld [tilespmem:s29+$0x13F40]  }
0x3a6: {  	v2 =	vadd.f32 v4, v2;
	v4 =	vmul.f32 v11, v8;
	v8 =	vld [tilespmem:s29+$0x11750];
	v3 =	vadd.f32 v5, v3  }
0x3a7: {  	v5 =	vld [tilespmem:s29+$0x13F50]  }
0x3a8: {  	[tilespmem:s29+$0x16700] =	vst v2;
	v2 =	vmul.f32 v9, v7;
	v7 =	vld [tilespmem:s29+$0x11760]  }
0x3a9: {  	v9 =	vld [tilespmem:s29+$0x13F60]  }
0x3aa: {  	v6 =	vmul.f32 v10, v6;
	v10 =	vld [tilespmem:s29+$0x11770];
	v4 =	vadd.f32 v2, v4  }
0x3ab: {  	s1 =	sshll.u32 s0, $0xB;
	v11 =	vld [tilespmem:s29+$0x13F70]  }
0x3ac: {  	v2 =	vld [tilespmem:s1+$0x11780];
	v5 =	vmul.f32 v5, v8;
	v13 =	vadd.f32 v4, v3  }
0x3ad: {  	v3 =	vld [tilespmem:s1+$0x13F80]  }
0x3ae: {  	v4 =	vld [tilespmem:s1+$0x11790];
	v9 =	vmul.f32 v9, v7;
	v12 =	vadd.f32 v5, v6  }
0x3af: {  	v6 =	vld [tilespmem:s1+$0x13F90]  }
0x3b0: {  	v5 =	vld [tilespmem:s1+$0x117A0];
	v10 =	vmul.f32 v11, v10  }
0x3b1: {  	v7 =	vld [tilespmem:s1+$0x13FA0]  }
0x3b2: {  	v8 =	vld [tilespmem:s1+$0x117B0];
	v11 =	vadd.f32 v10, v9  }
0x3b3: {  	v10 =	vld [tilespmem:s1+$0x13FB0]  }
0x3b4: {  	v9 =	vld [tilespmem:s1+$0x117C0];
	v14 =	vadd.f32 v11, v12  }
0x3b5: {  	v11 =	vld [tilespmem:s1+$0x13FC0]  }
.Ltmp2:
0x3b6: {  	v12 =	vld [tilespmem:s1+$0x117D0];
	v15 =	vadd.f32 v14, v13;
	(pc) =	sbr.rel @p0 .LBB2_7-.Ltmp2, $4  }
0x3b7: {  	v14 =	vld [tilespmem:s1+$0x13FD0]  }
0x3b8: {  	v13 =	vld [tilespmem:s1+$0x117E0];
	[tilespmem:s29+$0x16780] =	vst v15;
	s29 =	smov.u32 s1  }
0x3b9: {  	v15 =	vld [tilespmem:s29+$0x13FE0]  }
0x3ba: {  	s0 =	sadd.s32 $0x1, s0;
	v16 =	vld [tilespmem:s29+$0x117F0]  }
0x3bb: {  	v17 =	vld [tilespmem:s29+$0x13FF0]  }
0x3bc: {  	v18 =	vld [tilespmem:s29+$0x11000]  }
0x3bd: {  	v19 =	vld [tilespmem:s29+$0x13800]  }
0x3be: {  	v2 =	vmul.f32 v3, v2;
	v3 =	vmul.f32 v6, v4;
	v4 =	vld [tilespmem:s29+$0x11010]  }
0x3bf: {  	v5 =	vmul.f32 v7, v5;
	v7 =	vld [tilespmem:s29+$0x13810]  }
0x3c0: {  	v6 =	vmul.f32 v10, v8;
	v10 =	vld [tilespmem:s29+$0x11020]  }
0x3c1: {  	v42 =	vld [tilespmem:s29+$0x13820]  }
0x3c2: {  	v43 =	vld [tilespmem:s29+$0x11060]  }
0x3c3: {  	v44 =	vld [tilespmem:s29+$0x11070]  }
0x3c4: {  	v45 =	vld [tilespmem:s29+$0x13870]  }
0x3c5: {  	v46 =	vld [tilespmem:s29+$0x11080]  }
0x3c6: {  	v48 =	vld [tilespmem:s29+$0x110A0]  }
0x3c7: {  	v49 =	vld [tilespmem:s29+$0x138D0]  }
0x3c8: {  	v50 =	vld [tilespmem:s29+$0x138E0]  }
0x3c9: {  	v51 =	vld [tilespmem:s29+$0x110F0]  }
0x3ca: {  	v52 =	vld [tilespmem:s29+$0x138F0]  }
0x3cb: {  	v53 =	vld [tilespmem:s29+$0x11100]  }
0x3cc: {  	v55 =	vld [tilespmem:s29+$0x11120]  }
0x3cd: {  	v56 =	vld [tilespmem:s29+$0x13950]  }
0x3ce: {  	v57 =	vld [tilespmem:s29+$0x13960]  }
0x3cf: {  	v58 =	vld [tilespmem:s29+$0x11170]  }
0x3d0: {  	v59 =	vld [tilespmem:s29+$0x13970]  }
0x3d1: {  	v60 =	vld [tilespmem:s29+$0x11180]  }
0x3d2: {  	v62 =	vld [tilespmem:s29+$0x111A0]  }
0x3d3: {  	v63 =	vld [tilespmem:s29+$0x139D0]  }
0x3d4: {  	v21 =	vld [tilespmem:s29+$0x139E0]  }
0x3d5: {  	v22 =	vld [tilespmem:s29+$0x111F0]  }
0x3d6: {  	v23 =	vld [tilespmem:s29+$0x139F0]  }
0x3d7: {  	v24 =	vld [tilespmem:s29+$0x11200]  }
0x3d8: {  	v26 =	vld [tilespmem:s29+$0x11220]  }
0x3d9: {  	v27 =	vld [tilespmem:s29+$0x13A50]  }
0x3da: {  	v28 =	vld [tilespmem:s29+$0x13A60]  }
0x3db: {  	v29 =	vld [tilespmem:s29+$0x11270]  }
0x3dc: {  	v30 =	vld [tilespmem:s29+$0x13A70]  }
0x3dd: {  	v31 =	vld [tilespmem:s29+$0x11280]  }
0x3de: {  	v33 =	vld [tilespmem:s29+$0x112A0]  }
0x3df: {  	v34 =	vld [tilespmem:s29+$0x13AD0]  }
0x3e0: {  	v35 =	vld [tilespmem:s29+$0x13AE0]  }
0x3e1: {  	v36 =	vld [tilespmem:s29+$0x112F0]  }
0x3e2: {  	v37 =	vld [tilespmem:s29+$0x13AF0]  }
0x3e3: {  	v38 =	vld [tilespmem:s29+$0x11300]  }
0x3e4: {  	v8 =	vmul.f32 v11, v9;
	v40 =	vld [tilespmem:s29+$0x11320];
	v9 =	vmul.f32 v14, v12  }
0x3e5: {  	v2 =	vadd.f32 v3, v2;
	v3 =	vadd.f32 v6, v5;
	v5 =	vld [tilespmem:s29+$0x11030]  }
0x3e6: {  	v6 =	vadd.f32 v9, v8;
	v9 =	vld [tilespmem:s29+$0x13830]  }
0x3e7: {  	v4 =	vmul.f32 v7, v4;
	v7 =	vld [tilespmem:s29+$0x13880]  }
0x3e8: {  	v11 =	vmul.f32 v15, v13;
	v10 =	vmul.f32 v42, v10;
	v42 =	vld [tilespmem:s29+$0x13B60]  }
0x3e9: {  	v41 =	vmul.f32 v17, v16;
	v54 =	vmul.f32 v52, v51;
	v51 =	vld [tilespmem:s29+$0x13BF0]  }
0x3ea: {  	v52 =	vld [tilespmem:s29+$0x11400]  }
0x3eb: {  	v47 =	vmul.f32 v19, v18;
	v8 =	vadd.f32 v41, v11;
	v11 =	vld [tilespmem:s29+$0x11040]  }
0x3ec: {  	v41 =	vld [tilespmem:s29+$0x13B50]  }
0x3ed: {  	v4 =	vadd.f32 v4, v47;
	v47 =	vld [tilespmem:s29+$0x113A0]  }
0x3ee: {  	v5 =	vmul.f32 v9, v5;
	v9 =	vld [tilespmem:s29+$0x11090]  }
0x3ef: {  	v2 =	vadd.f32 v3, v2;
	v3 =	vadd.f32 v8, v6;
	v6 =	vld [tilespmem:s29+$0x13840]  }
0x3f0: {  	v8 =	vld [tilespmem:s29+$0x11050]  }
0x3f1: {  	v5 =	vadd.f32 v5, v10;
	v10 =	vld [tilespmem:s29+$0x138A0]  }
0x3f2: {  	v2 =	vadd.f32 v3, v2;
	v3 =	vld [tilespmem:s29+$0x13850]  }
0x3f3: {  	v4 =	vadd.f32 v5, v4;
	v5 =	vld [tilespmem:s29+$0x138C0]  }
0x3f4: {  	[tilespmem:s29+$0x16800] =	vst v2;
	v2 =	vld [tilespmem:s29+$0x13860]  }
0x3f5: {  	v6 =	vmul.f32 v6, v11;
	v11 =	vmul.f32 v45, v44;
	v44 =	vld [tilespmem:s29+$0x13B70]  }
0x3f6: {  	v45 =	vld [tilespmem:s29+$0x11380]  }
0x3f7: {  	v61 =	vmul.f32 v59, v58;
	v58 =	vld [tilespmem:s29+$0x13C70]  }
0x3f8: {  	v59 =	vld [tilespmem:s29+$0x11480]  }
0x3f9: {  	v3 =	vmul.f32 v3, v8;
	v8 =	vld [tilespmem:s29+$0x13890]  }
0x3fa: {  	v10 =	vmul.f32 v10, v48;
	v48 =	vld [tilespmem:s29+$0x13BD0];
	v2 =	vmul.f32 v2, v43  }
0x3fb: {  	v3 =	vadd.f32 v3, v6;
	v6 =	vld [tilespmem:s29+$0x110B0]  }
0x3fc: {  	v43 =	vld [tilespmem:s29+$0x11370];
	v2 =	vadd.f32 v11, v2  }
0x3fd: {  	v11 =	vld [tilespmem:s29+$0x138B0]  }
0x3fe: {  	v7 =	vmul.f32 v7, v46;
	v8 =	vmul.f32 v8, v9;
	v9 =	vld [tilespmem:s29+$0x13900];
	v2 =	vadd.f32 v2, v3  }
0x3ff: {  	v3 =	vld [tilespmem:s29+$0x110C0]  }
0x400: {  	v7 =	vadd.f32 v8, v7;
	v8 =	vld [tilespmem:s29+$0x13920];
	v2 =	vadd.f32 v2, v4  }
0x401: {  	v4 =	vld [tilespmem:s29+$0x110D0]  }
0x402: {  	[tilespmem:s29+$0x16080] =	vst v2;
	v2 =	vld [tilespmem:s29+$0x110E0]  }
0x403: {  	v6 =	vmul.f32 v11, v6;
	v11 =	vld [tilespmem:s29+$0x11110]  }
0x404: {  	v3 =	vmul.f32 v5, v3;
	v5 =	vld [tilespmem:s29+$0x13910]  }
0x405: {  	v6 =	vadd.f32 v6, v10;
	v10 =	vld [tilespmem:s29+$0x13930]  }
0x406: {  	v25 =	vmul.f32 v23, v22;
	v22 =	vld [tilespmem:s29+$0x13CF0]  }
0x407: {  	v23 =	vld [tilespmem:s29+$0x11500];
	v4 =	vmul.f32 v49, v4;
	v2 =	vmul.f32 v50, v2  }
0x408: {  	v8 =	vmul.f32 v8, v55;
	v55 =	vld [tilespmem:s29+$0x13C50];
	v6 =	vadd.f32 v6, v7  }
0x409: {  	v7 =	vld [tilespmem:s29+$0x13940];
	v3 =	vadd.f32 v4, v3;
	v2 =	vadd.f32 v54, v2  }
0x40a: {  	v49 =	vld [tilespmem:s29+$0x13BE0]  }
0x40b: {  	v4 =	vld [tilespmem:s29+$0x11130];
	v2 =	vadd.f32 v2, v3  }
0x40c: {  	v50 =	vld [tilespmem:s29+$0x113F0]  }
0x40d: {  	v3 =	vld [tilespmem:s29+$0x11140];
	v2 =	vadd.f32 v2, v6  }
0x40e: {  	v6 =	vld [tilespmem:s29+$0x11150]  }
0x40f: {  	[tilespmem:s29+$0x16100] =	vst v2;
	v2 =	vld [tilespmem:s29+$0x11160]  }
0x410: {  	v9 =	vmul.f32 v9, v53;
	v5 =	vmul.f32 v5, v11;
	v11 =	vld [tilespmem:s29+$0x13980]  }
0x411: {  	v54 =	vld [tilespmem:s29+$0x11420];
	v4 =	vmul.f32 v10, v4  }
0x412: {  	v5 =	vadd.f32 v5, v9;
	v9 =	vld [tilespmem:s29+$0x139B0]  }
0x413: {  	v10 =	vld [tilespmem:s29+$0x11190];
	v4 =	vadd.f32 v4, v8;
	v3 =	vmul.f32 v7, v3  }
0x414: {  	v8 =	vld [tilespmem:s29+$0x139A0];
	v6 =	vmul.f32 v56, v6;
	v2 =	vmul.f32 v57, v2  }
0x415: {  	v7 =	vld [tilespmem:s29+$0x13990];
	v4 =	vadd.f32 v4, v5  }
0x416: {  	v5 =	vld [tilespmem:s29+$0x139C0];
	v3 =	vadd.f32 v6, v3;
	v2 =	vadd.f32 v61, v2  }
0x417: {  	v32 =	vmul.f32 v30, v29;
	v29 =	vld [tilespmem:s29+$0x13D70]  }
0x418: {  	v30 =	vld [tilespmem:s29+$0x11580];
	v2 =	vadd.f32 v2, v3  }
0x419: {  	v6 =	vld [tilespmem:s29+$0x111B0]  }
0x41a: {  	v3 =	vld [tilespmem:s29+$0x111C0];
	v2 =	vadd.f32 v2, v4  }
0x41b: {  	v4 =	vld [tilespmem:s29+$0x111D0]  }
0x41c: {  	[tilespmem:s29+$0x16180] =	vst v2;
	v2 =	vld [tilespmem:s29+$0x111E0]  }
0x41d: {  	v56 =	vld [tilespmem:s29+$0x13C60]  }
0x41e: {  	v8 =	vmul.f32 v8, v62;
	v62 =	vld [tilespmem:s29+$0x13CD0]  }
0x41f: {  	v11 =	vmul.f32 v11, v60;
	v57 =	vld [tilespmem:s29+$0x11470];
	v7 =	vmul.f32 v7, v10  }
0x420: {  	v10 =	vld [tilespmem:s29+$0x13A00];
	v6 =	vmul.f32 v9, v6;
	v3 =	vmul.f32 v5, v3  }
0x421: {  	v7 =	vadd.f32 v7, v11;
	v11 =	vld [tilespmem:s29+$0x13A30];
	v4 =	vmul.f32 v63, v4;
	v2 =	vmul.f32 v21, v2  }
0x422: {  	v9 =	vld [tilespmem:s29+$0x11210];
	v6 =	vadd.f32 v6, v8  }
0x423: {  	v8 =	vld [tilespmem:s29+$0x13A20];
	v3 =	vadd.f32 v4, v3;
	v2 =	vadd.f32 v25, v2  }
0x424: {  	v5 =	vld [tilespmem:s29+$0x13A10]  }
0x425: {  	v6 =	vadd.f32 v6, v7;
	v7 =	vld [tilespmem:s29+$0x13A40];
	v2 =	vadd.f32 v2, v3  }
0x426: {  	v4 =	vld [tilespmem:s29+$0x11230]  }
0x427: {  	v3 =	vld [tilespmem:s29+$0x11240];
	v2 =	vadd.f32 v2, v6  }
0x428: {  	v6 =	vld [tilespmem:s29+$0x11250]  }
0x429: {  	[tilespmem:s29+$0x16200] =	vst v2;
	v2 =	vld [tilespmem:s29+$0x11260]  }
0x42a: {  	v61 =	vld [tilespmem:s29+$0x114A0]  }
0x42b: {  	v39 =	vmul.f32 v37, v36;
	v10 =	vmul.f32 v10, v24;
	v36 =	vld [tilespmem:s29+$0x13DF0]  }
0x42c: {  	v37 =	vld [tilespmem:s29+$0x11600];
	v8 =	vmul.f32 v8, v26;
	v5 =	vmul.f32 v5, v9  }
0x42d: {  	v9 =	vld [tilespmem:s29+$0x13A80];
	v4 =	vmul.f32 v11, v4;
	v3 =	vmul.f32 v7, v3  }
0x42e: {  	v5 =	vadd.f32 v5, v10;
	v10 =	vld [tilespmem:s29+$0x13AB0];
	v6 =	vmul.f32 v27, v6;
	v2 =	vmul.f32 v28, v2  }
0x42f: {  	v11 =	vld [tilespmem:s29+$0x11290];
	v4 =	vadd.f32 v4, v8  }
0x430: {  	v8 =	vld [tilespmem:s29+$0x13AA0];
	v3 =	vadd.f32 v6, v3;
	v2 =	vadd.f32 v32, v2  }
0x431: {  	v7 =	vld [tilespmem:s29+$0x13A90]  }
0x432: {  	v4 =	vadd.f32 v4, v5;
	v5 =	vld [tilespmem:s29+$0x13AC0];
	v2 =	vadd.f32 v2, v3  }
0x433: {  	v6 =	vld [tilespmem:s29+$0x112B0]  }
0x434: {  	v3 =	vld [tilespmem:s29+$0x112C0];
	v2 =	vadd.f32 v2, v4  }
0x435: {  	v4 =	vld [tilespmem:s29+$0x112D0]  }
0x436: {  	[tilespmem:s29+$0x16280] =	vst v2;
	v2 =	vld [tilespmem:s29+$0x112E0]  }
0x437: {  	v63 =	vld [tilespmem:s29+$0x13CE0]  }
0x438: {  	v26 =	vld [tilespmem:s29+$0x13D50];
	v9 =	vmul.f32 v9, v31  }
0x439: {  	v21 =	vld [tilespmem:s29+$0x114F0];
	v8 =	vmul.f32 v8, v33;
	v7 =	vmul.f32 v7, v11  }
0x43a: {  	v11 =	vld [tilespmem:s29+$0x13B00];
	v6 =	vmul.f32 v10, v6;
	v3 =	vmul.f32 v5, v3  }
0x43b: {  	v7 =	vadd.f32 v7, v9;
	v9 =	vld [tilespmem:s29+$0x13B30];
	v4 =	vmul.f32 v34, v4;
	v2 =	vmul.f32 v35, v2  }
0x43c: {  	v10 =	vld [tilespmem:s29+$0x11310];
	v6 =	vadd.f32 v6, v8  }
0x43d: {  	v8 =	vld [tilespmem:s29+$0x13B20];
	v3 =	vadd.f32 v4, v3;
	v2 =	vadd.f32 v39, v2  }
0x43e: {  	v5 =	vld [tilespmem:s29+$0x13B10]  }
0x43f: {  	v6 =	vadd.f32 v6, v7;
	v7 =	vld [tilespmem:s29+$0x13B40];
	v2 =	vadd.f32 v2, v3  }
0x440: {  	v4 =	vld [tilespmem:s29+$0x11330]  }
0x441: {  	v3 =	vld [tilespmem:s29+$0x11340];
	v2 =	vadd.f32 v2, v6  }
0x442: {  	v6 =	vld [tilespmem:s29+$0x11350]  }
0x443: {  	[tilespmem:s29+$0x16300] =	vst v2;
	v2 =	vld [tilespmem:s29+$0x11360]  }
0x444: {  	v25 =	vld [tilespmem:s29+$0x11520]  }
0x445: {  	v46 =	vmul.f32 v44, v43;
	v43 =	vld [tilespmem:s29+$0x13E70];
	v11 =	vmul.f32 v11, v38  }
0x446: {  	v44 =	vld [tilespmem:s29+$0x11680];
	v8 =	vmul.f32 v8, v40;
	v5 =	vmul.f32 v5, v10  }
0x447: {  	v10 =	vld [tilespmem:s29+$0x13B80];
	v4 =	vmul.f32 v9, v4;
	v3 =	vmul.f32 v7, v3  }
0x448: {  	v5 =	vadd.f32 v5, v11;
	v11 =	vld [tilespmem:s29+$0x13BB0];
	v6 =	vmul.f32 v41, v6;
	v2 =	vmul.f32 v42, v2  }
0x449: {  	v9 =	vld [tilespmem:s29+$0x11390];
	v4 =	vadd.f32 v4, v8  }
0x44a: {  	v8 =	vld [tilespmem:s29+$0x13BA0];
	v3 =	vadd.f32 v6, v3;
	v2 =	vadd.f32 v46, v2  }
0x44b: {  	v7 =	vld [tilespmem:s29+$0x13B90]  }
0x44c: {  	v4 =	vadd.f32 v4, v5;
	v5 =	vld [tilespmem:s29+$0x13BC0];
	v2 =	vadd.f32 v2, v3  }
0x44d: {  	v6 =	vld [tilespmem:s29+$0x113B0]  }
0x44e: {  	v3 =	vld [tilespmem:s29+$0x113C0];
	v2 =	vadd.f32 v2, v4  }
0x44f: {  	v4 =	vld [tilespmem:s29+$0x113D0]  }
0x450: {  	[tilespmem:s29+$0x16380] =	vst v2;
	v2 =	vld [tilespmem:s29+$0x113E0]  }
0x451: {  	v27 =	vld [tilespmem:s29+$0x13D60]  }
0x452: {  	v53 =	vmul.f32 v51, v50;
	v33 =	vld [tilespmem:s29+$0x13DD0];
	v10 =	vmul.f32 v10, v45  }
0x453: {  	v28 =	vld [tilespmem:s29+$0x11570];
	v8 =	vmul.f32 v8, v47;
	v7 =	vmul.f32 v7, v9  }
0x454: {  	v9 =	vld [tilespmem:s29+$0x13C00];
	v6 =	vmul.f32 v11, v6;
	v3 =	vmul.f32 v5, v3  }
0x455: {  	v7 =	vadd.f32 v7, v10;
	v10 =	vld [tilespmem:s29+$0x13C30];
	v4 =	vmul.f32 v48, v4;
	v2 =	vmul.f32 v49, v2  }
0x456: {  	v11 =	vld [tilespmem:s29+$0x11410];
	v6 =	vadd.f32 v6, v8  }
0x457: {  	v8 =	vld [tilespmem:s29+$0x13C20];
	v3 =	vadd.f32 v4, v3;
	v2 =	vadd.f32 v53, v2  }
0x458: {  	v5 =	vld [tilespmem:s29+$0x13C10]  }
0x459: {  	v6 =	vadd.f32 v6, v7;
	v7 =	vld [tilespmem:s29+$0x13C40];
	v2 =	vadd.f32 v2, v3  }
0x45a: {  	v4 =	vld [tilespmem:s29+$0x11430]  }
0x45b: {  	v3 =	vld [tilespmem:s29+$0x11440];
	v2 =	vadd.f32 v2, v6  }
0x45c: {  	v6 =	vld [tilespmem:s29+$0x11450]  }
0x45d: {  	[tilespmem:s29+$0x16400] =	vst v2;
	v2 =	vld [tilespmem:s29+$0x11460]  }
0x45e: {  	v32 =	vld [tilespmem:s29+$0x115A0]  }
0x45f: {  	v60 =	vmul.f32 v58, v57;
	v50 =	vld [tilespmem:s29+$0x13EF0];
	v9 =	vmul.f32 v9, v52  }
0x460: {  	v51 =	vld [tilespmem:s29+$0x11700];
	v8 =	vmul.f32 v8, v54;
	v5 =	vmul.f32 v5, v11  }
0x461: {  	v11 =	vld [tilespmem:s29+$0x13C80];
	v4 =	vmul.f32 v10, v4;
	v3 =	vmul.f32 v7, v3  }
0x462: {  	v5 =	vadd.f32 v5, v9;
	v9 =	vld [tilespmem:s29+$0x13CB0];
	v6 =	vmul.f32 v55, v6;
	v2 =	vmul.f32 v56, v2  }
0x463: {  	v10 =	vld [tilespmem:s29+$0x11490];
	v4 =	vadd.f32 v4, v8  }
0x464: {  	v8 =	vld [tilespmem:s29+$0x13CA0];
	v3 =	vadd.f32 v6, v3;
	v2 =	vadd.f32 v60, v2  }
0x465: {  	v7 =	vld [tilespmem:s29+$0x13C90]  }
0x466: {  	v4 =	vadd.f32 v4, v5;
	v5 =	vld [tilespmem:s29+$0x13CC0];
	v2 =	vadd.f32 v2, v3  }
0x467: {  	v6 =	vld [tilespmem:s29+$0x114B0]  }
0x468: {  	v3 =	vld [tilespmem:s29+$0x114C0];
	v2 =	vadd.f32 v2, v4  }
0x469: {  	v4 =	vld [tilespmem:s29+$0x114D0]  }
0x46a: {  	[tilespmem:s29+$0x16480] =	vst v2;
	v2 =	vld [tilespmem:s29+$0x114E0]  }
0x46b: {  	v34 =	vld [tilespmem:s29+$0x13DE0]  }
0x46c: {  	v24 =	vmul.f32 v22, v21;
	v40 =	vld [tilespmem:s29+$0x13E50];
	v11 =	vmul.f32 v11, v59  }
0x46d: {  	v35 =	vld [tilespmem:s29+$0x115F0];
	v8 =	vmul.f32 v8, v61;
	v7 =	vmul.f32 v7, v10  }
0x46e: {  	v10 =	vld [tilespmem:s29+$0x13D00];
	v6 =	vmul.f32 v9, v6;
	v3 =	vmul.f32 v5, v3  }
0x46f: {  	v7 =	vadd.f32 v7, v11;
	v11 =	vld [tilespmem:s29+$0x13D30];
	v4 =	vmul.f32 v62, v4;
	v2 =	vmul.f32 v63, v2  }
0x470: {  	v9 =	vld [tilespmem:s29+$0x11510];
	v6 =	vadd.f32 v6, v8  }
0x471: {  	v8 =	vld [tilespmem:s29+$0x13D20];
	v3 =	vadd.f32 v4, v3;
	v2 =	vadd.f32 v24, v2  }
0x472: {  	v5 =	vld [tilespmem:s29+$0x13D10]  }
0x473: {  	v6 =	vadd.f32 v6, v7;
	v7 =	vld [tilespmem:s29+$0x13D40];
	v2 =	vadd.f32 v2, v3  }
0x474: {  	v4 =	vld [tilespmem:s29+$0x11530]  }
0x475: {  	v3 =	vld [tilespmem:s29+$0x11540];
	v2 =	vadd.f32 v2, v6  }
0x476: {  	v6 =	vld [tilespmem:s29+$0x11550]  }
0x477: {  	[tilespmem:s29+$0x16500] =	vst v2;
	v2 =	vld [tilespmem:s29+$0x11560]  }
0x478: {  	v39 =	vld [tilespmem:s29+$0x11620]  }
0x479: {  	v31 =	vmul.f32 v29, v28;
	v57 =	vld [tilespmem:s29+$0x13F70];
	v10 =	vmul.f32 v10, v23  }
0x47a: {  	v41 =	vld [tilespmem:s29+$0x13E60];
	v8 =	vmul.f32 v8, v25;
	v5 =	vmul.f32 v5, v9  }
0x47b: {  	v9 =	vld [tilespmem:s29+$0x13D80];
	v4 =	vmul.f32 v11, v4;
	v3 =	vmul.f32 v7, v3  }
0x47c: {  	v5 =	vadd.f32 v5, v10;
	v10 =	vld [tilespmem:s29+$0x13DB0];
	v6 =	vmul.f32 v26, v6;
	v2 =	vmul.f32 v27, v2  }
0x47d: {  	v11 =	vld [tilespmem:s29+$0x11590];
	v4 =	vadd.f32 v4, v8  }
0x47e: {  	v8 =	vld [tilespmem:s29+$0x13DA0];
	v3 =	vadd.f32 v6, v3;
	v2 =	vadd.f32 v31, v2  }
0x47f: {  	v7 =	vld [tilespmem:s29+$0x13D90]  }
0x480: {  	v4 =	vadd.f32 v4, v5;
	v5 =	vld [tilespmem:s29+$0x13DC0];
	v2 =	vadd.f32 v2, v3  }
0x481: {  	v6 =	vld [tilespmem:s29+$0x115B0]  }
0x482: {  	v3 =	vld [tilespmem:s29+$0x115C0];
	v2 =	vadd.f32 v2, v4  }
0x483: {  	v4 =	vld [tilespmem:s29+$0x115D0]  }
0x484: {  	[tilespmem:s29+$0x16580] =	vst v2;
	v2 =	vld [tilespmem:s29+$0x115E0]  }
0x485: {  	v47 =	vld [tilespmem:s29+$0x13ED0]  }
0x486: {  	v38 =	vmul.f32 v36, v35;
	v42 =	vld [tilespmem:s29+$0x11670];
	v9 =	vmul.f32 v9, v30  }
0x487: {  	v46 =	vld [tilespmem:s29+$0x116A0];
	v8 =	vmul.f32 v8, v32;
	v7 =	vmul.f32 v7, v11  }
0x488: {  	v11 =	vld [tilespmem:s29+$0x13E00];
	v6 =	vmul.f32 v10, v6;
	v3 =	vmul.f32 v5, v3  }
0x489: {  	v7 =	vadd.f32 v7, v9;
	v9 =	vld [tilespmem:s29+$0x13E30];
	v4 =	vmul.f32 v33, v4;
	v2 =	vmul.f32 v34, v2  }
0x48a: {  	v10 =	vld [tilespmem:s29+$0x11610];
	v6 =	vadd.f32 v6, v8  }
0x48b: {  	v8 =	vld [tilespmem:s29+$0x13E20];
	v3 =	vadd.f32 v4, v3;
	v2 =	vadd.f32 v38, v2  }
0x48c: {  	v5 =	vld [tilespmem:s29+$0x13E10]  }
0x48d: {  	v6 =	vadd.f32 v6, v7;
	v7 =	vld [tilespmem:s29+$0x13E40];
	v2 =	vadd.f32 v2, v3  }
0x48e: {  	v4 =	vld [tilespmem:s29+$0x11630]  }
0x48f: {  	v3 =	vld [tilespmem:s29+$0x11640];
	v2 =	vadd.f32 v2, v6  }
0x490: {  	v6 =	vld [tilespmem:s29+$0x11650]  }
0x491: {  	[tilespmem:s29+$0x16600] =	vst v2;
	v2 =	vld [tilespmem:s29+$0x11660]  }
0x492: {  	v48 =	vld [tilespmem:s29+$0x13EE0]  }
0x493: {  	v45 =	vmul.f32 v43, v42;
	v54 =	vld [tilespmem:s29+$0x13F50];
	v11 =	vmul.f32 v11, v37  }
0x494: {  	v49 =	vld [tilespmem:s29+$0x116F0];
	v8 =	vmul.f32 v8, v39;
	v5 =	vmul.f32 v5, v10  }
0x495: {  	v10 =	vld [tilespmem:s29+$0x13E80];
	v4 =	vmul.f32 v9, v4;
	v3 =	vmul.f32 v7, v3  }
0x496: {  	v5 =	vadd.f32 v5, v11;
	v11 =	vld [tilespmem:s29+$0x13EB0];
	v6 =	vmul.f32 v40, v6;
	v2 =	vmul.f32 v41, v2  }
0x497: {  	v9 =	vld [tilespmem:s29+$0x11690];
	v4 =	vadd.f32 v4, v8  }
0x498: {  	v8 =	vld [tilespmem:s29+$0x13EA0];
	v3 =	vadd.f32 v6, v3;
	v2 =	vadd.f32 v45, v2  }
0x499: {  	v7 =	vld [tilespmem:s29+$0x13E90]  }
0x49a: {  	v4 =	vadd.f32 v4, v5;
	v5 =	vld [tilespmem:s29+$0x13EC0];
	v2 =	vadd.f32 v2, v3  }
0x49b: {  	v6 =	vld [tilespmem:s29+$0x116B0]  }
0x49c: {  	v3 =	vld [tilespmem:s29+$0x116C0];
	v2 =	vadd.f32 v2, v4  }
0x49d: {  	v4 =	vld [tilespmem:s29+$0x116D0]  }
0x49e: {  	[tilespmem:s29+$0x16680] =	vst v2;
	v2 =	vld [tilespmem:s29+$0x116E0]  }
0x49f: {  	v53 =	vld [tilespmem:s29+$0x11720]  }
0x4a0: {  	v52 =	vmul.f32 v50, v49;
	v55 =	vld [tilespmem:s29+$0x13F60];
	v10 =	vmul.f32 v10, v44  }
0x4a1: {  	v56 =	vld [tilespmem:s29+$0x11770];
	v8 =	vmul.f32 v8, v46;
	v7 =	vmul.f32 v7, v9  }
0x4a2: {  	v9 =	vld [tilespmem:s29+$0x13F00];
	v6 =	vmul.f32 v11, v6;
	v3 =	vmul.f32 v5, v3  }
0x4a3: {  	v7 =	vadd.f32 v7, v10;
	v10 =	vld [tilespmem:s29+$0x13F30];
	v4 =	vmul.f32 v47, v4;
	v2 =	vmul.f32 v48, v2  }
0x4a4: {  	v11 =	vld [tilespmem:s29+$0x11710];
	v6 =	vadd.f32 v6, v8  }
0x4a5: {  	v8 =	vld [tilespmem:s29+$0x13F20];
	v3 =	vadd.f32 v4, v3;
	v2 =	vadd.f32 v52, v2  }
0x4a6: {  	v5 =	vld [tilespmem:s29+$0x13F10]  }
0x4a7: {  	v6 =	vadd.f32 v6, v7;
	v7 =	vld [tilespmem:s29+$0x13F40];
	v2 =	vadd.f32 v2, v3  }
0x4a8: {  	v4 =	vld [tilespmem:s29+$0x11730]  }
0x4a9: {  	v3 =	vld [tilespmem:s29+$0x11740];
	v2 =	vadd.f32 v2, v6  }
0x4aa: {  	v6 =	vld [tilespmem:s29+$0x11750]  }
0x4ab: {  	[tilespmem:s29+$0x16700] =	vst v2;
	v2 =	vld [tilespmem:s29+$0x11760];
	_ =	sdelay $0x1  }
0x4ac: {  	v9 =	vmul.f32 v9, v51;
	v8 =	vmul.f32 v8, v53  }
0x4ad: {  	v5 =	vmul.f32 v5, v11;
	v4 =	vmul.f32 v10, v4  }
0x4ae: {  	v3 =	vmul.f32 v7, v3;
	v7 =	vmul.f32 v57, v56  }
0x4af: {  	v6 =	vmul.f32 v54, v6;
	v2 =	vmul.f32 v55, v2  }
0x4b0: {  	v5 =	vadd.f32 v5, v9;
	v4 =	vadd.f32 v4, v8;
	v8 =	vmov s30  }
0x4b1: {  	v3 =	vadd.f32 v6, v3;
	v6 =	vshll.u32 v8, $0x7;
	v2 =	vadd.f32 v7, v2  }
0x4b2: {  	v6 =	vor.u32 v0, v6  }
0x4b3: {  	v4 =	vadd.f32 v4, v5;
	v2 =	vadd.f32 v2, v3;
	v3 =	vor.u32 $0xC, v6  }
0x4b4: {  	v5 =	vor.u32 $0xD, v6  }
0x4b5: {  	v7 =	vor.u32 $0x9, v6;
	v2 =	vadd.f32 v2, v4  }
0x4b6: {  	v8 =	vor.u32 $0x5, v6  }
0x4b7: {  	[tilespmem:s29+$0x16780] =	vst v2  }
0x4b8: {  	v9 =	vor.u32 $0x1, v6;
	v3 =	vld.idx.msk [tilespmem:v3+s20+$0x0], $0xffff  }
0x4b9: {  	v10 =	vor.u32 $0x2, v6;
	v5 =	vld.idx.msk [tilespmem:v5+s20+$0x0], $0xffff  }
0x4ba: {  	v11 =	vor.u32 $0x3, v6;
	v7 =	vld.idx.msk [tilespmem:v7+s20+$0x0], $0xffff  }
0x4bb: {  	v58 =	vor.u32 $0x6, v6;
	v8 =	vld.idx.msk [tilespmem:v8+s20+$0x0], $0xffff  }
0x4bc: {  	v60 =	vor.u32 $0x7, v6;
	v59 =	vld.idx.msk [tilespmem:v6+s20+$0x0], $0xffff  }
0x4bd: {  	v2 =	vor.u32 $0x4, v6;
	v9 =	vld.idx.msk [tilespmem:v9+s20+$0x0], $0xffff  }
0x4be: {  	v61 =	vor.u32 $0xA, v6;
	v10 =	vld.idx.msk [tilespmem:v10+s20+$0x0], $0xffff  }
0x4bf: {  	v4 =	vor.u32 $0x8, v6;
	v11 =	vld.idx.msk [tilespmem:v11+s20+$0x0], $0xffff  }
0x4c0: {  	v62 =	vor.u32 $0xB, v6;
	v12 =	vld.idx.msk [tilespmem:v58+s20+$0x0], $0xffff  }
0x4c1: {  	v63 =	vor.u32 $0xE, v6;
	v14 =	vld.idx.msk [tilespmem:v60+s20+$0x0], $0xffff  }
0x4c2: {  	v6 =	vor.u32 $0xF, v6;
	v2 =	vld.idx.msk [tilespmem:v2+s20+$0x0], $0xffff  }
0x4c3: {  	v15 =	vld.idx.msk [tilespmem:v61+s20+$0x0], $0xffff  }
0x4c4: {  	v4 =	vld.idx.msk [tilespmem:v4+s20+$0x0], $0xffff  }
0x4c5: {  	v16 =	vld.idx.msk [tilespmem:v62+s20+$0x0], $0xffff;
	v13 =	vadd.f32 $0.0e+00, v59;
	v9 =	vadd.f32 $0.0e+00, v9  }
0x4c6: {  	v17 =	vld.idx.msk [tilespmem:v63+s20+$0x0], $0xffff;
	v10 =	vadd.f32 $0.0e+00, v10;
	v11 =	vadd.f32 $0.0e+00, v11  }
0x4c7: {  	v6 =	vld.idx.msk [tilespmem:v6+s20+$0x0], $0xffff;
	v8 =	vadd.f32 v8, v9;
	v2 =	vadd.f32 v2, v13  }
0x4c8: {  	v9 =	vadd.f32 v12, v10;
	v10 =	vadd.f32 v14, v11  }
0x4c9: {  	v2 =	vadd.f32 v4, v2;
	v4 =	vadd.f32 v7, v8  }
0x4ca: {  	v7 =	vadd.f32 v15, v9;
	v8 =	vadd.f32 v16, v10  }
0x4cb: {  	v2 =	vadd.f32 v3, v2;
	v3 =	vadd.f32 v5, v4  }
0x4cc: {  	v4 =	vadd.f32 v17, v7;
	v5 =	vadd.f32 v6, v8;
	_ =	sdelay $0x1  }
0x4cd: {  	v2 =	vadd.f32 v3, v2;
	v3 =	vadd.f32 v5, v4;
	_ =	sdelay $0x1  }
0x4ce: {  	v2 =	vadd.f32 v3, v2;
	_ =	sdelay $0x1  }
0x4cf: {  	v2 =	vadd.f32 v2, v1;
	_ =	sdelay $0x1  }
0x4d0: {  	v2 =	vsub.f32 $0.0e+00, v2;
	_ =	sdelay $0x1  }
0x4d1: {  	v2 =	vmul.f32 $1.442695020e+00, v2;
	_ =	sdelay $0x1  }
0x4d2: {  	(erf) = vpow2.f32 v2;
	_ =	sdelay $0x8  }
0x4d3: {  	v2 =	vpop (erf)  }
0x4d4: {  	v2 =	vadd.f32 $1.000000000e+00, v2;
	_ =	sdelay $0x1  }
0x4d5: {  	(erf) = vrcp.f32 v2;
	_ =	sdelay $0x2  }
0x4d6: {  	s0 =	simm.s32 $0x10  }
0x4d7: {  	v2 =	vmov s0  }
0x4d8: {  	v2 =	vshll.u32 v2, $0x7  }
0x4d9: {  	v4 =	vor.u32 v0, v2  }
0x4da: {  	v2 =	vor.u32 $0xC, v4  }
0x4db: {  	v3 =	vor.u32 $0xD, v4  }
0x4dc: {  	v7 =	vor.u32 $0x8, v4;
	v5 =	vpop (erf)  }
0x4dd: {  	[tilespmem:s25+$0x0] =	vst v5;
	v5 =	vor.u32 $0x9, v4  }
0x4de: {  	v6 =	vor.u32 $0x4, v4  }
0x4df: {  	v8 =	vor.u32 $0x5, v4;
	v2 =	vld.idx.msk [tilespmem:v2+s20+$0x0], $0xffff  }
0x4e0: {  	s29 =	simm.s32 $0x20;
	s0 =	smov.u32 s25;
	v3 =	vld.idx.msk [tilespmem:v3+s20+$0x0], $0xffff  }
.LBB2_9:
0x4e1: {  	p0 =	sne.s32 s29, $0x40;
	v9 =	vor.u32 $0x1, v4;
	v7 =	vld.idx.msk [tilespmem:v7+s20+$0x0], $0xffff  }
0x4e2: {  	v10 =	vor.u32 $0x2, v4;
	v5 =	vld.idx.msk [tilespmem:v5+s20+$0x0], $0xffff  }
0x4e3: {  	v11 =	vor.u32 $0x3, v4;
	v6 =	vld.idx.msk [tilespmem:v6+s20+$0x0], $0xffff  }
0x4e4: {  	v12 =	vor.u32 $0x6, v4;
	v8 =	vld.idx.msk [tilespmem:v8+s20+$0x0], $0xffff  }
0x4e5: {  	v14 =	vor.u32 $0x7, v4;
	v13 =	vld.idx.msk [tilespmem:v4+s20+$0x0], $0xffff  }
0x4e6: {  	v15 =	vor.u32 $0xA, v4;
	v9 =	vld.idx.msk [tilespmem:v9+s20+$0x0], $0xffff  }
0x4e7: {  	v16 =	vor.u32 $0xB, v4;
	v10 =	vld.idx.msk [tilespmem:v10+s20+$0x0], $0xffff  }
0x4e8: {  	v17 =	vor.u32 $0xE, v4;
	v11 =	vld.idx.msk [tilespmem:v11+s20+$0x0], $0xffff  }
0x4e9: {  	v4 =	vor.u32 $0xF, v4;
	v12 =	vld.idx.msk [tilespmem:v12+s20+$0x0], $0xffff  }
0x4ea: {  	v14 =	vld.idx.msk [tilespmem:v14+s20+$0x0], $0xffff  }
0x4eb: {  	v15 =	vld.idx.msk [tilespmem:v15+s20+$0x0], $0xffff  }
0x4ec: {  	v16 =	vld.idx.msk [tilespmem:v16+s20+$0x0], $0xffff  }
0x4ed: {  	v13 =	vadd.f32 $0.0e+00, v13;
	v9 =	vadd.f32 $0.0e+00, v9;
	v17 =	vld.idx.msk [tilespmem:v17+s20+$0x0], $0xffff  }
0x4ee: {  	v10 =	vadd.f32 $0.0e+00, v10;
	v11 =	vadd.f32 $0.0e+00, v11;
	v4 =	vld.idx.msk [tilespmem:v4+s20+$0x0], $0xffff  }
0x4ef: {  	v6 =	vadd.f32 v6, v13;
	v8 =	vadd.f32 v8, v9  }
0x4f0: {  	v9 =	vadd.f32 v12, v10;
	v10 =	vadd.f32 v14, v11  }
0x4f1: {  	v6 =	vadd.f32 v7, v6;
	v5 =	vadd.f32 v5, v8  }
0x4f2: {  	v7 =	vadd.f32 v15, v9;
	v8 =	vadd.f32 v16, v10  }
0x4f3: {  	v2 =	vadd.f32 v2, v6;
	v3 =	vadd.f32 v3, v5  }
0x4f4: {  	v5 =	vadd.f32 v17, v7;
	v4 =	vadd.f32 v4, v8;
	_ =	sdelay $0x1  }
0x4f5: {  	v2 =	vadd.f32 v3, v2;
	v3 =	vadd.f32 v4, v5;
	_ =	sdelay $0x1  }
0x4f6: {  	v2 =	vadd.f32 v3, v2;
	_ =	sdelay $0x1  }
0x4f7: {  	v2 =	vadd.f32 v2, v1;
	_ =	sdelay $0x1  }
0x4f8: {  	v2 =	vsub.f32 $0.0e+00, v2;
	_ =	sdelay $0x1  }
0x4f9: {  	v2 =	vmul.f32 $1.442695020e+00, v2;
	_ =	sdelay $0x1  }
0x4fa: {  	(erf) = vpow2.f32 v2;
	_ =	sdelay $0x8  }
0x4fb: {  	v2 =	vpop (erf)  }
0x4fc: {  	v2 =	vadd.f32 $1.000000000e+00, v2;
	_ =	sdelay $0x1  }
0x4fd: {  	(erf) = vrcp.f32 v2;
	_ =	sdelay $0x2  }
0x4fe: {  	v2 =	vmov s29  }
0x4ff: {  	v2 =	vshll.u32 v2, $0x7  }
0x500: {  	v4 =	vor.u32 v0, v2  }
0x501: {  	v2 =	vor.u32 $0xC, v4  }
0x502: {  	v3 =	vor.u32 $0xD, v4  }
.Ltmp3:
0x503: {  	v7 =	vor.u32 $0x8, v4;
	(pc) =	sbr.rel @p0 .LBB2_9-.Ltmp3, $4  }
0x504: {  	s0 =	sadd.s32 $0x10, s0;
	v5 =	vor.u32 $0x9, v4;
	v8 =	vpop (erf)  }
0x505: {  	v6 =	vor.u32 $0x4, v4;
	[tilespmem:s0+$0x0] =	vst v8  }
0x506: {  	v8 =	vor.u32 $0x5, v4;
	v2 =	vld.idx.msk [tilespmem:v2+s20+$0x0], $0xffff  }
0x507: {  	s29 =	sadd.s32 $0x10, s29;
	v3 =	vld.idx.msk [tilespmem:v3+s20+$0x0], $0xffff  }
0x508: {  	_ =	sdelay $0x3  }
0x509: {  	v9 =	vor.u32 $0x1, v4;
	v7 =	vld.idx.msk [tilespmem:v7+s20+$0x0], $0xffff  }
0x50a: {  	v10 =	vor.u32 $0x2, v4;
	v5 =	vld.idx.msk [tilespmem:v5+s20+$0x0], $0xffff  }
0x50b: {  	v11 =	vor.u32 $0x3, v4;
	v6 =	vld.idx.msk [tilespmem:v6+s20+$0x0], $0xffff  }
0x50c: {  	v8 =	vld.idx.msk [tilespmem:v8+s20+$0x0], $0xffff;
	v12 =	vor.u32 $0x6, v4  }
0x50d: {  	v13 =	vld.idx.msk [tilespmem:v4+s20+$0x0], $0xffff;
	v14 =	vor.u32 $0x7, v4  }
0x50e: {  	v15 =	vor.u32 $0xA, v4;
	v9 =	vld.idx.msk [tilespmem:v9+s20+$0x0], $0xffff  }
0x50f: {  	v16 =	vor.u32 $0xB, v4;
	v10 =	vld.idx.msk [tilespmem:v10+s20+$0x0], $0xffff  }
0x510: {  	v17 =	vor.u32 $0xE, v4;
	v11 =	vld.idx.msk [tilespmem:v11+s20+$0x0], $0xffff  }
0x511: {  	v58 =	vor.u32 $0xF, v4;
	v12 =	vld.idx.msk [tilespmem:v12+s20+$0x0], $0xffff  }
0x512: {  	v14 =	vld.idx.msk [tilespmem:v14+s20+$0x0], $0xffff  }
0x513: {  	v15 =	vld.idx.msk [tilespmem:v15+s20+$0x0], $0xffff  }
0x514: {  	v16 =	vld.idx.msk [tilespmem:v16+s20+$0x0], $0xffff;
	v13 =	vadd.f32 $0.0e+00, v13;
	v9 =	vadd.f32 $0.0e+00, v9  }
0x515: {  	v17 =	vld.idx.msk [tilespmem:v17+s20+$0x0], $0xffff;
	v10 =	vadd.f32 $0.0e+00, v10;
	v11 =	vadd.f32 $0.0e+00, v11  }
0x516: {  	v4 =	vld.idx.msk [tilespmem:v58+s20+$0x0], $0xffff;
	v6 =	vadd.f32 v6, v13;
	v8 =	vadd.f32 v8, v9  }
0x517: {  	v59 =	vadd.f32 v12, v10;
	v60 =	vadd.f32 v14, v11  }
0x518: {  	v6 =	vadd.f32 v7, v6;
	v5 =	vadd.f32 v5, v8  }
0x519: {  	v61 =	vadd.f32 v15, v59;
	v62 =	vadd.f32 v16, v60  }
0x51a: {  	v2 =	vadd.f32 v2, v6;
	v3 =	vadd.f32 v3, v5  }
0x51b: {  	v63 =	vadd.f32 v17, v61;
	v4 =	vadd.f32 v4, v62;
	_ =	sdelay $0x1  }
0x51c: {  	v2 =	vadd.f32 v3, v2;
	v3 =	vadd.f32 v4, v63;
	_ =	sdelay $0x1  }
0x51d: {  	v2 =	vadd.f32 v3, v2;
	_ =	sdelay $0x1  }
0x51e: {  	v2 =	vadd.f32 v2, v1;
	_ =	sdelay $0x1  }
0x51f: {  	v2 =	vsub.f32 $0.0e+00, v2;
	_ =	sdelay $0x1  }
0x520: {  	v2 =	vmul.f32 $1.442695020e+00, v2;
	_ =	sdelay $0x1  }
0x521: {  	(erf) = vpow2.f32 v2;
	_ =	sdelay $0x8  }
0x522: {  	v2 =	vpop (erf)  }
0x523: {  	v2 =	vadd.f32 $1.000000000e+00, v2;
	_ =	sdelay $0x1  }
0x524: {  	(erf) = vrcp.f32 v2;
	_ =	sdelay $0x3  }
0x525: {  	s28 =	sadd.s32 $0x1, s28  }
0x526: {  	p0 =	sne.s32 s28, $0x3E  }
.Ltmp4:
0x527: {  	_ = 	snop;
	(pc) =	sbr.rel @p0 .LBB2_2-.Ltmp4, $3  }
0x528: {  	_ =	sdelay $0x1  }
0x529: {  	s0 =	sadd.s32 $0x10, s0;
	v2 =	vpop (erf)  }
0x52a: {  	s26 =	sadd.s32 $0x100, s26;
	s25 =	sadd.s32 $0x100, s25;
	[tilespmem:s0+$0x0] =	vst v2  }
0x52b: {  	_ =	swait.ge [sflag:s18], $0x2800  }
0x52c: {  	[sflag:s18] =	ssyncset.done $0x0  }
0x52d: {  	[sflag:s18] =	ssyncadd.s32 $0xFFFFD800  }
0x52e: {  	_ =	swait.ge [sflag:s19], $0x2800  }
0x52f: {  	[sflag:s19] =	ssyncset.done $0x0  }
0x530: {  	s25 =	simm.s32 $0x0;
	[sflag:s19] =	ssyncadd.s32 $0xFFFFD800  }
0x531: {  	v2 =	vld [tilespmem:s25+$0xC780]  }
0x532: {  	v3 =	vld [tilespmem:s25+$0xEF80]  }
0x533: {  	v4 =	vld [tilespmem:s25+$0xC790]  }
0x534: {  	v6 =	vld [tilespmem:s25+$0xEF90]  }
0x535: {  	v5 =	vld [tilespmem:s25+$0xC7A0]  }
0x536: {  	v7 =	vld [tilespmem:s25+$0xEFA0]  }
0x537: {  	v8 =	vld [tilespmem:s25+$0xC7B0]  }
0x538: {  	v10 =	vld [tilespmem:s25+$0xEFB0]  }
0x539: {  	v9 =	vld [tilespmem:s25+$0xC7C0]  }
0x53a: {  	v11 =	vld [tilespmem:s25+$0xEFC0]  }
0x53b: {  	v12 =	vld [tilespmem:s25+$0xC7D0]  }
0x53c: {  	v14 =	vld [tilespmem:s25+$0xEFD0]  }
0x53d: {  	v13 =	vld [tilespmem:s25+$0xC7E0]  }
0x53e: {  	v15 =	vld [tilespmem:s25+$0xEFE0]  }
0x53f: {  	s26 =	simm.s32 $0x0;
	s0 =	simm.s32 $0x1;
	v16 =	vld [tilespmem:s25+$0xC7F0]  }
.LBB2_12:
0x540: {  	p0 =	sne.s32 s0, $0x4;
	v17 =	vld [tilespmem:s25+$0xEFF0]  }
0x541: {  	v18 =	vld [tilespmem:s25+$0xC000]  }
0x542: {  	v2 =	vmul.f32 v3, v2;
	v3 =	vmul.f32 v6, v4;
	v19 =	vld [tilespmem:s25+$0xE800]  }
0x543: {  	v5 =	vmul.f32 v7, v5;
	v6 =	vmul.f32 v10, v8;
	v4 =	vld [tilespmem:s25+$0xC010]  }
0x544: {  	v8 =	vmul.f32 v11, v9;
	v9 =	vmul.f32 v14, v12;
	v7 =	vld [tilespmem:s25+$0xE810]  }
0x545: {  	v11 =	vmul.f32 v15, v13;
	v10 =	vld [tilespmem:s25+$0xC020];
	v12 =	vmul.f32 v17, v16  }
0x546: {  	v2 =	vadd.f32 v3, v2;
	v3 =	vadd.f32 v6, v5;
	v13 =	vld [tilespmem:s25+$0xE820]  }
0x547: {  	v8 =	vadd.f32 v9, v8;
	v5 =	vmul.f32 v19, v18;
	v6 =	vld [tilespmem:s25+$0xC030];
	v9 =	vadd.f32 v12, v11  }
0x548: {  	v11 =	vld [tilespmem:s25+$0xE830]  }
0x549: {  	v2 =	vadd.f32 v3, v2;
	v4 =	vmul.f32 v7, v4;
	v7 =	vld [tilespmem:s25+$0xC040];
	v3 =	vadd.f32 v9, v8  }
0x54a: {  	v8 =	vld [tilespmem:s25+$0xE840]  }
0x54b: {  	v9 =	vmul.f32 v13, v10;
	v10 =	vld [tilespmem:s25+$0xC050];
	v4 =	vadd.f32 v4, v5;
	v2 =	vadd.f32 v3, v2  }
0x54c: {  	v3 =	vld [tilespmem:s25+$0xE850]  }
0x54d: {  	v5 =	vmul.f32 v11, v6;
	v6 =	vld [tilespmem:s25+$0xC060];
	[tilespmem:s25+$0x16800] =	vst v2  }
0x54e: {  	v2 =	vld [tilespmem:s25+$0xE860]  }
0x54f: {  	v7 =	vmul.f32 v8, v7;
	v8 =	vld [tilespmem:s25+$0xC070];
	v5 =	vadd.f32 v5, v9  }
0x550: {  	v9 =	vld [tilespmem:s25+$0xE870]  }
0x551: {  	v3 =	vmul.f32 v3, v10;
	v4 =	vadd.f32 v5, v4;
	v5 =	vld [tilespmem:s25+$0xC080]  }
0x552: {  	v10 =	vld [tilespmem:s25+$0xE880]  }
0x553: {  	v2 =	vmul.f32 v2, v6;
	v3 =	vadd.f32 v3, v7;
	v6 =	vld [tilespmem:s25+$0xC090]  }
0x554: {  	v7 =	vld [tilespmem:s25+$0xE890]  }
0x555: {  	v8 =	vmul.f32 v9, v8;
	v9 =	vld [tilespmem:s25+$0xC0A0]  }
0x556: {  	v11 =	vld [tilespmem:s25+$0xE8A0]  }
0x557: {  	v2 =	vadd.f32 v8, v2;
	v5 =	vmul.f32 v10, v5;
	v8 =	vld [tilespmem:s25+$0xC0B0]  }
0x558: {  	v10 =	vld [tilespmem:s25+$0xE8B0]  }
0x559: {  	v2 =	vadd.f32 v2, v3;
	v3 =	vmul.f32 v7, v6;
	v6 =	vld [tilespmem:s25+$0xC0C0]  }
0x55a: {  	v7 =	vld [tilespmem:s25+$0xE8C0]  }
0x55b: {  	v2 =	vadd.f32 v2, v4;
	v4 =	vmul.f32 v11, v9;
	v9 =	vld [tilespmem:s25+$0xC0D0];
	v3 =	vadd.f32 v3, v5  }
0x55c: {  	v5 =	vld [tilespmem:s25+$0xE8D0]  }
0x55d: {  	[tilespmem:s25+$0x16080] =	vst v2;
	v2 =	vmul.f32 v10, v8;
	v8 =	vld [tilespmem:s25+$0xC0E0]  }
0x55e: {  	v10 =	vld [tilespmem:s25+$0xE8E0]  }
0x55f: {  	v6 =	vmul.f32 v7, v6;
	v7 =	vld [tilespmem:s25+$0xC0F0];
	v2 =	vadd.f32 v2, v4  }
0x560: {  	v4 =	vld [tilespmem:s25+$0xE8F0]  }
0x561: {  	v5 =	vmul.f32 v5, v9;
	v2 =	vadd.f32 v2, v3;
	v3 =	vld [tilespmem:s25+$0xC100]  }
0x562: {  	v9 =	vld [tilespmem:s25+$0xE900]  }
0x563: {  	v8 =	vmul.f32 v10, v8;
	v5 =	vadd.f32 v5, v6;
	v6 =	vld [tilespmem:s25+$0xC110]  }
0x564: {  	v10 =	vld [tilespmem:s25+$0xE910]  }
0x565: {  	v4 =	vmul.f32 v4, v7;
	v7 =	vld [tilespmem:s25+$0xC120]  }
0x566: {  	v11 =	vld [tilespmem:s25+$0xE920]  }
0x567: {  	v4 =	vadd.f32 v4, v8;
	v3 =	vmul.f32 v9, v3;
	v8 =	vld [tilespmem:s25+$0xC130]  }
0x568: {  	v9 =	vld [tilespmem:s25+$0xE930]  }
0x569: {  	v4 =	vadd.f32 v4, v5;
	v5 =	vmul.f32 v10, v6;
	v6 =	vld [tilespmem:s25+$0xC140]  }
0x56a: {  	v10 =	vld [tilespmem:s25+$0xE940]  }
0x56b: {  	v2 =	vadd.f32 v4, v2;
	v4 =	vmul.f32 v11, v7;
	v7 =	vld [tilespmem:s25+$0xC150];
	v3 =	vadd.f32 v5, v3  }
0x56c: {  	v5 =	vld [tilespmem:s25+$0xE950]  }
0x56d: {  	[tilespmem:s25+$0x16100] =	vst v2;
	v2 =	vmul.f32 v9, v8;
	v8 =	vld [tilespmem:s25+$0xC160]  }
0x56e: {  	v9 =	vld [tilespmem:s25+$0xE960]  }
0x56f: {  	v6 =	vmul.f32 v10, v6;
	v10 =	vld [tilespmem:s25+$0xC170];
	v2 =	vadd.f32 v2, v4  }
0x570: {  	v4 =	vld [tilespmem:s25+$0xE970]  }
0x571: {  	v5 =	vmul.f32 v5, v7;
	v2 =	vadd.f32 v2, v3;
	v3 =	vld [tilespmem:s25+$0xC180]  }
0x572: {  	v7 =	vld [tilespmem:s25+$0xE980]  }
0x573: {  	v8 =	vmul.f32 v9, v8;
	v5 =	vadd.f32 v5, v6;
	v6 =	vld [tilespmem:s25+$0xC190]  }
0x574: {  	v9 =	vld [tilespmem:s25+$0xE990]  }
0x575: {  	v4 =	vmul.f32 v4, v10;
	v10 =	vld [tilespmem:s25+$0xC1A0]  }
0x576: {  	v11 =	vld [tilespmem:s25+$0xE9A0]  }
0x577: {  	v4 =	vadd.f32 v4, v8;
	v3 =	vmul.f32 v7, v3;
	v7 =	vld [tilespmem:s25+$0xC1B0]  }
0x578: {  	v8 =	vld [tilespmem:s25+$0xE9B0]  }
0x579: {  	v4 =	vadd.f32 v4, v5;
	v5 =	vmul.f32 v9, v6;
	v6 =	vld [tilespmem:s25+$0xC1C0]  }
0x57a: {  	v9 =	vld [tilespmem:s25+$0xE9C0]  }
0x57b: {  	v2 =	vadd.f32 v4, v2;
	v4 =	vmul.f32 v11, v10;
	v10 =	vld [tilespmem:s25+$0xC1D0];
	v3 =	vadd.f32 v5, v3  }
0x57c: {  	v5 =	vld [tilespmem:s25+$0xE9D0]  }
0x57d: {  	[tilespmem:s25+$0x16180] =	vst v2;
	v2 =	vmul.f32 v8, v7;
	v7 =	vld [tilespmem:s25+$0xC1E0]  }
0x57e: {  	v8 =	vld [tilespmem:s25+$0xE9E0]  }
0x57f: {  	v6 =	vmul.f32 v9, v6;
	v9 =	vld [tilespmem:s25+$0xC1F0];
	v2 =	vadd.f32 v2, v4  }
0x580: {  	v4 =	vld [tilespmem:s25+$0xE9F0]  }
0x581: {  	v5 =	vmul.f32 v5, v10;
	v2 =	vadd.f32 v2, v3;
	v3 =	vld [tilespmem:s25+$0xC200]  }
0x582: {  	v10 =	vld [tilespmem:s25+$0xEA00]  }
0x583: {  	v7 =	vmul.f32 v8, v7;
	v5 =	vadd.f32 v5, v6;
	v6 =	vld [tilespmem:s25+$0xC210]  }
0x584: {  	v8 =	vld [tilespmem:s25+$0xEA10]  }
0x585: {  	v4 =	vmul.f32 v4, v9;
	v9 =	vld [tilespmem:s25+$0xC220]  }
0x586: {  	v11 =	vld [tilespmem:s25+$0xEA20]  }
0x587: {  	v4 =	vadd.f32 v4, v7;
	v3 =	vmul.f32 v10, v3;
	v7 =	vld [tilespmem:s25+$0xC230]  }
0x588: {  	v10 =	vld [tilespmem:s25+$0xEA30]  }
0x589: {  	v4 =	vadd.f32 v4, v5;
	v5 =	vmul.f32 v8, v6;
	v6 =	vld [tilespmem:s25+$0xC240]  }
0x58a: {  	v8 =	vld [tilespmem:s25+$0xEA40]  }
0x58b: {  	v2 =	vadd.f32 v4, v2;
	v4 =	vmul.f32 v11, v9;
	v9 =	vld [tilespmem:s25+$0xC250];
	v3 =	vadd.f32 v5, v3  }
0x58c: {  	v5 =	vld [tilespmem:s25+$0xEA50]  }
0x58d: {  	[tilespmem:s25+$0x16200] =	vst v2;
	v2 =	vmul.f32 v10, v7;
	v7 =	vld [tilespmem:s25+$0xC260]  }
0x58e: {  	v10 =	vld [tilespmem:s25+$0xEA60]  }
0x58f: {  	v6 =	vmul.f32 v8, v6;
	v8 =	vld [tilespmem:s25+$0xC270];
	v2 =	vadd.f32 v2, v4  }
0x590: {  	v4 =	vld [tilespmem:s25+$0xEA70]  }
0x591: {  	v5 =	vmul.f32 v5, v9;
	v2 =	vadd.f32 v2, v3;
	v3 =	vld [tilespmem:s25+$0xC280]  }
0x592: {  	v9 =	vld [tilespmem:s25+$0xEA80]  }
0x593: {  	v7 =	vmul.f32 v10, v7;
	v5 =	vadd.f32 v5, v6;
	v6 =	vld [tilespmem:s25+$0xC290]  }
0x594: {  	v10 =	vld [tilespmem:s25+$0xEA90]  }
0x595: {  	v4 =	vmul.f32 v4, v8;
	v8 =	vld [tilespmem:s25+$0xC2A0]  }
0x596: {  	v11 =	vld [tilespmem:s25+$0xEAA0]  }
0x597: {  	v4 =	vadd.f32 v4, v7;
	v3 =	vmul.f32 v9, v3;
	v7 =	vld [tilespmem:s25+$0xC2B0]  }
0x598: {  	v9 =	vld [tilespmem:s25+$0xEAB0]  }
0x599: {  	v4 =	vadd.f32 v4, v5;
	v5 =	vmul.f32 v10, v6;
	v6 =	vld [tilespmem:s25+$0xC2C0]  }
0x59a: {  	v10 =	vld [tilespmem:s25+$0xEAC0]  }
0x59b: {  	v2 =	vadd.f32 v4, v2;
	v4 =	vmul.f32 v11, v8;
	v8 =	vld [tilespmem:s25+$0xC2D0];
	v3 =	vadd.f32 v5, v3  }
0x59c: {  	v5 =	vld [tilespmem:s25+$0xEAD0]  }
0x59d: {  	[tilespmem:s25+$0x16280] =	vst v2;
	v2 =	vmul.f32 v9, v7;
	v7 =	vld [tilespmem:s25+$0xC2E0]  }
0x59e: {  	v9 =	vld [tilespmem:s25+$0xEAE0]  }
0x59f: {  	v6 =	vmul.f32 v10, v6;
	v10 =	vld [tilespmem:s25+$0xC2F0];
	v2 =	vadd.f32 v2, v4  }
0x5a0: {  	v4 =	vld [tilespmem:s25+$0xEAF0]  }
0x5a1: {  	v5 =	vmul.f32 v5, v8;
	v2 =	vadd.f32 v2, v3;
	v3 =	vld [tilespmem:s25+$0xC300]  }
0x5a2: {  	v8 =	vld [tilespmem:s25+$0xEB00]  }
0x5a3: {  	v7 =	vmul.f32 v9, v7;
	v5 =	vadd.f32 v5, v6;
	v6 =	vld [tilespmem:s25+$0xC310]  }
0x5a4: {  	v9 =	vld [tilespmem:s25+$0xEB10]  }
0x5a5: {  	v4 =	vmul.f32 v4, v10;
	v10 =	vld [tilespmem:s25+$0xC320]  }
0x5a6: {  	v11 =	vld [tilespmem:s25+$0xEB20]  }
0x5a7: {  	v4 =	vadd.f32 v4, v7;
	v3 =	vmul.f32 v8, v3;
	v7 =	vld [tilespmem:s25+$0xC330]  }
0x5a8: {  	v8 =	vld [tilespmem:s25+$0xEB30]  }
0x5a9: {  	v4 =	vadd.f32 v4, v5;
	v5 =	vmul.f32 v9, v6;
	v6 =	vld [tilespmem:s25+$0xC340]  }
0x5aa: {  	v9 =	vld [tilespmem:s25+$0xEB40]  }
0x5ab: {  	v2 =	vadd.f32 v4, v2;
	v4 =	vmul.f32 v11, v10;
	v10 =	vld [tilespmem:s25+$0xC350];
	v3 =	vadd.f32 v5, v3  }
0x5ac: {  	v5 =	vld [tilespmem:s25+$0xEB50]  }
0x5ad: {  	[tilespmem:s25+$0x16300] =	vst v2;
	v2 =	vmul.f32 v8, v7;
	v7 =	vld [tilespmem:s25+$0xC360]  }
0x5ae: {  	v8 =	vld [tilespmem:s25+$0xEB60]  }
0x5af: {  	v6 =	vmul.f32 v9, v6;
	v9 =	vld [tilespmem:s25+$0xC370];
	v2 =	vadd.f32 v2, v4  }
0x5b0: {  	v4 =	vld [tilespmem:s25+$0xEB70]  }
0x5b1: {  	v5 =	vmul.f32 v5, v10;
	v2 =	vadd.f32 v2, v3;
	v3 =	vld [tilespmem:s25+$0xC380]  }
0x5b2: {  	v10 =	vld [tilespmem:s25+$0xEB80]  }
0x5b3: {  	v7 =	vmul.f32 v8, v7;
	v5 =	vadd.f32 v5, v6;
	v6 =	vld [tilespmem:s25+$0xC390]  }
0x5b4: {  	v8 =	vld [tilespmem:s25+$0xEB90]  }
0x5b5: {  	v4 =	vmul.f32 v4, v9;
	v9 =	vld [tilespmem:s25+$0xC3A0]  }
0x5b6: {  	v11 =	vld [tilespmem:s25+$0xEBA0]  }
0x5b7: {  	v4 =	vadd.f32 v4, v7;
	v3 =	vmul.f32 v10, v3;
	v7 =	vld [tilespmem:s25+$0xC3B0]  }
0x5b8: {  	v10 =	vld [tilespmem:s25+$0xEBB0]  }
0x5b9: {  	v4 =	vadd.f32 v4, v5;
	v5 =	vmul.f32 v8, v6;
	v6 =	vld [tilespmem:s25+$0xC3C0]  }
0x5ba: {  	v8 =	vld [tilespmem:s25+$0xEBC0]  }
0x5bb: {  	v2 =	vadd.f32 v4, v2;
	v4 =	vmul.f32 v11, v9;
	v9 =	vld [tilespmem:s25+$0xC3D0];
	v3 =	vadd.f32 v5, v3  }
0x5bc: {  	v5 =	vld [tilespmem:s25+$0xEBD0]  }
0x5bd: {  	[tilespmem:s25+$0x16380] =	vst v2;
	v2 =	vmul.f32 v10, v7;
	v7 =	vld [tilespmem:s25+$0xC3E0]  }
0x5be: {  	v10 =	vld [tilespmem:s25+$0xEBE0]  }
0x5bf: {  	v6 =	vmul.f32 v8, v6;
	v8 =	vld [tilespmem:s25+$0xC3F0];
	v2 =	vadd.f32 v2, v4  }
0x5c0: {  	v4 =	vld [tilespmem:s25+$0xEBF0]  }
0x5c1: {  	v5 =	vmul.f32 v5, v9;
	v2 =	vadd.f32 v2, v3;
	v3 =	vld [tilespmem:s25+$0xC400]  }
0x5c2: {  	v9 =	vld [tilespmem:s25+$0xEC00]  }
0x5c3: {  	v7 =	vmul.f32 v10, v7;
	v5 =	vadd.f32 v5, v6;
	v6 =	vld [tilespmem:s25+$0xC410]  }
0x5c4: {  	v10 =	vld [tilespmem:s25+$0xEC10]  }
0x5c5: {  	v4 =	vmul.f32 v4, v8;
	v8 =	vld [tilespmem:s25+$0xC420]  }
0x5c6: {  	v11 =	vld [tilespmem:s25+$0xEC20]  }
0x5c7: {  	v4 =	vadd.f32 v4, v7;
	v3 =	vmul.f32 v9, v3;
	v7 =	vld [tilespmem:s25+$0xC430]  }
0x5c8: {  	v9 =	vld [tilespmem:s25+$0xEC30]  }
0x5c9: {  	v4 =	vadd.f32 v4, v5;
	v5 =	vmul.f32 v10, v6;
	v6 =	vld [tilespmem:s25+$0xC440]  }
0x5ca: {  	v10 =	vld [tilespmem:s25+$0xEC40]  }
0x5cb: {  	v2 =	vadd.f32 v4, v2;
	v4 =	vmul.f32 v11, v8;
	v8 =	vld [tilespmem:s25+$0xC450];
	v3 =	vadd.f32 v5, v3  }
0x5cc: {  	v5 =	vld [tilespmem:s25+$0xEC50]  }
0x5cd: {  	[tilespmem:s25+$0x16400] =	vst v2;
	v2 =	vmul.f32 v9, v7;
	v7 =	vld [tilespmem:s25+$0xC460]  }
0x5ce: {  	v9 =	vld [tilespmem:s25+$0xEC60]  }
0x5cf: {  	v6 =	vmul.f32 v10, v6;
	v10 =	vld [tilespmem:s25+$0xC470];
	v2 =	vadd.f32 v2, v4  }
0x5d0: {  	v4 =	vld [tilespmem:s25+$0xEC70]  }
0x5d1: {  	v5 =	vmul.f32 v5, v8;
	v2 =	vadd.f32 v2, v3;
	v3 =	vld [tilespmem:s25+$0xC480]  }
0x5d2: {  	v8 =	vld [tilespmem:s25+$0xEC80]  }
0x5d3: {  	v7 =	vmul.f32 v9, v7;
	v5 =	vadd.f32 v5, v6;
	v6 =	vld [tilespmem:s25+$0xC490]  }
0x5d4: {  	v9 =	vld [tilespmem:s25+$0xEC90]  }
0x5d5: {  	v4 =	vmul.f32 v4, v10;
	v10 =	vld [tilespmem:s25+$0xC4A0]  }
0x5d6: {  	v11 =	vld [tilespmem:s25+$0xECA0]  }
0x5d7: {  	v4 =	vadd.f32 v4, v7;
	v3 =	vmul.f32 v8, v3;
	v7 =	vld [tilespmem:s25+$0xC4B0]  }
0x5d8: {  	v8 =	vld [tilespmem:s25+$0xECB0]  }
0x5d9: {  	v4 =	vadd.f32 v4, v5;
	v5 =	vmul.f32 v9, v6;
	v6 =	vld [tilespmem:s25+$0xC4C0]  }
0x5da: {  	v9 =	vld [tilespmem:s25+$0xECC0]  }
0x5db: {  	v2 =	vadd.f32 v4, v2;
	v4 =	vmul.f32 v11, v10;
	v10 =	vld [tilespmem:s25+$0xC4D0];
	v3 =	vadd.f32 v5, v3  }
0x5dc: {  	v5 =	vld [tilespmem:s25+$0xECD0]  }
0x5dd: {  	[tilespmem:s25+$0x16480] =	vst v2;
	v2 =	vmul.f32 v8, v7;
	v7 =	vld [tilespmem:s25+$0xC4E0]  }
0x5de: {  	v8 =	vld [tilespmem:s25+$0xECE0]  }
0x5df: {  	v6 =	vmul.f32 v9, v6;
	v9 =	vld [tilespmem:s25+$0xC4F0];
	v2 =	vadd.f32 v2, v4  }
0x5e0: {  	v4 =	vld [tilespmem:s25+$0xECF0]  }
0x5e1: {  	v5 =	vmul.f32 v5, v10;
	v2 =	vadd.f32 v2, v3;
	v3 =	vld [tilespmem:s25+$0xC500]  }
0x5e2: {  	v10 =	vld [tilespmem:s25+$0xED00]  }
0x5e3: {  	v7 =	vmul.f32 v8, v7;
	v5 =	vadd.f32 v5, v6;
	v6 =	vld [tilespmem:s25+$0xC510]  }
0x5e4: {  	v8 =	vld [tilespmem:s25+$0xED10]  }
0x5e5: {  	v4 =	vmul.f32 v4, v9;
	v9 =	vld [tilespmem:s25+$0xC520]  }
0x5e6: {  	v11 =	vld [tilespmem:s25+$0xED20]  }
0x5e7: {  	v4 =	vadd.f32 v4, v7;
	v3 =	vmul.f32 v10, v3;
	v7 =	vld [tilespmem:s25+$0xC530]  }
0x5e8: {  	v10 =	vld [tilespmem:s25+$0xED30]  }
0x5e9: {  	v4 =	vadd.f32 v4, v5;
	v5 =	vmul.f32 v8, v6;
	v6 =	vld [tilespmem:s25+$0xC540]  }
0x5ea: {  	v8 =	vld [tilespmem:s25+$0xED40]  }
0x5eb: {  	v2 =	vadd.f32 v4, v2;
	v4 =	vmul.f32 v11, v9;
	v9 =	vld [tilespmem:s25+$0xC550];
	v3 =	vadd.f32 v5, v3  }
0x5ec: {  	v5 =	vld [tilespmem:s25+$0xED50]  }
0x5ed: {  	[tilespmem:s25+$0x16500] =	vst v2;
	v2 =	vmul.f32 v10, v7;
	v7 =	vld [tilespmem:s25+$0xC560]  }
0x5ee: {  	v10 =	vld [tilespmem:s25+$0xED60]  }
0x5ef: {  	v6 =	vmul.f32 v8, v6;
	v8 =	vld [tilespmem:s25+$0xC570];
	v2 =	vadd.f32 v2, v4  }
0x5f0: {  	v4 =	vld [tilespmem:s25+$0xED70]  }
0x5f1: {  	v5 =	vmul.f32 v5, v9;
	v2 =	vadd.f32 v2, v3;
	v3 =	vld [tilespmem:s25+$0xC580]  }
0x5f2: {  	v9 =	vld [tilespmem:s25+$0xED80]  }
0x5f3: {  	v7 =	vmul.f32 v10, v7;
	v5 =	vadd.f32 v5, v6;
	v6 =	vld [tilespmem:s25+$0xC590]  }
0x5f4: {  	v10 =	vld [tilespmem:s25+$0xED90]  }
0x5f5: {  	v4 =	vmul.f32 v4, v8;
	v8 =	vld [tilespmem:s25+$0xC5A0]  }
0x5f6: {  	v11 =	vld [tilespmem:s25+$0xEDA0]  }
0x5f7: {  	v4 =	vadd.f32 v4, v7;
	v3 =	vmul.f32 v9, v3;
	v7 =	vld [tilespmem:s25+$0xC5B0]  }
0x5f8: {  	v9 =	vld [tilespmem:s25+$0xEDB0]  }
0x5f9: {  	v4 =	vadd.f32 v4, v5;
	v5 =	vmul.f32 v10, v6;
	v6 =	vld [tilespmem:s25+$0xC5C0]  }
0x5fa: {  	v10 =	vld [tilespmem:s25+$0xEDC0]  }
0x5fb: {  	v2 =	vadd.f32 v4, v2;
	v4 =	vmul.f32 v11, v8;
	v8 =	vld [tilespmem:s25+$0xC5D0];
	v3 =	vadd.f32 v5, v3  }
0x5fc: {  	v5 =	vld [tilespmem:s25+$0xEDD0]  }
0x5fd: {  	[tilespmem:s25+$0x16580] =	vst v2;
	v2 =	vmul.f32 v9, v7;
	v7 =	vld [tilespmem:s25+$0xC5E0]  }
0x5fe: {  	v9 =	vld [tilespmem:s25+$0xEDE0]  }
0x5ff: {  	v6 =	vmul.f32 v10, v6;
	v10 =	vld [tilespmem:s25+$0xC5F0];
	v2 =	vadd.f32 v2, v4  }
0x600: {  	v4 =	vld [tilespmem:s25+$0xEDF0]  }
0x601: {  	v5 =	vmul.f32 v5, v8;
	v2 =	vadd.f32 v2, v3;
	v3 =	vld [tilespmem:s25+$0xC600]  }
0x602: {  	v8 =	vld [tilespmem:s25+$0xEE00]  }
0x603: {  	v7 =	vmul.f32 v9, v7;
	v5 =	vadd.f32 v5, v6;
	v6 =	vld [tilespmem:s25+$0xC610]  }
0x604: {  	v9 =	vld [tilespmem:s25+$0xEE10]  }
0x605: {  	v4 =	vmul.f32 v4, v10;
	v10 =	vld [tilespmem:s25+$0xC620]  }
0x606: {  	v11 =	vld [tilespmem:s25+$0xEE20]  }
0x607: {  	v4 =	vadd.f32 v4, v7;
	v3 =	vmul.f32 v8, v3;
	v7 =	vld [tilespmem:s25+$0xC630]  }
0x608: {  	v8 =	vld [tilespmem:s25+$0xEE30]  }
0x609: {  	v4 =	vadd.f32 v4, v5;
	v5 =	vmul.f32 v9, v6;
	v6 =	vld [tilespmem:s25+$0xC640]  }
0x60a: {  	v9 =	vld [tilespmem:s25+$0xEE40]  }
0x60b: {  	v2 =	vadd.f32 v4, v2;
	v4 =	vmul.f32 v11, v10;
	v10 =	vld [tilespmem:s25+$0xC650];
	v3 =	vadd.f32 v5, v3  }
0x60c: {  	v5 =	vld [tilespmem:s25+$0xEE50]  }
0x60d: {  	[tilespmem:s25+$0x16600] =	vst v2;
	v2 =	vmul.f32 v8, v7;
	v7 =	vld [tilespmem:s25+$0xC660]  }
0x60e: {  	v8 =	vld [tilespmem:s25+$0xEE60]  }
0x60f: {  	v6 =	vmul.f32 v9, v6;
	v9 =	vld [tilespmem:s25+$0xC670];
	v2 =	vadd.f32 v2, v4  }
0x610: {  	v4 =	vld [tilespmem:s25+$0xEE70]  }
0x611: {  	v5 =	vmul.f32 v5, v10;
	v2 =	vadd.f32 v2, v3;
	v3 =	vld [tilespmem:s25+$0xC680]  }
0x612: {  	v10 =	vld [tilespmem:s25+$0xEE80]  }
0x613: {  	v7 =	vmul.f32 v8, v7;
	v5 =	vadd.f32 v5, v6;
	v6 =	vld [tilespmem:s25+$0xC690]  }
0x614: {  	v8 =	vld [tilespmem:s25+$0xEE90]  }
0x615: {  	v4 =	vmul.f32 v4, v9;
	v9 =	vld [tilespmem:s25+$0xC6A0]  }
0x616: {  	v11 =	vld [tilespmem:s25+$0xEEA0]  }
0x617: {  	v4 =	vadd.f32 v4, v7;
	v3 =	vmul.f32 v10, v3;
	v7 =	vld [tilespmem:s25+$0xC6B0]  }
0x618: {  	v10 =	vld [tilespmem:s25+$0xEEB0]  }
0x619: {  	v4 =	vadd.f32 v4, v5;
	v5 =	vmul.f32 v8, v6;
	v6 =	vld [tilespmem:s25+$0xC6C0]  }
0x61a: {  	v8 =	vld [tilespmem:s25+$0xEEC0]  }
0x61b: {  	v2 =	vadd.f32 v4, v2;
	v4 =	vmul.f32 v11, v9;
	v9 =	vld [tilespmem:s25+$0xC6D0];
	v3 =	vadd.f32 v5, v3  }
0x61c: {  	v5 =	vld [tilespmem:s25+$0xEED0]  }
0x61d: {  	[tilespmem:s25+$0x16680] =	vst v2;
	v2 =	vmul.f32 v10, v7;
	v7 =	vld [tilespmem:s25+$0xC6E0]  }
0x61e: {  	v10 =	vld [tilespmem:s25+$0xEEE0]  }
0x61f: {  	v6 =	vmul.f32 v8, v6;
	v8 =	vld [tilespmem:s25+$0xC6F0];
	v2 =	vadd.f32 v2, v4  }
0x620: {  	v4 =	vld [tilespmem:s25+$0xEEF0]  }
0x621: {  	v5 =	vmul.f32 v5, v9;
	v2 =	vadd.f32 v2, v3;
	v3 =	vld [tilespmem:s25+$0xC700]  }
0x622: {  	v9 =	vld [tilespmem:s25+$0xEF00]  }
0x623: {  	v7 =	vmul.f32 v10, v7;
	v5 =	vadd.f32 v5, v6;
	v6 =	vld [tilespmem:s25+$0xC710]  }
0x624: {  	v10 =	vld [tilespmem:s25+$0xEF10]  }
0x625: {  	v4 =	vmul.f32 v4, v8;
	v8 =	vld [tilespmem:s25+$0xC720]  }
0x626: {  	v11 =	vld [tilespmem:s25+$0xEF20]  }
0x627: {  	v4 =	vadd.f32 v4, v7;
	v3 =	vmul.f32 v9, v3;
	v7 =	vld [tilespmem:s25+$0xC730]  }
0x628: {  	v9 =	vld [tilespmem:s25+$0xEF30]  }
0x629: {  	v4 =	vadd.f32 v4, v5;
	v5 =	vmul.f32 v10, v6;
	v6 =	vld [tilespmem:s25+$0xC740]  }
0x62a: {  	v10 =	vld [tilespmem:s25+$0xEF40]  }
0x62b: {  	v2 =	vadd.f32 v4, v2;
	v4 =	vmul.f32 v11, v8;
	v8 =	vld [tilespmem:s25+$0xC750];
	v3 =	vadd.f32 v5, v3  }
0x62c: {  	v5 =	vld [tilespmem:s25+$0xEF50]  }
0x62d: {  	[tilespmem:s25+$0x16700] =	vst v2;
	v2 =	vmul.f32 v9, v7;
	v7 =	vld [tilespmem:s25+$0xC760]  }
0x62e: {  	v9 =	vld [tilespmem:s25+$0xEF60]  }
0x62f: {  	v6 =	vmul.f32 v10, v6;
	v10 =	vld [tilespmem:s25+$0xC770];
	v4 =	vadd.f32 v2, v4  }
0x630: {  	s1 =	sshll.u32 s0, $0xB;
	v11 =	vld [tilespmem:s25+$0xEF70]  }
0x631: {  	v2 =	vld [tilespmem:s1+$0xC780];
	v5 =	vmul.f32 v5, v8;
	v13 =	vadd.f32 v4, v3  }
0x632: {  	v3 =	vld [tilespmem:s1+$0xEF80]  }
0x633: {  	v4 =	vld [tilespmem:s1+$0xC790];
	v9 =	vmul.f32 v9, v7;
	v12 =	vadd.f32 v5, v6  }
0x634: {  	v6 =	vld [tilespmem:s1+$0xEF90]  }
0x635: {  	v5 =	vld [tilespmem:s1+$0xC7A0];
	v10 =	vmul.f32 v11, v10  }
0x636: {  	v7 =	vld [tilespmem:s1+$0xEFA0]  }
0x637: {  	v8 =	vld [tilespmem:s1+$0xC7B0];
	v11 =	vadd.f32 v10, v9  }
0x638: {  	v10 =	vld [tilespmem:s1+$0xEFB0]  }
0x639: {  	v9 =	vld [tilespmem:s1+$0xC7C0];
	v14 =	vadd.f32 v11, v12  }
0x63a: {  	v11 =	vld [tilespmem:s1+$0xEFC0]  }
.Ltmp5:
0x63b: {  	v12 =	vld [tilespmem:s1+$0xC7D0];
	v15 =	vadd.f32 v14, v13;
	(pc) =	sbr.rel @p0 .LBB2_12-.Ltmp5, $4  }
0x63c: {  	v14 =	vld [tilespmem:s1+$0xEFD0]  }
0x63d: {  	v13 =	vld [tilespmem:s1+$0xC7E0];
	[tilespmem:s25+$0x16780] =	vst v15;
	s25 =	smov.u32 s1  }
0x63e: {  	v15 =	vld [tilespmem:s25+$0xEFE0]  }
0x63f: {  	s0 =	sadd.s32 $0x1, s0;
	v16 =	vld [tilespmem:s25+$0xC7F0]  }
0x640: {  	v17 =	vld [tilespmem:s25+$0xEFF0]  }
0x641: {  	v18 =	vld [tilespmem:s25+$0xC000]  }
0x642: {  	v19 =	vld [tilespmem:s25+$0xE800]  }
0x643: {  	v2 =	vmul.f32 v3, v2;
	v3 =	vmul.f32 v6, v4;
	v4 =	vld [tilespmem:s25+$0xC010]  }
0x644: {  	v5 =	vmul.f32 v7, v5;
	v7 =	vld [tilespmem:s25+$0xE810]  }
0x645: {  	v6 =	vmul.f32 v10, v8;
	v10 =	vld [tilespmem:s25+$0xC020]  }
0x646: {  	v42 =	vld [tilespmem:s25+$0xE820]  }
0x647: {  	v43 =	vld [tilespmem:s25+$0xC060]  }
0x648: {  	v44 =	vld [tilespmem:s25+$0xC070]  }
0x649: {  	v45 =	vld [tilespmem:s25+$0xE870]  }
0x64a: {  	v46 =	vld [tilespmem:s25+$0xC080]  }
0x64b: {  	v48 =	vld [tilespmem:s25+$0xC0A0]  }
0x64c: {  	v49 =	vld [tilespmem:s25+$0xE8D0]  }
0x64d: {  	v50 =	vld [tilespmem:s25+$0xE8E0]  }
0x64e: {  	v51 =	vld [tilespmem:s25+$0xC0F0]  }
0x64f: {  	v52 =	vld [tilespmem:s25+$0xE8F0]  }
0x650: {  	v53 =	vld [tilespmem:s25+$0xC100]  }
0x651: {  	v55 =	vld [tilespmem:s25+$0xC120]  }
0x652: {  	v56 =	vld [tilespmem:s25+$0xE950]  }
0x653: {  	v57 =	vld [tilespmem:s25+$0xE960]  }
0x654: {  	v58 =	vld [tilespmem:s25+$0xC170]  }
0x655: {  	v59 =	vld [tilespmem:s25+$0xE970]  }
0x656: {  	v60 =	vld [tilespmem:s25+$0xC180]  }
0x657: {  	v62 =	vld [tilespmem:s25+$0xC1A0]  }
0x658: {  	v63 =	vld [tilespmem:s25+$0xE9D0]  }
0x659: {  	v21 =	vld [tilespmem:s25+$0xE9E0]  }
0x65a: {  	v22 =	vld [tilespmem:s25+$0xC1F0]  }
0x65b: {  	v23 =	vld [tilespmem:s25+$0xE9F0]  }
0x65c: {  	v24 =	vld [tilespmem:s25+$0xC200]  }
0x65d: {  	v26 =	vld [tilespmem:s25+$0xC220]  }
0x65e: {  	v27 =	vld [tilespmem:s25+$0xEA50]  }
0x65f: {  	v28 =	vld [tilespmem:s25+$0xEA60]  }
0x660: {  	v29 =	vld [tilespmem:s25+$0xC270]  }
0x661: {  	v30 =	vld [tilespmem:s25+$0xEA70]  }
0x662: {  	v31 =	vld [tilespmem:s25+$0xC280]  }
0x663: {  	v33 =	vld [tilespmem:s25+$0xC2A0]  }
0x664: {  	v34 =	vld [tilespmem:s25+$0xEAD0]  }
0x665: {  	v35 =	vld [tilespmem:s25+$0xEAE0]  }
0x666: {  	v36 =	vld [tilespmem:s25+$0xC2F0]  }
0x667: {  	v37 =	vld [tilespmem:s25+$0xEAF0]  }
0x668: {  	v38 =	vld [tilespmem:s25+$0xC300]  }
0x669: {  	v8 =	vmul.f32 v11, v9;
	v40 =	vld [tilespmem:s25+$0xC320];
	v9 =	vmul.f32 v14, v12  }
0x66a: {  	v2 =	vadd.f32 v3, v2;
	v3 =	vadd.f32 v6, v5;
	v5 =	vld [tilespmem:s25+$0xC030]  }
0x66b: {  	v6 =	vadd.f32 v9, v8;
	v9 =	vld [tilespmem:s25+$0xE830]  }
0x66c: {  	v4 =	vmul.f32 v7, v4;
	v7 =	vld [tilespmem:s25+$0xE880]  }
0x66d: {  	v11 =	vmul.f32 v15, v13;
	v10 =	vmul.f32 v42, v10;
	v42 =	vld [tilespmem:s25+$0xEB60]  }
0x66e: {  	v41 =	vmul.f32 v17, v16;
	v54 =	vmul.f32 v52, v51;
	v51 =	vld [tilespmem:s25+$0xEBF0]  }
0x66f: {  	v52 =	vld [tilespmem:s25+$0xC400]  }
0x670: {  	v47 =	vmul.f32 v19, v18;
	v8 =	vadd.f32 v41, v11;
	v11 =	vld [tilespmem:s25+$0xC040]  }
0x671: {  	v41 =	vld [tilespmem:s25+$0xEB50]  }
0x672: {  	v4 =	vadd.f32 v4, v47;
	v47 =	vld [tilespmem:s25+$0xC3A0]  }
0x673: {  	v5 =	vmul.f32 v9, v5;
	v9 =	vld [tilespmem:s25+$0xC090]  }
0x674: {  	v2 =	vadd.f32 v3, v2;
	v3 =	vadd.f32 v8, v6;
	v6 =	vld [tilespmem:s25+$0xE840]  }
0x675: {  	v8 =	vld [tilespmem:s25+$0xC050]  }
0x676: {  	v5 =	vadd.f32 v5, v10;
	v10 =	vld [tilespmem:s25+$0xE8A0]  }
0x677: {  	v2 =	vadd.f32 v3, v2;
	v3 =	vld [tilespmem:s25+$0xE850]  }
0x678: {  	v4 =	vadd.f32 v5, v4;
	v5 =	vld [tilespmem:s25+$0xE8C0]  }
0x679: {  	[tilespmem:s25+$0x16800] =	vst v2;
	v2 =	vld [tilespmem:s25+$0xE860]  }
0x67a: {  	v6 =	vmul.f32 v6, v11;
	v11 =	vmul.f32 v45, v44;
	v44 =	vld [tilespmem:s25+$0xEB70]  }
0x67b: {  	v45 =	vld [tilespmem:s25+$0xC380]  }
0x67c: {  	v61 =	vmul.f32 v59, v58;
	v58 =	vld [tilespmem:s25+$0xEC70]  }
0x67d: {  	v59 =	vld [tilespmem:s25+$0xC480]  }
0x67e: {  	v3 =	vmul.f32 v3, v8;
	v8 =	vld [tilespmem:s25+$0xE890]  }
0x67f: {  	v10 =	vmul.f32 v10, v48;
	v48 =	vld [tilespmem:s25+$0xEBD0];
	v2 =	vmul.f32 v2, v43  }
0x680: {  	v3 =	vadd.f32 v3, v6;
	v6 =	vld [tilespmem:s25+$0xC0B0]  }
0x681: {  	v43 =	vld [tilespmem:s25+$0xC370];
	v2 =	vadd.f32 v11, v2  }
0x682: {  	v11 =	vld [tilespmem:s25+$0xE8B0]  }
0x683: {  	v7 =	vmul.f32 v7, v46;
	v8 =	vmul.f32 v8, v9;
	v9 =	vld [tilespmem:s25+$0xE900];
	v2 =	vadd.f32 v2, v3  }
0x684: {  	v3 =	vld [tilespmem:s25+$0xC0C0]  }
0x685: {  	v7 =	vadd.f32 v8, v7;
	v8 =	vld [tilespmem:s25+$0xE920];
	v2 =	vadd.f32 v2, v4  }
0x686: {  	v4 =	vld [tilespmem:s25+$0xC0D0]  }
0x687: {  	[tilespmem:s25+$0x16080] =	vst v2;
	v2 =	vld [tilespmem:s25+$0xC0E0]  }
0x688: {  	v6 =	vmul.f32 v11, v6;
	v11 =	vld [tilespmem:s25+$0xC110]  }
0x689: {  	v3 =	vmul.f32 v5, v3;
	v5 =	vld [tilespmem:s25+$0xE910]  }
0x68a: {  	v6 =	vadd.f32 v6, v10;
	v10 =	vld [tilespmem:s25+$0xE930]  }
0x68b: {  	v25 =	vmul.f32 v23, v22;
	v22 =	vld [tilespmem:s25+$0xECF0]  }
0x68c: {  	v23 =	vld [tilespmem:s25+$0xC500];
	v4 =	vmul.f32 v49, v4;
	v2 =	vmul.f32 v50, v2  }
0x68d: {  	v8 =	vmul.f32 v8, v55;
	v55 =	vld [tilespmem:s25+$0xEC50];
	v6 =	vadd.f32 v6, v7  }
0x68e: {  	v7 =	vld [tilespmem:s25+$0xE940];
	v3 =	vadd.f32 v4, v3;
	v2 =	vadd.f32 v54, v2  }
0x68f: {  	v49 =	vld [tilespmem:s25+$0xEBE0]  }
0x690: {  	v4 =	vld [tilespmem:s25+$0xC130];
	v2 =	vadd.f32 v2, v3  }
0x691: {  	v50 =	vld [tilespmem:s25+$0xC3F0]  }
0x692: {  	v3 =	vld [tilespmem:s25+$0xC140];
	v2 =	vadd.f32 v2, v6  }
0x693: {  	v6 =	vld [tilespmem:s25+$0xC150]  }
0x694: {  	[tilespmem:s25+$0x16100] =	vst v2;
	v2 =	vld [tilespmem:s25+$0xC160]  }
0x695: {  	v9 =	vmul.f32 v9, v53;
	v5 =	vmul.f32 v5, v11;
	v11 =	vld [tilespmem:s25+$0xE980]  }
0x696: {  	v54 =	vld [tilespmem:s25+$0xC420];
	v4 =	vmul.f32 v10, v4  }
0x697: {  	v5 =	vadd.f32 v5, v9;
	v9 =	vld [tilespmem:s25+$0xE9B0]  }
0x698: {  	v10 =	vld [tilespmem:s25+$0xC190];
	v4 =	vadd.f32 v4, v8;
	v3 =	vmul.f32 v7, v3  }
0x699: {  	v8 =	vld [tilespmem:s25+$0xE9A0];
	v6 =	vmul.f32 v56, v6;
	v2 =	vmul.f32 v57, v2  }
0x69a: {  	v7 =	vld [tilespmem:s25+$0xE990];
	v4 =	vadd.f32 v4, v5  }
0x69b: {  	v5 =	vld [tilespmem:s25+$0xE9C0];
	v3 =	vadd.f32 v6, v3;
	v2 =	vadd.f32 v61, v2  }
0x69c: {  	v32 =	vmul.f32 v30, v29;
	v29 =	vld [tilespmem:s25+$0xED70]  }
0x69d: {  	v30 =	vld [tilespmem:s25+$0xC580];
	v2 =	vadd.f32 v2, v3  }
0x69e: {  	v6 =	vld [tilespmem:s25+$0xC1B0]  }
0x69f: {  	v3 =	vld [tilespmem:s25+$0xC1C0];
	v2 =	vadd.f32 v2, v4  }
0x6a0: {  	v4 =	vld [tilespmem:s25+$0xC1D0]  }
0x6a1: {  	[tilespmem:s25+$0x16180] =	vst v2;
	v2 =	vld [tilespmem:s25+$0xC1E0]  }
0x6a2: {  	v56 =	vld [tilespmem:s25+$0xEC60]  }
0x6a3: {  	v8 =	vmul.f32 v8, v62;
	v62 =	vld [tilespmem:s25+$0xECD0]  }
0x6a4: {  	v11 =	vmul.f32 v11, v60;
	v57 =	vld [tilespmem:s25+$0xC470];
	v7 =	vmul.f32 v7, v10  }
0x6a5: {  	v10 =	vld [tilespmem:s25+$0xEA00];
	v6 =	vmul.f32 v9, v6;
	v3 =	vmul.f32 v5, v3  }
0x6a6: {  	v7 =	vadd.f32 v7, v11;
	v11 =	vld [tilespmem:s25+$0xEA30];
	v4 =	vmul.f32 v63, v4;
	v2 =	vmul.f32 v21, v2  }
0x6a7: {  	v9 =	vld [tilespmem:s25+$0xC210];
	v6 =	vadd.f32 v6, v8  }
0x6a8: {  	v8 =	vld [tilespmem:s25+$0xEA20];
	v3 =	vadd.f32 v4, v3;
	v2 =	vadd.f32 v25, v2  }
0x6a9: {  	v5 =	vld [tilespmem:s25+$0xEA10]  }
0x6aa: {  	v6 =	vadd.f32 v6, v7;
	v7 =	vld [tilespmem:s25+$0xEA40];
	v2 =	vadd.f32 v2, v3  }
0x6ab: {  	v4 =	vld [tilespmem:s25+$0xC230]  }
0x6ac: {  	v3 =	vld [tilespmem:s25+$0xC240];
	v2 =	vadd.f32 v2, v6  }
0x6ad: {  	v6 =	vld [tilespmem:s25+$0xC250]  }
0x6ae: {  	[tilespmem:s25+$0x16200] =	vst v2;
	v2 =	vld [tilespmem:s25+$0xC260]  }
0x6af: {  	v61 =	vld [tilespmem:s25+$0xC4A0]  }
0x6b0: {  	v39 =	vmul.f32 v37, v36;
	v10 =	vmul.f32 v10, v24;
	v36 =	vld [tilespmem:s25+$0xEDF0]  }
0x6b1: {  	v37 =	vld [tilespmem:s25+$0xC600];
	v8 =	vmul.f32 v8, v26;
	v5 =	vmul.f32 v5, v9  }
0x6b2: {  	v9 =	vld [tilespmem:s25+$0xEA80];
	v4 =	vmul.f32 v11, v4;
	v3 =	vmul.f32 v7, v3  }
0x6b3: {  	v5 =	vadd.f32 v5, v10;
	v10 =	vld [tilespmem:s25+$0xEAB0];
	v6 =	vmul.f32 v27, v6;
	v2 =	vmul.f32 v28, v2  }
0x6b4: {  	v11 =	vld [tilespmem:s25+$0xC290];
	v4 =	vadd.f32 v4, v8  }
0x6b5: {  	v8 =	vld [tilespmem:s25+$0xEAA0];
	v3 =	vadd.f32 v6, v3;
	v2 =	vadd.f32 v32, v2  }
0x6b6: {  	v7 =	vld [tilespmem:s25+$0xEA90]  }
0x6b7: {  	v4 =	vadd.f32 v4, v5;
	v5 =	vld [tilespmem:s25+$0xEAC0];
	v2 =	vadd.f32 v2, v3  }
0x6b8: {  	v6 =	vld [tilespmem:s25+$0xC2B0]  }
0x6b9: {  	v3 =	vld [tilespmem:s25+$0xC2C0];
	v2 =	vadd.f32 v2, v4  }
0x6ba: {  	v4 =	vld [tilespmem:s25+$0xC2D0]  }
0x6bb: {  	[tilespmem:s25+$0x16280] =	vst v2;
	v2 =	vld [tilespmem:s25+$0xC2E0]  }
0x6bc: {  	v63 =	vld [tilespmem:s25+$0xECE0]  }
0x6bd: {  	v26 =	vld [tilespmem:s25+$0xED50];
	v9 =	vmul.f32 v9, v31  }
0x6be: {  	v21 =	vld [tilespmem:s25+$0xC4F0];
	v8 =	vmul.f32 v8, v33;
	v7 =	vmul.f32 v7, v11  }
0x6bf: {  	v11 =	vld [tilespmem:s25+$0xEB00];
	v6 =	vmul.f32 v10, v6;
	v3 =	vmul.f32 v5, v3  }
0x6c0: {  	v7 =	vadd.f32 v7, v9;
	v9 =	vld [tilespmem:s25+$0xEB30];
	v4 =	vmul.f32 v34, v4;
	v2 =	vmul.f32 v35, v2  }
0x6c1: {  	v10 =	vld [tilespmem:s25+$0xC310];
	v6 =	vadd.f32 v6, v8  }
0x6c2: {  	v8 =	vld [tilespmem:s25+$0xEB20];
	v3 =	vadd.f32 v4, v3;
	v2 =	vadd.f32 v39, v2  }
0x6c3: {  	v5 =	vld [tilespmem:s25+$0xEB10]  }
0x6c4: {  	v6 =	vadd.f32 v6, v7;
	v7 =	vld [tilespmem:s25+$0xEB40];
	v2 =	vadd.f32 v2, v3  }
0x6c5: {  	v4 =	vld [tilespmem:s25+$0xC330]  }
0x6c6: {  	v3 =	vld [tilespmem:s25+$0xC340];
	v2 =	vadd.f32 v2, v6  }
0x6c7: {  	v6 =	vld [tilespmem:s25+$0xC350]  }
0x6c8: {  	[tilespmem:s25+$0x16300] =	vst v2;
	v2 =	vld [tilespmem:s25+$0xC360]  }
0x6c9: {  	v25 =	vld [tilespmem:s25+$0xC520]  }
0x6ca: {  	v46 =	vmul.f32 v44, v43;
	v43 =	vld [tilespmem:s25+$0xEE70];
	v11 =	vmul.f32 v11, v38  }
0x6cb: {  	v44 =	vld [tilespmem:s25+$0xC680];
	v8 =	vmul.f32 v8, v40;
	v5 =	vmul.f32 v5, v10  }
0x6cc: {  	v10 =	vld [tilespmem:s25+$0xEB80];
	v4 =	vmul.f32 v9, v4;
	v3 =	vmul.f32 v7, v3  }
0x6cd: {  	v5 =	vadd.f32 v5, v11;
	v11 =	vld [tilespmem:s25+$0xEBB0];
	v6 =	vmul.f32 v41, v6;
	v2 =	vmul.f32 v42, v2  }
0x6ce: {  	v9 =	vld [tilespmem:s25+$0xC390];
	v4 =	vadd.f32 v4, v8  }
0x6cf: {  	v8 =	vld [tilespmem:s25+$0xEBA0];
	v3 =	vadd.f32 v6, v3;
	v2 =	vadd.f32 v46, v2  }
0x6d0: {  	v7 =	vld [tilespmem:s25+$0xEB90]  }
0x6d1: {  	v4 =	vadd.f32 v4, v5;
	v5 =	vld [tilespmem:s25+$0xEBC0];
	v2 =	vadd.f32 v2, v3  }
0x6d2: {  	v6 =	vld [tilespmem:s25+$0xC3B0]  }
0x6d3: {  	v3 =	vld [tilespmem:s25+$0xC3C0];
	v2 =	vadd.f32 v2, v4  }
0x6d4: {  	v4 =	vld [tilespmem:s25+$0xC3D0]  }
0x6d5: {  	[tilespmem:s25+$0x16380] =	vst v2;
	v2 =	vld [tilespmem:s25+$0xC3E0]  }
0x6d6: {  	v27 =	vld [tilespmem:s25+$0xED60]  }
0x6d7: {  	v53 =	vmul.f32 v51, v50;
	v33 =	vld [tilespmem:s25+$0xEDD0];
	v10 =	vmul.f32 v10, v45  }
0x6d8: {  	v28 =	vld [tilespmem:s25+$0xC570];
	v8 =	vmul.f32 v8, v47;
	v7 =	vmul.f32 v7, v9  }
0x6d9: {  	v9 =	vld [tilespmem:s25+$0xEC00];
	v6 =	vmul.f32 v11, v6;
	v3 =	vmul.f32 v5, v3  }
0x6da: {  	v7 =	vadd.f32 v7, v10;
	v10 =	vld [tilespmem:s25+$0xEC30];
	v4 =	vmul.f32 v48, v4;
	v2 =	vmul.f32 v49, v2  }
0x6db: {  	v11 =	vld [tilespmem:s25+$0xC410];
	v6 =	vadd.f32 v6, v8  }
0x6dc: {  	v8 =	vld [tilespmem:s25+$0xEC20];
	v3 =	vadd.f32 v4, v3;
	v2 =	vadd.f32 v53, v2  }
0x6dd: {  	v5 =	vld [tilespmem:s25+$0xEC10]  }
0x6de: {  	v6 =	vadd.f32 v6, v7;
	v7 =	vld [tilespmem:s25+$0xEC40];
	v2 =	vadd.f32 v2, v3  }
0x6df: {  	v4 =	vld [tilespmem:s25+$0xC430]  }
0x6e0: {  	v3 =	vld [tilespmem:s25+$0xC440];
	v2 =	vadd.f32 v2, v6  }
0x6e1: {  	v6 =	vld [tilespmem:s25+$0xC450]  }
0x6e2: {  	[tilespmem:s25+$0x16400] =	vst v2;
	v2 =	vld [tilespmem:s25+$0xC460]  }
0x6e3: {  	v32 =	vld [tilespmem:s25+$0xC5A0]  }
0x6e4: {  	v60 =	vmul.f32 v58, v57;
	v50 =	vld [tilespmem:s25+$0xEEF0];
	v9 =	vmul.f32 v9, v52  }
0x6e5: {  	v51 =	vld [tilespmem:s25+$0xC700];
	v8 =	vmul.f32 v8, v54;
	v5 =	vmul.f32 v5, v11  }
0x6e6: {  	v11 =	vld [tilespmem:s25+$0xEC80];
	v4 =	vmul.f32 v10, v4;
	v3 =	vmul.f32 v7, v3  }
0x6e7: {  	v5 =	vadd.f32 v5, v9;
	v9 =	vld [tilespmem:s25+$0xECB0];
	v6 =	vmul.f32 v55, v6;
	v2 =	vmul.f32 v56, v2  }
0x6e8: {  	v10 =	vld [tilespmem:s25+$0xC490];
	v4 =	vadd.f32 v4, v8  }
0x6e9: {  	v8 =	vld [tilespmem:s25+$0xECA0];
	v3 =	vadd.f32 v6, v3;
	v2 =	vadd.f32 v60, v2  }
0x6ea: {  	v7 =	vld [tilespmem:s25+$0xEC90]  }
0x6eb: {  	v4 =	vadd.f32 v4, v5;
	v5 =	vld [tilespmem:s25+$0xECC0];
	v2 =	vadd.f32 v2, v3  }
0x6ec: {  	v6 =	vld [tilespmem:s25+$0xC4B0]  }
0x6ed: {  	v3 =	vld [tilespmem:s25+$0xC4C0];
	v2 =	vadd.f32 v2, v4  }
0x6ee: {  	v4 =	vld [tilespmem:s25+$0xC4D0]  }
0x6ef: {  	[tilespmem:s25+$0x16480] =	vst v2;
	v2 =	vld [tilespmem:s25+$0xC4E0]  }
0x6f0: {  	v34 =	vld [tilespmem:s25+$0xEDE0]  }
0x6f1: {  	v24 =	vmul.f32 v22, v21;
	v40 =	vld [tilespmem:s25+$0xEE50];
	v11 =	vmul.f32 v11, v59  }
0x6f2: {  	v35 =	vld [tilespmem:s25+$0xC5F0];
	v8 =	vmul.f32 v8, v61;
	v7 =	vmul.f32 v7, v10  }
0x6f3: {  	v10 =	vld [tilespmem:s25+$0xED00];
	v6 =	vmul.f32 v9, v6;
	v3 =	vmul.f32 v5, v3  }
0x6f4: {  	v7 =	vadd.f32 v7, v11;
	v11 =	vld [tilespmem:s25+$0xED30];
	v4 =	vmul.f32 v62, v4;
	v2 =	vmul.f32 v63, v2  }
0x6f5: {  	v9 =	vld [tilespmem:s25+$0xC510];
	v6 =	vadd.f32 v6, v8  }
0x6f6: {  	v8 =	vld [tilespmem:s25+$0xED20];
	v3 =	vadd.f32 v4, v3;
	v2 =	vadd.f32 v24, v2  }
0x6f7: {  	v5 =	vld [tilespmem:s25+$0xED10]  }
0x6f8: {  	v6 =	vadd.f32 v6, v7;
	v7 =	vld [tilespmem:s25+$0xED40];
	v2 =	vadd.f32 v2, v3  }
0x6f9: {  	v4 =	vld [tilespmem:s25+$0xC530]  }
0x6fa: {  	v3 =	vld [tilespmem:s25+$0xC540];
	v2 =	vadd.f32 v2, v6  }
0x6fb: {  	v6 =	vld [tilespmem:s25+$0xC550]  }
0x6fc: {  	[tilespmem:s25+$0x16500] =	vst v2;
	v2 =	vld [tilespmem:s25+$0xC560]  }
0x6fd: {  	v39 =	vld [tilespmem:s25+$0xC620]  }
0x6fe: {  	v31 =	vmul.f32 v29, v28;
	v57 =	vld [tilespmem:s25+$0xEF70];
	v10 =	vmul.f32 v10, v23  }
0x6ff: {  	v41 =	vld [tilespmem:s25+$0xEE60];
	v8 =	vmul.f32 v8, v25;
	v5 =	vmul.f32 v5, v9  }
0x700: {  	v9 =	vld [tilespmem:s25+$0xED80];
	v4 =	vmul.f32 v11, v4;
	v3 =	vmul.f32 v7, v3  }
0x701: {  	v5 =	vadd.f32 v5, v10;
	v10 =	vld [tilespmem:s25+$0xEDB0];
	v6 =	vmul.f32 v26, v6;
	v2 =	vmul.f32 v27, v2  }
0x702: {  	v11 =	vld [tilespmem:s25+$0xC590];
	v4 =	vadd.f32 v4, v8  }
0x703: {  	v8 =	vld [tilespmem:s25+$0xEDA0];
	v3 =	vadd.f32 v6, v3;
	v2 =	vadd.f32 v31, v2  }
0x704: {  	v7 =	vld [tilespmem:s25+$0xED90]  }
0x705: {  	v4 =	vadd.f32 v4, v5;
	v5 =	vld [tilespmem:s25+$0xEDC0];
	v2 =	vadd.f32 v2, v3  }
0x706: {  	v6 =	vld [tilespmem:s25+$0xC5B0]  }
0x707: {  	v3 =	vld [tilespmem:s25+$0xC5C0];
	v2 =	vadd.f32 v2, v4  }
0x708: {  	v4 =	vld [tilespmem:s25+$0xC5D0]  }
0x709: {  	[tilespmem:s25+$0x16580] =	vst v2;
	v2 =	vld [tilespmem:s25+$0xC5E0]  }
0x70a: {  	v47 =	vld [tilespmem:s25+$0xEED0]  }
0x70b: {  	v38 =	vmul.f32 v36, v35;
	v42 =	vld [tilespmem:s25+$0xC670];
	v9 =	vmul.f32 v9, v30  }
0x70c: {  	v46 =	vld [tilespmem:s25+$0xC6A0];
	v8 =	vmul.f32 v8, v32;
	v7 =	vmul.f32 v7, v11  }
0x70d: {  	v11 =	vld [tilespmem:s25+$0xEE00];
	v6 =	vmul.f32 v10, v6;
	v3 =	vmul.f32 v5, v3  }
0x70e: {  	v7 =	vadd.f32 v7, v9;
	v9 =	vld [tilespmem:s25+$0xEE30];
	v4 =	vmul.f32 v33, v4;
	v2 =	vmul.f32 v34, v2  }
0x70f: {  	v10 =	vld [tilespmem:s25+$0xC610];
	v6 =	vadd.f32 v6, v8  }
0x710: {  	v8 =	vld [tilespmem:s25+$0xEE20];
	v3 =	vadd.f32 v4, v3;
	v2 =	vadd.f32 v38, v2  }
0x711: {  	v5 =	vld [tilespmem:s25+$0xEE10]  }
0x712: {  	v6 =	vadd.f32 v6, v7;
	v7 =	vld [tilespmem:s25+$0xEE40];
	v2 =	vadd.f32 v2, v3  }
0x713: {  	v4 =	vld [tilespmem:s25+$0xC630]  }
0x714: {  	v3 =	vld [tilespmem:s25+$0xC640];
	v2 =	vadd.f32 v2, v6  }
0x715: {  	v6 =	vld [tilespmem:s25+$0xC650]  }
0x716: {  	[tilespmem:s25+$0x16600] =	vst v2;
	v2 =	vld [tilespmem:s25+$0xC660]  }
0x717: {  	v48 =	vld [tilespmem:s25+$0xEEE0]  }
0x718: {  	v45 =	vmul.f32 v43, v42;
	v54 =	vld [tilespmem:s25+$0xEF50];
	v11 =	vmul.f32 v11, v37  }
0x719: {  	v49 =	vld [tilespmem:s25+$0xC6F0];
	v8 =	vmul.f32 v8, v39;
	v5 =	vmul.f32 v5, v10  }
0x71a: {  	v10 =	vld [tilespmem:s25+$0xEE80];
	v4 =	vmul.f32 v9, v4;
	v3 =	vmul.f32 v7, v3  }
0x71b: {  	v5 =	vadd.f32 v5, v11;
	v11 =	vld [tilespmem:s25+$0xEEB0];
	v6 =	vmul.f32 v40, v6;
	v2 =	vmul.f32 v41, v2  }
0x71c: {  	v9 =	vld [tilespmem:s25+$0xC690];
	v4 =	vadd.f32 v4, v8  }
0x71d: {  	v8 =	vld [tilespmem:s25+$0xEEA0];
	v3 =	vadd.f32 v6, v3;
	v2 =	vadd.f32 v45, v2  }
0x71e: {  	v7 =	vld [tilespmem:s25+$0xEE90]  }
0x71f: {  	v4 =	vadd.f32 v4, v5;
	v5 =	vld [tilespmem:s25+$0xEEC0];
	v2 =	vadd.f32 v2, v3  }
0x720: {  	v6 =	vld [tilespmem:s25+$0xC6B0]  }
0x721: {  	v3 =	vld [tilespmem:s25+$0xC6C0];
	v2 =	vadd.f32 v2, v4  }
0x722: {  	v4 =	vld [tilespmem:s25+$0xC6D0]  }
0x723: {  	[tilespmem:s25+$0x16680] =	vst v2;
	v2 =	vld [tilespmem:s25+$0xC6E0]  }
0x724: {  	v53 =	vld [tilespmem:s25+$0xC720]  }
0x725: {  	v52 =	vmul.f32 v50, v49;
	v55 =	vld [tilespmem:s25+$0xEF60];
	v10 =	vmul.f32 v10, v44  }
0x726: {  	v56 =	vld [tilespmem:s25+$0xC770];
	v8 =	vmul.f32 v8, v46;
	v7 =	vmul.f32 v7, v9  }
0x727: {  	v9 =	vld [tilespmem:s25+$0xEF00];
	v6 =	vmul.f32 v11, v6;
	v3 =	vmul.f32 v5, v3  }
0x728: {  	v7 =	vadd.f32 v7, v10;
	v10 =	vld [tilespmem:s25+$0xEF30];
	v4 =	vmul.f32 v47, v4;
	v2 =	vmul.f32 v48, v2  }
0x729: {  	v11 =	vld [tilespmem:s25+$0xC710];
	v6 =	vadd.f32 v6, v8  }
0x72a: {  	v8 =	vld [tilespmem:s25+$0xEF20];
	v3 =	vadd.f32 v4, v3;
	v2 =	vadd.f32 v52, v2  }
0x72b: {  	v5 =	vld [tilespmem:s25+$0xEF10]  }
0x72c: {  	v6 =	vadd.f32 v6, v7;
	v7 =	vld [tilespmem:s25+$0xEF40];
	v2 =	vadd.f32 v2, v3  }
0x72d: {  	v4 =	vld [tilespmem:s25+$0xC730]  }
0x72e: {  	v3 =	vld [tilespmem:s25+$0xC740];
	v2 =	vadd.f32 v2, v6  }
0x72f: {  	v6 =	vld [tilespmem:s25+$0xC750]  }
0x730: {  	[tilespmem:s25+$0x16700] =	vst v2;
	v2 =	vld [tilespmem:s25+$0xC760];
	_ =	sdelay $0x1  }
0x731: {  	v9 =	vmul.f32 v9, v51;
	v8 =	vmul.f32 v8, v53  }
0x732: {  	v5 =	vmul.f32 v5, v11;
	v4 =	vmul.f32 v10, v4  }
0x733: {  	v3 =	vmul.f32 v7, v3;
	v7 =	vmul.f32 v57, v56  }
0x734: {  	v6 =	vmul.f32 v54, v6;
	v2 =	vmul.f32 v55, v2  }
0x735: {  	v5 =	vadd.f32 v5, v9;
	v4 =	vadd.f32 v4, v8;
	v8 =	vmov s26  }
0x736: {  	v3 =	vadd.f32 v6, v3;
	v6 =	vshll.u32 v8, $0x7;
	v2 =	vadd.f32 v7, v2  }
0x737: {  	v6 =	vor.u32 v0, v6  }
0x738: {  	v4 =	vadd.f32 v4, v5;
	v2 =	vadd.f32 v2, v3;
	v3 =	vor.u32 $0xC, v6  }
0x739: {  	v5 =	vor.u32 $0xD, v6  }
0x73a: {  	v7 =	vor.u32 $0x9, v6;
	v2 =	vadd.f32 v2, v4  }
0x73b: {  	v8 =	vor.u32 $0x5, v6  }
0x73c: {  	[tilespmem:s25+$0x16780] =	vst v2  }
0x73d: {  	v9 =	vor.u32 $0x1, v6;
	v3 =	vld.idx.msk [tilespmem:v3+s20+$0x0], $0xffff  }
0x73e: {  	v10 =	vor.u32 $0x2, v6;
	v5 =	vld.idx.msk [tilespmem:v5+s20+$0x0], $0xffff  }
0x73f: {  	v11 =	vor.u32 $0x3, v6;
	v7 =	vld.idx.msk [tilespmem:v7+s20+$0x0], $0xffff  }
0x740: {  	v58 =	vor.u32 $0x6, v6;
	v8 =	vld.idx.msk [tilespmem:v8+s20+$0x0], $0xffff  }
0x741: {  	v60 =	vor.u32 $0x7, v6;
	v59 =	vld.idx.msk [tilespmem:v6+s20+$0x0], $0xffff  }
0x742: {  	v2 =	vor.u32 $0x4, v6;
	v9 =	vld.idx.msk [tilespmem:v9+s20+$0x0], $0xffff  }
0x743: {  	v61 =	vor.u32 $0xA, v6;
	v10 =	vld.idx.msk [tilespmem:v10+s20+$0x0], $0xffff  }
0x744: {  	v4 =	vor.u32 $0x8, v6;
	v11 =	vld.idx.msk [tilespmem:v11+s20+$0x0], $0xffff  }
0x745: {  	v62 =	vor.u32 $0xB, v6;
	v12 =	vld.idx.msk [tilespmem:v58+s20+$0x0], $0xffff  }
0x746: {  	v63 =	vor.u32 $0xE, v6;
	v14 =	vld.idx.msk [tilespmem:v60+s20+$0x0], $0xffff  }
0x747: {  	v6 =	vor.u32 $0xF, v6;
	v2 =	vld.idx.msk [tilespmem:v2+s20+$0x0], $0xffff  }
0x748: {  	v15 =	vld.idx.msk [tilespmem:v61+s20+$0x0], $0xffff  }
0x749: {  	v4 =	vld.idx.msk [tilespmem:v4+s20+$0x0], $0xffff  }
0x74a: {  	v16 =	vld.idx.msk [tilespmem:v62+s20+$0x0], $0xffff;
	v13 =	vadd.f32 $0.0e+00, v59;
	v9 =	vadd.f32 $0.0e+00, v9  }
0x74b: {  	v17 =	vld.idx.msk [tilespmem:v63+s20+$0x0], $0xffff;
	v10 =	vadd.f32 $0.0e+00, v10;
	v11 =	vadd.f32 $0.0e+00, v11  }
0x74c: {  	v6 =	vld.idx.msk [tilespmem:v6+s20+$0x0], $0xffff;
	v8 =	vadd.f32 v8, v9;
	v2 =	vadd.f32 v2, v13  }
0x74d: {  	v9 =	vadd.f32 v12, v10;
	v10 =	vadd.f32 v14, v11  }
0x74e: {  	v2 =	vadd.f32 v4, v2;
	v4 =	vadd.f32 v7, v8  }
0x74f: {  	v7 =	vadd.f32 v15, v9;
	v8 =	vadd.f32 v16, v10  }
0x750: {  	v2 =	vadd.f32 v3, v2;
	v3 =	vadd.f32 v5, v4  }
0x751: {  	v4 =	vadd.f32 v17, v7;
	v5 =	vadd.f32 v6, v8;
	_ =	sdelay $0x1  }
0x752: {  	v2 =	vadd.f32 v3, v2;
	v3 =	vadd.f32 v5, v4;
	_ =	sdelay $0x1  }
0x753: {  	v2 =	vadd.f32 v3, v2;
	_ =	sdelay $0x1  }
0x754: {  	v2 =	vadd.f32 v2, v1;
	_ =	sdelay $0x1  }
0x755: {  	v2 =	vsub.f32 $0.0e+00, v2;
	_ =	sdelay $0x1  }
0x756: {  	v2 =	vmul.f32 $1.442695020e+00, v2;
	_ =	sdelay $0x1  }
0x757: {  	(erf) = vpow2.f32 v2;
	_ =	sdelay $0x8  }
0x758: {  	v2 =	vpop (erf)  }
0x759: {  	v2 =	vadd.f32 $1.000000000e+00, v2;
	_ =	sdelay $0x1  }
0x75a: {  	(erf) = vrcp.f32 v2;
	_ =	sdelay $0x2  }
0x75b: {  	s0 =	simm.s32 $0x10  }
0x75c: {  	v2 =	vmov s0  }
0x75d: {  	v2 =	vshll.u32 v2, $0x7  }
0x75e: {  	v4 =	vor.u32 v0, v2  }
0x75f: {  	v2 =	vor.u32 $0xC, v4  }
0x760: {  	v3 =	vor.u32 $0xD, v4  }
0x761: {  	s0 =	simm.s32 $0xBE00;
	v7 =	vor.u32 $0x8, v4;
	v5 =	vpop (erf)  }
0x762: {  	[tilespmem:s0+$0x0] =	vst v5;
	v5 =	vor.u32 $0x9, v4  }
0x763: {  	v6 =	vor.u32 $0x4, v4  }
0x764: {  	v8 =	vor.u32 $0x5, v4;
	v2 =	vld.idx.msk [tilespmem:v2+s20+$0x0], $0xffff  }
0x765: {  	s25 =	simm.s32 $0x20;
	v3 =	vld.idx.msk [tilespmem:v3+s20+$0x0], $0xffff  }
.LBB2_14:
0x766: {  	p0 =	sne.s32 s25, $0x40;
	v9 =	vor.u32 $0x1, v4;
	v7 =	vld.idx.msk [tilespmem:v7+s20+$0x0], $0xffff  }
0x767: {  	v10 =	vor.u32 $0x2, v4;
	v5 =	vld.idx.msk [tilespmem:v5+s20+$0x0], $0xffff  }
0x768: {  	v11 =	vor.u32 $0x3, v4;
	v6 =	vld.idx.msk [tilespmem:v6+s20+$0x0], $0xffff  }
0x769: {  	v12 =	vor.u32 $0x6, v4;
	v8 =	vld.idx.msk [tilespmem:v8+s20+$0x0], $0xffff  }
0x76a: {  	v14 =	vor.u32 $0x7, v4;
	v13 =	vld.idx.msk [tilespmem:v4+s20+$0x0], $0xffff  }
0x76b: {  	v15 =	vor.u32 $0xA, v4;
	v9 =	vld.idx.msk [tilespmem:v9+s20+$0x0], $0xffff  }
0x76c: {  	v16 =	vor.u32 $0xB, v4;
	v10 =	vld.idx.msk [tilespmem:v10+s20+$0x0], $0xffff  }
0x76d: {  	v17 =	vor.u32 $0xE, v4;
	v11 =	vld.idx.msk [tilespmem:v11+s20+$0x0], $0xffff  }
0x76e: {  	v4 =	vor.u32 $0xF, v4;
	v12 =	vld.idx.msk [tilespmem:v12+s20+$0x0], $0xffff  }
0x76f: {  	v14 =	vld.idx.msk [tilespmem:v14+s20+$0x0], $0xffff  }
0x770: {  	v15 =	vld.idx.msk [tilespmem:v15+s20+$0x0], $0xffff  }
0x771: {  	v16 =	vld.idx.msk [tilespmem:v16+s20+$0x0], $0xffff  }
0x772: {  	v13 =	vadd.f32 $0.0e+00, v13;
	v9 =	vadd.f32 $0.0e+00, v9;
	v17 =	vld.idx.msk [tilespmem:v17+s20+$0x0], $0xffff  }
0x773: {  	v10 =	vadd.f32 $0.0e+00, v10;
	v11 =	vadd.f32 $0.0e+00, v11;
	v4 =	vld.idx.msk [tilespmem:v4+s20+$0x0], $0xffff  }
0x774: {  	v6 =	vadd.f32 v6, v13;
	v8 =	vadd.f32 v8, v9  }
0x775: {  	v9 =	vadd.f32 v12, v10;
	v10 =	vadd.f32 v14, v11  }
0x776: {  	v6 =	vadd.f32 v7, v6;
	v5 =	vadd.f32 v5, v8  }
0x777: {  	v7 =	vadd.f32 v15, v9;
	v8 =	vadd.f32 v16, v10  }
0x778: {  	v2 =	vadd.f32 v2, v6;
	v3 =	vadd.f32 v3, v5  }
0x779: {  	v5 =	vadd.f32 v17, v7;
	v4 =	vadd.f32 v4, v8;
	_ =	sdelay $0x1  }
0x77a: {  	v2 =	vadd.f32 v3, v2;
	v3 =	vadd.f32 v4, v5;
	_ =	sdelay $0x1  }
0x77b: {  	v2 =	vadd.f32 v3, v2;
	_ =	sdelay $0x1  }
0x77c: {  	v2 =	vadd.f32 v2, v1;
	_ =	sdelay $0x1  }
0x77d: {  	v2 =	vsub.f32 $0.0e+00, v2;
	_ =	sdelay $0x1  }
0x77e: {  	v2 =	vmul.f32 $1.442695020e+00, v2;
	_ =	sdelay $0x1  }
0x77f: {  	(erf) = vpow2.f32 v2;
	_ =	sdelay $0x8  }
0x780: {  	v2 =	vpop (erf)  }
0x781: {  	v2 =	vadd.f32 $1.000000000e+00, v2;
	_ =	sdelay $0x1  }
0x782: {  	(erf) = vrcp.f32 v2;
	_ =	sdelay $0x2  }
0x783: {  	v2 =	vmov s25  }
0x784: {  	v2 =	vshll.u32 v2, $0x7  }
0x785: {  	v4 =	vor.u32 v0, v2  }
0x786: {  	v2 =	vor.u32 $0xC, v4  }
0x787: {  	v3 =	vor.u32 $0xD, v4  }
.Ltmp6:
0x788: {  	v7 =	vor.u32 $0x8, v4;
	(pc) =	sbr.rel @p0 .LBB2_14-.Ltmp6, $4  }
0x789: {  	s0 =	sadd.s32 $0x10, s0;
	v5 =	vor.u32 $0x9, v4;
	v8 =	vpop (erf)  }
0x78a: {  	v6 =	vor.u32 $0x4, v4;
	[tilespmem:s0+$0x0] =	vst v8  }
0x78b: {  	v8 =	vor.u32 $0x5, v4;
	v2 =	vld.idx.msk [tilespmem:v2+s20+$0x0], $0xffff  }
0x78c: {  	s25 =	sadd.s32 $0x10, s25;
	v3 =	vld.idx.msk [tilespmem:v3+s20+$0x0], $0xffff  }
0x78d: {  	_ =	sdelay $0x3  }
0x78e: {  	v9 =	vor.u32 $0x1, v4;
	v7 =	vld.idx.msk [tilespmem:v7+s20+$0x0], $0xffff  }
0x78f: {  	v10 =	vor.u32 $0x2, v4;
	v5 =	vld.idx.msk [tilespmem:v5+s20+$0x0], $0xffff  }
0x790: {  	v11 =	vor.u32 $0x3, v4;
	v6 =	vld.idx.msk [tilespmem:v6+s20+$0x0], $0xffff  }
0x791: {  	v8 =	vld.idx.msk [tilespmem:v8+s20+$0x0], $0xffff;
	v12 =	vor.u32 $0x6, v4  }
0x792: {  	v13 =	vld.idx.msk [tilespmem:v4+s20+$0x0], $0xffff;
	v14 =	vor.u32 $0x7, v4  }
0x793: {  	v15 =	vor.u32 $0xA, v4;
	v9 =	vld.idx.msk [tilespmem:v9+s20+$0x0], $0xffff  }
0x794: {  	v16 =	vor.u32 $0xB, v4;
	v10 =	vld.idx.msk [tilespmem:v10+s20+$0x0], $0xffff  }
0x795: {  	v17 =	vor.u32 $0xE, v4;
	v11 =	vld.idx.msk [tilespmem:v11+s20+$0x0], $0xffff  }
0x796: {  	v58 =	vor.u32 $0xF, v4;
	v12 =	vld.idx.msk [tilespmem:v12+s20+$0x0], $0xffff  }
0x797: {  	v14 =	vld.idx.msk [tilespmem:v14+s20+$0x0], $0xffff  }
0x798: {  	v15 =	vld.idx.msk [tilespmem:v15+s20+$0x0], $0xffff  }
0x799: {  	v16 =	vld.idx.msk [tilespmem:v16+s20+$0x0], $0xffff;
	v13 =	vadd.f32 $0.0e+00, v13;
	v9 =	vadd.f32 $0.0e+00, v9  }
0x79a: {  	v17 =	vld.idx.msk [tilespmem:v17+s20+$0x0], $0xffff;
	v10 =	vadd.f32 $0.0e+00, v10;
	v11 =	vadd.f32 $0.0e+00, v11  }
0x79b: {  	v4 =	vld.idx.msk [tilespmem:v58+s20+$0x0], $0xffff;
	v6 =	vadd.f32 v6, v13;
	v8 =	vadd.f32 v8, v9  }
0x79c: {  	v59 =	vadd.f32 v12, v10;
	v60 =	vadd.f32 v14, v11  }
0x79d: {  	v6 =	vadd.f32 v7, v6;
	v5 =	vadd.f32 v5, v8  }
0x79e: {  	v61 =	vadd.f32 v15, v59;
	v62 =	vadd.f32 v16, v60  }
0x79f: {  	v2 =	vadd.f32 v2, v6;
	v3 =	vadd.f32 v3, v5  }
0x7a0: {  	v63 =	vadd.f32 v17, v61;
	v4 =	vadd.f32 v4, v62;
	_ =	sdelay $0x1  }
0x7a1: {  	v2 =	vadd.f32 v3, v2;
	v3 =	vadd.f32 v4, v63;
	_ =	sdelay $0x1  }
0x7a2: {  	v2 =	vadd.f32 v3, v2;
	_ =	sdelay $0x1  }
0x7a3: {  	v1 =	vadd.f32 v2, v1;
	_ =	sdelay $0x1  }
0x7a4: {  	v1 =	vsub.f32 $0.0e+00, v1;
	_ =	sdelay $0x1  }
0x7a5: {  	v1 =	vmul.f32 $1.442695020e+00, v1;
	_ =	sdelay $0x1  }
0x7a6: {  	(erf) = vpow2.f32 v1;
	_ =	sdelay $0x8  }
0x7a7: {  	v1 =	vpop (erf)  }
0x7a8: {  	v1 =	vadd.f32 $1.000000000e+00, v1;
	_ =	sdelay $0x1  }
0x7a9: {  	(erf) = vrcp.f32 v1;
	_ =	sdelay $0x7  }
0x7aa: {  	s24 =	sadd.s32 $0x1, s24  }
0x7ab: {  	s0 =	sadd.s32 $0x10, s0;
	p0 =	sne.s32 s24, s9;
	v1 =	vpop (erf)  }
.Ltmp7:
0x7ac: {  	[tilespmem:s0+$0x0] =	vst v1;
	(pc) =	sbr.rel @p0 .LBB2_1-.Ltmp7, $4  }
0x7ad: {  	[hbm4b:s8+s3] =	stream.linear.scatter [tilespmem:s23], [sflag:$0x5], $0x3E80, $0x38;
	[tilespmem:$0x18880] =	vst v63  }
0x7ae: {  	_ =	swait.ge [sflag:s10], $0x3E80  }
0x7af: {  	[sflag:s10] =	ssyncset.done $0x0  }
0x7b0: {  	[sflag:s10] =	ssyncadd.s32 $0xFFFFC180  }
0x7b1: {  	_ =	sfence.sel $0x180000  }
0x7b2: {  	[bflag:$0x0] =	sbarrier.arrive $0xFFFF  }
0x7b3: {  	_ =	strace $0x90000047  }
0x7b4: {  	s0 =	stileid.u32;
	[bflag:$0x2] =	sbarrier.arrive $0xFFFF  }
0x7b5: {  	p0 =	sne.s32 s0, $0x0;
	s0 =	rddreg [dreg:$0x2]  }
0x7b6: {  	s0 =	sadd.s32 @!p0 $0x100000, s0  }
0x7b7: {  	[sflag:s0] =	ssyncadd.tile.s32 @!p0 $0x1;
	_ =	shalt  }
.Lfunc_end2:
_tile_overlayer_lowered:
.L_overlay_start_2:
0x7b8: {  	(tag) =	ssettag $0x2  }
0x7b9: {  	s0 =	rddreg [dreg:$0x0];
	s2 =	stileid.u32  }
0x7ba: {  	s1 =	rddreg [dreg:$0x1];
	p0 =	sne.s32 s2, $0x0  }
0x7bb: {  	s3 =	rddreg [dreg:$0x2];
	[bflag:$0x3] =	sbarrier.arrive $0xFFFF;
	s2 =	simm.s32 @!p0 $0x1C05  }
0x7bc: {  	[timem:s3], [sflag:s2] =	dma.local @!p0 [hbm:s0], s1  }
0x7bd: {  	s0 =	simm.s32 @!p0 $0x5  }
0x7be: {  	_ =	swait.ge @!p0 [sflag:s0], s1  }
0x7bf: {  	s1 =	ssub.s32 @!p0 $0x0, s1;
	[sflag:s0] =	ssyncset.done @!p0 $0x0  }
0x7c0: {  	[sflag:s0] =	ssyncadd.s32 @!p0 s1  }
0x7c1: {  	[bflag:$0x3] =	sbarrier.arrive $0xFFFF  }
0x7c2: {  	_ =	shalt  }

</sc_bundles>
